<compile_context>
chip_gen: v7x
topology: tpu7x:2x2x1
jax: 0.10.2.dev20260603
libtpu: 0.0.44.dev20260713+nightly
codegen_flags: <defaults>
</compile_context>

<pallas_src>
import jax
import jax.numpy as jnp
from jax import lax
from jax.experimental import pallas as pl
from jax.experimental.pallas import tpu as pltpu
from jax.experimental.pallas import tpu_sc as plsc

N = 10000
NP = 10240
NC, NS = 2, 16
WIN = 128
NWIN = 162
E_PAD = NS * NWIN * WIN
ACC_R = 10048
RPT = ACC_R // NS
CHUNKS = (128, 128, 128, 128, 116)
RB = 2048



def _make_agg(D):
    DA = D + 16
    NV = D // 16
    mesh = plsc.VectorSubcoreMesh(core_axis_name="c", subcore_axis_name="s")

    def body(src_hbm, dst_hbm, sd_hbm, h_hbm, out_hbm,
             src_v, dst_v, tab_v, hwin_v, scl_v, ex_v, acc_sh, gsem):
        c = lax.axis_index("c")
        s = lax.axis_index("s")
        zi = jnp.zeros((16,), jnp.int32)
        zf = jnp.zeros((16,), jnp.float32)
        lane = lax.broadcasted_iota(jnp.int32, (16,), 0)

        pltpu.sync_copy(src_hbm.at[s], src_v)
        pltpu.sync_copy(dst_hbm.at[s], dst_v)

        def gather_h(b, w):
            return pltpu.async_copy(
                h_hbm.at[b].at[c].at[src_v.at[w]], hwin_v, gsem)

        def run_branch(b, _):
            def zero_row(r, _):
                for v in range(DA // 16):
                    scl_v[r, pl.ds(v * 16, 16)] = zf
                return 0
            lax.fori_loop(0, WIN, zero_row, 0)

            off = 0
            for ch in CHUNKS:
                pltpu.sync_copy(scl_v.at[pl.ds(0, ch)],
                                acc_sh.at[pl.ds(s * RPT + off, ch)])
                off += ch
            pltpu.sync_copy(sd_hbm.at[pl.ds((b * 4 + c) * NP, NP)],
                            tab_v.at[pl.ds(0, NP)])
            pltpu.sync_copy(sd_hbm.at[pl.ds((b * 4 + 2 + c) * NP, NP)],
                            tab_v.at[pl.ds(NP, NP)])
            plsc.subcore_barrier()

            gather_h(b, 0)

            def window(w, _):
                for g in range(WIN // 16):
                    srcv = src_v[w, pl.ds(g * 16, 16)]
                    dstv = dst_v[w, pl.ds(g * 16, 16)]
                    a = (plsc.load_gather(tab_v, [srcv])
                         + plsc.load_gather(tab_v, [dstv + NP]))
                    a = jnp.maximum(a, 0.2 * a)
                    ex_v[pl.ds(g * 16, 16)] = jnp.exp(a)
                pltpu.make_async_copy(
                    h_hbm.at[b].at[c].at[src_v.at[0]], hwin_v,
                    gsem).wait()

                def edge(e2, _):
                    for u in range(4):
                        e = e2 * 4 + u
                        ex = plsc.load_gather(ex_v, [zi + e])
                        for v in range(NV):
                            hv = hwin_v[e, pl.ds(v * 16, 16)]
                            scl_v[e, pl.ds(v * 16, 16)] = hv * ex
                        scl_v[e, pl.ds(D, 16)] = (
                            jnp.where(lane == 0, ex, zf))
                    return 0
                lax.fori_loop(0, WIN // 4, edge, 0)
                gather_h(b, jnp.minimum(w + 1, NWIN - 1))
                pltpu.sync_copy(scl_v, acc_sh.at[dst_v.at[w]], add=True)
                return 0

            lax.fori_loop(0, NWIN, window, 0)
            pltpu.make_async_copy(
                h_hbm.at[b].at[c].at[src_v.at[0]], hwin_v, gsem).wait()
            plsc.subcore_barrier()
            off = 0
            for ch in CHUNKS:
                r0 = s * RPT + off
                pltpu.sync_copy(acc_sh.at[pl.ds(r0, ch)],
                                scl_v.at[pl.ds(0, ch)])
                pltpu.sync_copy(scl_v.at[pl.ds(0, ch)],
                                out_hbm.at[c].at[b].at[pl.ds(r0, ch)])
                off += ch
            plsc.subcore_barrier()
            return 0

        lax.fori_loop(0, 3, run_branch, 0)

    return pl.kernel(
        body,
        out_type=jax.ShapeDtypeStruct((NC, 3, NP, DA), jnp.float32),
        mesh=mesh,
        compiler_params=pltpu.CompilerParams(
            needs_layout_passes=False, use_tc_tiling_on_sc=False),
        scratch_types=[
            pltpu.VMEM((NWIN, WIN), jnp.int32),
            pltpu.VMEM((NWIN, WIN), jnp.int32),
            pltpu.VMEM((2 * NP,), jnp.float32),
            pltpu.VMEM((WIN, D), jnp.float32),
            pltpu.VMEM((WIN, DA), jnp.float32),
            pltpu.VMEM((WIN,), jnp.float32),
            pltpu.VMEM_SHARED((ACC_R, DA), jnp.float32),
            pltpu.SemaphoreType.DMA,
        ],
    )



def _tc1_body(x_ref, w1_ref, asd_ref, h_ref, sd_ref):
    h = jnp.dot(x_ref[...], w1_ref[...], preferred_element_type=jnp.float32)
    h_ref[0] = jnp.stack([h[:, 0:64], h[:, 64:128]])
    sd = jnp.dot(h, asd_ref[0], preferred_element_type=jnp.float32)
    sd_ref[0] = sd.T


def _tc2_body(acc_ref, b1_ref, w2_ref, asd2_ref, h2_ref, sd2_ref):
    o = jnp.concatenate(
        [acc_ref[0, 0, :, 0:64] / acc_ref[0, 0, :, 64:65],
         acc_ref[1, 0, :, 0:64] / acc_ref[1, 0, :, 64:65]],
        axis=1) + b1_ref[0, 0]
    x2 = jnp.where(o > 0, o, jnp.exp(o) - 1.0)
    h2 = jnp.dot(x2, w2_ref[0], preferred_element_type=jnp.float32)
    h2_ref[0] = jnp.stack([h2[:, 0:32], h2[:, 32:64]])
    sd2 = jnp.dot(h2, asd2_ref[0], preferred_element_type=jnp.float32)
    sd2_ref[0] = sd2.T


def _tc3_body(acc2_ref, b2_ref, fc1_ref, fc1b_ref, fc2_ref, fc2b_ref, yg_ref):
    ys = []
    for b in range(3):
        o = jnp.concatenate(
            [acc2_ref[0, b, :, 0:32], acc2_ref[1, b, :, 0:32]],
            axis=1) / acc2_ref[0, b, :, 32:33] + b2_ref[b]
        x3 = jnp.where(o > 0, o, jnp.exp(o) - 1.0)
        z = jnp.maximum(
            jnp.dot(x3, fc1_ref[b], preferred_element_type=jnp.float32)
            + fc1b_ref[b], 0.0)
        y = jnp.sum(z * fc2_ref[b], axis=1, keepdims=True) + fc2b_ref[b, 0:1]
        ys.append(y)
    g = jax.nn.sigmoid(ys[2])
    yp = (1.0 - g) * ys[0] + g * ys[1]
    out = jnp.concatenate([yp, g], axis=1)
    yg_ref[...] = jnp.pad(out, ((0, 0), (0, 126)))



_BRANCHES = ('low', 'high', 'gate')


def _attn_cols1(p):
    z = jnp.zeros((64,), jnp.float32)
    cols = [
        jnp.concatenate([p['as1'][0, 0], z]),
        jnp.concatenate([z, p['as1'][0, 1]]),
        jnp.concatenate([p['ad1'][0, 0], z]),
        jnp.concatenate([z, p['ad1'][0, 1]]),
    ]
    return jnp.stack(cols + [jnp.zeros((128,), jnp.float32)] * 4, axis=1)


def kernel(x, edge_index, params):
    ps = [params[k] for k in _BRANCHES]

    x_pad = jnp.pad(x, ((0, NP - N), (0, 0)))
    loop = jnp.arange(N, dtype=edge_index.dtype)
    src = jnp.concatenate([edge_index[0], loop])
    dst = jnp.concatenate([edge_index[1], loop])
    pad_n = E_PAD - src.shape[0]
    src = jnp.pad(src, (0, pad_n), constant_values=N).reshape(NS, NWIN, WIN)
    dst = jnp.pad(dst, (0, pad_n), constant_values=N).reshape(NS, NWIN, WIN)
    src = src.astype(jnp.int32)
    dst = dst.astype(jnp.int32)

    w1_all = jnp.concatenate([p['W1'] for p in ps], axis=1)
    asd1 = jnp.stack([_attn_cols1(p) for p in ps])
    b1_all = jnp.stack([p['b1'] for p in ps])[:, None, :]
    w2_all = jnp.stack([p['W2'] for p in ps])
    asd2 = jnp.stack([
        jnp.stack([p['as2'][0, 0], p['as2'][0, 0],
                   p['ad2'][0, 0], p['ad2'][0, 0]]
                  + [jnp.zeros((64,), jnp.float32)] * 4, axis=1)
        for p in ps])
    b2_all = jnp.stack([p['b2'] for p in ps])
    fc1_all = jnp.stack([p['fc1_w'] for p in ps])
    fc1b_all = jnp.stack([p['fc1_b'] for p in ps])
    fc2_all = jnp.stack([p['fc2_w'][:, 0] for p in ps])
    fc2b_all = jnp.stack(
        [jnp.pad(p['fc2_b'], (0, 7)) for p in ps])

    nblk = NP // RB
    h1, sd1 = pl.pallas_call(
        _tc1_body,
        grid=(3, nblk),
        in_specs=[
            pl.BlockSpec((RB, 128), lambda b, i: (i, 0)),
            pl.BlockSpec((128, 128), lambda b, i: (0, b)),
            pl.BlockSpec((1, 128, 8), lambda b, i: (b, 0, 0)),
        ],
        out_specs=[
            pl.BlockSpec((1, 2, RB, 64), lambda b, i: (b, 0, i, 0)),
            pl.BlockSpec((1, 8, RB), lambda b, i: (b, 0, i)),
        ],
        out_shape=[
            jax.ShapeDtypeStruct((3, 2, NP, 64), jnp.float32),
            jax.ShapeDtypeStruct((3, 8, NP), jnp.float32),
        ],
    )(x_pad, w1_all, asd1)

    acc1 = _make_agg(64)(src, dst, sd1[:, 0:4].reshape(3 * 4 * NP), h1)

    h2, sd2 = pl.pallas_call(
        _tc2_body,
        grid=(3, nblk),
        in_specs=[
            pl.BlockSpec((NC, 1, RB, 80), lambda b, i: (0, b, i, 0)),
            pl.BlockSpec((1, 1, 128), lambda b, i: (b, 0, 0)),
            pl.BlockSpec((1, 128, 64), lambda b, i: (b, 0, 0)),
            pl.BlockSpec((1, 64, 8), lambda b, i: (b, 0, 0)),
        ],
        out_specs=[
            pl.BlockSpec((1, 2, RB, 32), lambda b, i: (b, 0, i, 0)),
            pl.BlockSpec((1, 8, RB), lambda b, i: (b, 0, i)),
        ],
        out_shape=[
            jax.ShapeDtypeStruct((3, 2, NP, 32), jnp.float32),
            jax.ShapeDtypeStruct((3, 8, NP), jnp.float32),
        ],
    )(acc1, b1_all, w2_all, asd2)

    acc2 = _make_agg(32)(src, dst, sd2[:, 0:4].reshape(3 * 4 * NP), h2)

    yg = pl.pallas_call(
        _tc3_body,
        grid=(nblk,),
        in_specs=[
            pl.BlockSpec((NC, 3, RB, 48), lambda i: (0, 0, i, 0)),
            pl.BlockSpec((3, 64), lambda i: (0, 0)),
            pl.BlockSpec((3, 64, 32), lambda i: (0, 0, 0)),
            pl.BlockSpec((3, 32), lambda i: (0, 0)),
            pl.BlockSpec((3, 32), lambda i: (0, 0)),
            pl.BlockSpec((3, 8), lambda i: (0, 0)),
        ],
        out_specs=pl.BlockSpec((RB, 128), lambda i: (i, 0)),
        out_shape=jax.ShapeDtypeStruct((NP, 128), jnp.float32),
    )(acc2, b2_all, fc1_all, fc1b_all, fc2_all, fc2b_all)

    return yg[:N, 0], yg[:N, 1]

# --- scband reference (transcript-rebuilt; emitter-appended) ---
"""Pipeline reference for scband-soft-gated-segmented-model-61933428408556 (READ-ONLY COPY).

The authoritative reference and input builder live on the scoring server;
editing this copy changes nothing except your own understanding.
"""

import jax, jax.numpy as jnp
import numpy as np

N_NODES = 10000
N_EDGES = 320000
IN_DIM = 128
HID = 64
HEADS = 2


def _gat_conv(x, src, dst, W, a_s, a_d, b, heads, out_ch, concat):
    N = x.shape[0]
    h = (x @ W).reshape(N, heads, out_ch)
    alpha = (h * a_s).sum(-1)[src] + (h * a_d).sum(-1)[dst]
    alpha = jax.nn.leaky_relu(alpha, 0.2)
    amax = jax.ops.segment_max(alpha, dst, num_segments=N)
    amax = jnp.where(jnp.isfinite(amax), amax, 0.0)
    ex = jnp.exp(alpha - amax[dst])
    denom = jax.ops.segment_sum(ex, dst, num_segments=N)
    coef = ex / (denom[dst] + 1e-16)
    out = jax.ops.segment_sum(h[src] * coef[:, :, None], dst, num_segments=N)
    out = out.reshape(N, heads * out_ch) if concat else out.mean(axis=1)
    return out + b


def _branch(x, src, dst, p):
    h = jax.nn.elu(_gat_conv(x, src, dst, p['W1'], p['as1'], p['ad1'], p['b1'], HEADS, HID, True))
    h = jax.nn.elu(_gat_conv(h, src, dst, p['W2'], p['as2'], p['ad2'], p['b2'], 1, HID, False))
    y = jax.nn.relu(h @ p['fc1_w'] + p['fc1_b']) @ p['fc2_w'] + p['fc2_b']
    return y[:, 0]


def _branch_params(key):
    ks = jax.random.split(key, 8)
    s = 0.05
    return {
        'W1': jax.random.normal(ks[0], (IN_DIM, HEADS * HID), jnp.float32) * s,
        'as1': jax.random.normal(ks[1], (1, HEADS, HID), jnp.float32) * s,
        'ad1': jax.random.normal(ks[2], (1, HEADS, HID), jnp.float32) * s,
        'b1': jnp.zeros((HEADS * HID,), jnp.float32),
        'W2': jax.random.normal(ks[3], (HEADS * HID, HID), jnp.float32) * s,
        'as2': jax.random.normal(ks[4], (1, 1, HID), jnp.float32) * s,
        'ad2': jax.random.normal(ks[5], (1, 1, HID), jnp.float32) * s,
        'b2': jnp.zeros((HID,), jnp.float32),
        'fc1_w': jax.random.normal(ks[6], (HID, HID // 2), jnp.float32) * s,
        'fc1_b': jnp.zeros((HID // 2,), jnp.float32),
        'fc2_w': jax.random.normal(ks[7], (HID // 2, 1), jnp.float32) * s,
        'fc2_b': jnp.zeros((1,), jnp.float32),
    }


def setup_inputs(seed: int = 0):
    key = jax.random.key(seed)
    ks = jax.random.split(key, 5)
    x = jax.random.normal(ks[0], (N_NODES, IN_DIM), jnp.float32)
    edge_index = jax.random.randint(ks[1], (2, N_EDGES), 0, N_NODES)
    params = {'low': _branch_params(ks[2]), 'high': _branch_params(ks[3]), 'gate': _branch_params(ks[4])}
    return {'x': x, 'edge_index': edge_index, 'params': params}


def reference(x, edge_index, params):
    N = x.shape[0]
    loop = jnp.arange(N, dtype=edge_index.dtype)
    src = jnp.concatenate([edge_index[0], loop])
    dst = jnp.concatenate([edge_index[1], loop])
    y_low = _branch(x, src, dst, params['low'])
    y_high = _branch(x, src, dst, params['high'])
    g = jax.nn.sigmoid(_branch(x, src, dst, params['gate']))
    y_pred = (1.0 - g) * y_low + g * y_high
    return (y_pred, g)

if __name__ == "__main__":
    import jax
    _d = setup_inputs()
    print(jax.jit(kernel)(*tuple(_d.values())))

</pallas_src>

<mosaic_0001>
#map = affine_map<(d0, d1) -> (0, 0, 0)>
#map1 = affine_map<(d0, d1) -> (0)>
#map2 = affine_map<(d0, d1) -> (0, 0, 0, 0)>
module attributes {stable_mosaic.version = 14 : i64} {
  func.func @body(%arg0: i32, %arg1: i32, %arg2: memref<16x162x128xi32, #tpu.memory_space<hbm>>, %arg3: memref<16x162x128xi32, #tpu.memory_space<hbm>>, %arg4: memref<122880xf32, #tpu.memory_space<hbm>>, %arg5: memref<3x2x10240x64xf32, #tpu.memory_space<hbm>>, %arg6: memref<2x3x10240x80xf32, #tpu.memory_space<hbm>>, %arg7: memref<162x128xi32, #tpu.memory_space<vmem>>, %arg8: memref<162x128xi32, #tpu.memory_space<vmem>>, %arg9: memref<20480xf32, #tpu.memory_space<vmem>>, %arg10: memref<128x64xf32, #tpu.memory_space<vmem>>, %arg11: memref<128x80xf32, #tpu.memory_space<vmem>>, %arg12: memref<128xf32, #tpu.memory_space<vmem>>, %arg13: memref<10048x80xf32, #tpu.memory_space<vmem_shared>>, %arg14: memref<!tpu.dma_semaphore, #tpu.memory_space<semaphore_mem>>) attributes {dimension_semantics = [#tpu.dimension_semantics<core_parallel>, #tpu.dimension_semantics<subcore_parallel>], iteration_bounds = array<i64: 2, 16>, scalar_prefetch = 0 : i64, scratch_operands = 8 : i64, tpu.core_type = #tpu.core_type<sc_vector_subcore>, window_params = [{transform_indices = #map}, {transform_indices = #map}, {transform_indices = #map1}, {transform_indices = #map2}, {transform_indices = #map2}]} {
    %broadcast_in_dim3A = arith.constant 0 : i32
    %broadcast_in_dim3A_0 = vector.broadcast %broadcast_in_dim3A : i32 to vector<16xi32>
    %broadcast_in_dim3A_1 = arith.constant 0.000000e+00 : f32
    %broadcast_in_dim3A_2 = vector.broadcast %broadcast_in_dim3A_1 : f32 to vector<16xf32>
    %iota3A = tpu.iota {dimensions = array<i32: 0>} : vector<16xi32>
    "tpu.region"() ({
      %run_scoped3A = tpu.sem_alloc : memref<!tpu.dma_semaphore, #tpu.memory_space<semaphore_mem>>
      %dma_start3A = arith.constant 0 : i32
      %dma_start3A_9 = arith.constant 0 : i32
      %dma_start3A_10 = tpu.memref_slice %arg2[%arg1, %dma_start3A, %dma_start3A_9] : memref<16x162x128xi32, #tpu.memory_space<hbm>> -> memref<1x162x128xi32, #tpu.memory_space<hbm>>
      %dma_start3A_11 = tpu.memref_squeeze %dma_start3A_10 : memref<1x162x128xi32, #tpu.memory_space<hbm>> -> memref<162x128xi32, #tpu.memory_space<hbm>>
      %dma_start3A_12 = arith.constant 0 : i32
      %dma_start3A_13 = arith.constant 0 : i32
      %dma_start3A_14 = tpu.memref_slice %arg2[%arg1, %dma_start3A_12, %dma_start3A_13] : memref<16x162x128xi32, #tpu.memory_space<hbm>> -> memref<1x162x128xi32, #tpu.memory_space<hbm>>
      %dma_start3A_15 = tpu.memref_squeeze %dma_start3A_14 : memref<1x162x128xi32, #tpu.memory_space<hbm>> -> memref<162x128xi32, #tpu.memory_space<hbm>>
      tpu.enqueue_dma source(%dma_start3A_15 : memref<162x128xi32, #tpu.memory_space<hbm>>) target(%arg7 : memref<162x128xi32, #tpu.memory_space<vmem>>) target_semaphore(%run_scoped3A : memref<!tpu.dma_semaphore, #tpu.memory_space<semaphore_mem>>)
      %dma_wait3A = arith.constant 0 : i32
      %dma_wait3A_16 = arith.constant 0 : i32
      %dma_wait3A_17 = tpu.memref_slice %arg2[%arg1, %dma_wait3A, %dma_wait3A_16] : memref<16x162x128xi32, #tpu.memory_space<hbm>> -> memref<1x162x128xi32, #tpu.memory_space<hbm>>
      %dma_wait3A_18 = tpu.memref_squeeze %dma_wait3A_17 : memref<1x162x128xi32, #tpu.memory_space<hbm>> -> memref<162x128xi32, #tpu.memory_space<hbm>>
      %dma_wait3A_19 = arith.constant 0 : i32
      %dma_wait3A_20 = arith.constant 0 : i32
      %dma_wait3A_21 = tpu.memref_slice %arg2[%arg1, %dma_wait3A_19, %dma_wait3A_20] : memref<16x162x128xi32, #tpu.memory_space<hbm>> -> memref<1x162x128xi32, #tpu.memory_space<hbm>>
      %dma_wait3A_22 = tpu.memref_squeeze %dma_wait3A_21 : memref<1x162x128xi32, #tpu.memory_space<hbm>> -> memref<162x128xi32, #tpu.memory_space<hbm>>
      tpu.wait_dma2 semaphore(%run_scoped3A : memref<!tpu.dma_semaphore, #tpu.memory_space<semaphore_mem>>) src(%dma_wait3A_22 : memref<162x128xi32, #tpu.memory_space<hbm>>) dst(%arg7 : memref<162x128xi32, #tpu.memory_space<vmem>>)
      tpu.yield
    }) : () -> ()
    "tpu.region"() ({
      %run_scoped3A = tpu.sem_alloc : memref<!tpu.dma_semaphore, #tpu.memory_space<semaphore_mem>>
      %dma_start3A = arith.constant 0 : i32
      %dma_start3A_9 = arith.constant 0 : i32
      %dma_start3A_10 = tpu.memref_slice %arg3[%arg1, %dma_start3A, %dma_start3A_9] : memref<16x162x128xi32, #tpu.memory_space<hbm>> -> memref<1x162x128xi32, #tpu.memory_space<hbm>>
      %dma_start3A_11 = tpu.memref_squeeze %dma_start3A_10 : memref<1x162x128xi32, #tpu.memory_space<hbm>> -> memref<162x128xi32, #tpu.memory_space<hbm>>
      %dma_start3A_12 = arith.constant 0 : i32
      %dma_start3A_13 = arith.constant 0 : i32
      %dma_start3A_14 = tpu.memref_slice %arg3[%arg1, %dma_start3A_12, %dma_start3A_13] : memref<16x162x128xi32, #tpu.memory_space<hbm>> -> memref<1x162x128xi32, #tpu.memory_space<hbm>>
      %dma_start3A_15 = tpu.memref_squeeze %dma_start3A_14 : memref<1x162x128xi32, #tpu.memory_space<hbm>> -> memref<162x128xi32, #tpu.memory_space<hbm>>
      tpu.enqueue_dma source(%dma_start3A_15 : memref<162x128xi32, #tpu.memory_space<hbm>>) target(%arg8 : memref<162x128xi32, #tpu.memory_space<vmem>>) target_semaphore(%run_scoped3A : memref<!tpu.dma_semaphore, #tpu.memory_space<semaphore_mem>>)
      %dma_wait3A = arith.constant 0 : i32
      %dma_wait3A_16 = arith.constant 0 : i32
      %dma_wait3A_17 = tpu.memref_slice %arg3[%arg1, %dma_wait3A, %dma_wait3A_16] : memref<16x162x128xi32, #tpu.memory_space<hbm>> -> memref<1x162x128xi32, #tpu.memory_space<hbm>>
      %dma_wait3A_18 = tpu.memref_squeeze %dma_wait3A_17 : memref<1x162x128xi32, #tpu.memory_space<hbm>> -> memref<162x128xi32, #tpu.memory_space<hbm>>
      %dma_wait3A_19 = arith.constant 0 : i32
      %dma_wait3A_20 = arith.constant 0 : i32
      %dma_wait3A_21 = tpu.memref_slice %arg3[%arg1, %dma_wait3A_19, %dma_wait3A_20] : memref<16x162x128xi32, #tpu.memory_space<hbm>> -> memref<1x162x128xi32, #tpu.memory_space<hbm>>
      %dma_wait3A_22 = tpu.memref_squeeze %dma_wait3A_21 : memref<1x162x128xi32, #tpu.memory_space<hbm>> -> memref<162x128xi32, #tpu.memory_space<hbm>>
      tpu.wait_dma2 semaphore(%run_scoped3A : memref<!tpu.dma_semaphore, #tpu.memory_space<semaphore_mem>>) src(%dma_wait3A_22 : memref<162x128xi32, #tpu.memory_space<hbm>>) dst(%arg8 : memref<162x128xi32, #tpu.memory_space<vmem>>)
      tpu.yield
    }) : () -> ()
    %scan3A = arith.constant 0 : i32
    %scan3A_3 = arith.constant 0 : i32
    %scan3A_4 = arith.constant 3 : i32
    %scan3A_5 = arith.addi %scan3A_3, %scan3A_4 : i32
    %scan3A_6 = arith.constant 1 : i32
    %scan3A_7 = scf.for %scan3A_9 = %scan3A_3 to %scan3A_5 step %scan3A_6 iter_args(%scan3A_10 = %scan3A) -> (i32)  : i32 {
      %scan3A_11 = arith.constant 0 : i32
      %scan3A_12 = arith.constant 0 : i32
      %scan3A_13 = arith.constant 128 : i32
      %scan3A_14 = arith.addi %scan3A_12, %scan3A_13 : i32
      %scan3A_15 = arith.constant 1 : i32
      %scan3A_16 = scf.for %scan3A_108 = %scan3A_12 to %scan3A_14 step %scan3A_15 iter_args(%scan3A_109 = %scan3A_11) -> (i32)  : i32 {
        %swap3A = arith.index_cast %scan3A_108 : i32 to index
        %swap3A_110 = arith.constant 0 : index
        %swap3A_111 = tpu.vector_load %arg11[%swap3A, %swap3A_110] {strides = array<i32>} : memref<128x80xf32, #tpu.memory_space<vmem>>, vector<16xf32>,
        tpu.vector_store %arg11[%swap3A, %swap3A_110], %broadcast_in_dim3A_2 {strides = array<i32>} : memref<128x80xf32, #tpu.memory_space<vmem>>, vector<16xf32>,
        %swap3A_112 = arith.index_cast %scan3A_108 : i32 to index
        %swap3A_113 = arith.constant 16 : index
        %swap3A_114 = tpu.vector_load %arg11[%swap3A_112, %swap3A_113] {strides = array<i32>} : memref<128x80xf32, #tpu.memory_space<vmem>>, vector<16xf32>,
        tpu.vector_store %arg11[%swap3A_112, %swap3A_113], %broadcast_in_dim3A_2 {strides = array<i32>} : memref<128x80xf32, #tpu.memory_space<vmem>>, vector<16xf32>,
        %swap3A_115 = arith.index_cast %scan3A_108 : i32 to index
        %swap3A_116 = arith.constant 32 : index
        %swap3A_117 = tpu.vector_load %arg11[%swap3A_115, %swap3A_116] {strides = array<i32>} : memref<128x80xf32, #tpu.memory_space<vmem>>, vector<16xf32>,
        tpu.vector_store %arg11[%swap3A_115, %swap3A_116], %broadcast_in_dim3A_2 {strides = array<i32>} : memref<128x80xf32, #tpu.memory_space<vmem>>, vector<16xf32>,
        %swap3A_118 = arith.index_cast %scan3A_108 : i32 to index
        %swap3A_119 = arith.constant 48 : index
        %swap3A_120 = tpu.vector_load %arg11[%swap3A_118, %swap3A_119] {strides = array<i32>} : memref<128x80xf32, #tpu.memory_space<vmem>>, vector<16xf32>,
        tpu.vector_store %arg11[%swap3A_118, %swap3A_119], %broadcast_in_dim3A_2 {strides = array<i32>} : memref<128x80xf32, #tpu.memory_space<vmem>>, vector<16xf32>,
        %swap3A_121 = arith.index_cast %scan3A_108 : i32 to index
        %swap3A_122 = arith.constant 64 : index
        %swap3A_123 = tpu.vector_load %arg11[%swap3A_121, %swap3A_122] {strides = array<i32>} : memref<128x80xf32, #tpu.memory_space<vmem>>, vector<16xf32>,
        tpu.vector_store %arg11[%swap3A_121, %swap3A_122], %broadcast_in_dim3A_2 {strides = array<i32>} : memref<128x80xf32, #tpu.memory_space<vmem>>, vector<16xf32>,
        %scan3A_124 = arith.constant 0 : i32
        scf.yield %scan3A_124 : i32
      }
      %scan3A_17 = arith.constant 128 : i32
      %mul3A = arith.constant 628 : i32
      %mul3A_18 = arith.muli %arg1, %mul3A : i32
      %add3A = arith.constant 0 : i32
      %add3A_19 = arith.addi %mul3A_18, %add3A : i32
      "tpu.region"() ({
        %run_scoped3A = tpu.sem_alloc : memref<!tpu.dma_semaphore, #tpu.memory_space<semaphore_mem>>
        %dma_start3A_108 = arith.constant 0 : i32
        %dma_start3A_109 = arith.constant 0 : i32
        %dma_start3A_110 = tpu.memref_slice %arg11[%dma_start3A_108, %dma_start3A_109] : memref<128x80xf32, #tpu.memory_space<vmem>> -> memref<128x80xf32, #tpu.memory_space<vmem>>
        %dma_start3A_111 = arith.constant 0 : i32
        %dma_start3A_112 = tpu.memref_slice %arg13[%add3A_19, %dma_start3A_111] : memref<10048x80xf32, #tpu.memory_space<vmem_shared>> -> memref<128x80xf32, #tpu.memory_space<vmem_shared>>
        %dma_start3A_113 = arith.constant 0 : i32
        %dma_start3A_114 = tpu.memref_slice %arg13[%add3A_19, %dma_start3A_113] : memref<10048x80xf32, #tpu.memory_space<vmem_shared>> -> memref<128x80xf32, #tpu.memory_space<vmem_shared>>
        %dma_start3A_115 = arith.constant 0 : i32
        %dma_start3A_116 = arith.constant 0 : i32
        %dma_start3A_117 = tpu.memref_slice %arg11[%dma_start3A_115, %dma_start3A_116] : memref<128x80xf32, #tpu.memory_space<vmem>> -> memref<128x80xf32, #tpu.memory_space<vmem>>
        tpu.enqueue_dma source(%dma_start3A_117 : memref<128x80xf32, #tpu.memory_space<vmem>>) target(%dma_start3A_114 : memref<128x80xf32, #tpu.memory_space<vmem_shared>>) target_semaphore(%run_scoped3A : memref<!tpu.dma_semaphore, #tpu.memory_space<semaphore_mem>>)
        %dma_wait3A_118 = arith.constant 0 : i32
        %dma_wait3A_119 = arith.constant 0 : i32
        %dma_wait3A_120 = tpu.memref_slice %arg11[%dma_wait3A_118, %dma_wait3A_119] : memref<128x80xf32, #tpu.memory_space<vmem>> -> memref<128x80xf32, #tpu.memory_space<vmem>>
        %dma_wait3A_121 = arith.constant 0 : i32
        %dma_wait3A_122 = tpu.memref_slice %arg13[%add3A_19, %dma_wait3A_121] : memref<10048x80xf32, #tpu.memory_space<vmem_shared>> -> memref<128x80xf32, #tpu.memory_space<vmem_shared>>
        %dma_wait3A_123 = arith.constant 0 : i32
        %dma_wait3A_124 = tpu.memref_slice %arg13[%add3A_19, %dma_wait3A_123] : memref<10048x80xf32, #tpu.memory_space<vmem_shared>> -> memref<128x80xf32, #tpu.memory_space<vmem_shared>>
        %dma_wait3A_125 = arith.constant 0 : i32
        %dma_wait3A_126 = arith.constant 0 : i32
        %dma_wait3A_127 = tpu.memref_slice %arg11[%dma_wait3A_125, %dma_wait3A_126] : memref<128x80xf32, #tpu.memory_space<vmem>> -> memref<128x80xf32, #tpu.memory_space<vmem>>
        tpu.wait_dma2 semaphore(%run_scoped3A : memref<!tpu.dma_semaphore, #tpu.memory_space<semaphore_mem>>) src(%dma_wait3A_127 : memref<128x80xf32, #tpu.memory_space<vmem>>) dst(%dma_wait3A_124 : memref<128x80xf32, #tpu.memory_space<vmem_shared>>)
        tpu.yield
      }) : () -> ()
      %mul3A_20 = arith.constant 628 : i32
      %mul3A_21 = arith.muli %arg1, %mul3A_20 : i32
      %add3A_22 = arith.constant 128 : i32
      %add3A_23 = arith.addi %mul3A_21, %add3A_22 : i32
      "tpu.region"() ({
        %run_scoped3A = tpu.sem_alloc : memref<!tpu.dma_semaphore, #tpu.memory_space<semaphore_mem>>
        %dma_start3A_108 = arith.constant 0 : i32
        %dma_start3A_109 = arith.constant 0 : i32
        %dma_start3A_110 = tpu.memref_slice %arg11[%dma_start3A_108, %dma_start3A_109] : memref<128x80xf32, #tpu.memory_space<vmem>> -> memref<128x80xf32, #tpu.memory_space<vmem>>
        %dma_start3A_111 = arith.constant 0 : i32
        %dma_start3A_112 = tpu.memref_slice %arg13[%add3A_23, %dma_start3A_111] : memref<10048x80xf32, #tpu.memory_space<vmem_shared>> -> memref<128x80xf32, #tpu.memory_space<vmem_shared>>
        %dma_start3A_113 = arith.constant 0 : i32
        %dma_start3A_114 = tpu.memref_slice %arg13[%add3A_23, %dma_start3A_113] : memref<10048x80xf32, #tpu.memory_space<vmem_shared>> -> memref<128x80xf32, #tpu.memory_space<vmem_shared>>
        %dma_start3A_115 = arith.constant 0 : i32
        %dma_start3A_116 = arith.constant 0 : i32
        %dma_start3A_117 = tpu.memref_slice %arg11[%dma_start3A_115, %dma_start3A_116] : memref<128x80xf32, #tpu.memory_space<vmem>> -> memref<128x80xf32, #tpu.memory_space<vmem>>
        tpu.enqueue_dma source(%dma_start3A_117 : memref<128x80xf32, #tpu.memory_space<vmem>>) target(%dma_start3A_114 : memref<128x80xf32, #tpu.memory_space<vmem_shared>>) target_semaphore(%run_scoped3A : memref<!tpu.dma_semaphore, #tpu.memory_space<semaphore_mem>>)
        %dma_wait3A_118 = arith.constant 0 : i32
        %dma_wait3A_119 = arith.constant 0 : i32
        %dma_wait3A_120 = tpu.memref_slice %arg11[%dma_wait3A_118, %dma_wait3A_119] : memref<128x80xf32, #tpu.memory_space<vmem>> -> memref<128x80xf32, #tpu.memory_space<vmem>>
        %dma_wait3A_121 = arith.constant 0 : i32
        %dma_wait3A_122 = tpu.memref_slice %arg13[%add3A_23, %dma_wait3A_121] : memref<10048x80xf32, #tpu.memory_space<vmem_shared>> -> memref<128x80xf32, #tpu.memory_space<vmem_shared>>
        %dma_wait3A_123 = arith.constant 0 : i32
        %dma_wait3A_124 = tpu.memref_slice %arg13[%add3A_23, %dma_wait3A_123] : memref<10048x80xf32, #tpu.memory_space<vmem_shared>> -> memref<128x80xf32, #tpu.memory_space<vmem_shared>>
        %dma_wait3A_125 = arith.constant 0 : i32
        %dma_wait3A_126 = arith.constant 0 : i32
        %dma_wait3A_127 = tpu.memref_slice %arg11[%dma_wait3A_125, %dma_wait3A_126] : memref<128x80xf32, #tpu.memory_space<vmem>> -> memref<128x80xf32, #tpu.memory_space<vmem>>
        tpu.wait_dma2 semaphore(%run_scoped3A : memref<!tpu.dma_semaphore, #tpu.memory_space<semaphore_mem>>) src(%dma_wait3A_127 : memref<128x80xf32, #tpu.memory_space<vmem>>) dst(%dma_wait3A_124 : memref<128x80xf32, #tpu.memory_space<vmem_shared>>)
        tpu.yield
      }) : () -> ()
      %mul3A_24 = arith.constant 628 : i32
      %mul3A_25 = arith.muli %arg1, %mul3A_24 : i32
      %add3A_26 = arith.constant 256 : i32
      %add3A_27 = arith.addi %mul3A_25, %add3A_26 : i32
      "tpu.region"() ({
        %run_scoped3A = tpu.sem_alloc : memref<!tpu.dma_semaphore, #tpu.memory_space<semaphore_mem>>
        %dma_start3A_108 = arith.constant 0 : i32
        %dma_start3A_109 = arith.constant 0 : i32
        %dma_start3A_110 = tpu.memref_slice %arg11[%dma_start3A_108, %dma_start3A_109] : memref<128x80xf32, #tpu.memory_space<vmem>> -> memref<128x80xf32, #tpu.memory_space<vmem>>
        %dma_start3A_111 = arith.constant 0 : i32
        %dma_start3A_112 = tpu.memref_slice %arg13[%add3A_27, %dma_start3A_111] : memref<10048x80xf32, #tpu.memory_space<vmem_shared>> -> memref<128x80xf32, #tpu.memory_space<vmem_shared>>
        %dma_start3A_113 = arith.constant 0 : i32
        %dma_start3A_114 = tpu.memref_slice %arg13[%add3A_27, %dma_start3A_113] : memref<10048x80xf32, #tpu.memory_space<vmem_shared>> -> memref<128x80xf32, #tpu.memory_space<vmem_shared>>
        %dma_start3A_115 = arith.constant 0 : i32
        %dma_start3A_116 = arith.constant 0 : i32
        %dma_start3A_117 = tpu.memref_slice %arg11[%dma_start3A_115, %dma_start3A_116] : memref<128x80xf32, #tpu.memory_space<vmem>> -> memref<128x80xf32, #tpu.memory_space<vmem>>
        tpu.enqueue_dma source(%dma_start3A_117 : memref<128x80xf32, #tpu.memory_space<vmem>>) target(%dma_start3A_114 : memref<128x80xf32, #tpu.memory_space<vmem_shared>>) target_semaphore(%run_scoped3A : memref<!tpu.dma_semaphore, #tpu.memory_space<semaphore_mem>>)
        %dma_wait3A_118 = arith.constant 0 : i32
        %dma_wait3A_119 = arith.constant 0 : i32
        %dma_wait3A_120 = tpu.memref_slice %arg11[%dma_wait3A_118, %dma_wait3A_119] : memref<128x80xf32, #tpu.memory_space<vmem>> -> memref<128x80xf32, #tpu.memory_space<vmem>>
        %dma_wait3A_121 = arith.constant 0 : i32
        %dma_wait3A_122 = tpu.memref_slice %arg13[%add3A_27, %dma_wait3A_121] : memref<10048x80xf32, #tpu.memory_space<vmem_shared>> -> memref<128x80xf32, #tpu.memory_space<vmem_shared>>
        %dma_wait3A_123 = arith.constant 0 : i32
        %dma_wait3A_124 = tpu.memref_slice %arg13[%add3A_27, %dma_wait3A_123] : memref<10048x80xf32, #tpu.memory_space<vmem_shared>> -> memref<128x80xf32, #tpu.memory_space<vmem_shared>>
        %dma_wait3A_125 = arith.constant 0 : i32
        %dma_wait3A_126 = arith.constant 0 : i32
        %dma_wait3A_127 = tpu.memref_slice %arg11[%dma_wait3A_125, %dma_wait3A_126] : memref<128x80xf32, #tpu.memory_space<vmem>> -> memref<128x80xf32, #tpu.memory_space<vmem>>
        tpu.wait_dma2 semaphore(%run_scoped3A : memref<!tpu.dma_semaphore, #tpu.memory_space<semaphore_mem>>) src(%dma_wait3A_127 : memref<128x80xf32, #tpu.memory_space<vmem>>) dst(%dma_wait3A_124 : memref<128x80xf32, #tpu.memory_space<vmem_shared>>)
        tpu.yield
      }) : () -> ()
      %mul3A_28 = arith.constant 628 : i32
      %mul3A_29 = arith.muli %arg1, %mul3A_28 : i32
      %add3A_30 = arith.constant 384 : i32
      %add3A_31 = arith.addi %mul3A_29, %add3A_30 : i32
      "tpu.region"() ({
        %run_scoped3A = tpu.sem_alloc : memref<!tpu.dma_semaphore, #tpu.memory_space<semaphore_mem>>
        %dma_start3A_108 = arith.constant 0 : i32
        %dma_start3A_109 = arith.constant 0 : i32
        %dma_start3A_110 = tpu.memref_slice %arg11[%dma_start3A_108, %dma_start3A_109] : memref<128x80xf32, #tpu.memory_space<vmem>> -> memref<128x80xf32, #tpu.memory_space<vmem>>
        %dma_start3A_111 = arith.constant 0 : i32
        %dma_start3A_112 = tpu.memref_slice %arg13[%add3A_31, %dma_start3A_111] : memref<10048x80xf32, #tpu.memory_space<vmem_shared>> -> memref<128x80xf32, #tpu.memory_space<vmem_shared>>
        %dma_start3A_113 = arith.constant 0 : i32
        %dma_start3A_114 = tpu.memref_slice %arg13[%add3A_31, %dma_start3A_113] : memref<10048x80xf32, #tpu.memory_space<vmem_shared>> -> memref<128x80xf32, #tpu.memory_space<vmem_shared>>
        %dma_start3A_115 = arith.constant 0 : i32
        %dma_start3A_116 = arith.constant 0 : i32
        %dma_start3A_117 = tpu.memref_slice %arg11[%dma_start3A_115, %dma_start3A_116] : memref<128x80xf32, #tpu.memory_space<vmem>> -> memref<128x80xf32, #tpu.memory_space<vmem>>
        tpu.enqueue_dma source(%dma_start3A_117 : memref<128x80xf32, #tpu.memory_space<vmem>>) target(%dma_start3A_114 : memref<128x80xf32, #tpu.memory_space<vmem_shared>>) target_semaphore(%run_scoped3A : memref<!tpu.dma_semaphore, #tpu.memory_space<semaphore_mem>>)
        %dma_wait3A_118 = arith.constant 0 : i32
        %dma_wait3A_119 = arith.constant 0 : i32
        %dma_wait3A_120 = tpu.memref_slice %arg11[%dma_wait3A_118, %dma_wait3A_119] : memref<128x80xf32, #tpu.memory_space<vmem>> -> memref<128x80xf32, #tpu.memory_space<vmem>>
        %dma_wait3A_121 = arith.constant 0 : i32
        %dma_wait3A_122 = tpu.memref_slice %arg13[%add3A_31, %dma_wait3A_121] : memref<10048x80xf32, #tpu.memory_space<vmem_shared>> -> memref<128x80xf32, #tpu.memory_space<vmem_shared>>
        %dma_wait3A_123 = arith.constant 0 : i32
        %dma_wait3A_124 = tpu.memref_slice %arg13[%add3A_31, %dma_wait3A_123] : memref<10048x80xf32, #tpu.memory_space<vmem_shared>> -> memref<128x80xf32, #tpu.memory_space<vmem_shared>>
        %dma_wait3A_125 = arith.constant 0 : i32
        %dma_wait3A_126 = arith.constant 0 : i32
        %dma_wait3A_127 = tpu.memref_slice %arg11[%dma_wait3A_125, %dma_wait3A_126] : memref<128x80xf32, #tpu.memory_space<vmem>> -> memref<128x80xf32, #tpu.memory_space<vmem>>
        tpu.wait_dma2 semaphore(%run_scoped3A : memref<!tpu.dma_semaphore, #tpu.memory_space<semaphore_mem>>) src(%dma_wait3A_127 : memref<128x80xf32, #tpu.memory_space<vmem>>) dst(%dma_wait3A_124 : memref<128x80xf32, #tpu.memory_space<vmem_shared>>)
        tpu.yield
      }) : () -> ()
      %mul3A_32 = arith.constant 628 : i32
      %mul3A_33 = arith.muli %arg1, %mul3A_32 : i32
      %add3A_34 = arith.constant 512 : i32
      %add3A_35 = arith.addi %mul3A_33, %add3A_34 : i32
      "tpu.region"() ({
        %run_scoped3A = tpu.sem_alloc : memref<!tpu.dma_semaphore, #tpu.memory_space<semaphore_mem>>
        %dma_start3A_108 = arith.constant 0 : i32
        %dma_start3A_109 = arith.constant 0 : i32
        %dma_start3A_110 = tpu.memref_slice %arg11[%dma_start3A_108, %dma_start3A_109] : memref<128x80xf32, #tpu.memory_space<vmem>> -> memref<116x80xf32, #tpu.memory_space<vmem>>
        %dma_start3A_111 = arith.constant 0 : i32
        %dma_start3A_112 = tpu.memref_slice %arg13[%add3A_35, %dma_start3A_111] : memref<10048x80xf32, #tpu.memory_space<vmem_shared>> -> memref<116x80xf32, #tpu.memory_space<vmem_shared>>
        %dma_start3A_113 = arith.constant 0 : i32
        %dma_start3A_114 = tpu.memref_slice %arg13[%add3A_35, %dma_start3A_113] : memref<10048x80xf32, #tpu.memory_space<vmem_shared>> -> memref<116x80xf32, #tpu.memory_space<vmem_shared>>
        %dma_start3A_115 = arith.constant 0 : i32
        %dma_start3A_116 = arith.constant 0 : i32
        %dma_start3A_117 = tpu.memref_slice %arg11[%dma_start3A_115, %dma_start3A_116] : memref<128x80xf32, #tpu.memory_space<vmem>> -> memref<116x80xf32, #tpu.memory_space<vmem>>
        tpu.enqueue_dma source(%dma_start3A_117 : memref<116x80xf32, #tpu.memory_space<vmem>>) target(%dma_start3A_114 : memref<116x80xf32, #tpu.memory_space<vmem_shared>>) target_semaphore(%run_scoped3A : memref<!tpu.dma_semaphore, #tpu.memory_space<semaphore_mem>>)
        %dma_wait3A_118 = arith.constant 0 : i32
        %dma_wait3A_119 = arith.constant 0 : i32
        %dma_wait3A_120 = tpu.memref_slice %arg11[%dma_wait3A_118, %dma_wait3A_119] : memref<128x80xf32, #tpu.memory_space<vmem>> -> memref<116x80xf32, #tpu.memory_space<vmem>>
        %dma_wait3A_121 = arith.constant 0 : i32
        %dma_wait3A_122 = tpu.memref_slice %arg13[%add3A_35, %dma_wait3A_121] : memref<10048x80xf32, #tpu.memory_space<vmem_shared>> -> memref<116x80xf32, #tpu.memory_space<vmem_shared>>
        %dma_wait3A_123 = arith.constant 0 : i32
        %dma_wait3A_124 = tpu.memref_slice %arg13[%add3A_35, %dma_wait3A_123] : memref<10048x80xf32, #tpu.memory_space<vmem_shared>> -> memref<116x80xf32, #tpu.memory_space<vmem_shared>>
        %dma_wait3A_125 = arith.constant 0 : i32
        %dma_wait3A_126 = arith.constant 0 : i32
        %dma_wait3A_127 = tpu.memref_slice %arg11[%dma_wait3A_125, %dma_wait3A_126] : memref<128x80xf32, #tpu.memory_space<vmem>> -> memref<116x80xf32, #tpu.memory_space<vmem>>
        tpu.wait_dma2 semaphore(%run_scoped3A : memref<!tpu.dma_semaphore, #tpu.memory_space<semaphore_mem>>) src(%dma_wait3A_127 : memref<116x80xf32, #tpu.memory_space<vmem>>) dst(%dma_wait3A_124 : memref<116x80xf32, #tpu.memory_space<vmem_shared>>)
        tpu.yield
      }) : () -> ()
      %mul3A_36 = arith.constant 4 : i32
      %mul3A_37 = arith.muli %scan3A_9, %mul3A_36 : i32
      %add3A_38 = arith.addi %mul3A_37, %arg0 : i32
      %mul3A_39 = arith.constant 10240 : i32
      %mul3A_40 = arith.muli %add3A_38, %mul3A_39 : i32
      "tpu.region"() ({
        %run_scoped3A = tpu.sem_alloc : memref<!tpu.dma_semaphore, #tpu.memory_space<semaphore_mem>>
        %dma_start3A_108 = arith.constant 0 : i32
        %dma_start3A_109 = tpu.memref_slice %arg9[%dma_start3A_108] : memref<20480xf32, #tpu.memory_space<vmem>> -> memref<10240xf32, #tpu.memory_space<vmem>>
        %dma_start3A_110 = tpu.memref_slice %arg4[%mul3A_40] : memref<122880xf32, #tpu.memory_space<hbm>> -> memref<10240xf32, #tpu.memory_space<hbm>>
        %dma_start3A_111 = arith.constant 0 : i32
        %dma_start3A_112 = tpu.memref_slice %arg9[%dma_start3A_111] : memref<20480xf32, #tpu.memory_space<vmem>> -> memref<10240xf32, #tpu.memory_space<vmem>>
        %dma_start3A_113 = tpu.memref_slice %arg4[%mul3A_40] : memref<122880xf32, #tpu.memory_space<hbm>> -> memref<10240xf32, #tpu.memory_space<hbm>>
        tpu.enqueue_dma source(%dma_start3A_113 : memref<10240xf32, #tpu.memory_space<hbm>>) target(%dma_start3A_112 : memref<10240xf32, #tpu.memory_space<vmem>>) target_semaphore(%run_scoped3A : memref<!tpu.dma_semaphore, #tpu.memory_space<semaphore_mem>>)
        %dma_wait3A_114 = arith.constant 0 : i32
        %dma_wait3A_115 = tpu.memref_slice %arg9[%dma_wait3A_114] : memref<20480xf32, #tpu.memory_space<vmem>> -> memref<10240xf32, #tpu.memory_space<vmem>>
        %dma_wait3A_116 = tpu.memref_slice %arg4[%mul3A_40] : memref<122880xf32, #tpu.memory_space<hbm>> -> memref<10240xf32, #tpu.memory_space<hbm>>
        %dma_wait3A_117 = arith.constant 0 : i32
        %dma_wait3A_118 = tpu.memref_slice %arg9[%dma_wait3A_117] : memref<20480xf32, #tpu.memory_space<vmem>> -> memref<10240xf32, #tpu.memory_space<vmem>>
        %dma_wait3A_119 = tpu.memref_slice %arg4[%mul3A_40] : memref<122880xf32, #tpu.memory_space<hbm>> -> memref<10240xf32, #tpu.memory_space<hbm>>
        tpu.wait_dma2 semaphore(%run_scoped3A : memref<!tpu.dma_semaphore, #tpu.memory_space<semaphore_mem>>) src(%dma_wait3A_119 : memref<10240xf32, #tpu.memory_space<hbm>>) dst(%dma_wait3A_118 : memref<10240xf32, #tpu.memory_space<vmem>>)
        tpu.yield
      }) : () -> ()
      %mul3A_41 = arith.constant 4 : i32
      %mul3A_42 = arith.muli %scan3A_9, %mul3A_41 : i32
      %add3A_43 = arith.constant 2 : i32
      %add3A_44 = arith.addi %mul3A_42, %add3A_43 : i32
      %add3A_45 = arith.addi %add3A_44, %arg0 : i32
      %mul3A_46 = arith.constant 10240 : i32
      %mul3A_47 = arith.muli %add3A_45, %mul3A_46 : i32
      "tpu.region"() ({
        %run_scoped3A = tpu.sem_alloc : memref<!tpu.dma_semaphore, #tpu.memory_space<semaphore_mem>>
        %dma_start3A_108 = arith.constant 10240 : i32
        %dma_start3A_109 = tpu.memref_slice %arg9[%dma_start3A_108] : memref<20480xf32, #tpu.memory_space<vmem>> -> memref<10240xf32, #tpu.memory_space<vmem>>
        %dma_start3A_110 = tpu.memref_slice %arg4[%mul3A_47] : memref<122880xf32, #tpu.memory_space<hbm>> -> memref<10240xf32, #tpu.memory_space<hbm>>
        %dma_start3A_111 = arith.constant 10240 : i32
        %dma_start3A_112 = tpu.memref_slice %arg9[%dma_start3A_111] : memref<20480xf32, #tpu.memory_space<vmem>> -> memref<10240xf32, #tpu.memory_space<vmem>>
        %dma_start3A_113 = tpu.memref_slice %arg4[%mul3A_47] : memref<122880xf32, #tpu.memory_space<hbm>> -> memref<10240xf32, #tpu.memory_space<hbm>>
        tpu.enqueue_dma source(%dma_start3A_113 : memref<10240xf32, #tpu.memory_space<hbm>>) target(%dma_start3A_112 : memref<10240xf32, #tpu.memory_space<vmem>>) target_semaphore(%run_scoped3A : memref<!tpu.dma_semaphore, #tpu.memory_space<semaphore_mem>>)
        %dma_wait3A_114 = arith.constant 10240 : i32
        %dma_wait3A_115 = tpu.memref_slice %arg9[%dma_wait3A_114] : memref<20480xf32, #tpu.memory_space<vmem>> -> memref<10240xf32, #tpu.memory_space<vmem>>
        %dma_wait3A_116 = tpu.memref_slice %arg4[%mul3A_47] : memref<122880xf32, #tpu.memory_space<hbm>> -> memref<10240xf32, #tpu.memory_space<hbm>>
        %dma_wait3A_117 = arith.constant 10240 : i32
        %dma_wait3A_118 = tpu.memref_slice %arg9[%dma_wait3A_117] : memref<20480xf32, #tpu.memory_space<vmem>> -> memref<10240xf32, #tpu.memory_space<vmem>>
        %dma_wait3A_119 = tpu.memref_slice %arg4[%mul3A_47] : memref<122880xf32, #tpu.memory_space<hbm>> -> memref<10240xf32, #tpu.memory_space<hbm>>
        tpu.wait_dma2 semaphore(%run_scoped3A : memref<!tpu.dma_semaphore, #tpu.memory_space<semaphore_mem>>) src(%dma_wait3A_119 : memref<10240xf32, #tpu.memory_space<hbm>>) dst(%dma_wait3A_118 : memref<10240xf32, #tpu.memory_space<vmem>>)
        tpu.yield
      }) : () -> ()
      %barrier3A = arith.constant 0 : index
      tpu.barrier barrier_id(%barrier3A)
      %dma_start3A = arith.constant 0 : i32
      %dma_start3A_48 = arith.constant 0 : i32
      %dma_start3A_49 = tpu.memref_slice %arg7[%dma_start3A, %dma_start3A_48] : memref<162x128xi32, #tpu.memory_space<vmem>> -> memref<1x128xi32, #tpu.memory_space<vmem>>
      %dma_start3A_50 = tpu.memref_squeeze %dma_start3A_49 : memref<1x128xi32, #tpu.memory_space<vmem>> -> memref<128xi32, #tpu.memory_space<vmem>>
      %dma_start3A_51 = arith.constant 0 : i32
      %dma_start3A_52 = arith.constant 0 : i32
      %dma_start3A_53 = arith.constant 0 : i32
      %dma_start3A_54 = tpu.memref_slice %arg5[%scan3A_9, %dma_start3A_51, %dma_start3A_52, %dma_start3A_53] : memref<3x2x10240x64xf32, #tpu.memory_space<hbm>> -> memref<1x2x10240x64xf32, #tpu.memory_space<hbm>>
      %dma_start3A_55 = tpu.memref_squeeze %dma_start3A_54 : memref<1x2x10240x64xf32, #tpu.memory_space<hbm>> -> memref<2x10240x64xf32, #tpu.memory_space<hbm>>
      %dma_start3A_56 = arith.constant 0 : i32
      %dma_start3A_57 = arith.constant 0 : i32
      %dma_start3A_58 = tpu.memref_slice %dma_start3A_55[%arg0, %dma_start3A_56, %dma_start3A_57] : memref<2x10240x64xf32, #tpu.memory_space<hbm>> -> memref<1x10240x64xf32, #tpu.memory_space<hbm>>
      %dma_start3A_59 = tpu.memref_squeeze %dma_start3A_58 : memref<1x10240x64xf32, #tpu.memory_space<hbm>> -> memref<10240x64xf32, #tpu.memory_space<hbm>>
      %dma_start3A_60 = arith.constant 0 : i32
      %dma_start3A_61 = arith.constant 0 : i32
      %dma_start3A_62 = tpu.memref_slice %dma_start3A_59[%dma_start3A_60, %dma_start3A_61] : memref<10240x64xf32, #tpu.memory_space<hbm>> -> memref<10240x64xf32, #tpu.memory_space<hbm>>
      tpu.enqueue_indirect_dma source(%dma_start3A_62 : memref<10240x64xf32, #tpu.memory_space<hbm>>) target(%arg10 : memref<128x64xf32, #tpu.memory_space<vmem>>) offsets(%dma_start3A_50 : memref<128xi32, #tpu.memory_space<vmem>>) semaphore(%arg14 : memref<!tpu.dma_semaphore, #tpu.memory_space<semaphore_mem>>)
      %scan3A_63 = arith.constant 0 : i32
      %scan3A_64 = arith.constant 0 : i32
      %scan3A_65 = arith.constant 162 : i32
      %scan3A_66 = arith.addi %scan3A_64, %scan3A_65 : i32
      %scan3A_67 = arith.constant 1 : i32
      %scan3A_68 = scf.for %scan3A_108 = %scan3A_64 to %scan3A_66 step %scan3A_67 iter_args(%scan3A_109 = %scan3A_63) -> (i32)  : i32 {
        %get3A = arith.index_cast %scan3A_108 : i32 to index
        %get3A_110 = arith.constant 0 : index
        %get3A_111 = tpu.vector_load %arg7[%get3A, %get3A_110] {strides = array<i32>} : memref<162x128xi32, #tpu.memory_space<vmem>>, vector<16xi32>,
        %get3A_112 = arith.index_cast %scan3A_108 : i32 to index
        %get3A_113 = arith.constant 0 : index
        %get3A_114 = tpu.vector_load %arg8[%get3A_112, %get3A_113] {strides = array<i32>} : memref<162x128xi32, #tpu.memory_space<vmem>>, vector<16xi32>,
        %gather3A = tpu.vector_load_idx %arg9[%get3A_111] : memref<20480xf32, #tpu.memory_space<vmem>>[vector<16xi32>], vector<16xf32>,
        %add3A_115 = arith.constant 10240 : i32
        %add3A_116 = vector.broadcast %add3A_115 : i32 to vector<16xi32>
        %add3A_117 = arith.addi %get3A_114, %add3A_116 : vector<16xi32>
        %gather3A_118 = tpu.vector_load_idx %arg9[%add3A_117] : memref<20480xf32, #tpu.memory_space<vmem>>[vector<16xi32>], vector<16xf32>,
        %add3A_119 = arith.addf %gather3A, %gather3A_118 : vector<16xf32>
        %mul3A_120 = arith.constant 2.000000e-01 : f32
        %mul3A_121 = vector.broadcast %mul3A_120 : f32 to vector<16xf32>
        %mul3A_122 = arith.mulf %mul3A_121, %add3A_119 : vector<16xf32>
        %max3A = arith.maximumf %add3A_119, %mul3A_122 : vector<16xf32>
        %exp3A = math.exp %max3A : vector<16xf32>
        %swap3A = arith.constant 0 : index
        %swap3A_123 = tpu.vector_load %arg12[%swap3A] {strides = array<i32>} : memref<128xf32, #tpu.memory_space<vmem>>, vector<16xf32>,
        tpu.vector_store %arg12[%swap3A], %exp3A {strides = array<i32>} : memref<128xf32, #tpu.memory_space<vmem>>, vector<16xf32>,
        %get3A_124 = arith.index_cast %scan3A_108 : i32 to index
        %get3A_125 = arith.constant 16 : index
        %get3A_126 = tpu.vector_load %arg7[%get3A_124, %get3A_125] {strides = array<i32>} : memref<162x128xi32, #tpu.memory_space<vmem>>, vector<16xi32>,
        %get3A_127 = arith.index_cast %scan3A_108 : i32 to index
        %get3A_128 = arith.constant 16 : index
        %get3A_129 = tpu.vector_load %arg8[%get3A_127, %get3A_128] {strides = array<i32>} : memref<162x128xi32, #tpu.memory_space<vmem>>, vector<16xi32>,
        %gather3A_130 = tpu.vector_load_idx %arg9[%get3A_126] : memref<20480xf32, #tpu.memory_space<vmem>>[vector<16xi32>], vector<16xf32>,
        %add3A_131 = arith.constant 10240 : i32
        %add3A_132 = vector.broadcast %add3A_131 : i32 to vector<16xi32>
        %add3A_133 = arith.addi %get3A_129, %add3A_132 : vector<16xi32>
        %gather3A_134 = tpu.vector_load_idx %arg9[%add3A_133] : memref<20480xf32, #tpu.memory_space<vmem>>[vector<16xi32>], vector<16xf32>,
        %add3A_135 = arith.addf %gather3A_130, %gather3A_134 : vector<16xf32>
        %mul3A_136 = arith.constant 2.000000e-01 : f32
        %mul3A_137 = vector.broadcast %mul3A_136 : f32 to vector<16xf32>
        %mul3A_138 = arith.mulf %mul3A_137, %add3A_135 : vector<16xf32>
        %max3A_139 = arith.maximumf %add3A_135, %mul3A_138 : vector<16xf32>
        %exp3A_140 = math.exp %max3A_139 : vector<16xf32>
        %swap3A_141 = arith.constant 16 : index
        %swap3A_142 = tpu.vector_load %arg12[%swap3A_141] {strides = array<i32>} : memref<128xf32, #tpu.memory_space<vmem>>, vector<16xf32>,
        tpu.vector_store %arg12[%swap3A_141], %exp3A_140 {strides = array<i32>} : memref<128xf32, #tpu.memory_space<vmem>>, vector<16xf32>,
        %get3A_143 = arith.index_cast %scan3A_108 : i32 to index
        %get3A_144 = arith.constant 32 : index
        %get3A_145 = tpu.vector_load %arg7[%get3A_143, %get3A_144] {strides = array<i32>} : memref<162x128xi32, #tpu.memory_space<vmem>>, vector<16xi32>,
        %get3A_146 = arith.index_cast %scan3A_108 : i32 to index
        %get3A_147 = arith.constant 32 : index
        %get3A_148 = tpu.vector_load %arg8[%get3A_146, %get3A_147] {strides = array<i32>} : memref<162x128xi32, #tpu.memory_space<vmem>>, vector<16xi32>,
        %gather3A_149 = tpu.vector_load_idx %arg9[%get3A_145] : memref<20480xf32, #tpu.memory_space<vmem>>[vector<16xi32>], vector<16xf32>,
        %add3A_150 = arith.constant 10240 : i32
        %add3A_151 = vector.broadcast %add3A_150 : i32 to vector<16xi32>
        %add3A_152 = arith.addi %get3A_148, %add3A_151 : vector<16xi32>
        %gather3A_153 = tpu.vector_load_idx %arg9[%add3A_152] : memref<20480xf32, #tpu.memory_space<vmem>>[vector<16xi32>], vector<16xf32>,
        %add3A_154 = arith.addf %gather3A_149, %gather3A_153 : vector<16xf32>
        %mul3A_155 = arith.constant 2.000000e-01 : f32
        %mul3A_156 = vector.broadcast %mul3A_155 : f32 to vector<16xf32>
        %mul3A_157 = arith.mulf %mul3A_156, %add3A_154 : vector<16xf32>
        %max3A_158 = arith.maximumf %add3A_154, %mul3A_157 : vector<16xf32>
        %exp3A_159 = math.exp %max3A_158 : vector<16xf32>
        %swap3A_160 = arith.constant 32 : index
        %swap3A_161 = tpu.vector_load %arg12[%swap3A_160] {strides = array<i32>} : memref<128xf32, #tpu.memory_space<vmem>>, vector<16xf32>,
        tpu.vector_store %arg12[%swap3A_160], %exp3A_159 {strides = array<i32>} : memref<128xf32, #tpu.memory_space<vmem>>, vector<16xf32>,
        %get3A_162 = arith.index_cast %scan3A_108 : i32 to index
        %get3A_163 = arith.constant 48 : index
        %get3A_164 = tpu.vector_load %arg7[%get3A_162, %get3A_163] {strides = array<i32>} : memref<162x128xi32, #tpu.memory_space<vmem>>, vector<16xi32>,
        %get3A_165 = arith.index_cast %scan3A_108 : i32 to index
        %get3A_166 = arith.constant 48 : index
        %get3A_167 = tpu.vector_load %arg8[%get3A_165, %get3A_166] {strides = array<i32>} : memref<162x128xi32, #tpu.memory_space<vmem>>, vector<16xi32>,
        %gather3A_168 = tpu.vector_load_idx %arg9[%get3A_164] : memref<20480xf32, #tpu.memory_space<vmem>>[vector<16xi32>], vector<16xf32>,
        %add3A_169 = arith.constant 10240 : i32
        %add3A_170 = vector.broadcast %add3A_169 : i32 to vector<16xi32>
        %add3A_171 = arith.addi %get3A_167, %add3A_170 : vector<16xi32>
        %gather3A_172 = tpu.vector_load_idx %arg9[%add3A_171] : memref<20480xf32, #tpu.memory_space<vmem>>[vector<16xi32>], vector<16xf32>,
        %add3A_173 = arith.addf %gather3A_168, %gather3A_172 : vector<16xf32>
        %mul3A_174 = arith.constant 2.000000e-01 : f32
        %mul3A_175 = vector.broadcast %mul3A_174 : f32 to vector<16xf32>
        %mul3A_176 = arith.mulf %mul3A_175, %add3A_173 : vector<16xf32>
        %max3A_177 = arith.maximumf %add3A_173, %mul3A_176 : vector<16xf32>
        %exp3A_178 = math.exp %max3A_177 : vector<16xf32>
        %swap3A_179 = arith.constant 48 : index
        %swap3A_180 = tpu.vector_load %arg12[%swap3A_179] {strides = array<i32>} : memref<128xf32, #tpu.memory_space<vmem>>, vector<16xf32>,
        tpu.vector_store %arg12[%swap3A_179], %exp3A_178 {strides = array<i32>} : memref<128xf32, #tpu.memory_space<vmem>>, vector<16xf32>,
        %get3A_181 = arith.index_cast %scan3A_108 : i32 to index
        %get3A_182 = arith.constant 64 : index
        %get3A_183 = tpu.vector_load %arg7[%get3A_181, %get3A_182] {strides = array<i32>} : memref<162x128xi32, #tpu.memory_space<vmem>>, vector<16xi32>,
        %get3A_184 = arith.index_cast %scan3A_108 : i32 to index
        %get3A_185 = arith.constant 64 : index
        %get3A_186 = tpu.vector_load %arg8[%get3A_184, %get3A_185] {strides = array<i32>} : memref<162x128xi32, #tpu.memory_space<vmem>>, vector<16xi32>,
        %gather3A_187 = tpu.vector_load_idx %arg9[%get3A_183] : memref<20480xf32, #tpu.memory_space<vmem>>[vector<16xi32>], vector<16xf32>,
        %add3A_188 = arith.constant 10240 : i32
        %add3A_189 = vector.broadcast %add3A_188 : i32 to vector<16xi32>
        %add3A_190 = arith.addi %get3A_186, %add3A_189 : vector<16xi32>
        %gather3A_191 = tpu.vector_load_idx %arg9[%add3A_190] : memref<20480xf32, #tpu.memory_space<vmem>>[vector<16xi32>], vector<16xf32>,
        %add3A_192 = arith.addf %gather3A_187, %gather3A_191 : vector<16xf32>
        %mul3A_193 = arith.constant 2.000000e-01 : f32
        %mul3A_194 = vector.broadcast %mul3A_193 : f32 to vector<16xf32>
        %mul3A_195 = arith.mulf %mul3A_194, %add3A_192 : vector<16xf32>
        %max3A_196 = arith.maximumf %add3A_192, %mul3A_195 : vector<16xf32>
        %exp3A_197 = math.exp %max3A_196 : vector<16xf32>
        %swap3A_198 = arith.constant 64 : index
        %swap3A_199 = tpu.vector_load %arg12[%swap3A_198] {strides = array<i32>} : memref<128xf32, #tpu.memory_space<vmem>>, vector<16xf32>,
        tpu.vector_store %arg12[%swap3A_198], %exp3A_197 {strides = array<i32>} : memref<128xf32, #tpu.memory_space<vmem>>, vector<16xf32>,
        %get3A_200 = arith.index_cast %scan3A_108 : i32 to index
        %get3A_201 = arith.constant 80 : index
        %get3A_202 = tpu.vector_load %arg7[%get3A_200, %get3A_201] {strides = array<i32>} : memref<162x128xi32, #tpu.memory_space<vmem>>, vector<16xi32>,
        %get3A_203 = arith.index_cast %scan3A_108 : i32 to index
        %get3A_204 = arith.constant 80 : index
        %get3A_205 = tpu.vector_load %arg8[%get3A_203, %get3A_204] {strides = array<i32>} : memref<162x128xi32, #tpu.memory_space<vmem>>, vector<16xi32>,
        %gather3A_206 = tpu.vector_load_idx %arg9[%get3A_202] : memref<20480xf32, #tpu.memory_space<vmem>>[vector<16xi32>], vector<16xf32>,
        %add3A_207 = arith.constant 10240 : i32
        %add3A_208 = vector.broadcast %add3A_207 : i32 to vector<16xi32>
        %add3A_209 = arith.addi %get3A_205, %add3A_208 : vector<16xi32>
        %gather3A_210 = tpu.vector_load_idx %arg9[%add3A_209] : memref<20480xf32, #tpu.memory_space<vmem>>[vector<16xi32>], vector<16xf32>,
        %add3A_211 = arith.addf %gather3A_206, %gather3A_210 : vector<16xf32>
        %mul3A_212 = arith.constant 2.000000e-01 : f32
        %mul3A_213 = vector.broadcast %mul3A_212 : f32 to vector<16xf32>
        %mul3A_214 = arith.mulf %mul3A_213, %add3A_211 : vector<16xf32>
        %max3A_215 = arith.maximumf %add3A_211, %mul3A_214 : vector<16xf32>
        %exp3A_216 = math.exp %max3A_215 : vector<16xf32>
        %swap3A_217 = arith.constant 80 : index
        %swap3A_218 = tpu.vector_load %arg12[%swap3A_217] {strides = array<i32>} : memref<128xf32, #tpu.memory_space<vmem>>, vector<16xf32>,
        tpu.vector_store %arg12[%swap3A_217], %exp3A_216 {strides = array<i32>} : memref<128xf32, #tpu.memory_space<vmem>>, vector<16xf32>,
        %get3A_219 = arith.index_cast %scan3A_108 : i32 to index
        %get3A_220 = arith.constant 96 : index
        %get3A_221 = tpu.vector_load %arg7[%get3A_219, %get3A_220] {strides = array<i32>} : memref<162x128xi32, #tpu.memory_space<vmem>>, vector<16xi32>,
        %get3A_222 = arith.index_cast %scan3A_108 : i32 to index
        %get3A_223 = arith.constant 96 : index
        %get3A_224 = tpu.vector_load %arg8[%get3A_222, %get3A_223] {strides = array<i32>} : memref<162x128xi32, #tpu.memory_space<vmem>>, vector<16xi32>,
        %gather3A_225 = tpu.vector_load_idx %arg9[%get3A_221] : memref<20480xf32, #tpu.memory_space<vmem>>[vector<16xi32>], vector<16xf32>,
        %add3A_226 = arith.constant 10240 : i32
        %add3A_227 = vector.broadcast %add3A_226 : i32 to vector<16xi32>
        %add3A_228 = arith.addi %get3A_224, %add3A_227 : vector<16xi32>
        %gather3A_229 = tpu.vector_load_idx %arg9[%add3A_228] : memref<20480xf32, #tpu.memory_space<vmem>>[vector<16xi32>], vector<16xf32>,
        %add3A_230 = arith.addf %gather3A_225, %gather3A_229 : vector<16xf32>
        %mul3A_231 = arith.constant 2.000000e-01 : f32
        %mul3A_232 = vector.broadcast %mul3A_231 : f32 to vector<16xf32>
        %mul3A_233 = arith.mulf %mul3A_232, %add3A_230 : vector<16xf32>
        %max3A_234 = arith.maximumf %add3A_230, %mul3A_233 : vector<16xf32>
        %exp3A_235 = math.exp %max3A_234 : vector<16xf32>
        %swap3A_236 = arith.constant 96 : index
        %swap3A_237 = tpu.vector_load %arg12[%swap3A_236] {strides = array<i32>} : memref<128xf32, #tpu.memory_space<vmem>>, vector<16xf32>,
        tpu.vector_store %arg12[%swap3A_236], %exp3A_235 {strides = array<i32>} : memref<128xf32, #tpu.memory_space<vmem>>, vector<16xf32>,
        %get3A_238 = arith.index_cast %scan3A_108 : i32 to index
        %get3A_239 = arith.constant 112 : index
        %get3A_240 = tpu.vector_load %arg7[%get3A_238, %get3A_239] {strides = array<i32>} : memref<162x128xi32, #tpu.memory_space<vmem>>, vector<16xi32>,
        %get3A_241 = arith.index_cast %scan3A_108 : i32 to index
        %get3A_242 = arith.constant 112 : index
        %get3A_243 = tpu.vector_load %arg8[%get3A_241, %get3A_242] {strides = array<i32>} : memref<162x128xi32, #tpu.memory_space<vmem>>, vector<16xi32>,
        %gather3A_244 = tpu.vector_load_idx %arg9[%get3A_240] : memref<20480xf32, #tpu.memory_space<vmem>>[vector<16xi32>], vector<16xf32>,
        %add3A_245 = arith.constant 10240 : i32
        %add3A_246 = vector.broadcast %add3A_245 : i32 to vector<16xi32>
        %add3A_247 = arith.addi %get3A_243, %add3A_246 : vector<16xi32>
        %gather3A_248 = tpu.vector_load_idx %arg9[%add3A_247] : memref<20480xf32, #tpu.memory_space<vmem>>[vector<16xi32>], vector<16xf32>,
        %add3A_249 = arith.addf %gather3A_244, %gather3A_248 : vector<16xf32>
        %mul3A_250 = arith.constant 2.000000e-01 : f32
        %mul3A_251 = vector.broadcast %mul3A_250 : f32 to vector<16xf32>
        %mul3A_252 = arith.mulf %mul3A_251, %add3A_249 : vector<16xf32>
        %max3A_253 = arith.maximumf %add3A_249, %mul3A_252 : vector<16xf32>
        %exp3A_254 = math.exp %max3A_253 : vector<16xf32>
        %swap3A_255 = arith.constant 112 : index
        %swap3A_256 = tpu.vector_load %arg12[%swap3A_255] {strides = array<i32>} : memref<128xf32, #tpu.memory_space<vmem>>, vector<16xf32>,
        tpu.vector_store %arg12[%swap3A_255], %exp3A_254 {strides = array<i32>} : memref<128xf32, #tpu.memory_space<vmem>>, vector<16xf32>,
        %dma_wait3A_257 = arith.constant 0 : i32
        %dma_wait3A_258 = arith.constant 0 : i32
        %dma_wait3A_259 = tpu.memref_slice %arg7[%dma_wait3A_257, %dma_wait3A_258] : memref<162x128xi32, #tpu.memory_space<vmem>> -> memref<1x128xi32, #tpu.memory_space<vmem>>
        %dma_wait3A_260 = tpu.memref_squeeze %dma_wait3A_259 : memref<1x128xi32, #tpu.memory_space<vmem>> -> memref<128xi32, #tpu.memory_space<vmem>>
        %dma_wait3A_261 = arith.constant 0 : i32
        %dma_wait3A_262 = arith.constant 0 : i32
        %dma_wait3A_263 = arith.constant 0 : i32
        %dma_wait3A_264 = tpu.memref_slice %arg5[%scan3A_9, %dma_wait3A_261, %dma_wait3A_262, %dma_wait3A_263] : memref<3x2x10240x64xf32, #tpu.memory_space<hbm>> -> memref<1x2x10240x64xf32, #tpu.memory_space<hbm>>
        %dma_wait3A_265 = tpu.memref_squeeze %dma_wait3A_264 : memref<1x2x10240x64xf32, #tpu.memory_space<hbm>> -> memref<2x10240x64xf32, #tpu.memory_space<hbm>>
        %dma_wait3A_266 = arith.constant 0 : i32
        %dma_wait3A_267 = arith.constant 0 : i32
        %dma_wait3A_268 = tpu.memref_slice %dma_wait3A_265[%arg0, %dma_wait3A_266, %dma_wait3A_267] : memref<2x10240x64xf32, #tpu.memory_space<hbm>> -> memref<1x10240x64xf32, #tpu.memory_space<hbm>>
        %dma_wait3A_269 = tpu.memref_squeeze %dma_wait3A_268 : memref<1x10240x64xf32, #tpu.memory_space<hbm>> -> memref<10240x64xf32, #tpu.memory_space<hbm>>
        %dma_wait3A_270 = arith.constant 0 : i32
        %dma_wait3A_271 = arith.constant 0 : i32
        %dma_wait3A_272 = tpu.memref_slice %dma_wait3A_269[%dma_wait3A_270, %dma_wait3A_271] : memref<10240x64xf32, #tpu.memory_space<hbm>> -> memref<10240x64xf32, #tpu.memory_space<hbm>>
        tpu.wait_indirect_dma semaphore(%arg14 : memref<!tpu.dma_semaphore, #tpu.memory_space<semaphore_mem>>) src(%dma_wait3A_272 : memref<10240x64xf32, #tpu.memory_space<hbm>>) dst(%arg10 : memref<128x64xf32, #tpu.memory_space<vmem>>)
        %scan3A_273 = arith.constant 0 : i32
        %scan3A_274 = arith.constant 0 : i32
        %scan3A_275 = arith.constant 32 : i32
        %scan3A_276 = arith.addi %scan3A_274, %scan3A_275 : i32
        %scan3A_277 = arith.constant 1 : i32
        %scan3A_278 = scf.for %scan3A_299 = %scan3A_274 to %scan3A_276 step %scan3A_277 iter_args(%scan3A_300 = %scan3A_273) -> (i32)  : i32 {
          %mul3A_301 = arith.constant 4 : i32
          %mul3A_302 = arith.muli %scan3A_299, %mul3A_301 : i32
          %add3A_303 = arith.constant 0 : i32
          %add3A_304 = arith.addi %mul3A_302, %add3A_303 : i32
          %add3A_305 = vector.broadcast %add3A_304 : i32 to vector<16xi32>
          %add3A_306 = arith.addi %broadcast_in_dim3A_0, %add3A_305 : vector<16xi32>
          %gather3A_307 = tpu.vector_load_idx %arg12[%add3A_306] : memref<128xf32, #tpu.memory_space<vmem>>[vector<16xi32>], vector<16xf32>,
          %get3A_308 = arith.index_cast %add3A_304 : i32 to index
          %get3A_309 = arith.constant 0 : index
          %get3A_310 = tpu.vector_load %arg10[%get3A_308, %get3A_309] {strides = array<i32>} : memref<128x64xf32, #tpu.memory_space<vmem>>, vector<16xf32>,
          %mul3A_311 = arith.mulf %get3A_310, %gather3A_307 : vector<16xf32>
          %swap3A_312 = arith.index_cast %add3A_304 : i32 to index
          %swap3A_313 = arith.constant 0 : index
          %swap3A_314 = tpu.vector_load %arg11[%swap3A_312, %swap3A_313] {strides = array<i32>} : memref<128x80xf32, #tpu.memory_space<vmem>>, vector<16xf32>,
          tpu.vector_store %arg11[%swap3A_312, %swap3A_313], %mul3A_311 {strides = array<i32>} : memref<128x80xf32, #tpu.memory_space<vmem>>, vector<16xf32>,
          %get3A_315 = arith.index_cast %add3A_304 : i32 to index
          %get3A_316 = arith.constant 16 : index
          %get3A_317 = tpu.vector_load %arg10[%get3A_315, %get3A_316] {strides = array<i32>} : memref<128x64xf32, #tpu.memory_space<vmem>>, vector<16xf32>,
          %mul3A_318 = arith.mulf %get3A_317, %gather3A_307 : vector<16xf32>
          %swap3A_319 = arith.index_cast %add3A_304 : i32 to index
          %swap3A_320 = arith.constant 16 : index
          %swap3A_321 = tpu.vector_load %arg11[%swap3A_319, %swap3A_320] {strides = array<i32>} : memref<128x80xf32, #tpu.memory_space<vmem>>, vector<16xf32>,
          tpu.vector_store %arg11[%swap3A_319, %swap3A_320], %mul3A_318 {strides = array<i32>} : memref<128x80xf32, #tpu.memory_space<vmem>>, vector<16xf32>,
          %get3A_322 = arith.index_cast %add3A_304 : i32 to index
          %get3A_323 = arith.constant 32 : index
          %get3A_324 = tpu.vector_load %arg10[%get3A_322, %get3A_323] {strides = array<i32>} : memref<128x64xf32, #tpu.memory_space<vmem>>, vector<16xf32>,
          %mul3A_325 = arith.mulf %get3A_324, %gather3A_307 : vector<16xf32>
          %swap3A_326 = arith.index_cast %add3A_304 : i32 to index
          %swap3A_327 = arith.constant 32 : index
          %swap3A_328 = tpu.vector_load %arg11[%swap3A_326, %swap3A_327] {strides = array<i32>} : memref<128x80xf32, #tpu.memory_space<vmem>>, vector<16xf32>,
          tpu.vector_store %arg11[%swap3A_326, %swap3A_327], %mul3A_325 {strides = array<i32>} : memref<128x80xf32, #tpu.memory_space<vmem>>, vector<16xf32>,
          %get3A_329 = arith.index_cast %add3A_304 : i32 to index
          %get3A_330 = arith.constant 48 : index
          %get3A_331 = tpu.vector_load %arg10[%get3A_329, %get3A_330] {strides = array<i32>} : memref<128x64xf32, #tpu.memory_space<vmem>>, vector<16xf32>,
          %mul3A_332 = arith.mulf %get3A_331, %gather3A_307 : vector<16xf32>
          %swap3A_333 = arith.index_cast %add3A_304 : i32 to index
          %swap3A_334 = arith.constant 48 : index
          %swap3A_335 = tpu.vector_load %arg11[%swap3A_333, %swap3A_334] {strides = array<i32>} : memref<128x80xf32, #tpu.memory_space<vmem>>, vector<16xf32>,
          tpu.vector_store %arg11[%swap3A_333, %swap3A_334], %mul3A_332 {strides = array<i32>} : memref<128x80xf32, #tpu.memory_space<vmem>>, vector<16xf32>,
          %eq3A = arith.constant 0 : i32
          %eq3A_336 = vector.broadcast %eq3A : i32 to vector<16xi32>
          %eq3A_337 = arith.cmpi eq, %iota3A, %eq3A_336 : vector<16xi32>
          %select_n3A = arith.select %eq3A_337, %gather3A_307, %broadcast_in_dim3A_2 : vector<16xi1>, vector<16xf32>
          %swap3A_338 = arith.index_cast %add3A_304 : i32 to index
          %swap3A_339 = arith.constant 64 : index
          %swap3A_340 = tpu.vector_load %arg11[%swap3A_338, %swap3A_339] {strides = array<i32>} : memref<128x80xf32, #tpu.memory_space<vmem>>, vector<16xf32>,
          tpu.vector_store %arg11[%swap3A_338, %swap3A_339], %select_n3A {strides = array<i32>} : memref<128x80xf32, #tpu.memory_space<vmem>>, vector<16xf32>,
          %mul3A_341 = arith.constant 4 : i32
          %mul3A_342 = arith.muli %scan3A_299, %mul3A_341 : i32
          %add3A_343 = arith.constant 1 : i32
          %add3A_344 = arith.addi %mul3A_342, %add3A_343 : i32
          %add3A_345 = vector.broadcast %add3A_344 : i32 to vector<16xi32>
          %add3A_346 = arith.addi %broadcast_in_dim3A_0, %add3A_345 : vector<16xi32>
          %gather3A_347 = tpu.vector_load_idx %arg12[%add3A_346] : memref<128xf32, #tpu.memory_space<vmem>>[vector<16xi32>], vector<16xf32>,
          %get3A_348 = arith.index_cast %add3A_344 : i32 to index
          %get3A_349 = arith.constant 0 : index
          %get3A_350 = tpu.vector_load %arg10[%get3A_348, %get3A_349] {strides = array<i32>} : memref<128x64xf32, #tpu.memory_space<vmem>>, vector<16xf32>,
          %mul3A_351 = arith.mulf %get3A_350, %gather3A_347 : vector<16xf32>
          %swap3A_352 = arith.index_cast %add3A_344 : i32 to index
          %swap3A_353 = arith.constant 0 : index
          %swap3A_354 = tpu.vector_load %arg11[%swap3A_352, %swap3A_353] {strides = array<i32>} : memref<128x80xf32, #tpu.memory_space<vmem>>, vector<16xf32>,
          tpu.vector_store %arg11[%swap3A_352, %swap3A_353], %mul3A_351 {strides = array<i32>} : memref<128x80xf32, #tpu.memory_space<vmem>>, vector<16xf32>,
          %get3A_355 = arith.index_cast %add3A_344 : i32 to index
          %get3A_356 = arith.constant 16 : index
          %get3A_357 = tpu.vector_load %arg10[%get3A_355, %get3A_356] {strides = array<i32>} : memref<128x64xf32, #tpu.memory_space<vmem>>, vector<16xf32>,
          %mul3A_358 = arith.mulf %get3A_357, %gather3A_347 : vector<16xf32>
          %swap3A_359 = arith.index_cast %add3A_344 : i32 to index
          %swap3A_360 = arith.constant 16 : index
          %swap3A_361 = tpu.vector_load %arg11[%swap3A_359, %swap3A_360] {strides = array<i32>} : memref<128x80xf32, #tpu.memory_space<vmem>>, vector<16xf32>,
          tpu.vector_store %arg11[%swap3A_359, %swap3A_360], %mul3A_358 {strides = array<i32>} : memref<128x80xf32, #tpu.memory_space<vmem>>, vector<16xf32>,
          %get3A_362 = arith.index_cast %add3A_344 : i32 to index
          %get3A_363 = arith.constant 32 : index
          %get3A_364 = tpu.vector_load %arg10[%get3A_362, %get3A_363] {strides = array<i32>} : memref<128x64xf32, #tpu.memory_space<vmem>>, vector<16xf32>,
          %mul3A_365 = arith.mulf %get3A_364, %gather3A_347 : vector<16xf32>
          %swap3A_366 = arith.index_cast %add3A_344 : i32 to index
          %swap3A_367 = arith.constant 32 : index
          %swap3A_368 = tpu.vector_load %arg11[%swap3A_366, %swap3A_367] {strides = array<i32>} : memref<128x80xf32, #tpu.memory_space<vmem>>, vector<16xf32>,
          tpu.vector_store %arg11[%swap3A_366, %swap3A_367], %mul3A_365 {strides = array<i32>} : memref<128x80xf32, #tpu.memory_space<vmem>>, vector<16xf32>,
          %get3A_369 = arith.index_cast %add3A_344 : i32 to index
          %get3A_370 = arith.constant 48 : index
          %get3A_371 = tpu.vector_load %arg10[%get3A_369, %get3A_370] {strides = array<i32>} : memref<128x64xf32, #tpu.memory_space<vmem>>, vector<16xf32>,
          %mul3A_372 = arith.mulf %get3A_371, %gather3A_347 : vector<16xf32>
          %swap3A_373 = arith.index_cast %add3A_344 : i32 to index
          %swap3A_374 = arith.constant 48 : index
          %swap3A_375 = tpu.vector_load %arg11[%swap3A_373, %swap3A_374] {strides = array<i32>} : memref<128x80xf32, #tpu.memory_space<vmem>>, vector<16xf32>,
          tpu.vector_store %arg11[%swap3A_373, %swap3A_374], %mul3A_372 {strides = array<i32>} : memref<128x80xf32, #tpu.memory_space<vmem>>, vector<16xf32>,
          %eq3A_376 = arith.constant 0 : i32
          %eq3A_377 = vector.broadcast %eq3A_376 : i32 to vector<16xi32>
          %eq3A_378 = arith.cmpi eq, %iota3A, %eq3A_377 : vector<16xi32>
          %select_n3A_379 = arith.select %eq3A_378, %gather3A_347, %broadcast_in_dim3A_2 : vector<16xi1>, vector<16xf32>
          %swap3A_380 = arith.index_cast %add3A_344 : i32 to index
          %swap3A_381 = arith.constant 64 : index
          %swap3A_382 = tpu.vector_load %arg11[%swap3A_380, %swap3A_381] {strides = array<i32>} : memref<128x80xf32, #tpu.memory_space<vmem>>, vector<16xf32>,
          tpu.vector_store %arg11[%swap3A_380, %swap3A_381], %select_n3A_379 {strides = array<i32>} : memref<128x80xf32, #tpu.memory_space<vmem>>, vector<16xf32>,
          %mul3A_383 = arith.constant 4 : i32
          %mul3A_384 = arith.muli %scan3A_299, %mul3A_383 : i32
          %add3A_385 = arith.constant 2 : i32
          %add3A_386 = arith.addi %mul3A_384, %add3A_385 : i32
          %add3A_387 = vector.broadcast %add3A_386 : i32 to vector<16xi32>
          %add3A_388 = arith.addi %broadcast_in_dim3A_0, %add3A_387 : vector<16xi32>
          %gather3A_389 = tpu.vector_load_idx %arg12[%add3A_388] : memref<128xf32, #tpu.memory_space<vmem>>[vector<16xi32>], vector<16xf32>,
          %get3A_390 = arith.index_cast %add3A_386 : i32 to index
          %get3A_391 = arith.constant 0 : index
          %get3A_392 = tpu.vector_load %arg10[%get3A_390, %get3A_391] {strides = array<i32>} : memref<128x64xf32, #tpu.memory_space<vmem>>, vector<16xf32>,
          %mul3A_393 = arith.mulf %get3A_392, %gather3A_389 : vector<16xf32>
          %swap3A_394 = arith.index_cast %add3A_386 : i32 to index
          %swap3A_395 = arith.constant 0 : index
          %swap3A_396 = tpu.vector_load %arg11[%swap3A_394, %swap3A_395] {strides = array<i32>} : memref<128x80xf32, #tpu.memory_space<vmem>>, vector<16xf32>,
          tpu.vector_store %arg11[%swap3A_394, %swap3A_395], %mul3A_393 {strides = array<i32>} : memref<128x80xf32, #tpu.memory_space<vmem>>, vector<16xf32>,
          %get3A_397 = arith.index_cast %add3A_386 : i32 to index
          %get3A_398 = arith.constant 16 : index
          %get3A_399 = tpu.vector_load %arg10[%get3A_397, %get3A_398] {strides = array<i32>} : memref<128x64xf32, #tpu.memory_space<vmem>>, vector<16xf32>,
          %mul3A_400 = arith.mulf %get3A_399, %gather3A_389 : vector<16xf32>
          %swap3A_401 = arith.index_cast %add3A_386 : i32 to index
          %swap3A_402 = arith.constant 16 : index
          %swap3A_403 = tpu.vector_load %arg11[%swap3A_401, %swap3A_402] {strides = array<i32>} : memref<128x80xf32, #tpu.memory_space<vmem>>, vector<16xf32>,
          tpu.vector_store %arg11[%swap3A_401, %swap3A_402], %mul3A_400 {strides = array<i32>} : memref<128x80xf32, #tpu.memory_space<vmem>>, vector<16xf32>,
          %get3A_404 = arith.index_cast %add3A_386 : i32 to index
          %get3A_405 = arith.constant 32 : index
          %get3A_406 = tpu.vector_load %arg10[%get3A_404, %get3A_405] {strides = array<i32>} : memref<128x64xf32, #tpu.memory_space<vmem>>, vector<16xf32>,
          %mul3A_407 = arith.mulf %get3A_406, %gather3A_389 : vector<16xf32>
          %swap3A_408 = arith.index_cast %add3A_386 : i32 to index
          %swap3A_409 = arith.constant 32 : index
          %swap3A_410 = tpu.vector_load %arg11[%swap3A_408, %swap3A_409] {strides = array<i32>} : memref<128x80xf32, #tpu.memory_space<vmem>>, vector<16xf32>,
          tpu.vector_store %arg11[%swap3A_408, %swap3A_409], %mul3A_407 {strides = array<i32>} : memref<128x80xf32, #tpu.memory_space<vmem>>, vector<16xf32>,
          %get3A_411 = arith.index_cast %add3A_386 : i32 to index
          %get3A_412 = arith.constant 48 : index
          %get3A_413 = tpu.vector_load %arg10[%get3A_411, %get3A_412] {strides = array<i32>} : memref<128x64xf32, #tpu.memory_space<vmem>>, vector<16xf32>,
          %mul3A_414 = arith.mulf %get3A_413, %gather3A_389 : vector<16xf32>
          %swap3A_415 = arith.index_cast %add3A_386 : i32 to index
          %swap3A_416 = arith.constant 48 : index
          %swap3A_417 = tpu.vector_load %arg11[%swap3A_415, %swap3A_416] {strides = array<i32>} : memref<128x80xf32, #tpu.memory_space<vmem>>, vector<16xf32>,
          tpu.vector_store %arg11[%swap3A_415, %swap3A_416], %mul3A_414 {strides = array<i32>} : memref<128x80xf32, #tpu.memory_space<vmem>>, vector<16xf32>,
          %eq3A_418 = arith.constant 0 : i32
          %eq3A_419 = vector.broadcast %eq3A_418 : i32 to vector<16xi32>
          %eq3A_420 = arith.cmpi eq, %iota3A, %eq3A_419 : vector<16xi32>
          %select_n3A_421 = arith.select %eq3A_420, %gather3A_389, %broadcast_in_dim3A_2 : vector<16xi1>, vector<16xf32>
          %swap3A_422 = arith.index_cast %add3A_386 : i32 to index
          %swap3A_423 = arith.constant 64 : index
          %swap3A_424 = tpu.vector_load %arg11[%swap3A_422, %swap3A_423] {strides = array<i32>} : memref<128x80xf32, #tpu.memory_space<vmem>>, vector<16xf32>,
          tpu.vector_store %arg11[%swap3A_422, %swap3A_423], %select_n3A_421 {strides = array<i32>} : memref<128x80xf32, #tpu.memory_space<vmem>>, vector<16xf32>,
          %mul3A_425 = arith.constant 4 : i32
          %mul3A_426 = arith.muli %scan3A_299, %mul3A_425 : i32
          %add3A_427 = arith.constant 3 : i32
          %add3A_428 = arith.addi %mul3A_426, %add3A_427 : i32
          %add3A_429 = vector.broadcast %add3A_428 : i32 to vector<16xi32>
          %add3A_430 = arith.addi %broadcast_in_dim3A_0, %add3A_429 : vector<16xi32>
          %gather3A_431 = tpu.vector_load_idx %arg12[%add3A_430] : memref<128xf32, #tpu.memory_space<vmem>>[vector<16xi32>], vector<16xf32>,
          %get3A_432 = arith.index_cast %add3A_428 : i32 to index
          %get3A_433 = arith.constant 0 : index
          %get3A_434 = tpu.vector_load %arg10[%get3A_432, %get3A_433] {strides = array<i32>} : memref<128x64xf32, #tpu.memory_space<vmem>>, vector<16xf32>,
          %mul3A_435 = arith.mulf %get3A_434, %gather3A_431 : vector<16xf32>
          %swap3A_436 = arith.index_cast %add3A_428 : i32 to index
          %swap3A_437 = arith.constant 0 : index
          %swap3A_438 = tpu.vector_load %arg11[%swap3A_436, %swap3A_437] {strides = array<i32>} : memref<128x80xf32, #tpu.memory_space<vmem>>, vector<16xf32>,
          tpu.vector_store %arg11[%swap3A_436, %swap3A_437], %mul3A_435 {strides = array<i32>} : memref<128x80xf32, #tpu.memory_space<vmem>>, vector<16xf32>,
          %get3A_439 = arith.index_cast %add3A_428 : i32 to index
          %get3A_440 = arith.constant 16 : index
          %get3A_441 = tpu.vector_load %arg10[%get3A_439, %get3A_440] {strides = array<i32>} : memref<128x64xf32, #tpu.memory_space<vmem>>, vector<16xf32>,
          %mul3A_442 = arith.mulf %get3A_441, %gather3A_431 : vector<16xf32>
          %swap3A_443 = arith.index_cast %add3A_428 : i32 to index
          %swap3A_444 = arith.constant 16 : index
          %swap3A_445 = tpu.vector_load %arg11[%swap3A_443, %swap3A_444] {strides = array<i32>} : memref<128x80xf32, #tpu.memory_space<vmem>>, vector<16xf32>,
          tpu.vector_store %arg11[%swap3A_443, %swap3A_444], %mul3A_442 {strides = array<i32>} : memref<128x80xf32, #tpu.memory_space<vmem>>, vector<16xf32>,
          %get3A_446 = arith.index_cast %add3A_428 : i32 to index
          %get3A_447 = arith.constant 32 : index
          %get3A_448 = tpu.vector_load %arg10[%get3A_446, %get3A_447] {strides = array<i32>} : memref<128x64xf32, #tpu.memory_space<vmem>>, vector<16xf32>,
          %mul3A_449 = arith.mulf %get3A_448, %gather3A_431 : vector<16xf32>
          %swap3A_450 = arith.index_cast %add3A_428 : i32 to index
          %swap3A_451 = arith.constant 32 : index
          %swap3A_452 = tpu.vector_load %arg11[%swap3A_450, %swap3A_451] {strides = array<i32>} : memref<128x80xf32, #tpu.memory_space<vmem>>, vector<16xf32>,
          tpu.vector_store %arg11[%swap3A_450, %swap3A_451], %mul3A_449 {strides = array<i32>} : memref<128x80xf32, #tpu.memory_space<vmem>>, vector<16xf32>,
          %get3A_453 = arith.index_cast %add3A_428 : i32 to index
          %get3A_454 = arith.constant 48 : index
          %get3A_455 = tpu.vector_load %arg10[%get3A_453, %get3A_454] {strides = array<i32>} : memref<128x64xf32, #tpu.memory_space<vmem>>, vector<16xf32>,
          %mul3A_456 = arith.mulf %get3A_455, %gather3A_431 : vector<16xf32>
          %swap3A_457 = arith.index_cast %add3A_428 : i32 to index
          %swap3A_458 = arith.constant 48 : index
          %swap3A_459 = tpu.vector_load %arg11[%swap3A_457, %swap3A_458] {strides = array<i32>} : memref<128x80xf32, #tpu.memory_space<vmem>>, vector<16xf32>,
          tpu.vector_store %arg11[%swap3A_457, %swap3A_458], %mul3A_456 {strides = array<i32>} : memref<128x80xf32, #tpu.memory_space<vmem>>, vector<16xf32>,
          %eq3A_460 = arith.constant 0 : i32
          %eq3A_461 = vector.broadcast %eq3A_460 : i32 to vector<16xi32>
          %eq3A_462 = arith.cmpi eq, %iota3A, %eq3A_461 : vector<16xi32>
          %select_n3A_463 = arith.select %eq3A_462, %gather3A_431, %broadcast_in_dim3A_2 : vector<16xi1>, vector<16xf32>
          %swap3A_464 = arith.index_cast %add3A_428 : i32 to index
          %swap3A_465 = arith.constant 64 : index
          %swap3A_466 = tpu.vector_load %arg11[%swap3A_464, %swap3A_465] {strides = array<i32>} : memref<128x80xf32, #tpu.memory_space<vmem>>, vector<16xf32>,
          tpu.vector_store %arg11[%swap3A_464, %swap3A_465], %select_n3A_463 {strides = array<i32>} : memref<128x80xf32, #tpu.memory_space<vmem>>, vector<16xf32>,
          %scan3A_467 = arith.constant 0 : i32
          scf.yield %scan3A_467 : i32
        }
        %scan3A_279 = arith.constant 32 : i32
        %add3A_280 = arith.constant 1 : i32
        %add3A_281 = arith.addi %scan3A_108, %add3A_280 : i32
        %min3A = arith.constant 161 : i32
        %min3A_282 = arith.minsi %add3A_281, %min3A : i32
        %dma_start3A_283 = arith.constant 0 : i32
        %dma_start3A_284 = tpu.memref_slice %arg7[%min3A_282, %dma_start3A_283] : memref<162x128xi32, #tpu.memory_space<vmem>> -> memref<1x128xi32, #tpu.memory_space<vmem>>
        %dma_start3A_285 = tpu.memref_squeeze %dma_start3A_284 : memref<1x128xi32, #tpu.memory_space<vmem>> -> memref<128xi32, #tpu.memory_space<vmem>>
        %dma_start3A_286 = arith.constant 0 : i32
        %dma_start3A_287 = arith.constant 0 : i32
        %dma_start3A_288 = arith.constant 0 : i32
        %dma_start3A_289 = tpu.memref_slice %arg5[%scan3A_9, %dma_start3A_286, %dma_start3A_287, %dma_start3A_288] : memref<3x2x10240x64xf32, #tpu.memory_space<hbm>> -> memref<1x2x10240x64xf32, #tpu.memory_space<hbm>>
        %dma_start3A_290 = tpu.memref_squeeze %dma_start3A_289 : memref<1x2x10240x64xf32, #tpu.memory_space<hbm>> -> memref<2x10240x64xf32, #tpu.memory_space<hbm>>
        %dma_start3A_291 = arith.constant 0 : i32
        %dma_start3A_292 = arith.constant 0 : i32
        %dma_start3A_293 = tpu.memref_slice %dma_start3A_290[%arg0, %dma_start3A_291, %dma_start3A_292] : memref<2x10240x64xf32, #tpu.memory_space<hbm>> -> memref<1x10240x64xf32, #tpu.memory_space<hbm>>
        %dma_start3A_294 = tpu.memref_squeeze %dma_start3A_293 : memref<1x10240x64xf32, #tpu.memory_space<hbm>> -> memref<10240x64xf32, #tpu.memory_space<hbm>>
        %dma_start3A_295 = arith.constant 0 : i32
        %dma_start3A_296 = arith.constant 0 : i32
        %dma_start3A_297 = tpu.memref_slice %dma_start3A_294[%dma_start3A_295, %dma_start3A_296] : memref<10240x64xf32, #tpu.memory_space<hbm>> -> memref<10240x64xf32, #tpu.memory_space<hbm>>
        tpu.enqueue_indirect_dma source(%dma_start3A_297 : memref<10240x64xf32, #tpu.memory_space<hbm>>) target(%arg10 : memref<128x64xf32, #tpu.memory_space<vmem>>) offsets(%dma_start3A_285 : memref<128xi32, #tpu.memory_space<vmem>>) semaphore(%arg14 : memref<!tpu.dma_semaphore, #tpu.memory_space<semaphore_mem>>)
        "tpu.region"() ({
          %run_scoped3A = tpu.sem_alloc : memref<!tpu.dma_semaphore, #tpu.memory_space<semaphore_mem>>
          %dma_start3A_299 = arith.constant 0 : i32
          %dma_start3A_300 = tpu.memref_slice %arg8[%scan3A_108, %dma_start3A_299] : memref<162x128xi32, #tpu.memory_space<vmem>> -> memref<1x128xi32, #tpu.memory_space<vmem>>
          %dma_start3A_301 = tpu.memref_squeeze %dma_start3A_300 : memref<1x128xi32, #tpu.memory_space<vmem>> -> memref<128xi32, #tpu.memory_space<vmem>>
          %dma_start3A_302 = arith.constant 0 : i32
          %dma_start3A_303 = arith.constant 0 : i32
          %dma_start3A_304 = tpu.memref_slice %arg13[%dma_start3A_302, %dma_start3A_303] : memref<10048x80xf32, #tpu.memory_space<vmem_shared>> -> memref<10048x80xf32, #tpu.memory_space<vmem_shared>>
          tpu.enqueue_indirect_dma source(%arg11 : memref<128x80xf32, #tpu.memory_space<vmem>>) target(%dma_start3A_304 : memref<10048x80xf32, #tpu.memory_space<vmem_shared>>) offsets(%dma_start3A_301 : memref<128xi32, #tpu.memory_space<vmem>>) semaphore(%run_scoped3A : memref<!tpu.dma_semaphore, #tpu.memory_space<semaphore_mem>>) {add = true}
          %dma_wait3A_305 = arith.constant 0 : i32
          %dma_wait3A_306 = tpu.memref_slice %arg8[%scan3A_108, %dma_wait3A_305] : memref<162x128xi32, #tpu.memory_space<vmem>> -> memref<1x128xi32, #tpu.memory_space<vmem>>
          %dma_wait3A_307 = tpu.memref_squeeze %dma_wait3A_306 : memref<1x128xi32, #tpu.memory_space<vmem>> -> memref<128xi32, #tpu.memory_space<vmem>>
          %dma_wait3A_308 = arith.constant 0 : i32
          %dma_wait3A_309 = arith.constant 0 : i32
          %dma_wait3A_310 = tpu.memref_slice %arg13[%dma_wait3A_308, %dma_wait3A_309] : memref<10048x80xf32, #tpu.memory_space<vmem_shared>> -> memref<10048x80xf32, #tpu.memory_space<vmem_shared>>
          tpu.wait_indirect_dma semaphore(%run_scoped3A : memref<!tpu.dma_semaphore, #tpu.memory_space<semaphore_mem>>) src(%arg11 : memref<128x80xf32, #tpu.memory_space<vmem>>) dst(%dma_wait3A_310 : memref<10048x80xf32, #tpu.memory_space<vmem_shared>>)
          tpu.yield
        }) : () -> ()
        %scan3A_298 = arith.constant 0 : i32
        scf.yield %scan3A_298 : i32
      }
      %scan3A_69 = arith.constant 162 : i32
      %dma_wait3A = arith.constant 0 : i32
      %dma_wait3A_70 = arith.constant 0 : i32
      %dma_wait3A_71 = tpu.memref_slice %arg7[%dma_wait3A, %dma_wait3A_70] : memref<162x128xi32, #tpu.memory_space<vmem>> -> memref<1x128xi32, #tpu.memory_space<vmem>>
      %dma_wait3A_72 = tpu.memref_squeeze %dma_wait3A_71 : memref<1x128xi32, #tpu.memory_space<vmem>> -> memref<128xi32, #tpu.memory_space<vmem>>
      %dma_wait3A_73 = arith.constant 0 : i32
      %dma_wait3A_74 = arith.constant 0 : i32
      %dma_wait3A_75 = arith.constant 0 : i32
      %dma_wait3A_76 = tpu.memref_slice %arg5[%scan3A_9, %dma_wait3A_73, %dma_wait3A_74, %dma_wait3A_75] : memref<3x2x10240x64xf32, #tpu.memory_space<hbm>> -> memref<1x2x10240x64xf32, #tpu.memory_space<hbm>>
      %dma_wait3A_77 = tpu.memref_squeeze %dma_wait3A_76 : memref<1x2x10240x64xf32, #tpu.memory_space<hbm>> -> memref<2x10240x64xf32, #tpu.memory_space<hbm>>
      %dma_wait3A_78 = arith.constant 0 : i32
      %dma_wait3A_79 = arith.constant 0 : i32
      %dma_wait3A_80 = tpu.memref_slice %dma_wait3A_77[%arg0, %dma_wait3A_78, %dma_wait3A_79] : memref<2x10240x64xf32, #tpu.memory_space<hbm>> -> memref<1x10240x64xf32, #tpu.memory_space<hbm>>
      %dma_wait3A_81 = tpu.memref_squeeze %dma_wait3A_80 : memref<1x10240x64xf32, #tpu.memory_space<hbm>> -> memref<10240x64xf32, #tpu.memory_space<hbm>>
      %dma_wait3A_82 = arith.constant 0 : i32
      %dma_wait3A_83 = arith.constant 0 : i32
      %dma_wait3A_84 = tpu.memref_slice %dma_wait3A_81[%dma_wait3A_82, %dma_wait3A_83] : memref<10240x64xf32, #tpu.memory_space<hbm>> -> memref<10240x64xf32, #tpu.memory_space<hbm>>
      tpu.wait_indirect_dma semaphore(%arg14 : memref<!tpu.dma_semaphore, #tpu.memory_space<semaphore_mem>>) src(%dma_wait3A_84 : memref<10240x64xf32, #tpu.memory_space<hbm>>) dst(%arg10 : memref<128x64xf32, #tpu.memory_space<vmem>>)
      %barrier3A_85 = arith.constant 0 : index
      tpu.barrier barrier_id(%barrier3A_85)
      %mul3A_86 = arith.constant 628 : i32
      %mul3A_87 = arith.muli %arg1, %mul3A_86 : i32
      %add3A_88 = arith.constant 0 : i32
      %add3A_89 = arith.addi %mul3A_87, %add3A_88 : i32
      "tpu.region"() ({
        %run_scoped3A = tpu.sem_alloc : memref<!tpu.dma_semaphore, #tpu.memory_space<semaphore_mem>>
        %dma_start3A_108 = arith.constant 0 : i32
        %dma_start3A_109 = arith.constant 0 : i32
        %dma_start3A_110 = tpu.memref_slice %arg11[%dma_start3A_108, %dma_start3A_109] : memref<128x80xf32, #tpu.memory_space<vmem>> -> memref<128x80xf32, #tpu.memory_space<vmem>>
        %dma_start3A_111 = arith.constant 0 : i32
        %dma_start3A_112 = tpu.memref_slice %arg13[%add3A_89, %dma_start3A_111] : memref<10048x80xf32, #tpu.memory_space<vmem_shared>> -> memref<128x80xf32, #tpu.memory_space<vmem_shared>>
        %dma_start3A_113 = arith.constant 0 : i32
        %dma_start3A_114 = arith.constant 0 : i32
        %dma_start3A_115 = tpu.memref_slice %arg11[%dma_start3A_113, %dma_start3A_114] : memref<128x80xf32, #tpu.memory_space<vmem>> -> memref<128x80xf32, #tpu.memory_space<vmem>>
        %dma_start3A_116 = arith.constant 0 : i32
        %dma_start3A_117 = tpu.memref_slice %arg13[%add3A_89, %dma_start3A_116] : memref<10048x80xf32, #tpu.memory_space<vmem_shared>> -> memref<128x80xf32, #tpu.memory_space<vmem_shared>>
        tpu.enqueue_dma source(%dma_start3A_117 : memref<128x80xf32, #tpu.memory_space<vmem_shared>>) target(%dma_start3A_115 : memref<128x80xf32, #tpu.memory_space<vmem>>) target_semaphore(%run_scoped3A : memref<!tpu.dma_semaphore, #tpu.memory_space<semaphore_mem>>)
        %dma_wait3A_118 = arith.constant 0 : i32
        %dma_wait3A_119 = arith.constant 0 : i32
        %dma_wait3A_120 = tpu.memref_slice %arg11[%dma_wait3A_118, %dma_wait3A_119] : memref<128x80xf32, #tpu.memory_space<vmem>> -> memref<128x80xf32, #tpu.memory_space<vmem>>
        %dma_wait3A_121 = arith.constant 0 : i32
        %dma_wait3A_122 = tpu.memref_slice %arg13[%add3A_89, %dma_wait3A_121] : memref<10048x80xf32, #tpu.memory_space<vmem_shared>> -> memref<128x80xf32, #tpu.memory_space<vmem_shared>>
        %dma_wait3A_123 = arith.constant 0 : i32
        %dma_wait3A_124 = arith.constant 0 : i32
        %dma_wait3A_125 = tpu.memref_slice %arg11[%dma_wait3A_123, %dma_wait3A_124] : memref<128x80xf32, #tpu.memory_space<vmem>> -> memref<128x80xf32, #tpu.memory_space<vmem>>
        %dma_wait3A_126 = arith.constant 0 : i32
        %dma_wait3A_127 = tpu.memref_slice %arg13[%add3A_89, %dma_wait3A_126] : memref<10048x80xf32, #tpu.memory_space<vmem_shared>> -> memref<128x80xf32, #tpu.memory_space<vmem_shared>>
        tpu.wait_dma2 semaphore(%run_scoped3A : memref<!tpu.dma_semaphore, #tpu.memory_space<semaphore_mem>>) src(%dma_wait3A_127 : memref<128x80xf32, #tpu.memory_space<vmem_shared>>) dst(%dma_wait3A_125 : memref<128x80xf32, #tpu.memory_space<vmem>>)
        tpu.yield
      }) : () -> ()
      "tpu.region"() ({
        %run_scoped3A = tpu.sem_alloc : memref<!tpu.dma_semaphore, #tpu.memory_space<semaphore_mem>>
        %dma_start3A_108 = arith.constant 0 : i32
        %dma_start3A_109 = arith.constant 0 : i32
        %dma_start3A_110 = tpu.memref_slice %arg11[%dma_start3A_108, %dma_start3A_109] : memref<128x80xf32, #tpu.memory_space<vmem>> -> memref<128x80xf32, #tpu.memory_space<vmem>>
        %dma_start3A_111 = arith.constant 0 : i32
        %dma_start3A_112 = arith.constant 0 : i32
        %dma_start3A_113 = arith.constant 0 : i32
        %dma_start3A_114 = tpu.memref_slice %arg6[%arg0, %dma_start3A_111, %dma_start3A_112, %dma_start3A_113] : memref<2x3x10240x80xf32, #tpu.memory_space<hbm>> -> memref<1x3x10240x80xf32, #tpu.memory_space<hbm>>
        %dma_start3A_115 = tpu.memref_squeeze %dma_start3A_114 : memref<1x3x10240x80xf32, #tpu.memory_space<hbm>> -> memref<3x10240x80xf32, #tpu.memory_space<hbm>>
        %dma_start3A_116 = arith.constant 0 : i32
        %dma_start3A_117 = arith.constant 0 : i32
        %dma_start3A_118 = tpu.memref_slice %dma_start3A_115[%scan3A_9, %dma_start3A_116, %dma_start3A_117] : memref<3x10240x80xf32, #tpu.memory_space<hbm>> -> memref<1x10240x80xf32, #tpu.memory_space<hbm>>
        %dma_start3A_119 = tpu.memref_squeeze %dma_start3A_118 : memref<1x10240x80xf32, #tpu.memory_space<hbm>> -> memref<10240x80xf32, #tpu.memory_space<hbm>>
        %dma_start3A_120 = arith.constant 0 : i32
        %dma_start3A_121 = tpu.memref_slice %dma_start3A_119[%add3A_89, %dma_start3A_120] : memref<10240x80xf32, #tpu.memory_space<hbm>> -> memref<128x80xf32, #tpu.memory_space<hbm>>
        %dma_start3A_122 = arith.constant 0 : i32
        %dma_start3A_123 = arith.constant 0 : i32
        %dma_start3A_124 = arith.constant 0 : i32
        %dma_start3A_125 = tpu.memref_slice %arg6[%arg0, %dma_start3A_122, %dma_start3A_123, %dma_start3A_124] : memref<2x3x10240x80xf32, #tpu.memory_space<hbm>> -> memref<1x3x10240x80xf32, #tpu.memory_space<hbm>>
        %dma_start3A_126 = tpu.memref_squeeze %dma_start3A_125 : memref<1x3x10240x80xf32, #tpu.memory_space<hbm>> -> memref<3x10240x80xf32, #tpu.memory_space<hbm>>
        %dma_start3A_127 = arith.constant 0 : i32
        %dma_start3A_128 = arith.constant 0 : i32
        %dma_start3A_129 = tpu.memref_slice %dma_start3A_126[%scan3A_9, %dma_start3A_127, %dma_start3A_128] : memref<3x10240x80xf32, #tpu.memory_space<hbm>> -> memref<1x10240x80xf32, #tpu.memory_space<hbm>>
        %dma_start3A_130 = tpu.memref_squeeze %dma_start3A_129 : memref<1x10240x80xf32, #tpu.memory_space<hbm>> -> memref<10240x80xf32, #tpu.memory_space<hbm>>
        %dma_start3A_131 = arith.constant 0 : i32
        %dma_start3A_132 = tpu.memref_slice %dma_start3A_130[%add3A_89, %dma_start3A_131] : memref<10240x80xf32, #tpu.memory_space<hbm>> -> memref<128x80xf32, #tpu.memory_space<hbm>>
        %dma_start3A_133 = arith.constant 0 : i32
        %dma_start3A_134 = arith.constant 0 : i32
        %dma_start3A_135 = tpu.memref_slice %arg11[%dma_start3A_133, %dma_start3A_134] : memref<128x80xf32, #tpu.memory_space<vmem>> -> memref<128x80xf32, #tpu.memory_space<vmem>>
        tpu.enqueue_dma source(%dma_start3A_135 : memref<128x80xf32, #tpu.memory_space<vmem>>) target(%dma_start3A_132 : memref<128x80xf32, #tpu.memory_space<hbm>>) target_semaphore(%run_scoped3A : memref<!tpu.dma_semaphore, #tpu.memory_space<semaphore_mem>>)
        %dma_wait3A_136 = arith.constant 0 : i32
        %dma_wait3A_137 = arith.constant 0 : i32
        %dma_wait3A_138 = tpu.memref_slice %arg11[%dma_wait3A_136, %dma_wait3A_137] : memref<128x80xf32, #tpu.memory_space<vmem>> -> memref<128x80xf32, #tpu.memory_space<vmem>>
        %dma_wait3A_139 = arith.constant 0 : i32
        %dma_wait3A_140 = arith.constant 0 : i32
        %dma_wait3A_141 = arith.constant 0 : i32
        %dma_wait3A_142 = tpu.memref_slice %arg6[%arg0, %dma_wait3A_139, %dma_wait3A_140, %dma_wait3A_141] : memref<2x3x10240x80xf32, #tpu.memory_space<hbm>> -> memref<1x3x10240x80xf32, #tpu.memory_space<hbm>>
        %dma_wait3A_143 = tpu.memref_squeeze %dma_wait3A_142 : memref<1x3x10240x80xf32, #tpu.memory_space<hbm>> -> memref<3x10240x80xf32, #tpu.memory_space<hbm>>
        %dma_wait3A_144 = arith.constant 0 : i32
        %dma_wait3A_145 = arith.constant 0 : i32
        %dma_wait3A_146 = tpu.memref_slice %dma_wait3A_143[%scan3A_9, %dma_wait3A_144, %dma_wait3A_145] : memref<3x10240x80xf32, #tpu.memory_space<hbm>> -> memref<1x10240x80xf32, #tpu.memory_space<hbm>>
        %dma_wait3A_147 = tpu.memref_squeeze %dma_wait3A_146 : memref<1x10240x80xf32, #tpu.memory_space<hbm>> -> memref<10240x80xf32, #tpu.memory_space<hbm>>
        %dma_wait3A_148 = arith.constant 0 : i32
        %dma_wait3A_149 = tpu.memref_slice %dma_wait3A_147[%add3A_89, %dma_wait3A_148] : memref<10240x80xf32, #tpu.memory_space<hbm>> -> memref<128x80xf32, #tpu.memory_space<hbm>>
        %dma_wait3A_150 = arith.constant 0 : i32
        %dma_wait3A_151 = arith.constant 0 : i32
        %dma_wait3A_152 = arith.constant 0 : i32
        %dma_wait3A_153 = tpu.memref_slice %arg6[%arg0, %dma_wait3A_150, %dma_wait3A_151, %dma_wait3A_152] : memref<2x3x10240x80xf32, #tpu.memory_space<hbm>> -> memref<1x3x10240x80xf32, #tpu.memory_space<hbm>>
        %dma_wait3A_154 = tpu.memref_squeeze %dma_wait3A_153 : memref<1x3x10240x80xf32, #tpu.memory_space<hbm>> -> memref<3x10240x80xf32, #tpu.memory_space<hbm>>
        %dma_wait3A_155 = arith.constant 0 : i32
        %dma_wait3A_156 = arith.constant 0 : i32
        %dma_wait3A_157 = tpu.memref_slice %dma_wait3A_154[%scan3A_9, %dma_wait3A_155, %dma_wait3A_156] : memref<3x10240x80xf32, #tpu.memory_space<hbm>> -> memref<1x10240x80xf32, #tpu.memory_space<hbm>>
        %dma_wait3A_158 = tpu.memref_squeeze %dma_wait3A_157 : memref<1x10240x80xf32, #tpu.memory_space<hbm>> -> memref<10240x80xf32, #tpu.memory_space<hbm>>
        %dma_wait3A_159 = arith.constant 0 : i32
        %dma_wait3A_160 = tpu.memref_slice %dma_wait3A_158[%add3A_89, %dma_wait3A_159] : memref<10240x80xf32, #tpu.memory_space<hbm>> -> memref<128x80xf32, #tpu.memory_space<hbm>>
        %dma_wait3A_161 = arith.constant 0 : i32
        %dma_wait3A_162 = arith.constant 0 : i32
        %dma_wait3A_163 = tpu.memref_slice %arg11[%dma_wait3A_161, %dma_wait3A_162] : memref<128x80xf32, #tpu.memory_space<vmem>> -> memref<128x80xf32, #tpu.memory_space<vmem>>
        tpu.wait_dma2 semaphore(%run_scoped3A : memref<!tpu.dma_semaphore, #tpu.memory_space<semaphore_mem>>) src(%dma_wait3A_163 : memref<128x80xf32, #tpu.memory_space<vmem>>) dst(%dma_wait3A_160 : memref<128x80xf32, #tpu.memory_space<hbm>>)
        tpu.yield
      }) : () -> ()
      %mul3A_90 = arith.constant 628 : i32
      %mul3A_91 = arith.muli %arg1, %mul3A_90 : i32
      %add3A_92 = arith.constant 128 : i32
      %add3A_93 = arith.addi %mul3A_91, %add3A_92 : i32
      "tpu.region"() ({
        %run_scoped3A = tpu.sem_alloc : memref<!tpu.dma_semaphore, #tpu.memory_space<semaphore_mem>>
        %dma_start3A_108 = arith.constant 0 : i32
        %dma_start3A_109 = arith.constant 0 : i32
        %dma_start3A_110 = tpu.memref_slice %arg11[%dma_start3A_108, %dma_start3A_109] : memref<128x80xf32, #tpu.memory_space<vmem>> -> memref<128x80xf32, #tpu.memory_space<vmem>>
        %dma_start3A_111 = arith.constant 0 : i32
        %dma_start3A_112 = tpu.memref_slice %arg13[%add3A_93, %dma_start3A_111] : memref<10048x80xf32, #tpu.memory_space<vmem_shared>> -> memref<128x80xf32, #tpu.memory_space<vmem_shared>>
        %dma_start3A_113 = arith.constant 0 : i32
        %dma_start3A_114 = arith.constant 0 : i32
        %dma_start3A_115 = tpu.memref_slice %arg11[%dma_start3A_113, %dma_start3A_114] : memref<128x80xf32, #tpu.memory_space<vmem>> -> memref<128x80xf32, #tpu.memory_space<vmem>>
        %dma_start3A_116 = arith.constant 0 : i32
        %dma_start3A_117 = tpu.memref_slice %arg13[%add3A_93, %dma_start3A_116] : memref<10048x80xf32, #tpu.memory_space<vmem_shared>> -> memref<128x80xf32, #tpu.memory_space<vmem_shared>>
        tpu.enqueue_dma source(%dma_start3A_117 : memref<128x80xf32, #tpu.memory_space<vmem_shared>>) target(%dma_start3A_115 : memref<128x80xf32, #tpu.memory_space<vmem>>) target_semaphore(%run_scoped3A : memref<!tpu.dma_semaphore, #tpu.memory_space<semaphore_mem>>)
        %dma_wait3A_118 = arith.constant 0 : i32
        %dma_wait3A_119 = arith.constant 0 : i32
        %dma_wait3A_120 = tpu.memref_slice %arg11[%dma_wait3A_118, %dma_wait3A_119] : memref<128x80xf32, #tpu.memory_space<vmem>> -> memref<128x80xf32, #tpu.memory_space<vmem>>
        %dma_wait3A_121 = arith.constant 0 : i32
        %dma_wait3A_122 = tpu.memref_slice %arg13[%add3A_93, %dma_wait3A_121] : memref<10048x80xf32, #tpu.memory_space<vmem_shared>> -> memref<128x80xf32, #tpu.memory_space<vmem_shared>>
        %dma_wait3A_123 = arith.constant 0 : i32
        %dma_wait3A_124 = arith.constant 0 : i32
        %dma_wait3A_125 = tpu.memref_slice %arg11[%dma_wait3A_123, %dma_wait3A_124] : memref<128x80xf32, #tpu.memory_space<vmem>> -> memref<128x80xf32, #tpu.memory_space<vmem>>
        %dma_wait3A_126 = arith.constant 0 : i32
        %dma_wait3A_127 = tpu.memref_slice %arg13[%add3A_93, %dma_wait3A_126] : memref<10048x80xf32, #tpu.memory_space<vmem_shared>> -> memref<128x80xf32, #tpu.memory_space<vmem_shared>>
        tpu.wait_dma2 semaphore(%run_scoped3A : memref<!tpu.dma_semaphore, #tpu.memory_space<semaphore_mem>>) src(%dma_wait3A_127 : memref<128x80xf32, #tpu.memory_space<vmem_shared>>) dst(%dma_wait3A_125 : memref<128x80xf32, #tpu.memory_space<vmem>>)
        tpu.yield
      }) : () -> ()
      "tpu.region"() ({
        %run_scoped3A = tpu.sem_alloc : memref<!tpu.dma_semaphore, #tpu.memory_space<semaphore_mem>>
        %dma_start3A_108 = arith.constant 0 : i32
        %dma_start3A_109 = arith.constant 0 : i32
        %dma_start3A_110 = tpu.memref_slice %arg11[%dma_start3A_108, %dma_start3A_109] : memref<128x80xf32, #tpu.memory_space<vmem>> -> memref<128x80xf32, #tpu.memory_space<vmem>>
        %dma_start3A_111 = arith.constant 0 : i32
        %dma_start3A_112 = arith.constant 0 : i32
        %dma_start3A_113 = arith.constant 0 : i32
        %dma_start3A_114 = tpu.memref_slice %arg6[%arg0, %dma_start3A_111, %dma_start3A_112, %dma_start3A_113] : memref<2x3x10240x80xf32, #tpu.memory_space<hbm>> -> memref<1x3x10240x80xf32, #tpu.memory_space<hbm>>
        %dma_start3A_115 = tpu.memref_squeeze %dma_start3A_114 : memref<1x3x10240x80xf32, #tpu.memory_space<hbm>> -> memref<3x10240x80xf32, #tpu.memory_space<hbm>>
        %dma_start3A_116 = arith.constant 0 : i32
        %dma_start3A_117 = arith.constant 0 : i32
        %dma_start3A_118 = tpu.memref_slice %dma_start3A_115[%scan3A_9, %dma_start3A_116, %dma_start3A_117] : memref<3x10240x80xf32, #tpu.memory_space<hbm>> -> memref<1x10240x80xf32, #tpu.memory_space<hbm>>
        %dma_start3A_119 = tpu.memref_squeeze %dma_start3A_118 : memref<1x10240x80xf32, #tpu.memory_space<hbm>> -> memref<10240x80xf32, #tpu.memory_space<hbm>>
        %dma_start3A_120 = arith.constant 0 : i32
        %dma_start3A_121 = tpu.memref_slice %dma_start3A_119[%add3A_93, %dma_start3A_120] : memref<10240x80xf32, #tpu.memory_space<hbm>> -> memref<128x80xf32, #tpu.memory_space<hbm>>
        %dma_start3A_122 = arith.constant 0 : i32
        %dma_start3A_123 = arith.constant 0 : i32
        %dma_start3A_124 = arith.constant 0 : i32
        %dma_start3A_125 = tpu.memref_slice %arg6[%arg0, %dma_start3A_122, %dma_start3A_123, %dma_start3A_124] : memref<2x3x10240x80xf32, #tpu.memory_space<hbm>> -> memref<1x3x10240x80xf32, #tpu.memory_space<hbm>>
        %dma_start3A_126 = tpu.memref_squeeze %dma_start3A_125 : memref<1x3x10240x80xf32, #tpu.memory_space<hbm>> -> memref<3x10240x80xf32, #tpu.memory_space<hbm>>
        %dma_start3A_127 = arith.constant 0 : i32
        %dma_start3A_128 = arith.constant 0 : i32
        %dma_start3A_129 = tpu.memref_slice %dma_start3A_126[%scan3A_9, %dma_start3A_127, %dma_start3A_128] : memref<3x10240x80xf32, #tpu.memory_space<hbm>> -> memref<1x10240x80xf32, #tpu.memory_space<hbm>>
        %dma_start3A_130 = tpu.memref_squeeze %dma_start3A_129 : memref<1x10240x80xf32, #tpu.memory_space<hbm>> -> memref<10240x80xf32, #tpu.memory_space<hbm>>
        %dma_start3A_131 = arith.constant 0 : i32
        %dma_start3A_132 = tpu.memref_slice %dma_start3A_130[%add3A_93, %dma_start3A_131] : memref<10240x80xf32, #tpu.memory_space<hbm>> -> memref<128x80xf32, #tpu.memory_space<hbm>>
        %dma_start3A_133 = arith.constant 0 : i32
        %dma_start3A_134 = arith.constant 0 : i32
        %dma_start3A_135 = tpu.memref_slice %arg11[%dma_start3A_133, %dma_start3A_134] : memref<128x80xf32, #tpu.memory_space<vmem>> -> memref<128x80xf32, #tpu.memory_space<vmem>>
        tpu.enqueue_dma source(%dma_start3A_135 : memref<128x80xf32, #tpu.memory_space<vmem>>) target(%dma_start3A_132 : memref<128x80xf32, #tpu.memory_space<hbm>>) target_semaphore(%run_scoped3A : memref<!tpu.dma_semaphore, #tpu.memory_space<semaphore_mem>>)
        %dma_wait3A_136 = arith.constant 0 : i32
        %dma_wait3A_137 = arith.constant 0 : i32
        %dma_wait3A_138 = tpu.memref_slice %arg11[%dma_wait3A_136, %dma_wait3A_137] : memref<128x80xf32, #tpu.memory_space<vmem>> -> memref<128x80xf32, #tpu.memory_space<vmem>>
        %dma_wait3A_139 = arith.constant 0 : i32
        %dma_wait3A_140 = arith.constant 0 : i32
        %dma_wait3A_141 = arith.constant 0 : i32
        %dma_wait3A_142 = tpu.memref_slice %arg6[%arg0, %dma_wait3A_139, %dma_wait3A_140, %dma_wait3A_141] : memref<2x3x10240x80xf32, #tpu.memory_space<hbm>> -> memref<1x3x10240x80xf32, #tpu.memory_space<hbm>>
        %dma_wait3A_143 = tpu.memref_squeeze %dma_wait3A_142 : memref<1x3x10240x80xf32, #tpu.memory_space<hbm>> -> memref<3x10240x80xf32, #tpu.memory_space<hbm>>
        %dma_wait3A_144 = arith.constant 0 : i32
        %dma_wait3A_145 = arith.constant 0 : i32
        %dma_wait3A_146 = tpu.memref_slice %dma_wait3A_143[%scan3A_9, %dma_wait3A_144, %dma_wait3A_145] : memref<3x10240x80xf32, #tpu.memory_space<hbm>> -> memref<1x10240x80xf32, #tpu.memory_space<hbm>>
        %dma_wait3A_147 = tpu.memref_squeeze %dma_wait3A_146 : memref<1x10240x80xf32, #tpu.memory_space<hbm>> -> memref<10240x80xf32, #tpu.memory_space<hbm>>
        %dma_wait3A_148 = arith.constant 0 : i32
        %dma_wait3A_149 = tpu.memref_slice %dma_wait3A_147[%add3A_93, %dma_wait3A_148] : memref<10240x80xf32, #tpu.memory_space<hbm>> -> memref<128x80xf32, #tpu.memory_space<hbm>>
        %dma_wait3A_150 = arith.constant 0 : i32
        %dma_wait3A_151 = arith.constant 0 : i32
        %dma_wait3A_152 = arith.constant 0 : i32
        %dma_wait3A_153 = tpu.memref_slice %arg6[%arg0, %dma_wait3A_150, %dma_wait3A_151, %dma_wait3A_152] : memref<2x3x10240x80xf32, #tpu.memory_space<hbm>> -> memref<1x3x10240x80xf32, #tpu.memory_space<hbm>>
        %dma_wait3A_154 = tpu.memref_squeeze %dma_wait3A_153 : memref<1x3x10240x80xf32, #tpu.memory_space<hbm>> -> memref<3x10240x80xf32, #tpu.memory_space<hbm>>
        %dma_wait3A_155 = arith.constant 0 : i32
        %dma_wait3A_156 = arith.constant 0 : i32
        %dma_wait3A_157 = tpu.memref_slice %dma_wait3A_154[%scan3A_9, %dma_wait3A_155, %dma_wait3A_156] : memref<3x10240x80xf32, #tpu.memory_space<hbm>> -> memref<1x10240x80xf32, #tpu.memory_space<hbm>>
        %dma_wait3A_158 = tpu.memref_squeeze %dma_wait3A_157 : memref<1x10240x80xf32, #tpu.memory_space<hbm>> -> memref<10240x80xf32, #tpu.memory_space<hbm>>
        %dma_wait3A_159 = arith.constant 0 : i32
        %dma_wait3A_160 = tpu.memref_slice %dma_wait3A_158[%add3A_93, %dma_wait3A_159] : memref<10240x80xf32, #tpu.memory_space<hbm>> -> memref<128x80xf32, #tpu.memory_space<hbm>>
        %dma_wait3A_161 = arith.constant 0 : i32
        %dma_wait3A_162 = arith.constant 0 : i32
        %dma_wait3A_163 = tpu.memref_slice %arg11[%dma_wait3A_161, %dma_wait3A_162] : memref<128x80xf32, #tpu.memory_space<vmem>> -> memref<128x80xf32, #tpu.memory_space<vmem>>
        tpu.wait_dma2 semaphore(%run_scoped3A : memref<!tpu.dma_semaphore, #tpu.memory_space<semaphore_mem>>) src(%dma_wait3A_163 : memref<128x80xf32, #tpu.memory_space<vmem>>) dst(%dma_wait3A_160 : memref<128x80xf32, #tpu.memory_space<hbm>>)
        tpu.yield
      }) : () -> ()
      %mul3A_94 = arith.constant 628 : i32
      %mul3A_95 = arith.muli %arg1, %mul3A_94 : i32
      %add3A_96 = arith.constant 256 : i32
      %add3A_97 = arith.addi %mul3A_95, %add3A_96 : i32
      "tpu.region"() ({
        %run_scoped3A = tpu.sem_alloc : memref<!tpu.dma_semaphore, #tpu.memory_space<semaphore_mem>>
        %dma_start3A_108 = arith.constant 0 : i32
        %dma_start3A_109 = arith.constant 0 : i32
        %dma_start3A_110 = tpu.memref_slice %arg11[%dma_start3A_108, %dma_start3A_109] : memref<128x80xf32, #tpu.memory_space<vmem>> -> memref<128x80xf32, #tpu.memory_space<vmem>>
        %dma_start3A_111 = arith.constant 0 : i32
        %dma_start3A_112 = tpu.memref_slice %arg13[%add3A_97, %dma_start3A_111] : memref<10048x80xf32, #tpu.memory_space<vmem_shared>> -> memref<128x80xf32, #tpu.memory_space<vmem_shared>>
        %dma_start3A_113 = arith.constant 0 : i32
        %dma_start3A_114 = arith.constant 0 : i32
        %dma_start3A_115 = tpu.memref_slice %arg11[%dma_start3A_113, %dma_start3A_114] : memref<128x80xf32, #tpu.memory_space<vmem>> -> memref<128x80xf32, #tpu.memory_space<vmem>>
        %dma_start3A_116 = arith.constant 0 : i32
        %dma_start3A_117 = tpu.memref_slice %arg13[%add3A_97, %dma_start3A_116] : memref<10048x80xf32, #tpu.memory_space<vmem_shared>> -> memref<128x80xf32, #tpu.memory_space<vmem_shared>>
        tpu.enqueue_dma source(%dma_start3A_117 : memref<128x80xf32, #tpu.memory_space<vmem_shared>>) target(%dma_start3A_115 : memref<128x80xf32, #tpu.memory_space<vmem>>) target_semaphore(%run_scoped3A : memref<!tpu.dma_semaphore, #tpu.memory_space<semaphore_mem>>)
        %dma_wait3A_118 = arith.constant 0 : i32
        %dma_wait3A_119 = arith.constant 0 : i32
        %dma_wait3A_120 = tpu.memref_slice %arg11[%dma_wait3A_118, %dma_wait3A_119] : memref<128x80xf32, #tpu.memory_space<vmem>> -> memref<128x80xf32, #tpu.memory_space<vmem>>
        %dma_wait3A_121 = arith.constant 0 : i32
        %dma_wait3A_122 = tpu.memref_slice %arg13[%add3A_97, %dma_wait3A_121] : memref<10048x80xf32, #tpu.memory_space<vmem_shared>> -> memref<128x80xf32, #tpu.memory_space<vmem_shared>>
        %dma_wait3A_123 = arith.constant 0 : i32
        %dma_wait3A_124 = arith.constant 0 : i32
        %dma_wait3A_125 = tpu.memref_slice %arg11[%dma_wait3A_123, %dma_wait3A_124] : memref<128x80xf32, #tpu.memory_space<vmem>> -> memref<128x80xf32, #tpu.memory_space<vmem>>
        %dma_wait3A_126 = arith.constant 0 : i32
        %dma_wait3A_127 = tpu.memref_slice %arg13[%add3A_97, %dma_wait3A_126] : memref<10048x80xf32, #tpu.memory_space<vmem_shared>> -> memref<128x80xf32, #tpu.memory_space<vmem_shared>>
        tpu.wait_dma2 semaphore(%run_scoped3A : memref<!tpu.dma_semaphore, #tpu.memory_space<semaphore_mem>>) src(%dma_wait3A_127 : memref<128x80xf32, #tpu.memory_space<vmem_shared>>) dst(%dma_wait3A_125 : memref<128x80xf32, #tpu.memory_space<vmem>>)
        tpu.yield
      }) : () -> ()
      "tpu.region"() ({
        %run_scoped3A = tpu.sem_alloc : memref<!tpu.dma_semaphore, #tpu.memory_space<semaphore_mem>>
        %dma_start3A_108 = arith.constant 0 : i32
        %dma_start3A_109 = arith.constant 0 : i32
        %dma_start3A_110 = tpu.memref_slice %arg11[%dma_start3A_108, %dma_start3A_109] : memref<128x80xf32, #tpu.memory_space<vmem>> -> memref<128x80xf32, #tpu.memory_space<vmem>>
        %dma_start3A_111 = arith.constant 0 : i32
        %dma_start3A_112 = arith.constant 0 : i32
        %dma_start3A_113 = arith.constant 0 : i32
        %dma_start3A_114 = tpu.memref_slice %arg6[%arg0, %dma_start3A_111, %dma_start3A_112, %dma_start3A_113] : memref<2x3x10240x80xf32, #tpu.memory_space<hbm>> -> memref<1x3x10240x80xf32, #tpu.memory_space<hbm>>
        %dma_start3A_115 = tpu.memref_squeeze %dma_start3A_114 : memref<1x3x10240x80xf32, #tpu.memory_space<hbm>> -> memref<3x10240x80xf32, #tpu.memory_space<hbm>>
        %dma_start3A_116 = arith.constant 0 : i32
        %dma_start3A_117 = arith.constant 0 : i32
        %dma_start3A_118 = tpu.memref_slice %dma_start3A_115[%scan3A_9, %dma_start3A_116, %dma_start3A_117] : memref<3x10240x80xf32, #tpu.memory_space<hbm>> -> memref<1x10240x80xf32, #tpu.memory_space<hbm>>
        %dma_start3A_119 = tpu.memref_squeeze %dma_start3A_118 : memref<1x10240x80xf32, #tpu.memory_space<hbm>> -> memref<10240x80xf32, #tpu.memory_space<hbm>>
        %dma_start3A_120 = arith.constant 0 : i32
        %dma_start3A_121 = tpu.memref_slice %dma_start3A_119[%add3A_97, %dma_start3A_120] : memref<10240x80xf32, #tpu.memory_space<hbm>> -> memref<128x80xf32, #tpu.memory_space<hbm>>
        %dma_start3A_122 = arith.constant 0 : i32
        %dma_start3A_123 = arith.constant 0 : i32
        %dma_start3A_124 = arith.constant 0 : i32
        %dma_start3A_125 = tpu.memref_slice %arg6[%arg0, %dma_start3A_122, %dma_start3A_123, %dma_start3A_124] : memref<2x3x10240x80xf32, #tpu.memory_space<hbm>> -> memref<1x3x10240x80xf32, #tpu.memory_space<hbm>>
        %dma_start3A_126 = tpu.memref_squeeze %dma_start3A_125 : memref<1x3x10240x80xf32, #tpu.memory_space<hbm>> -> memref<3x10240x80xf32, #tpu.memory_space<hbm>>
        %dma_start3A_127 = arith.constant 0 : i32
        %dma_start3A_128 = arith.constant 0 : i32
        %dma_start3A_129 = tpu.memref_slice %dma_start3A_126[%scan3A_9, %dma_start3A_127, %dma_start3A_128] : memref<3x10240x80xf32, #tpu.memory_space<hbm>> -> memref<1x10240x80xf32, #tpu.memory_space<hbm>>
        %dma_start3A_130 = tpu.memref_squeeze %dma_start3A_129 : memref<1x10240x80xf32, #tpu.memory_space<hbm>> -> memref<10240x80xf32, #tpu.memory_space<hbm>>
        %dma_start3A_131 = arith.constant 0 : i32
        %dma_start3A_132 = tpu.memref_slice %dma_start3A_130[%add3A_97, %dma_start3A_131] : memref<10240x80xf32, #tpu.memory_space<hbm>> -> memref<128x80xf32, #tpu.memory_space<hbm>>
        %dma_start3A_133 = arith.constant 0 : i32
        %dma_start3A_134 = arith.constant 0 : i32
        %dma_start3A_135 = tpu.memref_slice %arg11[%dma_start3A_133, %dma_start3A_134] : memref<128x80xf32, #tpu.memory_space<vmem>> -> memref<128x80xf32, #tpu.memory_space<vmem>>
        tpu.enqueue_dma source(%dma_start3A_135 : memref<128x80xf32, #tpu.memory_space<vmem>>) target(%dma_start3A_132 : memref<128x80xf32, #tpu.memory_space<hbm>>) target_semaphore(%run_scoped3A : memref<!tpu.dma_semaphore, #tpu.memory_space<semaphore_mem>>)
        %dma_wait3A_136 = arith.constant 0 : i32
        %dma_wait3A_137 = arith.constant 0 : i32
        %dma_wait3A_138 = tpu.memref_slice %arg11[%dma_wait3A_136, %dma_wait3A_137] : memref<128x80xf32, #tpu.memory_space<vmem>> -> memref<128x80xf32, #tpu.memory_space<vmem>>
        %dma_wait3A_139 = arith.constant 0 : i32
        %dma_wait3A_140 = arith.constant 0 : i32
        %dma_wait3A_141 = arith.constant 0 : i32
        %dma_wait3A_142 = tpu.memref_slice %arg6[%arg0, %dma_wait3A_139, %dma_wait3A_140, %dma_wait3A_141] : memref<2x3x10240x80xf32, #tpu.memory_space<hbm>> -> memref<1x3x10240x80xf32, #tpu.memory_space<hbm>>
        %dma_wait3A_143 = tpu.memref_squeeze %dma_wait3A_142 : memref<1x3x10240x80xf32, #tpu.memory_space<hbm>> -> memref<3x10240x80xf32, #tpu.memory_space<hbm>>
        %dma_wait3A_144 = arith.constant 0 : i32
        %dma_wait3A_145 = arith.constant 0 : i32
        %dma_wait3A_146 = tpu.memref_slice %dma_wait3A_143[%scan3A_9, %dma_wait3A_144, %dma_wait3A_145] : memref<3x10240x80xf32, #tpu.memory_space<hbm>> -> memref<1x10240x80xf32, #tpu.memory_space<hbm>>
        %dma_wait3A_147 = tpu.memref_squeeze %dma_wait3A_146 : memref<1x10240x80xf32, #tpu.memory_space<hbm>> -> memref<10240x80xf32, #tpu.memory_space<hbm>>
        %dma_wait3A_148 = arith.constant 0 : i32
        %dma_wait3A_149 = tpu.memref_slice %dma_wait3A_147[%add3A_97, %dma_wait3A_148] : memref<10240x80xf32, #tpu.memory_space<hbm>> -> memref<128x80xf32, #tpu.memory_space<hbm>>
        %dma_wait3A_150 = arith.constant 0 : i32
        %dma_wait3A_151 = arith.constant 0 : i32
        %dma_wait3A_152 = arith.constant 0 : i32
        %dma_wait3A_153 = tpu.memref_slice %arg6[%arg0, %dma_wait3A_150, %dma_wait3A_151, %dma_wait3A_152] : memref<2x3x10240x80xf32, #tpu.memory_space<hbm>> -> memref<1x3x10240x80xf32, #tpu.memory_space<hbm>>
        %dma_wait3A_154 = tpu.memref_squeeze %dma_wait3A_153 : memref<1x3x10240x80xf32, #tpu.memory_space<hbm>> -> memref<3x10240x80xf32, #tpu.memory_space<hbm>>
        %dma_wait3A_155 = arith.constant 0 : i32
        %dma_wait3A_156 = arith.constant 0 : i32
        %dma_wait3A_157 = tpu.memref_slice %dma_wait3A_154[%scan3A_9, %dma_wait3A_155, %dma_wait3A_156] : memref<3x10240x80xf32, #tpu.memory_space<hbm>> -> memref<1x10240x80xf32, #tpu.memory_space<hbm>>
        %dma_wait3A_158 = tpu.memref_squeeze %dma_wait3A_157 : memref<1x10240x80xf32, #tpu.memory_space<hbm>> -> memref<10240x80xf32, #tpu.memory_space<hbm>>
        %dma_wait3A_159 = arith.constant 0 : i32
        %dma_wait3A_160 = tpu.memref_slice %dma_wait3A_158[%add3A_97, %dma_wait3A_159] : memref<10240x80xf32, #tpu.memory_space<hbm>> -> memref<128x80xf32, #tpu.memory_space<hbm>>
        %dma_wait3A_161 = arith.constant 0 : i32
        %dma_wait3A_162 = arith.constant 0 : i32
        %dma_wait3A_163 = tpu.memref_slice %arg11[%dma_wait3A_161, %dma_wait3A_162] : memref<128x80xf32, #tpu.memory_space<vmem>> -> memref<128x80xf32, #tpu.memory_space<vmem>>
        tpu.wait_dma2 semaphore(%run_scoped3A : memref<!tpu.dma_semaphore, #tpu.memory_space<semaphore_mem>>) src(%dma_wait3A_163 : memref<128x80xf32, #tpu.memory_space<vmem>>) dst(%dma_wait3A_160 : memref<128x80xf32, #tpu.memory_space<hbm>>)
        tpu.yield
      }) : () -> ()
      %mul3A_98 = arith.constant 628 : i32
      %mul3A_99 = arith.muli %arg1, %mul3A_98 : i32
      %add3A_100 = arith.constant 384 : i32
      %add3A_101 = arith.addi %mul3A_99, %add3A_100 : i32
      "tpu.region"() ({
        %run_scoped3A = tpu.sem_alloc : memref<!tpu.dma_semaphore, #tpu.memory_space<semaphore_mem>>
        %dma_start3A_108 = arith.constant 0 : i32
        %dma_start3A_109 = arith.constant 0 : i32
        %dma_start3A_110 = tpu.memref_slice %arg11[%dma_start3A_108, %dma_start3A_109] : memref<128x80xf32, #tpu.memory_space<vmem>> -> memref<128x80xf32, #tpu.memory_space<vmem>>
        %dma_start3A_111 = arith.constant 0 : i32
        %dma_start3A_112 = tpu.memref_slice %arg13[%add3A_101, %dma_start3A_111] : memref<10048x80xf32, #tpu.memory_space<vmem_shared>> -> memref<128x80xf32, #tpu.memory_space<vmem_shared>>
        %dma_start3A_113 = arith.constant 0 : i32
        %dma_start3A_114 = arith.constant 0 : i32
        %dma_start3A_115 = tpu.memref_slice %arg11[%dma_start3A_113, %dma_start3A_114] : memref<128x80xf32, #tpu.memory_space<vmem>> -> memref<128x80xf32, #tpu.memory_space<vmem>>
        %dma_start3A_116 = arith.constant 0 : i32
        %dma_start3A_117 = tpu.memref_slice %arg13[%add3A_101, %dma_start3A_116] : memref<10048x80xf32, #tpu.memory_space<vmem_shared>> -> memref<128x80xf32, #tpu.memory_space<vmem_shared>>
        tpu.enqueue_dma source(%dma_start3A_117 : memref<128x80xf32, #tpu.memory_space<vmem_shared>>) target(%dma_start3A_115 : memref<128x80xf32, #tpu.memory_space<vmem>>) target_semaphore(%run_scoped3A : memref<!tpu.dma_semaphore, #tpu.memory_space<semaphore_mem>>)
        %dma_wait3A_118 = arith.constant 0 : i32
        %dma_wait3A_119 = arith.constant 0 : i32
        %dma_wait3A_120 = tpu.memref_slice %arg11[%dma_wait3A_118, %dma_wait3A_119] : memref<128x80xf32, #tpu.memory_space<vmem>> -> memref<128x80xf32, #tpu.memory_space<vmem>>
        %dma_wait3A_121 = arith.constant 0 : i32
        %dma_wait3A_122 = tpu.memref_slice %arg13[%add3A_101, %dma_wait3A_121] : memref<10048x80xf32, #tpu.memory_space<vmem_shared>> -> memref<128x80xf32, #tpu.memory_space<vmem_shared>>
        %dma_wait3A_123 = arith.constant 0 : i32
        %dma_wait3A_124 = arith.constant 0 : i32
        %dma_wait3A_125 = tpu.memref_slice %arg11[%dma_wait3A_123, %dma_wait3A_124] : memref<128x80xf32, #tpu.memory_space<vmem>> -> memref<128x80xf32, #tpu.memory_space<vmem>>
        %dma_wait3A_126 = arith.constant 0 : i32
        %dma_wait3A_127 = tpu.memref_slice %arg13[%add3A_101, %dma_wait3A_126] : memref<10048x80xf32, #tpu.memory_space<vmem_shared>> -> memref<128x80xf32, #tpu.memory_space<vmem_shared>>
        tpu.wait_dma2 semaphore(%run_scoped3A : memref<!tpu.dma_semaphore, #tpu.memory_space<semaphore_mem>>) src(%dma_wait3A_127 : memref<128x80xf32, #tpu.memory_space<vmem_shared>>) dst(%dma_wait3A_125 : memref<128x80xf32, #tpu.memory_space<vmem>>)
        tpu.yield
      }) : () -> ()
      "tpu.region"() ({
        %run_scoped3A = tpu.sem_alloc : memref<!tpu.dma_semaphore, #tpu.memory_space<semaphore_mem>>
        %dma_start3A_108 = arith.constant 0 : i32
        %dma_start3A_109 = arith.constant 0 : i32
        %dma_start3A_110 = tpu.memref_slice %arg11[%dma_start3A_108, %dma_start3A_109] : memref<128x80xf32, #tpu.memory_space<vmem>> -> memref<128x80xf32, #tpu.memory_space<vmem>>
        %dma_start3A_111 = arith.constant 0 : i32
        %dma_start3A_112 = arith.constant 0 : i32
        %dma_start3A_113 = arith.constant 0 : i32
        %dma_start3A_114 = tpu.memref_slice %arg6[%arg0, %dma_start3A_111, %dma_start3A_112, %dma_start3A_113] : memref<2x3x10240x80xf32, #tpu.memory_space<hbm>> -> memref<1x3x10240x80xf32, #tpu.memory_space<hbm>>
        %dma_start3A_115 = tpu.memref_squeeze %dma_start3A_114 : memref<1x3x10240x80xf32, #tpu.memory_space<hbm>> -> memref<3x10240x80xf32, #tpu.memory_space<hbm>>
        %dma_start3A_116 = arith.constant 0 : i32
        %dma_start3A_117 = arith.constant 0 : i32
        %dma_start3A_118 = tpu.memref_slice %dma_start3A_115[%scan3A_9, %dma_start3A_116, %dma_start3A_117] : memref<3x10240x80xf32, #tpu.memory_space<hbm>> -> memref<1x10240x80xf32, #tpu.memory_space<hbm>>
        %dma_start3A_119 = tpu.memref_squeeze %dma_start3A_118 : memref<1x10240x80xf32, #tpu.memory_space<hbm>> -> memref<10240x80xf32, #tpu.memory_space<hbm>>
        %dma_start3A_120 = arith.constant 0 : i32
        %dma_start3A_121 = tpu.memref_slice %dma_start3A_119[%add3A_101, %dma_start3A_120] : memref<10240x80xf32, #tpu.memory_space<hbm>> -> memref<128x80xf32, #tpu.memory_space<hbm>>
        %dma_start3A_122 = arith.constant 0 : i32
        %dma_start3A_123 = arith.constant 0 : i32
        %dma_start3A_124 = arith.constant 0 : i32
        %dma_start3A_125 = tpu.memref_slice %arg6[%arg0, %dma_start3A_122, %dma_start3A_123, %dma_start3A_124] : memref<2x3x10240x80xf32, #tpu.memory_space<hbm>> -> memref<1x3x10240x80xf32, #tpu.memory_space<hbm>>
        %dma_start3A_126 = tpu.memref_squeeze %dma_start3A_125 : memref<1x3x10240x80xf32, #tpu.memory_space<hbm>> -> memref<3x10240x80xf32, #tpu.memory_space<hbm>>
        %dma_start3A_127 = arith.constant 0 : i32
        %dma_start3A_128 = arith.constant 0 : i32
        %dma_start3A_129 = tpu.memref_slice %dma_start3A_126[%scan3A_9, %dma_start3A_127, %dma_start3A_128] : memref<3x10240x80xf32, #tpu.memory_space<hbm>> -> memref<1x10240x80xf32, #tpu.memory_space<hbm>>
        %dma_start3A_130 = tpu.memref_squeeze %dma_start3A_129 : memref<1x10240x80xf32, #tpu.memory_space<hbm>> -> memref<10240x80xf32, #tpu.memory_space<hbm>>
        %dma_start3A_131 = arith.constant 0 : i32
        %dma_start3A_132 = tpu.memref_slice %dma_start3A_130[%add3A_101, %dma_start3A_131] : memref<10240x80xf32, #tpu.memory_space<hbm>> -> memref<128x80xf32, #tpu.memory_space<hbm>>
        %dma_start3A_133 = arith.constant 0 : i32
        %dma_start3A_134 = arith.constant 0 : i32
        %dma_start3A_135 = tpu.memref_slice %arg11[%dma_start3A_133, %dma_start3A_134] : memref<128x80xf32, #tpu.memory_space<vmem>> -> memref<128x80xf32, #tpu.memory_space<vmem>>
        tpu.enqueue_dma source(%dma_start3A_135 : memref<128x80xf32, #tpu.memory_space<vmem>>) target(%dma_start3A_132 : memref<128x80xf32, #tpu.memory_space<hbm>>) target_semaphore(%run_scoped3A : memref<!tpu.dma_semaphore, #tpu.memory_space<semaphore_mem>>)
        %dma_wait3A_136 = arith.constant 0 : i32
        %dma_wait3A_137 = arith.constant 0 : i32
        %dma_wait3A_138 = tpu.memref_slice %arg11[%dma_wait3A_136, %dma_wait3A_137] : memref<128x80xf32, #tpu.memory_space<vmem>> -> memref<128x80xf32, #tpu.memory_space<vmem>>
        %dma_wait3A_139 = arith.constant 0 : i32
        %dma_wait3A_140 = arith.constant 0 : i32
        %dma_wait3A_141 = arith.constant 0 : i32
        %dma_wait3A_142 = tpu.memref_slice %arg6[%arg0, %dma_wait3A_139, %dma_wait3A_140, %dma_wait3A_141] : memref<2x3x10240x80xf32, #tpu.memory_space<hbm>> -> memref<1x3x10240x80xf32, #tpu.memory_space<hbm>>
        %dma_wait3A_143 = tpu.memref_squeeze %dma_wait3A_142 : memref<1x3x10240x80xf32, #tpu.memory_space<hbm>> -> memref<3x10240x80xf32, #tpu.memory_space<hbm>>
        %dma_wait3A_144 = arith.constant 0 : i32
        %dma_wait3A_145 = arith.constant 0 : i32
        %dma_wait3A_146 = tpu.memref_slice %dma_wait3A_143[%scan3A_9, %dma_wait3A_144, %dma_wait3A_145] : memref<3x10240x80xf32, #tpu.memory_space<hbm>> -> memref<1x10240x80xf32, #tpu.memory_space<hbm>>
        %dma_wait3A_147 = tpu.memref_squeeze %dma_wait3A_146 : memref<1x10240x80xf32, #tpu.memory_space<hbm>> -> memref<10240x80xf32, #tpu.memory_space<hbm>>
        %dma_wait3A_148 = arith.constant 0 : i32
        %dma_wait3A_149 = tpu.memref_slice %dma_wait3A_147[%add3A_101, %dma_wait3A_148] : memref<10240x80xf32, #tpu.memory_space<hbm>> -> memref<128x80xf32, #tpu.memory_space<hbm>>
        %dma_wait3A_150 = arith.constant 0 : i32
        %dma_wait3A_151 = arith.constant 0 : i32
        %dma_wait3A_152 = arith.constant 0 : i32
        %dma_wait3A_153 = tpu.memref_slice %arg6[%arg0, %dma_wait3A_150, %dma_wait3A_151, %dma_wait3A_152] : memref<2x3x10240x80xf32, #tpu.memory_space<hbm>> -> memref<1x3x10240x80xf32, #tpu.memory_space<hbm>>
        %dma_wait3A_154 = tpu.memref_squeeze %dma_wait3A_153 : memref<1x3x10240x80xf32, #tpu.memory_space<hbm>> -> memref<3x10240x80xf32, #tpu.memory_space<hbm>>
        %dma_wait3A_155 = arith.constant 0 : i32
        %dma_wait3A_156 = arith.constant 0 : i32
        %dma_wait3A_157 = tpu.memref_slice %dma_wait3A_154[%scan3A_9, %dma_wait3A_155, %dma_wait3A_156] : memref<3x10240x80xf32, #tpu.memory_space<hbm>> -> memref<1x10240x80xf32, #tpu.memory_space<hbm>>
        %dma_wait3A_158 = tpu.memref_squeeze %dma_wait3A_157 : memref<1x10240x80xf32, #tpu.memory_space<hbm>> -> memref<10240x80xf32, #tpu.memory_space<hbm>>
        %dma_wait3A_159 = arith.constant 0 : i32
        %dma_wait3A_160 = tpu.memref_slice %dma_wait3A_158[%add3A_101, %dma_wait3A_159] : memref<10240x80xf32, #tpu.memory_space<hbm>> -> memref<128x80xf32, #tpu.memory_space<hbm>>
        %dma_wait3A_161 = arith.constant 0 : i32
        %dma_wait3A_162 = arith.constant 0 : i32
        %dma_wait3A_163 = tpu.memref_slice %arg11[%dma_wait3A_161, %dma_wait3A_162] : memref<128x80xf32, #tpu.memory_space<vmem>> -> memref<128x80xf32, #tpu.memory_space<vmem>>
        tpu.wait_dma2 semaphore(%run_scoped3A : memref<!tpu.dma_semaphore, #tpu.memory_space<semaphore_mem>>) src(%dma_wait3A_163 : memref<128x80xf32, #tpu.memory_space<vmem>>) dst(%dma_wait3A_160 : memref<128x80xf32, #tpu.memory_space<hbm>>)
        tpu.yield
      }) : () -> ()
      %mul3A_102 = arith.constant 628 : i32
      %mul3A_103 = arith.muli %arg1, %mul3A_102 : i32
      %add3A_104 = arith.constant 512 : i32
      %add3A_105 = arith.addi %mul3A_103, %add3A_104 : i32
      "tpu.region"() ({
        %run_scoped3A = tpu.sem_alloc : memref<!tpu.dma_semaphore, #tpu.memory_space<semaphore_mem>>
        %dma_start3A_108 = arith.constant 0 : i32
        %dma_start3A_109 = arith.constant 0 : i32
        %dma_start3A_110 = tpu.memref_slice %arg11[%dma_start3A_108, %dma_start3A_109] : memref<128x80xf32, #tpu.memory_space<vmem>> -> memref<116x80xf32, #tpu.memory_space<vmem>>
        %dma_start3A_111 = arith.constant 0 : i32
        %dma_start3A_112 = tpu.memref_slice %arg13[%add3A_105, %dma_start3A_111] : memref<10048x80xf32, #tpu.memory_space<vmem_shared>> -> memref<116x80xf32, #tpu.memory_space<vmem_shared>>
        %dma_start3A_113 = arith.constant 0 : i32
        %dma_start3A_114 = arith.constant 0 : i32
        %dma_start3A_115 = tpu.memref_slice %arg11[%dma_start3A_113, %dma_start3A_114] : memref<128x80xf32, #tpu.memory_space<vmem>> -> memref<116x80xf32, #tpu.memory_space<vmem>>
        %dma_start3A_116 = arith.constant 0 : i32
        %dma_start3A_117 = tpu.memref_slice %arg13[%add3A_105, %dma_start3A_116] : memref<10048x80xf32, #tpu.memory_space<vmem_shared>> -> memref<116x80xf32, #tpu.memory_space<vmem_shared>>
        tpu.enqueue_dma source(%dma_start3A_117 : memref<116x80xf32, #tpu.memory_space<vmem_shared>>) target(%dma_start3A_115 : memref<116x80xf32, #tpu.memory_space<vmem>>) target_semaphore(%run_scoped3A : memref<!tpu.dma_semaphore, #tpu.memory_space<semaphore_mem>>)
        %dma_wait3A_118 = arith.constant 0 : i32
        %dma_wait3A_119 = arith.constant 0 : i32
        %dma_wait3A_120 = tpu.memref_slice %arg11[%dma_wait3A_118, %dma_wait3A_119] : memref<128x80xf32, #tpu.memory_space<vmem>> -> memref<116x80xf32, #tpu.memory_space<vmem>>
        %dma_wait3A_121 = arith.constant 0 : i32
        %dma_wait3A_122 = tpu.memref_slice %arg13[%add3A_105, %dma_wait3A_121] : memref<10048x80xf32, #tpu.memory_space<vmem_shared>> -> memref<116x80xf32, #tpu.memory_space<vmem_shared>>
        %dma_wait3A_123 = arith.constant 0 : i32
        %dma_wait3A_124 = arith.constant 0 : i32
        %dma_wait3A_125 = tpu.memref_slice %arg11[%dma_wait3A_123, %dma_wait3A_124] : memref<128x80xf32, #tpu.memory_space<vmem>> -> memref<116x80xf32, #tpu.memory_space<vmem>>
        %dma_wait3A_126 = arith.constant 0 : i32
        %dma_wait3A_127 = tpu.memref_slice %arg13[%add3A_105, %dma_wait3A_126] : memref<10048x80xf32, #tpu.memory_space<vmem_shared>> -> memref<116x80xf32, #tpu.memory_space<vmem_shared>>
        tpu.wait_dma2 semaphore(%run_scoped3A : memref<!tpu.dma_semaphore, #tpu.memory_space<semaphore_mem>>) src(%dma_wait3A_127 : memref<116x80xf32, #tpu.memory_space<vmem_shared>>) dst(%dma_wait3A_125 : memref<116x80xf32, #tpu.memory_space<vmem>>)
        tpu.yield
      }) : () -> ()
      "tpu.region"() ({
        %run_scoped3A = tpu.sem_alloc : memref<!tpu.dma_semaphore, #tpu.memory_space<semaphore_mem>>
        %dma_start3A_108 = arith.constant 0 : i32
        %dma_start3A_109 = arith.constant 0 : i32
        %dma_start3A_110 = tpu.memref_slice %arg11[%dma_start3A_108, %dma_start3A_109] : memref<128x80xf32, #tpu.memory_space<vmem>> -> memref<116x80xf32, #tpu.memory_space<vmem>>
        %dma_start3A_111 = arith.constant 0 : i32
        %dma_start3A_112 = arith.constant 0 : i32
        %dma_start3A_113 = arith.constant 0 : i32
        %dma_start3A_114 = tpu.memref_slice %arg6[%arg0, %dma_start3A_111, %dma_start3A_112, %dma_start3A_113] : memref<2x3x10240x80xf32, #tpu.memory_space<hbm>> -> memref<1x3x10240x80xf32, #tpu.memory_space<hbm>>
        %dma_start3A_115 = tpu.memref_squeeze %dma_start3A_114 : memref<1x3x10240x80xf32, #tpu.memory_space<hbm>> -> memref<3x10240x80xf32, #tpu.memory_space<hbm>>
        %dma_start3A_116 = arith.constant 0 : i32
        %dma_start3A_117 = arith.constant 0 : i32
        %dma_start3A_118 = tpu.memref_slice %dma_start3A_115[%scan3A_9, %dma_start3A_116, %dma_start3A_117] : memref<3x10240x80xf32, #tpu.memory_space<hbm>> -> memref<1x10240x80xf32, #tpu.memory_space<hbm>>
        %dma_start3A_119 = tpu.memref_squeeze %dma_start3A_118 : memref<1x10240x80xf32, #tpu.memory_space<hbm>> -> memref<10240x80xf32, #tpu.memory_space<hbm>>
        %dma_start3A_120 = arith.constant 0 : i32
        %dma_start3A_121 = tpu.memref_slice %dma_start3A_119[%add3A_105, %dma_start3A_120] : memref<10240x80xf32, #tpu.memory_space<hbm>> -> memref<116x80xf32, #tpu.memory_space<hbm>>
        %dma_start3A_122 = arith.constant 0 : i32
        %dma_start3A_123 = arith.constant 0 : i32
        %dma_start3A_124 = arith.constant 0 : i32
        %dma_start3A_125 = tpu.memref_slice %arg6[%arg0, %dma_start3A_122, %dma_start3A_123, %dma_start3A_124] : memref<2x3x10240x80xf32, #tpu.memory_space<hbm>> -> memref<1x3x10240x80xf32, #tpu.memory_space<hbm>>
        %dma_start3A_126 = tpu.memref_squeeze %dma_start3A_125 : memref<1x3x10240x80xf32, #tpu.memory_space<hbm>> -> memref<3x10240x80xf32, #tpu.memory_space<hbm>>
        %dma_start3A_127 = arith.constant 0 : i32
        %dma_start3A_128 = arith.constant 0 : i32
        %dma_start3A_129 = tpu.memref_slice %dma_start3A_126[%scan3A_9, %dma_start3A_127, %dma_start3A_128] : memref<3x10240x80xf32, #tpu.memory_space<hbm>> -> memref<1x10240x80xf32, #tpu.memory_space<hbm>>
        %dma_start3A_130 = tpu.memref_squeeze %dma_start3A_129 : memref<1x10240x80xf32, #tpu.memory_space<hbm>> -> memref<10240x80xf32, #tpu.memory_space<hbm>>
        %dma_start3A_131 = arith.constant 0 : i32
        %dma_start3A_132 = tpu.memref_slice %dma_start3A_130[%add3A_105, %dma_start3A_131] : memref<10240x80xf32, #tpu.memory_space<hbm>> -> memref<116x80xf32, #tpu.memory_space<hbm>>
        %dma_start3A_133 = arith.constant 0 : i32
        %dma_start3A_134 = arith.constant 0 : i32
        %dma_start3A_135 = tpu.memref_slice %arg11[%dma_start3A_133, %dma_start3A_134] : memref<128x80xf32, #tpu.memory_space<vmem>> -> memref<116x80xf32, #tpu.memory_space<vmem>>
        tpu.enqueue_dma source(%dma_start3A_135 : memref<116x80xf32, #tpu.memory_space<vmem>>) target(%dma_start3A_132 : memref<116x80xf32, #tpu.memory_space<hbm>>) target_semaphore(%run_scoped3A : memref<!tpu.dma_semaphore, #tpu.memory_space<semaphore_mem>>)
        %dma_wait3A_136 = arith.constant 0 : i32
        %dma_wait3A_137 = arith.constant 0 : i32
        %dma_wait3A_138 = tpu.memref_slice %arg11[%dma_wait3A_136, %dma_wait3A_137] : memref<128x80xf32, #tpu.memory_space<vmem>> -> memref<116x80xf32, #tpu.memory_space<vmem>>
        %dma_wait3A_139 = arith.constant 0 : i32
        %dma_wait3A_140 = arith.constant 0 : i32
        %dma_wait3A_141 = arith.constant 0 : i32
        %dma_wait3A_142 = tpu.memref_slice %arg6[%arg0, %dma_wait3A_139, %dma_wait3A_140, %dma_wait3A_141] : memref<2x3x10240x80xf32, #tpu.memory_space<hbm>> -> memref<1x3x10240x80xf32, #tpu.memory_space<hbm>>
        %dma_wait3A_143 = tpu.memref_squeeze %dma_wait3A_142 : memref<1x3x10240x80xf32, #tpu.memory_space<hbm>> -> memref<3x10240x80xf32, #tpu.memory_space<hbm>>
        %dma_wait3A_144 = arith.constant 0 : i32
        %dma_wait3A_145 = arith.constant 0 : i32
        %dma_wait3A_146 = tpu.memref_slice %dma_wait3A_143[%scan3A_9, %dma_wait3A_144, %dma_wait3A_145] : memref<3x10240x80xf32, #tpu.memory_space<hbm>> -> memref<1x10240x80xf32, #tpu.memory_space<hbm>>
        %dma_wait3A_147 = tpu.memref_squeeze %dma_wait3A_146 : memref<1x10240x80xf32, #tpu.memory_space<hbm>> -> memref<10240x80xf32, #tpu.memory_space<hbm>>
        %dma_wait3A_148 = arith.constant 0 : i32
        %dma_wait3A_149 = tpu.memref_slice %dma_wait3A_147[%add3A_105, %dma_wait3A_148] : memref<10240x80xf32, #tpu.memory_space<hbm>> -> memref<116x80xf32, #tpu.memory_space<hbm>>
        %dma_wait3A_150 = arith.constant 0 : i32
        %dma_wait3A_151 = arith.constant 0 : i32
        %dma_wait3A_152 = arith.constant 0 : i32
        %dma_wait3A_153 = tpu.memref_slice %arg6[%arg0, %dma_wait3A_150, %dma_wait3A_151, %dma_wait3A_152] : memref<2x3x10240x80xf32, #tpu.memory_space<hbm>> -> memref<1x3x10240x80xf32, #tpu.memory_space<hbm>>
        %dma_wait3A_154 = tpu.memref_squeeze %dma_wait3A_153 : memref<1x3x10240x80xf32, #tpu.memory_space<hbm>> -> memref<3x10240x80xf32, #tpu.memory_space<hbm>>
        %dma_wait3A_155 = arith.constant 0 : i32
        %dma_wait3A_156 = arith.constant 0 : i32
        %dma_wait3A_157 = tpu.memref_slice %dma_wait3A_154[%scan3A_9, %dma_wait3A_155, %dma_wait3A_156] : memref<3x10240x80xf32, #tpu.memory_space<hbm>> -> memref<1x10240x80xf32, #tpu.memory_space<hbm>>
        %dma_wait3A_158 = tpu.memref_squeeze %dma_wait3A_157 : memref<1x10240x80xf32, #tpu.memory_space<hbm>> -> memref<10240x80xf32, #tpu.memory_space<hbm>>
        %dma_wait3A_159 = arith.constant 0 : i32
        %dma_wait3A_160 = tpu.memref_slice %dma_wait3A_158[%add3A_105, %dma_wait3A_159] : memref<10240x80xf32, #tpu.memory_space<hbm>> -> memref<116x80xf32, #tpu.memory_space<hbm>>
        %dma_wait3A_161 = arith.constant 0 : i32
        %dma_wait3A_162 = arith.constant 0 : i32
        %dma_wait3A_163 = tpu.memref_slice %arg11[%dma_wait3A_161, %dma_wait3A_162] : memref<128x80xf32, #tpu.memory_space<vmem>> -> memref<116x80xf32, #tpu.memory_space<vmem>>
        tpu.wait_dma2 semaphore(%run_scoped3A : memref<!tpu.dma_semaphore, #tpu.memory_space<semaphore_mem>>) src(%dma_wait3A_163 : memref<116x80xf32, #tpu.memory_space<vmem>>) dst(%dma_wait3A_160 : memref<116x80xf32, #tpu.memory_space<hbm>>)
        tpu.yield
      }) : () -> ()
      %barrier3A_106 = arith.constant 0 : index
      tpu.barrier barrier_id(%barrier3A_106)
      %scan3A_107 = arith.constant 0 : i32
      scf.yield %scan3A_107 : i32
    }
    %scan3A_8 = arith.constant 3 : i32
    return
  }
}

#map = affine_map<(d0, d1) -> (0, 0, 0)>
#map1 = affine_map<(d0, d1) -> (0)>
#map2 = affine_map<(d0, d1) -> (0, 0, 0, 0)>
module attributes {stable_mosaic.version = 14 : i64} {
  func.func @body(%arg0: i32, %arg1: i32, %arg2: memref<16x162x128xi32, #tpu.memory_space<hbm>>, %arg3: memref<16x162x128xi32, #tpu.memory_space<hbm>>, %arg4: memref<122880xf32, #tpu.memory_space<hbm>>, %arg5: memref<3x2x10240x32xf32, #tpu.memory_space<hbm>>, %arg6: memref<2x3x10240x48xf32, #tpu.memory_space<hbm>>, %arg7: memref<162x128xi32, #tpu.memory_space<vmem>>, %arg8: memref<162x128xi32, #tpu.memory_space<vmem>>, %arg9: memref<20480xf32, #tpu.memory_space<vmem>>, %arg10: memref<128x32xf32, #tpu.memory_space<vmem>>, %arg11: memref<128x48xf32, #tpu.memory_space<vmem>>, %arg12: memref<128xf32, #tpu.memory_space<vmem>>, %arg13: memref<10048x48xf32, #tpu.memory_space<vmem_shared>>, %arg14: memref<!tpu.dma_semaphore, #tpu.memory_space<semaphore_mem>>) attributes {dimension_semantics = [#tpu.dimension_semantics<core_parallel>, #tpu.dimension_semantics<subcore_parallel>], iteration_bounds = array<i64: 2, 16>, scalar_prefetch = 0 : i64, scratch_operands = 8 : i64, tpu.core_type = #tpu.core_type<sc_vector_subcore>, window_params = [{transform_indices = #map}, {transform_indices = #map}, {transform_indices = #map1}, {transform_indices = #map2}, {transform_indices = #map2}]} {
    %broadcast_in_dim3A = arith.constant 0 : i32
    %broadcast_in_dim3A_0 = vector.broadcast %broadcast_in_dim3A : i32 to vector<16xi32>
    %broadcast_in_dim3A_1 = arith.constant 0.000000e+00 : f32
    %broadcast_in_dim3A_2 = vector.broadcast %broadcast_in_dim3A_1 : f32 to vector<16xf32>
    %iota3A = tpu.iota {dimensions = array<i32: 0>} : vector<16xi32>
    "tpu.region"() ({
      %run_scoped3A = tpu.sem_alloc : memref<!tpu.dma_semaphore, #tpu.memory_space<semaphore_mem>>
      %dma_start3A = arith.constant 0 : i32
      %dma_start3A_9 = arith.constant 0 : i32
      %dma_start3A_10 = tpu.memref_slice %arg2[%arg1, %dma_start3A, %dma_start3A_9] : memref<16x162x128xi32, #tpu.memory_space<hbm>> -> memref<1x162x128xi32, #tpu.memory_space<hbm>>
      %dma_start3A_11 = tpu.memref_squeeze %dma_start3A_10 : memref<1x162x128xi32, #tpu.memory_space<hbm>> -> memref<162x128xi32, #tpu.memory_space<hbm>>
      %dma_start3A_12 = arith.constant 0 : i32
      %dma_start3A_13 = arith.constant 0 : i32
      %dma_start3A_14 = tpu.memref_slice %arg2[%arg1, %dma_start3A_12, %dma_start3A_13] : memref<16x162x128xi32, #tpu.memory_space<hbm>> -> memref<1x162x128xi32, #tpu.memory_space<hbm>>
      %dma_start3A_15 = tpu.memref_squeeze %dma_start3A_14 : memref<1x162x128xi32, #tpu.memory_space<hbm>> -> memref<162x128xi32, #tpu.memory_space<hbm>>
      tpu.enqueue_dma source(%dma_start3A_15 : memref<162x128xi32, #tpu.memory_space<hbm>>) target(%arg7 : memref<162x128xi32, #tpu.memory_space<vmem>>) target_semaphore(%run_scoped3A : memref<!tpu.dma_semaphore, #tpu.memory_space<semaphore_mem>>)
      %dma_wait3A = arith.constant 0 : i32
      %dma_wait3A_16 = arith.constant 0 : i32
      %dma_wait3A_17 = tpu.memref_slice %arg2[%arg1, %dma_wait3A, %dma_wait3A_16] : memref<16x162x128xi32, #tpu.memory_space<hbm>> -> memref<1x162x128xi32, #tpu.memory_space<hbm>>
      %dma_wait3A_18 = tpu.memref_squeeze %dma_wait3A_17 : memref<1x162x128xi32, #tpu.memory_space<hbm>> -> memref<162x128xi32, #tpu.memory_space<hbm>>
      %dma_wait3A_19 = arith.constant 0 : i32
      %dma_wait3A_20 = arith.constant 0 : i32
      %dma_wait3A_21 = tpu.memref_slice %arg2[%arg1, %dma_wait3A_19, %dma_wait3A_20] : memref<16x162x128xi32, #tpu.memory_space<hbm>> -> memref<1x162x128xi32, #tpu.memory_space<hbm>>
      %dma_wait3A_22 = tpu.memref_squeeze %dma_wait3A_21 : memref<1x162x128xi32, #tpu.memory_space<hbm>> -> memref<162x128xi32, #tpu.memory_space<hbm>>
      tpu.wait_dma2 semaphore(%run_scoped3A : memref<!tpu.dma_semaphore, #tpu.memory_space<semaphore_mem>>) src(%dma_wait3A_22 : memref<162x128xi32, #tpu.memory_space<hbm>>) dst(%arg7 : memref<162x128xi32, #tpu.memory_space<vmem>>)
      tpu.yield
    }) : () -> ()
    "tpu.region"() ({
      %run_scoped3A = tpu.sem_alloc : memref<!tpu.dma_semaphore, #tpu.memory_space<semaphore_mem>>
      %dma_start3A = arith.constant 0 : i32
      %dma_start3A_9 = arith.constant 0 : i32
      %dma_start3A_10 = tpu.memref_slice %arg3[%arg1, %dma_start3A, %dma_start3A_9] : memref<16x162x128xi32, #tpu.memory_space<hbm>> -> memref<1x162x128xi32, #tpu.memory_space<hbm>>
      %dma_start3A_11 = tpu.memref_squeeze %dma_start3A_10 : memref<1x162x128xi32, #tpu.memory_space<hbm>> -> memref<162x128xi32, #tpu.memory_space<hbm>>
      %dma_start3A_12 = arith.constant 0 : i32
      %dma_start3A_13 = arith.constant 0 : i32
      %dma_start3A_14 = tpu.memref_slice %arg3[%arg1, %dma_start3A_12, %dma_start3A_13] : memref<16x162x128xi32, #tpu.memory_space<hbm>> -> memref<1x162x128xi32, #tpu.memory_space<hbm>>
      %dma_start3A_15 = tpu.memref_squeeze %dma_start3A_14 : memref<1x162x128xi32, #tpu.memory_space<hbm>> -> memref<162x128xi32, #tpu.memory_space<hbm>>
      tpu.enqueue_dma source(%dma_start3A_15 : memref<162x128xi32, #tpu.memory_space<hbm>>) target(%arg8 : memref<162x128xi32, #tpu.memory_space<vmem>>) target_semaphore(%run_scoped3A : memref<!tpu.dma_semaphore, #tpu.memory_space<semaphore_mem>>)
      %dma_wait3A = arith.constant 0 : i32
      %dma_wait3A_16 = arith.constant 0 : i32
      %dma_wait3A_17 = tpu.memref_slice %arg3[%arg1, %dma_wait3A, %dma_wait3A_16] : memref<16x162x128xi32, #tpu.memory_space<hbm>> -> memref<1x162x128xi32, #tpu.memory_space<hbm>>
      %dma_wait3A_18 = tpu.memref_squeeze %dma_wait3A_17 : memref<1x162x128xi32, #tpu.memory_space<hbm>> -> memref<162x128xi32, #tpu.memory_space<hbm>>
      %dma_wait3A_19 = arith.constant 0 : i32
      %dma_wait3A_20 = arith.constant 0 : i32
      %dma_wait3A_21 = tpu.memref_slice %arg3[%arg1, %dma_wait3A_19, %dma_wait3A_20] : memref<16x162x128xi32, #tpu.memory_space<hbm>> -> memref<1x162x128xi32, #tpu.memory_space<hbm>>
      %dma_wait3A_22 = tpu.memref_squeeze %dma_wait3A_21 : memref<1x162x128xi32, #tpu.memory_space<hbm>> -> memref<162x128xi32, #tpu.memory_space<hbm>>
      tpu.wait_dma2 semaphore(%run_scoped3A : memref<!tpu.dma_semaphore, #tpu.memory_space<semaphore_mem>>) src(%dma_wait3A_22 : memref<162x128xi32, #tpu.memory_space<hbm>>) dst(%arg8 : memref<162x128xi32, #tpu.memory_space<vmem>>)
      tpu.yield
    }) : () -> ()
    %scan3A = arith.constant 0 : i32
    %scan3A_3 = arith.constant 0 : i32
    %scan3A_4 = arith.constant 3 : i32
    %scan3A_5 = arith.addi %scan3A_3, %scan3A_4 : i32
    %scan3A_6 = arith.constant 1 : i32
    %scan3A_7 = scf.for %scan3A_9 = %scan3A_3 to %scan3A_5 step %scan3A_6 iter_args(%scan3A_10 = %scan3A) -> (i32)  : i32 {
      %scan3A_11 = arith.constant 0 : i32
      %scan3A_12 = arith.constant 0 : i32
      %scan3A_13 = arith.constant 128 : i32
      %scan3A_14 = arith.addi %scan3A_12, %scan3A_13 : i32
      %scan3A_15 = arith.constant 1 : i32
      %scan3A_16 = scf.for %scan3A_108 = %scan3A_12 to %scan3A_14 step %scan3A_15 iter_args(%scan3A_109 = %scan3A_11) -> (i32)  : i32 {
        %swap3A = arith.index_cast %scan3A_108 : i32 to index
        %swap3A_110 = arith.constant 0 : index
        %swap3A_111 = tpu.vector_load %arg11[%swap3A, %swap3A_110] {strides = array<i32>} : memref<128x48xf32, #tpu.memory_space<vmem>>, vector<16xf32>,
        tpu.vector_store %arg11[%swap3A, %swap3A_110], %broadcast_in_dim3A_2 {strides = array<i32>} : memref<128x48xf32, #tpu.memory_space<vmem>>, vector<16xf32>,
        %swap3A_112 = arith.index_cast %scan3A_108 : i32 to index
        %swap3A_113 = arith.constant 16 : index
        %swap3A_114 = tpu.vector_load %arg11[%swap3A_112, %swap3A_113] {strides = array<i32>} : memref<128x48xf32, #tpu.memory_space<vmem>>, vector<16xf32>,
        tpu.vector_store %arg11[%swap3A_112, %swap3A_113], %broadcast_in_dim3A_2 {strides = array<i32>} : memref<128x48xf32, #tpu.memory_space<vmem>>, vector<16xf32>,
        %swap3A_115 = arith.index_cast %scan3A_108 : i32 to index
        %swap3A_116 = arith.constant 32 : index
        %swap3A_117 = tpu.vector_load %arg11[%swap3A_115, %swap3A_116] {strides = array<i32>} : memref<128x48xf32, #tpu.memory_space<vmem>>, vector<16xf32>,
        tpu.vector_store %arg11[%swap3A_115, %swap3A_116], %broadcast_in_dim3A_2 {strides = array<i32>} : memref<128x48xf32, #tpu.memory_space<vmem>>, vector<16xf32>,
        %scan3A_118 = arith.constant 0 : i32
        scf.yield %scan3A_118 : i32
      }
      %scan3A_17 = arith.constant 128 : i32
      %mul3A = arith.constant 628 : i32
      %mul3A_18 = arith.muli %arg1, %mul3A : i32
      %add3A = arith.constant 0 : i32
      %add3A_19 = arith.addi %mul3A_18, %add3A : i32
      "tpu.region"() ({
        %run_scoped3A = tpu.sem_alloc : memref<!tpu.dma_semaphore, #tpu.memory_space<semaphore_mem>>
        %dma_start3A_108 = arith.constant 0 : i32
        %dma_start3A_109 = arith.constant 0 : i32
        %dma_start3A_110 = tpu.memref_slice %arg11[%dma_start3A_108, %dma_start3A_109] : memref<128x48xf32, #tpu.memory_space<vmem>> -> memref<128x48xf32, #tpu.memory_space<vmem>>
        %dma_start3A_111 = arith.constant 0 : i32
        %dma_start3A_112 = tpu.memref_slice %arg13[%add3A_19, %dma_start3A_111] : memref<10048x48xf32, #tpu.memory_space<vmem_shared>> -> memref<128x48xf32, #tpu.memory_space<vmem_shared>>
        %dma_start3A_113 = arith.constant 0 : i32
        %dma_start3A_114 = tpu.memref_slice %arg13[%add3A_19, %dma_start3A_113] : memref<10048x48xf32, #tpu.memory_space<vmem_shared>> -> memref<128x48xf32, #tpu.memory_space<vmem_shared>>
        %dma_start3A_115 = arith.constant 0 : i32
        %dma_start3A_116 = arith.constant 0 : i32
        %dma_start3A_117 = tpu.memref_slice %arg11[%dma_start3A_115, %dma_start3A_116] : memref<128x48xf32, #tpu.memory_space<vmem>> -> memref<128x48xf32, #tpu.memory_space<vmem>>
        tpu.enqueue_dma source(%dma_start3A_117 : memref<128x48xf32, #tpu.memory_space<vmem>>) target(%dma_start3A_114 : memref<128x48xf32, #tpu.memory_space<vmem_shared>>) target_semaphore(%run_scoped3A : memref<!tpu.dma_semaphore, #tpu.memory_space<semaphore_mem>>)
        %dma_wait3A_118 = arith.constant 0 : i32
        %dma_wait3A_119 = arith.constant 0 : i32
        %dma_wait3A_120 = tpu.memref_slice %arg11[%dma_wait3A_118, %dma_wait3A_119] : memref<128x48xf32, #tpu.memory_space<vmem>> -> memref<128x48xf32, #tpu.memory_space<vmem>>
        %dma_wait3A_121 = arith.constant 0 : i32
        %dma_wait3A_122 = tpu.memref_slice %arg13[%add3A_19, %dma_wait3A_121] : memref<10048x48xf32, #tpu.memory_space<vmem_shared>> -> memref<128x48xf32, #tpu.memory_space<vmem_shared>>
        %dma_wait3A_123 = arith.constant 0 : i32
        %dma_wait3A_124 = tpu.memref_slice %arg13[%add3A_19, %dma_wait3A_123] : memref<10048x48xf32, #tpu.memory_space<vmem_shared>> -> memref<128x48xf32, #tpu.memory_space<vmem_shared>>
        %dma_wait3A_125 = arith.constant 0 : i32
        %dma_wait3A_126 = arith.constant 0 : i32
        %dma_wait3A_127 = tpu.memref_slice %arg11[%dma_wait3A_125, %dma_wait3A_126] : memref<128x48xf32, #tpu.memory_space<vmem>> -> memref<128x48xf32, #tpu.memory_space<vmem>>
        tpu.wait_dma2 semaphore(%run_scoped3A : memref<!tpu.dma_semaphore, #tpu.memory_space<semaphore_mem>>) src(%dma_wait3A_127 : memref<128x48xf32, #tpu.memory_space<vmem>>) dst(%dma_wait3A_124 : memref<128x48xf32, #tpu.memory_space<vmem_shared>>)
        tpu.yield
      }) : () -> ()
      %mul3A_20 = arith.constant 628 : i32
      %mul3A_21 = arith.muli %arg1, %mul3A_20 : i32
      %add3A_22 = arith.constant 128 : i32
      %add3A_23 = arith.addi %mul3A_21, %add3A_22 : i32
      "tpu.region"() ({
        %run_scoped3A = tpu.sem_alloc : memref<!tpu.dma_semaphore, #tpu.memory_space<semaphore_mem>>
        %dma_start3A_108 = arith.constant 0 : i32
        %dma_start3A_109 = arith.constant 0 : i32
        %dma_start3A_110 = tpu.memref_slice %arg11[%dma_start3A_108, %dma_start3A_109] : memref<128x48xf32, #tpu.memory_space<vmem>> -> memref<128x48xf32, #tpu.memory_space<vmem>>
        %dma_start3A_111 = arith.constant 0 : i32
        %dma_start3A_112 = tpu.memref_slice %arg13[%add3A_23, %dma_start3A_111] : memref<10048x48xf32, #tpu.memory_space<vmem_shared>> -> memref<128x48xf32, #tpu.memory_space<vmem_shared>>
        %dma_start3A_113 = arith.constant 0 : i32
        %dma_start3A_114 = tpu.memref_slice %arg13[%add3A_23, %dma_start3A_113] : memref<10048x48xf32, #tpu.memory_space<vmem_shared>> -> memref<128x48xf32, #tpu.memory_space<vmem_shared>>
        %dma_start3A_115 = arith.constant 0 : i32
        %dma_start3A_116 = arith.constant 0 : i32
        %dma_start3A_117 = tpu.memref_slice %arg11[%dma_start3A_115, %dma_start3A_116] : memref<128x48xf32, #tpu.memory_space<vmem>> -> memref<128x48xf32, #tpu.memory_space<vmem>>
        tpu.enqueue_dma source(%dma_start3A_117 : memref<128x48xf32, #tpu.memory_space<vmem>>) target(%dma_start3A_114 : memref<128x48xf32, #tpu.memory_space<vmem_shared>>) target_semaphore(%run_scoped3A : memref<!tpu.dma_semaphore, #tpu.memory_space<semaphore_mem>>)
        %dma_wait3A_118 = arith.constant 0 : i32
        %dma_wait3A_119 = arith.constant 0 : i32
        %dma_wait3A_120 = tpu.memref_slice %arg11[%dma_wait3A_118, %dma_wait3A_119] : memref<128x48xf32, #tpu.memory_space<vmem>> -> memref<128x48xf32, #tpu.memory_space<vmem>>
        %dma_wait3A_121 = arith.constant 0 : i32
        %dma_wait3A_122 = tpu.memref_slice %arg13[%add3A_23, %dma_wait3A_121] : memref<10048x48xf32, #tpu.memory_space<vmem_shared>> -> memref<128x48xf32, #tpu.memory_space<vmem_shared>>
        %dma_wait3A_123 = arith.constant 0 : i32
        %dma_wait3A_124 = tpu.memref_slice %arg13[%add3A_23, %dma_wait3A_123] : memref<10048x48xf32, #tpu.memory_space<vmem_shared>> -> memref<128x48xf32, #tpu.memory_space<vmem_shared>>
        %dma_wait3A_125 = arith.constant 0 : i32
        %dma_wait3A_126 = arith.constant 0 : i32
        %dma_wait3A_127 = tpu.memref_slice %arg11[%dma_wait3A_125, %dma_wait3A_126] : memref<128x48xf32, #tpu.memory_space<vmem>> -> memref<128x48xf32, #tpu.memory_space<vmem>>
        tpu.wait_dma2 semaphore(%run_scoped3A : memref<!tpu.dma_semaphore, #tpu.memory_space<semaphore_mem>>) src(%dma_wait3A_127 : memref<128x48xf32, #tpu.memory_space<vmem>>) dst(%dma_wait3A_124 : memref<128x48xf32, #tpu.memory_space<vmem_shared>>)
        tpu.yield
      }) : () -> ()
      %mul3A_24 = arith.constant 628 : i32
      %mul3A_25 = arith.muli %arg1, %mul3A_24 : i32
      %add3A_26 = arith.constant 256 : i32
      %add3A_27 = arith.addi %mul3A_25, %add3A_26 : i32
      "tpu.region"() ({
        %run_scoped3A = tpu.sem_alloc : memref<!tpu.dma_semaphore, #tpu.memory_space<semaphore_mem>>
        %dma_start3A_108 = arith.constant 0 : i32
        %dma_start3A_109 = arith.constant 0 : i32
        %dma_start3A_110 = tpu.memref_slice %arg11[%dma_start3A_108, %dma_start3A_109] : memref<128x48xf32, #tpu.memory_space<vmem>> -> memref<128x48xf32, #tpu.memory_space<vmem>>
        %dma_start3A_111 = arith.constant 0 : i32
        %dma_start3A_112 = tpu.memref_slice %arg13[%add3A_27, %dma_start3A_111] : memref<10048x48xf32, #tpu.memory_space<vmem_shared>> -> memref<128x48xf32, #tpu.memory_space<vmem_shared>>
        %dma_start3A_113 = arith.constant 0 : i32
        %dma_start3A_114 = tpu.memref_slice %arg13[%add3A_27, %dma_start3A_113] : memref<10048x48xf32, #tpu.memory_space<vmem_shared>> -> memref<128x48xf32, #tpu.memory_space<vmem_shared>>
        %dma_start3A_115 = arith.constant 0 : i32
        %dma_start3A_116 = arith.constant 0 : i32
        %dma_start3A_117 = tpu.memref_slice %arg11[%dma_start3A_115, %dma_start3A_116] : memref<128x48xf32, #tpu.memory_space<vmem>> -> memref<128x48xf32, #tpu.memory_space<vmem>>
        tpu.enqueue_dma source(%dma_start3A_117 : memref<128x48xf32, #tpu.memory_space<vmem>>) target(%dma_start3A_114 : memref<128x48xf32, #tpu.memory_space<vmem_shared>>) target_semaphore(%run_scoped3A : memref<!tpu.dma_semaphore, #tpu.memory_space<semaphore_mem>>)
        %dma_wait3A_118 = arith.constant 0 : i32
        %dma_wait3A_119 = arith.constant 0 : i32
        %dma_wait3A_120 = tpu.memref_slice %arg11[%dma_wait3A_118, %dma_wait3A_119] : memref<128x48xf32, #tpu.memory_space<vmem>> -> memref<128x48xf32, #tpu.memory_space<vmem>>
        %dma_wait3A_121 = arith.constant 0 : i32
        %dma_wait3A_122 = tpu.memref_slice %arg13[%add3A_27, %dma_wait3A_121] : memref<10048x48xf32, #tpu.memory_space<vmem_shared>> -> memref<128x48xf32, #tpu.memory_space<vmem_shared>>
        %dma_wait3A_123 = arith.constant 0 : i32
        %dma_wait3A_124 = tpu.memref_slice %arg13[%add3A_27, %dma_wait3A_123] : memref<10048x48xf32, #tpu.memory_space<vmem_shared>> -> memref<128x48xf32, #tpu.memory_space<vmem_shared>>
        %dma_wait3A_125 = arith.constant 0 : i32
        %dma_wait3A_126 = arith.constant 0 : i32
        %dma_wait3A_127 = tpu.memref_slice %arg11[%dma_wait3A_125, %dma_wait3A_126] : memref<128x48xf32, #tpu.memory_space<vmem>> -> memref<128x48xf32, #tpu.memory_space<vmem>>
        tpu.wait_dma2 semaphore(%run_scoped3A : memref<!tpu.dma_semaphore, #tpu.memory_space<semaphore_mem>>) src(%dma_wait3A_127 : memref<128x48xf32, #tpu.memory_space<vmem>>) dst(%dma_wait3A_124 : memref<128x48xf32, #tpu.memory_space<vmem_shared>>)
        tpu.yield
      }) : () -> ()
      %mul3A_28 = arith.constant 628 : i32
      %mul3A_29 = arith.muli %arg1, %mul3A_28 : i32
      %add3A_30 = arith.constant 384 : i32
      %add3A_31 = arith.addi %mul3A_29, %add3A_30 : i32
      "tpu.region"() ({
        %run_scoped3A = tpu.sem_alloc : memref<!tpu.dma_semaphore, #tpu.memory_space<semaphore_mem>>
        %dma_start3A_108 = arith.constant 0 : i32
        %dma_start3A_109 = arith.constant 0 : i32
        %dma_start3A_110 = tpu.memref_slice %arg11[%dma_start3A_108, %dma_start3A_109] : memref<128x48xf32, #tpu.memory_space<vmem>> -> memref<128x48xf32, #tpu.memory_space<vmem>>
        %dma_start3A_111 = arith.constant 0 : i32
        %dma_start3A_112 = tpu.memref_slice %arg13[%add3A_31, %dma_start3A_111] : memref<10048x48xf32, #tpu.memory_space<vmem_shared>> -> memref<128x48xf32, #tpu.memory_space<vmem_shared>>
        %dma_start3A_113 = arith.constant 0 : i32
        %dma_start3A_114 = tpu.memref_slice %arg13[%add3A_31, %dma_start3A_113] : memref<10048x48xf32, #tpu.memory_space<vmem_shared>> -> memref<128x48xf32, #tpu.memory_space<vmem_shared>>
        %dma_start3A_115 = arith.constant 0 : i32
        %dma_start3A_116 = arith.constant 0 : i32
        %dma_start3A_117 = tpu.memref_slice %arg11[%dma_start3A_115, %dma_start3A_116] : memref<128x48xf32, #tpu.memory_space<vmem>> -> memref<128x48xf32, #tpu.memory_space<vmem>>
        tpu.enqueue_dma source(%dma_start3A_117 : memref<128x48xf32, #tpu.memory_space<vmem>>) target(%dma_start3A_114 : memref<128x48xf32, #tpu.memory_space<vmem_shared>>) target_semaphore(%run_scoped3A : memref<!tpu.dma_semaphore, #tpu.memory_space<semaphore_mem>>)
        %dma_wait3A_118 = arith.constant 0 : i32
        %dma_wait3A_119 = arith.constant 0 : i32
        %dma_wait3A_120 = tpu.memref_slice %arg11[%dma_wait3A_118, %dma_wait3A_119] : memref<128x48xf32, #tpu.memory_space<vmem>> -> memref<128x48xf32, #tpu.memory_space<vmem>>
        %dma_wait3A_121 = arith.constant 0 : i32
        %dma_wait3A_122 = tpu.memref_slice %arg13[%add3A_31, %dma_wait3A_121] : memref<10048x48xf32, #tpu.memory_space<vmem_shared>> -> memref<128x48xf32, #tpu.memory_space<vmem_shared>>
        %dma_wait3A_123 = arith.constant 0 : i32
        %dma_wait3A_124 = tpu.memref_slice %arg13[%add3A_31, %dma_wait3A_123] : memref<10048x48xf32, #tpu.memory_space<vmem_shared>> -> memref<128x48xf32, #tpu.memory_space<vmem_shared>>
        %dma_wait3A_125 = arith.constant 0 : i32
        %dma_wait3A_126 = arith.constant 0 : i32
        %dma_wait3A_127 = tpu.memref_slice %arg11[%dma_wait3A_125, %dma_wait3A_126] : memref<128x48xf32, #tpu.memory_space<vmem>> -> memref<128x48xf32, #tpu.memory_space<vmem>>
        tpu.wait_dma2 semaphore(%run_scoped3A : memref<!tpu.dma_semaphore, #tpu.memory_space<semaphore_mem>>) src(%dma_wait3A_127 : memref<128x48xf32, #tpu.memory_space<vmem>>) dst(%dma_wait3A_124 : memref<128x48xf32, #tpu.memory_space<vmem_shared>>)
        tpu.yield
      }) : () -> ()
      %mul3A_32 = arith.constant 628 : i32
      %mul3A_33 = arith.muli %arg1, %mul3A_32 : i32
      %add3A_34 = arith.constant 512 : i32
      %add3A_35 = arith.addi %mul3A_33, %add3A_34 : i32
      "tpu.region"() ({
        %run_scoped3A = tpu.sem_alloc : memref<!tpu.dma_semaphore, #tpu.memory_space<semaphore_mem>>
        %dma_start3A_108 = arith.constant 0 : i32
        %dma_start3A_109 = arith.constant 0 : i32
        %dma_start3A_110 = tpu.memref_slice %arg11[%dma_start3A_108, %dma_start3A_109] : memref<128x48xf32, #tpu.memory_space<vmem>> -> memref<116x48xf32, #tpu.memory_space<vmem>>
        %dma_start3A_111 = arith.constant 0 : i32
        %dma_start3A_112 = tpu.memref_slice %arg13[%add3A_35, %dma_start3A_111] : memref<10048x48xf32, #tpu.memory_space<vmem_shared>> -> memref<116x48xf32, #tpu.memory_space<vmem_shared>>
        %dma_start3A_113 = arith.constant 0 : i32
        %dma_start3A_114 = tpu.memref_slice %arg13[%add3A_35, %dma_start3A_113] : memref<10048x48xf32, #tpu.memory_space<vmem_shared>> -> memref<116x48xf32, #tpu.memory_space<vmem_shared>>
        %dma_start3A_115 = arith.constant 0 : i32
        %dma_start3A_116 = arith.constant 0 : i32
        %dma_start3A_117 = tpu.memref_slice %arg11[%dma_start3A_115, %dma_start3A_116] : memref<128x48xf32, #tpu.memory_space<vmem>> -> memref<116x48xf32, #tpu.memory_space<vmem>>
        tpu.enqueue_dma source(%dma_start3A_117 : memref<116x48xf32, #tpu.memory_space<vmem>>) target(%dma_start3A_114 : memref<116x48xf32, #tpu.memory_space<vmem_shared>>) target_semaphore(%run_scoped3A : memref<!tpu.dma_semaphore, #tpu.memory_space<semaphore_mem>>)
        %dma_wait3A_118 = arith.constant 0 : i32
        %dma_wait3A_119 = arith.constant 0 : i32
        %dma_wait3A_120 = tpu.memref_slice %arg11[%dma_wait3A_118, %dma_wait3A_119] : memref<128x48xf32, #tpu.memory_space<vmem>> -> memref<116x48xf32, #tpu.memory_space<vmem>>
        %dma_wait3A_121 = arith.constant 0 : i32
        %dma_wait3A_122 = tpu.memref_slice %arg13[%add3A_35, %dma_wait3A_121] : memref<10048x48xf32, #tpu.memory_space<vmem_shared>> -> memref<116x48xf32, #tpu.memory_space<vmem_shared>>
        %dma_wait3A_123 = arith.constant 0 : i32
        %dma_wait3A_124 = tpu.memref_slice %arg13[%add3A_35, %dma_wait3A_123] : memref<10048x48xf32, #tpu.memory_space<vmem_shared>> -> memref<116x48xf32, #tpu.memory_space<vmem_shared>>
        %dma_wait3A_125 = arith.constant 0 : i32
        %dma_wait3A_126 = arith.constant 0 : i32
        %dma_wait3A_127 = tpu.memref_slice %arg11[%dma_wait3A_125, %dma_wait3A_126] : memref<128x48xf32, #tpu.memory_space<vmem>> -> memref<116x48xf32, #tpu.memory_space<vmem>>
        tpu.wait_dma2 semaphore(%run_scoped3A : memref<!tpu.dma_semaphore, #tpu.memory_space<semaphore_mem>>) src(%dma_wait3A_127 : memref<116x48xf32, #tpu.memory_space<vmem>>) dst(%dma_wait3A_124 : memref<116x48xf32, #tpu.memory_space<vmem_shared>>)
        tpu.yield
      }) : () -> ()
      %mul3A_36 = arith.constant 4 : i32
      %mul3A_37 = arith.muli %scan3A_9, %mul3A_36 : i32
      %add3A_38 = arith.addi %mul3A_37, %arg0 : i32
      %mul3A_39 = arith.constant 10240 : i32
      %mul3A_40 = arith.muli %add3A_38, %mul3A_39 : i32
      "tpu.region"() ({
        %run_scoped3A = tpu.sem_alloc : memref<!tpu.dma_semaphore, #tpu.memory_space<semaphore_mem>>
        %dma_start3A_108 = arith.constant 0 : i32
        %dma_start3A_109 = tpu.memref_slice %arg9[%dma_start3A_108] : memref<20480xf32, #tpu.memory_space<vmem>> -> memref<10240xf32, #tpu.memory_space<vmem>>
        %dma_start3A_110 = tpu.memref_slice %arg4[%mul3A_40] : memref<122880xf32, #tpu.memory_space<hbm>> -> memref<10240xf32, #tpu.memory_space<hbm>>
        %dma_start3A_111 = arith.constant 0 : i32
        %dma_start3A_112 = tpu.memref_slice %arg9[%dma_start3A_111] : memref<20480xf32, #tpu.memory_space<vmem>> -> memref<10240xf32, #tpu.memory_space<vmem>>
        %dma_start3A_113 = tpu.memref_slice %arg4[%mul3A_40] : memref<122880xf32, #tpu.memory_space<hbm>> -> memref<10240xf32, #tpu.memory_space<hbm>>
        tpu.enqueue_dma source(%dma_start3A_113 : memref<10240xf32, #tpu.memory_space<hbm>>) target(%dma_start3A_112 : memref<10240xf32, #tpu.memory_space<vmem>>) target_semaphore(%run_scoped3A : memref<!tpu.dma_semaphore, #tpu.memory_space<semaphore_mem>>)
        %dma_wait3A_114 = arith.constant 0 : i32
        %dma_wait3A_115 = tpu.memref_slice %arg9[%dma_wait3A_114] : memref<20480xf32, #tpu.memory_space<vmem>> -> memref<10240xf32, #tpu.memory_space<vmem>>
        %dma_wait3A_116 = tpu.memref_slice %arg4[%mul3A_40] : memref<122880xf32, #tpu.memory_space<hbm>> -> memref<10240xf32, #tpu.memory_space<hbm>>
        %dma_wait3A_117 = arith.constant 0 : i32
        %dma_wait3A_118 = tpu.memref_slice %arg9[%dma_wait3A_117] : memref<20480xf32, #tpu.memory_space<vmem>> -> memref<10240xf32, #tpu.memory_space<vmem>>
        %dma_wait3A_119 = tpu.memref_slice %arg4[%mul3A_40] : memref<122880xf32, #tpu.memory_space<hbm>> -> memref<10240xf32, #tpu.memory_space<hbm>>
        tpu.wait_dma2 semaphore(%run_scoped3A : memref<!tpu.dma_semaphore, #tpu.memory_space<semaphore_mem>>) src(%dma_wait3A_119 : memref<10240xf32, #tpu.memory_space<hbm>>) dst(%dma_wait3A_118 : memref<10240xf32, #tpu.memory_space<vmem>>)
        tpu.yield
      }) : () -> ()
      %mul3A_41 = arith.constant 4 : i32
      %mul3A_42 = arith.muli %scan3A_9, %mul3A_41 : i32
      %add3A_43 = arith.constant 2 : i32
      %add3A_44 = arith.addi %mul3A_42, %add3A_43 : i32
      %add3A_45 = arith.addi %add3A_44, %arg0 : i32
      %mul3A_46 = arith.constant 10240 : i32
      %mul3A_47 = arith.muli %add3A_45, %mul3A_46 : i32
      "tpu.region"() ({
        %run_scoped3A = tpu.sem_alloc : memref<!tpu.dma_semaphore, #tpu.memory_space<semaphore_mem>>
        %dma_start3A_108 = arith.constant 10240 : i32
        %dma_start3A_109 = tpu.memref_slice %arg9[%dma_start3A_108] : memref<20480xf32, #tpu.memory_space<vmem>> -> memref<10240xf32, #tpu.memory_space<vmem>>
        %dma_start3A_110 = tpu.memref_slice %arg4[%mul3A_47] : memref<122880xf32, #tpu.memory_space<hbm>> -> memref<10240xf32, #tpu.memory_space<hbm>>
        %dma_start3A_111 = arith.constant 10240 : i32
        %dma_start3A_112 = tpu.memref_slice %arg9[%dma_start3A_111] : memref<20480xf32, #tpu.memory_space<vmem>> -> memref<10240xf32, #tpu.memory_space<vmem>>
        %dma_start3A_113 = tpu.memref_slice %arg4[%mul3A_47] : memref<122880xf32, #tpu.memory_space<hbm>> -> memref<10240xf32, #tpu.memory_space<hbm>>
        tpu.enqueue_dma source(%dma_start3A_113 : memref<10240xf32, #tpu.memory_space<hbm>>) target(%dma_start3A_112 : memref<10240xf32, #tpu.memory_space<vmem>>) target_semaphore(%run_scoped3A : memref<!tpu.dma_semaphore, #tpu.memory_space<semaphore_mem>>)
        %dma_wait3A_114 = arith.constant 10240 : i32
        %dma_wait3A_115 = tpu.memref_slice %arg9[%dma_wait3A_114] : memref<20480xf32, #tpu.memory_space<vmem>> -> memref<10240xf32, #tpu.memory_space<vmem>>
        %dma_wait3A_116 = tpu.memref_slice %arg4[%mul3A_47] : memref<122880xf32, #tpu.memory_space<hbm>> -> memref<10240xf32, #tpu.memory_space<hbm>>
        %dma_wait3A_117 = arith.constant 10240 : i32
        %dma_wait3A_118 = tpu.memref_slice %arg9[%dma_wait3A_117] : memref<20480xf32, #tpu.memory_space<vmem>> -> memref<10240xf32, #tpu.memory_space<vmem>>
        %dma_wait3A_119 = tpu.memref_slice %arg4[%mul3A_47] : memref<122880xf32, #tpu.memory_space<hbm>> -> memref<10240xf32, #tpu.memory_space<hbm>>
        tpu.wait_dma2 semaphore(%run_scoped3A : memref<!tpu.dma_semaphore, #tpu.memory_space<semaphore_mem>>) src(%dma_wait3A_119 : memref<10240xf32, #tpu.memory_space<hbm>>) dst(%dma_wait3A_118 : memref<10240xf32, #tpu.memory_space<vmem>>)
        tpu.yield
      }) : () -> ()
      %barrier3A = arith.constant 0 : index
      tpu.barrier barrier_id(%barrier3A)
      %dma_start3A = arith.constant 0 : i32
      %dma_start3A_48 = arith.constant 0 : i32
      %dma_start3A_49 = tpu.memref_slice %arg7[%dma_start3A, %dma_start3A_48] : memref<162x128xi32, #tpu.memory_space<vmem>> -> memref<1x128xi32, #tpu.memory_space<vmem>>
      %dma_start3A_50 = tpu.memref_squeeze %dma_start3A_49 : memref<1x128xi32, #tpu.memory_space<vmem>> -> memref<128xi32, #tpu.memory_space<vmem>>
      %dma_start3A_51 = arith.constant 0 : i32
      %dma_start3A_52 = arith.constant 0 : i32
      %dma_start3A_53 = arith.constant 0 : i32
      %dma_start3A_54 = tpu.memref_slice %arg5[%scan3A_9, %dma_start3A_51, %dma_start3A_52, %dma_start3A_53] : memref<3x2x10240x32xf32, #tpu.memory_space<hbm>> -> memref<1x2x10240x32xf32, #tpu.memory_space<hbm>>
      %dma_start3A_55 = tpu.memref_squeeze %dma_start3A_54 : memref<1x2x10240x32xf32, #tpu.memory_space<hbm>> -> memref<2x10240x32xf32, #tpu.memory_space<hbm>>
      %dma_start3A_56 = arith.constant 0 : i32
      %dma_start3A_57 = arith.constant 0 : i32
      %dma_start3A_58 = tpu.memref_slice %dma_start3A_55[%arg0, %dma_start3A_56, %dma_start3A_57] : memref<2x10240x32xf32, #tpu.memory_space<hbm>> -> memref<1x10240x32xf32, #tpu.memory_space<hbm>>
      %dma_start3A_59 = tpu.memref_squeeze %dma_start3A_58 : memref<1x10240x32xf32, #tpu.memory_space<hbm>> -> memref<10240x32xf32, #tpu.memory_space<hbm>>
      %dma_start3A_60 = arith.constant 0 : i32
      %dma_start3A_61 = arith.constant 0 : i32
      %dma_start3A_62 = tpu.memref_slice %dma_start3A_59[%dma_start3A_60, %dma_start3A_61] : memref<10240x32xf32, #tpu.memory_space<hbm>> -> memref<10240x32xf32, #tpu.memory_space<hbm>>
      tpu.enqueue_indirect_dma source(%dma_start3A_62 : memref<10240x32xf32, #tpu.memory_space<hbm>>) target(%arg10 : memref<128x32xf32, #tpu.memory_space<vmem>>) offsets(%dma_start3A_50 : memref<128xi32, #tpu.memory_space<vmem>>) semaphore(%arg14 : memref<!tpu.dma_semaphore, #tpu.memory_space<semaphore_mem>>)
      %scan3A_63 = arith.constant 0 : i32
      %scan3A_64 = arith.constant 0 : i32
      %scan3A_65 = arith.constant 162 : i32
      %scan3A_66 = arith.addi %scan3A_64, %scan3A_65 : i32
      %scan3A_67 = arith.constant 1 : i32
      %scan3A_68 = scf.for %scan3A_108 = %scan3A_64 to %scan3A_66 step %scan3A_67 iter_args(%scan3A_109 = %scan3A_63) -> (i32)  : i32 {
        %get3A = arith.index_cast %scan3A_108 : i32 to index
        %get3A_110 = arith.constant 0 : index
        %get3A_111 = tpu.vector_load %arg7[%get3A, %get3A_110] {strides = array<i32>} : memref<162x128xi32, #tpu.memory_space<vmem>>, vector<16xi32>,
        %get3A_112 = arith.index_cast %scan3A_108 : i32 to index
        %get3A_113 = arith.constant 0 : index
        %get3A_114 = tpu.vector_load %arg8[%get3A_112, %get3A_113] {strides = array<i32>} : memref<162x128xi32, #tpu.memory_space<vmem>>, vector<16xi32>,
        %gather3A = tpu.vector_load_idx %arg9[%get3A_111] : memref<20480xf32, #tpu.memory_space<vmem>>[vector<16xi32>], vector<16xf32>,
        %add3A_115 = arith.constant 10240 : i32
        %add3A_116 = vector.broadcast %add3A_115 : i32 to vector<16xi32>
        %add3A_117 = arith.addi %get3A_114, %add3A_116 : vector<16xi32>
        %gather3A_118 = tpu.vector_load_idx %arg9[%add3A_117] : memref<20480xf32, #tpu.memory_space<vmem>>[vector<16xi32>], vector<16xf32>,
        %add3A_119 = arith.addf %gather3A, %gather3A_118 : vector<16xf32>
        %mul3A_120 = arith.constant 2.000000e-01 : f32
        %mul3A_121 = vector.broadcast %mul3A_120 : f32 to vector<16xf32>
        %mul3A_122 = arith.mulf %mul3A_121, %add3A_119 : vector<16xf32>
        %max3A = arith.maximumf %add3A_119, %mul3A_122 : vector<16xf32>
        %exp3A = math.exp %max3A : vector<16xf32>
        %swap3A = arith.constant 0 : index
        %swap3A_123 = tpu.vector_load %arg12[%swap3A] {strides = array<i32>} : memref<128xf32, #tpu.memory_space<vmem>>, vector<16xf32>,
        tpu.vector_store %arg12[%swap3A], %exp3A {strides = array<i32>} : memref<128xf32, #tpu.memory_space<vmem>>, vector<16xf32>,
        %get3A_124 = arith.index_cast %scan3A_108 : i32 to index
        %get3A_125 = arith.constant 16 : index
        %get3A_126 = tpu.vector_load %arg7[%get3A_124, %get3A_125] {strides = array<i32>} : memref<162x128xi32, #tpu.memory_space<vmem>>, vector<16xi32>,
        %get3A_127 = arith.index_cast %scan3A_108 : i32 to index
        %get3A_128 = arith.constant 16 : index
        %get3A_129 = tpu.vector_load %arg8[%get3A_127, %get3A_128] {strides = array<i32>} : memref<162x128xi32, #tpu.memory_space<vmem>>, vector<16xi32>,
        %gather3A_130 = tpu.vector_load_idx %arg9[%get3A_126] : memref<20480xf32, #tpu.memory_space<vmem>>[vector<16xi32>], vector<16xf32>,
        %add3A_131 = arith.constant 10240 : i32
        %add3A_132 = vector.broadcast %add3A_131 : i32 to vector<16xi32>
        %add3A_133 = arith.addi %get3A_129, %add3A_132 : vector<16xi32>
        %gather3A_134 = tpu.vector_load_idx %arg9[%add3A_133] : memref<20480xf32, #tpu.memory_space<vmem>>[vector<16xi32>], vector<16xf32>,
        %add3A_135 = arith.addf %gather3A_130, %gather3A_134 : vector<16xf32>
        %mul3A_136 = arith.constant 2.000000e-01 : f32
        %mul3A_137 = vector.broadcast %mul3A_136 : f32 to vector<16xf32>
        %mul3A_138 = arith.mulf %mul3A_137, %add3A_135 : vector<16xf32>
        %max3A_139 = arith.maximumf %add3A_135, %mul3A_138 : vector<16xf32>
        %exp3A_140 = math.exp %max3A_139 : vector<16xf32>
        %swap3A_141 = arith.constant 16 : index
        %swap3A_142 = tpu.vector_load %arg12[%swap3A_141] {strides = array<i32>} : memref<128xf32, #tpu.memory_space<vmem>>, vector<16xf32>,
        tpu.vector_store %arg12[%swap3A_141], %exp3A_140 {strides = array<i32>} : memref<128xf32, #tpu.memory_space<vmem>>, vector<16xf32>,
        %get3A_143 = arith.index_cast %scan3A_108 : i32 to index
        %get3A_144 = arith.constant 32 : index
        %get3A_145 = tpu.vector_load %arg7[%get3A_143, %get3A_144] {strides = array<i32>} : memref<162x128xi32, #tpu.memory_space<vmem>>, vector<16xi32>,
        %get3A_146 = arith.index_cast %scan3A_108 : i32 to index
        %get3A_147 = arith.constant 32 : index
        %get3A_148 = tpu.vector_load %arg8[%get3A_146, %get3A_147] {strides = array<i32>} : memref<162x128xi32, #tpu.memory_space<vmem>>, vector<16xi32>,
        %gather3A_149 = tpu.vector_load_idx %arg9[%get3A_145] : memref<20480xf32, #tpu.memory_space<vmem>>[vector<16xi32>], vector<16xf32>,
        %add3A_150 = arith.constant 10240 : i32
        %add3A_151 = vector.broadcast %add3A_150 : i32 to vector<16xi32>
        %add3A_152 = arith.addi %get3A_148, %add3A_151 : vector<16xi32>
        %gather3A_153 = tpu.vector_load_idx %arg9[%add3A_152] : memref<20480xf32, #tpu.memory_space<vmem>>[vector<16xi32>], vector<16xf32>,
        %add3A_154 = arith.addf %gather3A_149, %gather3A_153 : vector<16xf32>
        %mul3A_155 = arith.constant 2.000000e-01 : f32
        %mul3A_156 = vector.broadcast %mul3A_155 : f32 to vector<16xf32>
        %mul3A_157 = arith.mulf %mul3A_156, %add3A_154 : vector<16xf32>
        %max3A_158 = arith.maximumf %add3A_154, %mul3A_157 : vector<16xf32>
        %exp3A_159 = math.exp %max3A_158 : vector<16xf32>
        %swap3A_160 = arith.constant 32 : index
        %swap3A_161 = tpu.vector_load %arg12[%swap3A_160] {strides = array<i32>} : memref<128xf32, #tpu.memory_space<vmem>>, vector<16xf32>,
        tpu.vector_store %arg12[%swap3A_160], %exp3A_159 {strides = array<i32>} : memref<128xf32, #tpu.memory_space<vmem>>, vector<16xf32>,
        %get3A_162 = arith.index_cast %scan3A_108 : i32 to index
        %get3A_163 = arith.constant 48 : index
        %get3A_164 = tpu.vector_load %arg7[%get3A_162, %get3A_163] {strides = array<i32>} : memref<162x128xi32, #tpu.memory_space<vmem>>, vector<16xi32>,
        %get3A_165 = arith.index_cast %scan3A_108 : i32 to index
        %get3A_166 = arith.constant 48 : index
        %get3A_167 = tpu.vector_load %arg8[%get3A_165, %get3A_166] {strides = array<i32>} : memref<162x128xi32, #tpu.memory_space<vmem>>, vector<16xi32>,
        %gather3A_168 = tpu.vector_load_idx %arg9[%get3A_164] : memref<20480xf32, #tpu.memory_space<vmem>>[vector<16xi32>], vector<16xf32>,
        %add3A_169 = arith.constant 10240 : i32
        %add3A_170 = vector.broadcast %add3A_169 : i32 to vector<16xi32>
        %add3A_171 = arith.addi %get3A_167, %add3A_170 : vector<16xi32>
        %gather3A_172 = tpu.vector_load_idx %arg9[%add3A_171] : memref<20480xf32, #tpu.memory_space<vmem>>[vector<16xi32>], vector<16xf32>,
        %add3A_173 = arith.addf %gather3A_168, %gather3A_172 : vector<16xf32>
        %mul3A_174 = arith.constant 2.000000e-01 : f32
        %mul3A_175 = vector.broadcast %mul3A_174 : f32 to vector<16xf32>
        %mul3A_176 = arith.mulf %mul3A_175, %add3A_173 : vector<16xf32>
        %max3A_177 = arith.maximumf %add3A_173, %mul3A_176 : vector<16xf32>
        %exp3A_178 = math.exp %max3A_177 : vector<16xf32>
        %swap3A_179 = arith.constant 48 : index
        %swap3A_180 = tpu.vector_load %arg12[%swap3A_179] {strides = array<i32>} : memref<128xf32, #tpu.memory_space<vmem>>, vector<16xf32>,
        tpu.vector_store %arg12[%swap3A_179], %exp3A_178 {strides = array<i32>} : memref<128xf32, #tpu.memory_space<vmem>>, vector<16xf32>,
        %get3A_181 = arith.index_cast %scan3A_108 : i32 to index
        %get3A_182 = arith.constant 64 : index
        %get3A_183 = tpu.vector_load %arg7[%get3A_181, %get3A_182] {strides = array<i32>} : memref<162x128xi32, #tpu.memory_space<vmem>>, vector<16xi32>,
        %get3A_184 = arith.index_cast %scan3A_108 : i32 to index
        %get3A_185 = arith.constant 64 : index
        %get3A_186 = tpu.vector_load %arg8[%get3A_184, %get3A_185] {strides = array<i32>} : memref<162x128xi32, #tpu.memory_space<vmem>>, vector<16xi32>,
        %gather3A_187 = tpu.vector_load_idx %arg9[%get3A_183] : memref<20480xf32, #tpu.memory_space<vmem>>[vector<16xi32>], vector<16xf32>,
        %add3A_188 = arith.constant 10240 : i32
        %add3A_189 = vector.broadcast %add3A_188 : i32 to vector<16xi32>
        %add3A_190 = arith.addi %get3A_186, %add3A_189 : vector<16xi32>
        %gather3A_191 = tpu.vector_load_idx %arg9[%add3A_190] : memref<20480xf32, #tpu.memory_space<vmem>>[vector<16xi32>], vector<16xf32>,
        %add3A_192 = arith.addf %gather3A_187, %gather3A_191 : vector<16xf32>
        %mul3A_193 = arith.constant 2.000000e-01 : f32
        %mul3A_194 = vector.broadcast %mul3A_193 : f32 to vector<16xf32>
        %mul3A_195 = arith.mulf %mul3A_194, %add3A_192 : vector<16xf32>
        %max3A_196 = arith.maximumf %add3A_192, %mul3A_195 : vector<16xf32>
        %exp3A_197 = math.exp %max3A_196 : vector<16xf32>
        %swap3A_198 = arith.constant 64 : index
        %swap3A_199 = tpu.vector_load %arg12[%swap3A_198] {strides = array<i32>} : memref<128xf32, #tpu.memory_space<vmem>>, vector<16xf32>,
        tpu.vector_store %arg12[%swap3A_198], %exp3A_197 {strides = array<i32>} : memref<128xf32, #tpu.memory_space<vmem>>, vector<16xf32>,
        %get3A_200 = arith.index_cast %scan3A_108 : i32 to index
        %get3A_201 = arith.constant 80 : index
        %get3A_202 = tpu.vector_load %arg7[%get3A_200, %get3A_201] {strides = array<i32>} : memref<162x128xi32, #tpu.memory_space<vmem>>, vector<16xi32>,
        %get3A_203 = arith.index_cast %scan3A_108 : i32 to index
        %get3A_204 = arith.constant 80 : index
        %get3A_205 = tpu.vector_load %arg8[%get3A_203, %get3A_204] {strides = array<i32>} : memref<162x128xi32, #tpu.memory_space<vmem>>, vector<16xi32>,
        %gather3A_206 = tpu.vector_load_idx %arg9[%get3A_202] : memref<20480xf32, #tpu.memory_space<vmem>>[vector<16xi32>], vector<16xf32>,
        %add3A_207 = arith.constant 10240 : i32
        %add3A_208 = vector.broadcast %add3A_207 : i32 to vector<16xi32>
        %add3A_209 = arith.addi %get3A_205, %add3A_208 : vector<16xi32>
        %gather3A_210 = tpu.vector_load_idx %arg9[%add3A_209] : memref<20480xf32, #tpu.memory_space<vmem>>[vector<16xi32>], vector<16xf32>,
        %add3A_211 = arith.addf %gather3A_206, %gather3A_210 : vector<16xf32>
        %mul3A_212 = arith.constant 2.000000e-01 : f32
        %mul3A_213 = vector.broadcast %mul3A_212 : f32 to vector<16xf32>
        %mul3A_214 = arith.mulf %mul3A_213, %add3A_211 : vector<16xf32>
        %max3A_215 = arith.maximumf %add3A_211, %mul3A_214 : vector<16xf32>
        %exp3A_216 = math.exp %max3A_215 : vector<16xf32>
        %swap3A_217 = arith.constant 80 : index
        %swap3A_218 = tpu.vector_load %arg12[%swap3A_217] {strides = array<i32>} : memref<128xf32, #tpu.memory_space<vmem>>, vector<16xf32>,
        tpu.vector_store %arg12[%swap3A_217], %exp3A_216 {strides = array<i32>} : memref<128xf32, #tpu.memory_space<vmem>>, vector<16xf32>,
        %get3A_219 = arith.index_cast %scan3A_108 : i32 to index
        %get3A_220 = arith.constant 96 : index
        %get3A_221 = tpu.vector_load %arg7[%get3A_219, %get3A_220] {strides = array<i32>} : memref<162x128xi32, #tpu.memory_space<vmem>>, vector<16xi32>,
        %get3A_222 = arith.index_cast %scan3A_108 : i32 to index
        %get3A_223 = arith.constant 96 : index
        %get3A_224 = tpu.vector_load %arg8[%get3A_222, %get3A_223] {strides = array<i32>} : memref<162x128xi32, #tpu.memory_space<vmem>>, vector<16xi32>,
        %gather3A_225 = tpu.vector_load_idx %arg9[%get3A_221] : memref<20480xf32, #tpu.memory_space<vmem>>[vector<16xi32>], vector<16xf32>,
        %add3A_226 = arith.constant 10240 : i32
        %add3A_227 = vector.broadcast %add3A_226 : i32 to vector<16xi32>
        %add3A_228 = arith.addi %get3A_224, %add3A_227 : vector<16xi32>
        %gather3A_229 = tpu.vector_load_idx %arg9[%add3A_228] : memref<20480xf32, #tpu.memory_space<vmem>>[vector<16xi32>], vector<16xf32>,
        %add3A_230 = arith.addf %gather3A_225, %gather3A_229 : vector<16xf32>
        %mul3A_231 = arith.constant 2.000000e-01 : f32
        %mul3A_232 = vector.broadcast %mul3A_231 : f32 to vector<16xf32>
        %mul3A_233 = arith.mulf %mul3A_232, %add3A_230 : vector<16xf32>
        %max3A_234 = arith.maximumf %add3A_230, %mul3A_233 : vector<16xf32>
        %exp3A_235 = math.exp %max3A_234 : vector<16xf32>
        %swap3A_236 = arith.constant 96 : index
        %swap3A_237 = tpu.vector_load %arg12[%swap3A_236] {strides = array<i32>} : memref<128xf32, #tpu.memory_space<vmem>>, vector<16xf32>,
        tpu.vector_store %arg12[%swap3A_236], %exp3A_235 {strides = array<i32>} : memref<128xf32, #tpu.memory_space<vmem>>, vector<16xf32>,
        %get3A_238 = arith.index_cast %scan3A_108 : i32 to index
        %get3A_239 = arith.constant 112 : index
        %get3A_240 = tpu.vector_load %arg7[%get3A_238, %get3A_239] {strides = array<i32>} : memref<162x128xi32, #tpu.memory_space<vmem>>, vector<16xi32>,
        %get3A_241 = arith.index_cast %scan3A_108 : i32 to index
        %get3A_242 = arith.constant 112 : index
        %get3A_243 = tpu.vector_load %arg8[%get3A_241, %get3A_242] {strides = array<i32>} : memref<162x128xi32, #tpu.memory_space<vmem>>, vector<16xi32>,
        %gather3A_244 = tpu.vector_load_idx %arg9[%get3A_240] : memref<20480xf32, #tpu.memory_space<vmem>>[vector<16xi32>], vector<16xf32>,
        %add3A_245 = arith.constant 10240 : i32
        %add3A_246 = vector.broadcast %add3A_245 : i32 to vector<16xi32>
        %add3A_247 = arith.addi %get3A_243, %add3A_246 : vector<16xi32>
        %gather3A_248 = tpu.vector_load_idx %arg9[%add3A_247] : memref<20480xf32, #tpu.memory_space<vmem>>[vector<16xi32>], vector<16xf32>,
        %add3A_249 = arith.addf %gather3A_244, %gather3A_248 : vector<16xf32>
        %mul3A_250 = arith.constant 2.000000e-01 : f32
        %mul3A_251 = vector.broadcast %mul3A_250 : f32 to vector<16xf32>
        %mul3A_252 = arith.mulf %mul3A_251, %add3A_249 : vector<16xf32>
        %max3A_253 = arith.maximumf %add3A_249, %mul3A_252 : vector<16xf32>
        %exp3A_254 = math.exp %max3A_253 : vector<16xf32>
        %swap3A_255 = arith.constant 112 : index
        %swap3A_256 = tpu.vector_load %arg12[%swap3A_255] {strides = array<i32>} : memref<128xf32, #tpu.memory_space<vmem>>, vector<16xf32>,
        tpu.vector_store %arg12[%swap3A_255], %exp3A_254 {strides = array<i32>} : memref<128xf32, #tpu.memory_space<vmem>>, vector<16xf32>,
        %dma_wait3A_257 = arith.constant 0 : i32
        %dma_wait3A_258 = arith.constant 0 : i32
        %dma_wait3A_259 = tpu.memref_slice %arg7[%dma_wait3A_257, %dma_wait3A_258] : memref<162x128xi32, #tpu.memory_space<vmem>> -> memref<1x128xi32, #tpu.memory_space<vmem>>
        %dma_wait3A_260 = tpu.memref_squeeze %dma_wait3A_259 : memref<1x128xi32, #tpu.memory_space<vmem>> -> memref<128xi32, #tpu.memory_space<vmem>>
        %dma_wait3A_261 = arith.constant 0 : i32
        %dma_wait3A_262 = arith.constant 0 : i32
        %dma_wait3A_263 = arith.constant 0 : i32
        %dma_wait3A_264 = tpu.memref_slice %arg5[%scan3A_9, %dma_wait3A_261, %dma_wait3A_262, %dma_wait3A_263] : memref<3x2x10240x32xf32, #tpu.memory_space<hbm>> -> memref<1x2x10240x32xf32, #tpu.memory_space<hbm>>
        %dma_wait3A_265 = tpu.memref_squeeze %dma_wait3A_264 : memref<1x2x10240x32xf32, #tpu.memory_space<hbm>> -> memref<2x10240x32xf32, #tpu.memory_space<hbm>>
        %dma_wait3A_266 = arith.constant 0 : i32
        %dma_wait3A_267 = arith.constant 0 : i32
        %dma_wait3A_268 = tpu.memref_slice %dma_wait3A_265[%arg0, %dma_wait3A_266, %dma_wait3A_267] : memref<2x10240x32xf32, #tpu.memory_space<hbm>> -> memref<1x10240x32xf32, #tpu.memory_space<hbm>>
        %dma_wait3A_269 = tpu.memref_squeeze %dma_wait3A_268 : memref<1x10240x32xf32, #tpu.memory_space<hbm>> -> memref<10240x32xf32, #tpu.memory_space<hbm>>
        %dma_wait3A_270 = arith.constant 0 : i32
        %dma_wait3A_271 = arith.constant 0 : i32
        %dma_wait3A_272 = tpu.memref_slice %dma_wait3A_269[%dma_wait3A_270, %dma_wait3A_271] : memref<10240x32xf32, #tpu.memory_space<hbm>> -> memref<10240x32xf32, #tpu.memory_space<hbm>>
        tpu.wait_indirect_dma semaphore(%arg14 : memref<!tpu.dma_semaphore, #tpu.memory_space<semaphore_mem>>) src(%dma_wait3A_272 : memref<10240x32xf32, #tpu.memory_space<hbm>>) dst(%arg10 : memref<128x32xf32, #tpu.memory_space<vmem>>)
        %scan3A_273 = arith.constant 0 : i32
        %scan3A_274 = arith.constant 0 : i32
        %scan3A_275 = arith.constant 32 : i32
        %scan3A_276 = arith.addi %scan3A_274, %scan3A_275 : i32
        %scan3A_277 = arith.constant 1 : i32
        %scan3A_278 = scf.for %scan3A_299 = %scan3A_274 to %scan3A_276 step %scan3A_277 iter_args(%scan3A_300 = %scan3A_273) -> (i32)  : i32 {
          %mul3A_301 = arith.constant 4 : i32
          %mul3A_302 = arith.muli %scan3A_299, %mul3A_301 : i32
          %add3A_303 = arith.constant 0 : i32
          %add3A_304 = arith.addi %mul3A_302, %add3A_303 : i32
          %add3A_305 = vector.broadcast %add3A_304 : i32 to vector<16xi32>
          %add3A_306 = arith.addi %broadcast_in_dim3A_0, %add3A_305 : vector<16xi32>
          %gather3A_307 = tpu.vector_load_idx %arg12[%add3A_306] : memref<128xf32, #tpu.memory_space<vmem>>[vector<16xi32>], vector<16xf32>,
          %get3A_308 = arith.index_cast %add3A_304 : i32 to index
          %get3A_309 = arith.constant 0 : index
          %get3A_310 = tpu.vector_load %arg10[%get3A_308, %get3A_309] {strides = array<i32>} : memref<128x32xf32, #tpu.memory_space<vmem>>, vector<16xf32>,
          %mul3A_311 = arith.mulf %get3A_310, %gather3A_307 : vector<16xf32>
          %swap3A_312 = arith.index_cast %add3A_304 : i32 to index
          %swap3A_313 = arith.constant 0 : index
          %swap3A_314 = tpu.vector_load %arg11[%swap3A_312, %swap3A_313] {strides = array<i32>} : memref<128x48xf32, #tpu.memory_space<vmem>>, vector<16xf32>,
          tpu.vector_store %arg11[%swap3A_312, %swap3A_313], %mul3A_311 {strides = array<i32>} : memref<128x48xf32, #tpu.memory_space<vmem>>, vector<16xf32>,
          %get3A_315 = arith.index_cast %add3A_304 : i32 to index
          %get3A_316 = arith.constant 16 : index
          %get3A_317 = tpu.vector_load %arg10[%get3A_315, %get3A_316] {strides = array<i32>} : memref<128x32xf32, #tpu.memory_space<vmem>>, vector<16xf32>,
          %mul3A_318 = arith.mulf %get3A_317, %gather3A_307 : vector<16xf32>
          %swap3A_319 = arith.index_cast %add3A_304 : i32 to index
          %swap3A_320 = arith.constant 16 : index
          %swap3A_321 = tpu.vector_load %arg11[%swap3A_319, %swap3A_320] {strides = array<i32>} : memref<128x48xf32, #tpu.memory_space<vmem>>, vector<16xf32>,
          tpu.vector_store %arg11[%swap3A_319, %swap3A_320], %mul3A_318 {strides = array<i32>} : memref<128x48xf32, #tpu.memory_space<vmem>>, vector<16xf32>,
          %eq3A = arith.constant 0 : i32
          %eq3A_322 = vector.broadcast %eq3A : i32 to vector<16xi32>
          %eq3A_323 = arith.cmpi eq, %iota3A, %eq3A_322 : vector<16xi32>
          %select_n3A = arith.select %eq3A_323, %gather3A_307, %broadcast_in_dim3A_2 : vector<16xi1>, vector<16xf32>
          %swap3A_324 = arith.index_cast %add3A_304 : i32 to index
          %swap3A_325 = arith.constant 32 : index
          %swap3A_326 = tpu.vector_load %arg11[%swap3A_324, %swap3A_325] {strides = array<i32>} : memref<128x48xf32, #tpu.memory_space<vmem>>, vector<16xf32>,
          tpu.vector_store %arg11[%swap3A_324, %swap3A_325], %select_n3A {strides = array<i32>} : memref<128x48xf32, #tpu.memory_space<vmem>>, vector<16xf32>,
          %mul3A_327 = arith.constant 4 : i32
          %mul3A_328 = arith.muli %scan3A_299, %mul3A_327 : i32
          %add3A_329 = arith.constant 1 : i32
          %add3A_330 = arith.addi %mul3A_328, %add3A_329 : i32
          %add3A_331 = vector.broadcast %add3A_330 : i32 to vector<16xi32>
          %add3A_332 = arith.addi %broadcast_in_dim3A_0, %add3A_331 : vector<16xi32>
          %gather3A_333 = tpu.vector_load_idx %arg12[%add3A_332] : memref<128xf32, #tpu.memory_space<vmem>>[vector<16xi32>], vector<16xf32>,
          %get3A_334 = arith.index_cast %add3A_330 : i32 to index
          %get3A_335 = arith.constant 0 : index
          %get3A_336 = tpu.vector_load %arg10[%get3A_334, %get3A_335] {strides = array<i32>} : memref<128x32xf32, #tpu.memory_space<vmem>>, vector<16xf32>,
          %mul3A_337 = arith.mulf %get3A_336, %gather3A_333 : vector<16xf32>
          %swap3A_338 = arith.index_cast %add3A_330 : i32 to index
          %swap3A_339 = arith.constant 0 : index
          %swap3A_340 = tpu.vector_load %arg11[%swap3A_338, %swap3A_339] {strides = array<i32>} : memref<128x48xf32, #tpu.memory_space<vmem>>, vector<16xf32>,
          tpu.vector_store %arg11[%swap3A_338, %swap3A_339], %mul3A_337 {strides = array<i32>} : memref<128x48xf32, #tpu.memory_space<vmem>>, vector<16xf32>,
          %get3A_341 = arith.index_cast %add3A_330 : i32 to index
          %get3A_342 = arith.constant 16 : index
          %get3A_343 = tpu.vector_load %arg10[%get3A_341, %get3A_342] {strides = array<i32>} : memref<128x32xf32, #tpu.memory_space<vmem>>, vector<16xf32>,
          %mul3A_344 = arith.mulf %get3A_343, %gather3A_333 : vector<16xf32>
          %swap3A_345 = arith.index_cast %add3A_330 : i32 to index
          %swap3A_346 = arith.constant 16 : index
          %swap3A_347 = tpu.vector_load %arg11[%swap3A_345, %swap3A_346] {strides = array<i32>} : memref<128x48xf32, #tpu.memory_space<vmem>>, vector<16xf32>,
          tpu.vector_store %arg11[%swap3A_345, %swap3A_346], %mul3A_344 {strides = array<i32>} : memref<128x48xf32, #tpu.memory_space<vmem>>, vector<16xf32>,
          %eq3A_348 = arith.constant 0 : i32
          %eq3A_349 = vector.broadcast %eq3A_348 : i32 to vector<16xi32>
          %eq3A_350 = arith.cmpi eq, %iota3A, %eq3A_349 : vector<16xi32>
          %select_n3A_351 = arith.select %eq3A_350, %gather3A_333, %broadcast_in_dim3A_2 : vector<16xi1>, vector<16xf32>
          %swap3A_352 = arith.index_cast %add3A_330 : i32 to index
          %swap3A_353 = arith.constant 32 : index
          %swap3A_354 = tpu.vector_load %arg11[%swap3A_352, %swap3A_353] {strides = array<i32>} : memref<128x48xf32, #tpu.memory_space<vmem>>, vector<16xf32>,
          tpu.vector_store %arg11[%swap3A_352, %swap3A_353], %select_n3A_351 {strides = array<i32>} : memref<128x48xf32, #tpu.memory_space<vmem>>, vector<16xf32>,
          %mul3A_355 = arith.constant 4 : i32
          %mul3A_356 = arith.muli %scan3A_299, %mul3A_355 : i32
          %add3A_357 = arith.constant 2 : i32
          %add3A_358 = arith.addi %mul3A_356, %add3A_357 : i32
          %add3A_359 = vector.broadcast %add3A_358 : i32 to vector<16xi32>
          %add3A_360 = arith.addi %broadcast_in_dim3A_0, %add3A_359 : vector<16xi32>
          %gather3A_361 = tpu.vector_load_idx %arg12[%add3A_360] : memref<128xf32, #tpu.memory_space<vmem>>[vector<16xi32>], vector<16xf32>,
          %get3A_362 = arith.index_cast %add3A_358 : i32 to index
          %get3A_363 = arith.constant 0 : index
          %get3A_364 = tpu.vector_load %arg10[%get3A_362, %get3A_363] {strides = array<i32>} : memref<128x32xf32, #tpu.memory_space<vmem>>, vector<16xf32>,
          %mul3A_365 = arith.mulf %get3A_364, %gather3A_361 : vector<16xf32>
          %swap3A_366 = arith.index_cast %add3A_358 : i32 to index
          %swap3A_367 = arith.constant 0 : index
          %swap3A_368 = tpu.vector_load %arg11[%swap3A_366, %swap3A_367] {strides = array<i32>} : memref<128x48xf32, #tpu.memory_space<vmem>>, vector<16xf32>,
          tpu.vector_store %arg11[%swap3A_366, %swap3A_367], %mul3A_365 {strides = array<i32>} : memref<128x48xf32, #tpu.memory_space<vmem>>, vector<16xf32>,
          %get3A_369 = arith.index_cast %add3A_358 : i32 to index
          %get3A_370 = arith.constant 16 : index
          %get3A_371 = tpu.vector_load %arg10[%get3A_369, %get3A_370] {strides = array<i32>} : memref<128x32xf32, #tpu.memory_space<vmem>>, vector<16xf32>,
          %mul3A_372 = arith.mulf %get3A_371, %gather3A_361 : vector<16xf32>
          %swap3A_373 = arith.index_cast %add3A_358 : i32 to index
          %swap3A_374 = arith.constant 16 : index
          %swap3A_375 = tpu.vector_load %arg11[%swap3A_373, %swap3A_374] {strides = array<i32>} : memref<128x48xf32, #tpu.memory_space<vmem>>, vector<16xf32>,
          tpu.vector_store %arg11[%swap3A_373, %swap3A_374], %mul3A_372 {strides = array<i32>} : memref<128x48xf32, #tpu.memory_space<vmem>>, vector<16xf32>,
          %eq3A_376 = arith.constant 0 : i32
          %eq3A_377 = vector.broadcast %eq3A_376 : i32 to vector<16xi32>
          %eq3A_378 = arith.cmpi eq, %iota3A, %eq3A_377 : vector<16xi32>
          %select_n3A_379 = arith.select %eq3A_378, %gather3A_361, %broadcast_in_dim3A_2 : vector<16xi1>, vector<16xf32>
          %swap3A_380 = arith.index_cast %add3A_358 : i32 to index
          %swap3A_381 = arith.constant 32 : index
          %swap3A_382 = tpu.vector_load %arg11[%swap3A_380, %swap3A_381] {strides = array<i32>} : memref<128x48xf32, #tpu.memory_space<vmem>>, vector<16xf32>,
          tpu.vector_store %arg11[%swap3A_380, %swap3A_381], %select_n3A_379 {strides = array<i32>} : memref<128x48xf32, #tpu.memory_space<vmem>>, vector<16xf32>,
          %mul3A_383 = arith.constant 4 : i32
          %mul3A_384 = arith.muli %scan3A_299, %mul3A_383 : i32
          %add3A_385 = arith.constant 3 : i32
          %add3A_386 = arith.addi %mul3A_384, %add3A_385 : i32
          %add3A_387 = vector.broadcast %add3A_386 : i32 to vector<16xi32>
          %add3A_388 = arith.addi %broadcast_in_dim3A_0, %add3A_387 : vector<16xi32>
          %gather3A_389 = tpu.vector_load_idx %arg12[%add3A_388] : memref<128xf32, #tpu.memory_space<vmem>>[vector<16xi32>], vector<16xf32>,
          %get3A_390 = arith.index_cast %add3A_386 : i32 to index
          %get3A_391 = arith.constant 0 : index
          %get3A_392 = tpu.vector_load %arg10[%get3A_390, %get3A_391] {strides = array<i32>} : memref<128x32xf32, #tpu.memory_space<vmem>>, vector<16xf32>,
          %mul3A_393 = arith.mulf %get3A_392, %gather3A_389 : vector<16xf32>
          %swap3A_394 = arith.index_cast %add3A_386 : i32 to index
          %swap3A_395 = arith.constant 0 : index
          %swap3A_396 = tpu.vector_load %arg11[%swap3A_394, %swap3A_395] {strides = array<i32>} : memref<128x48xf32, #tpu.memory_space<vmem>>, vector<16xf32>,
          tpu.vector_store %arg11[%swap3A_394, %swap3A_395], %mul3A_393 {strides = array<i32>} : memref<128x48xf32, #tpu.memory_space<vmem>>, vector<16xf32>,
          %get3A_397 = arith.index_cast %add3A_386 : i32 to index
          %get3A_398 = arith.constant 16 : index
          %get3A_399 = tpu.vector_load %arg10[%get3A_397, %get3A_398] {strides = array<i32>} : memref<128x32xf32, #tpu.memory_space<vmem>>, vector<16xf32>,
          %mul3A_400 = arith.mulf %get3A_399, %gather3A_389 : vector<16xf32>
          %swap3A_401 = arith.index_cast %add3A_386 : i32 to index
          %swap3A_402 = arith.constant 16 : index
          %swap3A_403 = tpu.vector_load %arg11[%swap3A_401, %swap3A_402] {strides = array<i32>} : memref<128x48xf32, #tpu.memory_space<vmem>>, vector<16xf32>,
          tpu.vector_store %arg11[%swap3A_401, %swap3A_402], %mul3A_400 {strides = array<i32>} : memref<128x48xf32, #tpu.memory_space<vmem>>, vector<16xf32>,
          %eq3A_404 = arith.constant 0 : i32
          %eq3A_405 = vector.broadcast %eq3A_404 : i32 to vector<16xi32>
          %eq3A_406 = arith.cmpi eq, %iota3A, %eq3A_405 : vector<16xi32>
          %select_n3A_407 = arith.select %eq3A_406, %gather3A_389, %broadcast_in_dim3A_2 : vector<16xi1>, vector<16xf32>
          %swap3A_408 = arith.index_cast %add3A_386 : i32 to index
          %swap3A_409 = arith.constant 32 : index
          %swap3A_410 = tpu.vector_load %arg11[%swap3A_408, %swap3A_409] {strides = array<i32>} : memref<128x48xf32, #tpu.memory_space<vmem>>, vector<16xf32>,
          tpu.vector_store %arg11[%swap3A_408, %swap3A_409], %select_n3A_407 {strides = array<i32>} : memref<128x48xf32, #tpu.memory_space<vmem>>, vector<16xf32>,
          %scan3A_411 = arith.constant 0 : i32
          scf.yield %scan3A_411 : i32
        }
        %scan3A_279 = arith.constant 32 : i32
        %add3A_280 = arith.constant 1 : i32
        %add3A_281 = arith.addi %scan3A_108, %add3A_280 : i32
        %min3A = arith.constant 161 : i32
        %min3A_282 = arith.minsi %add3A_281, %min3A : i32
        %dma_start3A_283 = arith.constant 0 : i32
        %dma_start3A_284 = tpu.memref_slice %arg7[%min3A_282, %dma_start3A_283] : memref<162x128xi32, #tpu.memory_space<vmem>> -> memref<1x128xi32, #tpu.memory_space<vmem>>
        %dma_start3A_285 = tpu.memref_squeeze %dma_start3A_284 : memref<1x128xi32, #tpu.memory_space<vmem>> -> memref<128xi32, #tpu.memory_space<vmem>>
        %dma_start3A_286 = arith.constant 0 : i32
        %dma_start3A_287 = arith.constant 0 : i32
        %dma_start3A_288 = arith.constant 0 : i32
        %dma_start3A_289 = tpu.memref_slice %arg5[%scan3A_9, %dma_start3A_286, %dma_start3A_287, %dma_start3A_288] : memref<3x2x10240x32xf32, #tpu.memory_space<hbm>> -> memref<1x2x10240x32xf32, #tpu.memory_space<hbm>>
        %dma_start3A_290 = tpu.memref_squeeze %dma_start3A_289 : memref<1x2x10240x32xf32, #tpu.memory_space<hbm>> -> memref<2x10240x32xf32, #tpu.memory_space<hbm>>
        %dma_start3A_291 = arith.constant 0 : i32
        %dma_start3A_292 = arith.constant 0 : i32
        %dma_start3A_293 = tpu.memref_slice %dma_start3A_290[%arg0, %dma_start3A_291, %dma_start3A_292] : memref<2x10240x32xf32, #tpu.memory_space<hbm>> -> memref<1x10240x32xf32, #tpu.memory_space<hbm>>
        %dma_start3A_294 = tpu.memref_squeeze %dma_start3A_293 : memref<1x10240x32xf32, #tpu.memory_space<hbm>> -> memref<10240x32xf32, #tpu.memory_space<hbm>>
        %dma_start3A_295 = arith.constant 0 : i32
        %dma_start3A_296 = arith.constant 0 : i32
        %dma_start3A_297 = tpu.memref_slice %dma_start3A_294[%dma_start3A_295, %dma_start3A_296] : memref<10240x32xf32, #tpu.memory_space<hbm>> -> memref<10240x32xf32, #tpu.memory_space<hbm>>
        tpu.enqueue_indirect_dma source(%dma_start3A_297 : memref<10240x32xf32, #tpu.memory_space<hbm>>) target(%arg10 : memref<128x32xf32, #tpu.memory_space<vmem>>) offsets(%dma_start3A_285 : memref<128xi32, #tpu.memory_space<vmem>>) semaphore(%arg14 : memref<!tpu.dma_semaphore, #tpu.memory_space<semaphore_mem>>)
        "tpu.region"() ({
          %run_scoped3A = tpu.sem_alloc : memref<!tpu.dma_semaphore, #tpu.memory_space<semaphore_mem>>
          %dma_start3A_299 = arith.constant 0 : i32
          %dma_start3A_300 = tpu.memref_slice %arg8[%scan3A_108, %dma_start3A_299] : memref<162x128xi32, #tpu.memory_space<vmem>> -> memref<1x128xi32, #tpu.memory_space<vmem>>
          %dma_start3A_301 = tpu.memref_squeeze %dma_start3A_300 : memref<1x128xi32, #tpu.memory_space<vmem>> -> memref<128xi32, #tpu.memory_space<vmem>>
          %dma_start3A_302 = arith.constant 0 : i32
          %dma_start3A_303 = arith.constant 0 : i32
          %dma_start3A_304 = tpu.memref_slice %arg13[%dma_start3A_302, %dma_start3A_303] : memref<10048x48xf32, #tpu.memory_space<vmem_shared>> -> memref<10048x48xf32, #tpu.memory_space<vmem_shared>>
          tpu.enqueue_indirect_dma source(%arg11 : memref<128x48xf32, #tpu.memory_space<vmem>>) target(%dma_start3A_304 : memref<10048x48xf32, #tpu.memory_space<vmem_shared>>) offsets(%dma_start3A_301 : memref<128xi32, #tpu.memory_space<vmem>>) semaphore(%run_scoped3A : memref<!tpu.dma_semaphore, #tpu.memory_space<semaphore_mem>>) {add = true}
          %dma_wait3A_305 = arith.constant 0 : i32
          %dma_wait3A_306 = tpu.memref_slice %arg8[%scan3A_108, %dma_wait3A_305] : memref<162x128xi32, #tpu.memory_space<vmem>> -> memref<1x128xi32, #tpu.memory_space<vmem>>
          %dma_wait3A_307 = tpu.memref_squeeze %dma_wait3A_306 : memref<1x128xi32, #tpu.memory_space<vmem>> -> memref<128xi32, #tpu.memory_space<vmem>>
          %dma_wait3A_308 = arith.constant 0 : i32
          %dma_wait3A_309 = arith.constant 0 : i32
          %dma_wait3A_310 = tpu.memref_slice %arg13[%dma_wait3A_308, %dma_wait3A_309] : memref<10048x48xf32, #tpu.memory_space<vmem_shared>> -> memref<10048x48xf32, #tpu.memory_space<vmem_shared>>
          tpu.wait_indirect_dma semaphore(%run_scoped3A : memref<!tpu.dma_semaphore, #tpu.memory_space<semaphore_mem>>) src(%arg11 : memref<128x48xf32, #tpu.memory_space<vmem>>) dst(%dma_wait3A_310 : memref<10048x48xf32, #tpu.memory_space<vmem_shared>>)
          tpu.yield
        }) : () -> ()
        %scan3A_298 = arith.constant 0 : i32
        scf.yield %scan3A_298 : i32
      }
      %scan3A_69 = arith.constant 162 : i32
      %dma_wait3A = arith.constant 0 : i32
      %dma_wait3A_70 = arith.constant 0 : i32
      %dma_wait3A_71 = tpu.memref_slice %arg7[%dma_wait3A, %dma_wait3A_70] : memref<162x128xi32, #tpu.memory_space<vmem>> -> memref<1x128xi32, #tpu.memory_space<vmem>>
      %dma_wait3A_72 = tpu.memref_squeeze %dma_wait3A_71 : memref<1x128xi32, #tpu.memory_space<vmem>> -> memref<128xi32, #tpu.memory_space<vmem>>
      %dma_wait3A_73 = arith.constant 0 : i32
      %dma_wait3A_74 = arith.constant 0 : i32
      %dma_wait3A_75 = arith.constant 0 : i32
      %dma_wait3A_76 = tpu.memref_slice %arg5[%scan3A_9, %dma_wait3A_73, %dma_wait3A_74, %dma_wait3A_75] : memref<3x2x10240x32xf32, #tpu.memory_space<hbm>> -> memref<1x2x10240x32xf32, #tpu.memory_space<hbm>>
      %dma_wait3A_77 = tpu.memref_squeeze %dma_wait3A_76 : memref<1x2x10240x32xf32, #tpu.memory_space<hbm>> -> memref<2x10240x32xf32, #tpu.memory_space<hbm>>
      %dma_wait3A_78 = arith.constant 0 : i32
      %dma_wait3A_79 = arith.constant 0 : i32
      %dma_wait3A_80 = tpu.memref_slice %dma_wait3A_77[%arg0, %dma_wait3A_78, %dma_wait3A_79] : memref<2x10240x32xf32, #tpu.memory_space<hbm>> -> memref<1x10240x32xf32, #tpu.memory_space<hbm>>
      %dma_wait3A_81 = tpu.memref_squeeze %dma_wait3A_80 : memref<1x10240x32xf32, #tpu.memory_space<hbm>> -> memref<10240x32xf32, #tpu.memory_space<hbm>>
      %dma_wait3A_82 = arith.constant 0 : i32
      %dma_wait3A_83 = arith.constant 0 : i32
      %dma_wait3A_84 = tpu.memref_slice %dma_wait3A_81[%dma_wait3A_82, %dma_wait3A_83] : memref<10240x32xf32, #tpu.memory_space<hbm>> -> memref<10240x32xf32, #tpu.memory_space<hbm>>
      tpu.wait_indirect_dma semaphore(%arg14 : memref<!tpu.dma_semaphore, #tpu.memory_space<semaphore_mem>>) src(%dma_wait3A_84 : memref<10240x32xf32, #tpu.memory_space<hbm>>) dst(%arg10 : memref<128x32xf32, #tpu.memory_space<vmem>>)
      %barrier3A_85 = arith.constant 0 : index
      tpu.barrier barrier_id(%barrier3A_85)
      %mul3A_86 = arith.constant 628 : i32
      %mul3A_87 = arith.muli %arg1, %mul3A_86 : i32
      %add3A_88 = arith.constant 0 : i32
      %add3A_89 = arith.addi %mul3A_87, %add3A_88 : i32
      "tpu.region"() ({
        %run_scoped3A = tpu.sem_alloc : memref<!tpu.dma_semaphore, #tpu.memory_space<semaphore_mem>>
        %dma_start3A_108 = arith.constant 0 : i32
        %dma_start3A_109 = arith.constant 0 : i32
        %dma_start3A_110 = tpu.memref_slice %arg11[%dma_start3A_108, %dma_start3A_109] : memref<128x48xf32, #tpu.memory_space<vmem>> -> memref<128x48xf32, #tpu.memory_space<vmem>>
        %dma_start3A_111 = arith.constant 0 : i32
        %dma_start3A_112 = tpu.memref_slice %arg13[%add3A_89, %dma_start3A_111] : memref<10048x48xf32, #tpu.memory_space<vmem_shared>> -> memref<128x48xf32, #tpu.memory_space<vmem_shared>>
        %dma_start3A_113 = arith.constant 0 : i32
        %dma_start3A_114 = arith.constant 0 : i32
        %dma_start3A_115 = tpu.memref_slice %arg11[%dma_start3A_113, %dma_start3A_114] : memref<128x48xf32, #tpu.memory_space<vmem>> -> memref<128x48xf32, #tpu.memory_space<vmem>>
        %dma_start3A_116 = arith.constant 0 : i32
        %dma_start3A_117 = tpu.memref_slice %arg13[%add3A_89, %dma_start3A_116] : memref<10048x48xf32, #tpu.memory_space<vmem_shared>> -> memref<128x48xf32, #tpu.memory_space<vmem_shared>>
        tpu.enqueue_dma source(%dma_start3A_117 : memref<128x48xf32, #tpu.memory_space<vmem_shared>>) target(%dma_start3A_115 : memref<128x48xf32, #tpu.memory_space<vmem>>) target_semaphore(%run_scoped3A : memref<!tpu.dma_semaphore, #tpu.memory_space<semaphore_mem>>)
        %dma_wait3A_118 = arith.constant 0 : i32
        %dma_wait3A_119 = arith.constant 0 : i32
        %dma_wait3A_120 = tpu.memref_slice %arg11[%dma_wait3A_118, %dma_wait3A_119] : memref<128x48xf32, #tpu.memory_space<vmem>> -> memref<128x48xf32, #tpu.memory_space<vmem>>
        %dma_wait3A_121 = arith.constant 0 : i32
        %dma_wait3A_122 = tpu.memref_slice %arg13[%add3A_89, %dma_wait3A_121] : memref<10048x48xf32, #tpu.memory_space<vmem_shared>> -> memref<128x48xf32, #tpu.memory_space<vmem_shared>>
        %dma_wait3A_123 = arith.constant 0 : i32
        %dma_wait3A_124 = arith.constant 0 : i32
        %dma_wait3A_125 = tpu.memref_slice %arg11[%dma_wait3A_123, %dma_wait3A_124] : memref<128x48xf32, #tpu.memory_space<vmem>> -> memref<128x48xf32, #tpu.memory_space<vmem>>
        %dma_wait3A_126 = arith.constant 0 : i32
        %dma_wait3A_127 = tpu.memref_slice %arg13[%add3A_89, %dma_wait3A_126] : memref<10048x48xf32, #tpu.memory_space<vmem_shared>> -> memref<128x48xf32, #tpu.memory_space<vmem_shared>>
        tpu.wait_dma2 semaphore(%run_scoped3A : memref<!tpu.dma_semaphore, #tpu.memory_space<semaphore_mem>>) src(%dma_wait3A_127 : memref<128x48xf32, #tpu.memory_space<vmem_shared>>) dst(%dma_wait3A_125 : memref<128x48xf32, #tpu.memory_space<vmem>>)
        tpu.yield
      }) : () -> ()
      "tpu.region"() ({
        %run_scoped3A = tpu.sem_alloc : memref<!tpu.dma_semaphore, #tpu.memory_space<semaphore_mem>>
        %dma_start3A_108 = arith.constant 0 : i32
        %dma_start3A_109 = arith.constant 0 : i32
        %dma_start3A_110 = tpu.memref_slice %arg11[%dma_start3A_108, %dma_start3A_109] : memref<128x48xf32, #tpu.memory_space<vmem>> -> memref<128x48xf32, #tpu.memory_space<vmem>>
        %dma_start3A_111 = arith.constant 0 : i32
        %dma_start3A_112 = arith.constant 0 : i32
        %dma_start3A_113 = arith.constant 0 : i32
        %dma_start3A_114 = tpu.memref_slice %arg6[%arg0, %dma_start3A_111, %dma_start3A_112, %dma_start3A_113] : memref<2x3x10240x48xf32, #tpu.memory_space<hbm>> -> memref<1x3x10240x48xf32, #tpu.memory_space<hbm>>
        %dma_start3A_115 = tpu.memref_squeeze %dma_start3A_114 : memref<1x3x10240x48xf32, #tpu.memory_space<hbm>> -> memref<3x10240x48xf32, #tpu.memory_space<hbm>>
        %dma_start3A_116 = arith.constant 0 : i32
        %dma_start3A_117 = arith.constant 0 : i32
        %dma_start3A_118 = tpu.memref_slice %dma_start3A_115[%scan3A_9, %dma_start3A_116, %dma_start3A_117] : memref<3x10240x48xf32, #tpu.memory_space<hbm>> -> memref<1x10240x48xf32, #tpu.memory_space<hbm>>
        %dma_start3A_119 = tpu.memref_squeeze %dma_start3A_118 : memref<1x10240x48xf32, #tpu.memory_space<hbm>> -> memref<10240x48xf32, #tpu.memory_space<hbm>>
        %dma_start3A_120 = arith.constant 0 : i32
        %dma_start3A_121 = tpu.memref_slice %dma_start3A_119[%add3A_89, %dma_start3A_120] : memref<10240x48xf32, #tpu.memory_space<hbm>> -> memref<128x48xf32, #tpu.memory_space<hbm>>
        %dma_start3A_122 = arith.constant 0 : i32
        %dma_start3A_123 = arith.constant 0 : i32
        %dma_start3A_124 = arith.constant 0 : i32
        %dma_start3A_125 = tpu.memref_slice %arg6[%arg0, %dma_start3A_122, %dma_start3A_123, %dma_start3A_124] : memref<2x3x10240x48xf32, #tpu.memory_space<hbm>> -> memref<1x3x10240x48xf32, #tpu.memory_space<hbm>>
        %dma_start3A_126 = tpu.memref_squeeze %dma_start3A_125 : memref<1x3x10240x48xf32, #tpu.memory_space<hbm>> -> memref<3x10240x48xf32, #tpu.memory_space<hbm>>
        %dma_start3A_127 = arith.constant 0 : i32
        %dma_start3A_128 = arith.constant 0 : i32
        %dma_start3A_129 = tpu.memref_slice %dma_start3A_126[%scan3A_9, %dma_start3A_127, %dma_start3A_128] : memref<3x10240x48xf32, #tpu.memory_space<hbm>> -> memref<1x10240x48xf32, #tpu.memory_space<hbm>>
        %dma_start3A_130 = tpu.memref_squeeze %dma_start3A_129 : memref<1x10240x48xf32, #tpu.memory_space<hbm>> -> memref<10240x48xf32, #tpu.memory_space<hbm>>
        %dma_start3A_131 = arith.constant 0 : i32
        %dma_start3A_132 = tpu.memref_slice %dma_start3A_130[%add3A_89, %dma_start3A_131] : memref<10240x48xf32, #tpu.memory_space<hbm>> -> memref<128x48xf32, #tpu.memory_space<hbm>>
        %dma_start3A_133 = arith.constant 0 : i32
        %dma_start3A_134 = arith.constant 0 : i32
        %dma_start3A_135 = tpu.memref_slice %arg11[%dma_start3A_133, %dma_start3A_134] : memref<128x48xf32, #tpu.memory_space<vmem>> -> memref<128x48xf32, #tpu.memory_space<vmem>>
        tpu.enqueue_dma source(%dma_start3A_135 : memref<128x48xf32, #tpu.memory_space<vmem>>) target(%dma_start3A_132 : memref<128x48xf32, #tpu.memory_space<hbm>>) target_semaphore(%run_scoped3A : memref<!tpu.dma_semaphore, #tpu.memory_space<semaphore_mem>>)
        %dma_wait3A_136 = arith.constant 0 : i32
        %dma_wait3A_137 = arith.constant 0 : i32
        %dma_wait3A_138 = tpu.memref_slice %arg11[%dma_wait3A_136, %dma_wait3A_137] : memref<128x48xf32, #tpu.memory_space<vmem>> -> memref<128x48xf32, #tpu.memory_space<vmem>>
        %dma_wait3A_139 = arith.constant 0 : i32
        %dma_wait3A_140 = arith.constant 0 : i32
        %dma_wait3A_141 = arith.constant 0 : i32
        %dma_wait3A_142 = tpu.memref_slice %arg6[%arg0, %dma_wait3A_139, %dma_wait3A_140, %dma_wait3A_141] : memref<2x3x10240x48xf32, #tpu.memory_space<hbm>> -> memref<1x3x10240x48xf32, #tpu.memory_space<hbm>>
        %dma_wait3A_143 = tpu.memref_squeeze %dma_wait3A_142 : memref<1x3x10240x48xf32, #tpu.memory_space<hbm>> -> memref<3x10240x48xf32, #tpu.memory_space<hbm>>
        %dma_wait3A_144 = arith.constant 0 : i32
        %dma_wait3A_145 = arith.constant 0 : i32
        %dma_wait3A_146 = tpu.memref_slice %dma_wait3A_143[%scan3A_9, %dma_wait3A_144, %dma_wait3A_145] : memref<3x10240x48xf32, #tpu.memory_space<hbm>> -> memref<1x10240x48xf32, #tpu.memory_space<hbm>>
        %dma_wait3A_147 = tpu.memref_squeeze %dma_wait3A_146 : memref<1x10240x48xf32, #tpu.memory_space<hbm>> -> memref<10240x48xf32, #tpu.memory_space<hbm>>
        %dma_wait3A_148 = arith.constant 0 : i32
        %dma_wait3A_149 = tpu.memref_slice %dma_wait3A_147[%add3A_89, %dma_wait3A_148] : memref<10240x48xf32, #tpu.memory_space<hbm>> -> memref<128x48xf32, #tpu.memory_space<hbm>>
        %dma_wait3A_150 = arith.constant 0 : i32
        %dma_wait3A_151 = arith.constant 0 : i32
        %dma_wait3A_152 = arith.constant 0 : i32
        %dma_wait3A_153 = tpu.memref_slice %arg6[%arg0, %dma_wait3A_150, %dma_wait3A_151, %dma_wait3A_152] : memref<2x3x10240x48xf32, #tpu.memory_space<hbm>> -> memref<1x3x10240x48xf32, #tpu.memory_space<hbm>>
        %dma_wait3A_154 = tpu.memref_squeeze %dma_wait3A_153 : memref<1x3x10240x48xf32, #tpu.memory_space<hbm>> -> memref<3x10240x48xf32, #tpu.memory_space<hbm>>
        %dma_wait3A_155 = arith.constant 0 : i32
        %dma_wait3A_156 = arith.constant 0 : i32
        %dma_wait3A_157 = tpu.memref_slice %dma_wait3A_154[%scan3A_9, %dma_wait3A_155, %dma_wait3A_156] : memref<3x10240x48xf32, #tpu.memory_space<hbm>> -> memref<1x10240x48xf32, #tpu.memory_space<hbm>>
        %dma_wait3A_158 = tpu.memref_squeeze %dma_wait3A_157 : memref<1x10240x48xf32, #tpu.memory_space<hbm>> -> memref<10240x48xf32, #tpu.memory_space<hbm>>
        %dma_wait3A_159 = arith.constant 0 : i32
        %dma_wait3A_160 = tpu.memref_slice %dma_wait3A_158[%add3A_89, %dma_wait3A_159] : memref<10240x48xf32, #tpu.memory_space<hbm>> -> memref<128x48xf32, #tpu.memory_space<hbm>>
        %dma_wait3A_161 = arith.constant 0 : i32
        %dma_wait3A_162 = arith.constant 0 : i32
        %dma_wait3A_163 = tpu.memref_slice %arg11[%dma_wait3A_161, %dma_wait3A_162] : memref<128x48xf32, #tpu.memory_space<vmem>> -> memref<128x48xf32, #tpu.memory_space<vmem>>
        tpu.wait_dma2 semaphore(%run_scoped3A : memref<!tpu.dma_semaphore, #tpu.memory_space<semaphore_mem>>) src(%dma_wait3A_163 : memref<128x48xf32, #tpu.memory_space<vmem>>) dst(%dma_wait3A_160 : memref<128x48xf32, #tpu.memory_space<hbm>>)
        tpu.yield
      }) : () -> ()
      %mul3A_90 = arith.constant 628 : i32
      %mul3A_91 = arith.muli %arg1, %mul3A_90 : i32
      %add3A_92 = arith.constant 128 : i32
      %add3A_93 = arith.addi %mul3A_91, %add3A_92 : i32
      "tpu.region"() ({
        %run_scoped3A = tpu.sem_alloc : memref<!tpu.dma_semaphore, #tpu.memory_space<semaphore_mem>>
        %dma_start3A_108 = arith.constant 0 : i32
        %dma_start3A_109 = arith.constant 0 : i32
        %dma_start3A_110 = tpu.memref_slice %arg11[%dma_start3A_108, %dma_start3A_109] : memref<128x48xf32, #tpu.memory_space<vmem>> -> memref<128x48xf32, #tpu.memory_space<vmem>>
        %dma_start3A_111 = arith.constant 0 : i32
        %dma_start3A_112 = tpu.memref_slice %arg13[%add3A_93, %dma_start3A_111] : memref<10048x48xf32, #tpu.memory_space<vmem_shared>> -> memref<128x48xf32, #tpu.memory_space<vmem_shared>>
        %dma_start3A_113 = arith.constant 0 : i32
        %dma_start3A_114 = arith.constant 0 : i32
        %dma_start3A_115 = tpu.memref_slice %arg11[%dma_start3A_113, %dma_start3A_114] : memref<128x48xf32, #tpu.memory_space<vmem>> -> memref<128x48xf32, #tpu.memory_space<vmem>>
        %dma_start3A_116 = arith.constant 0 : i32
        %dma_start3A_117 = tpu.memref_slice %arg13[%add3A_93, %dma_start3A_116] : memref<10048x48xf32, #tpu.memory_space<vmem_shared>> -> memref<128x48xf32, #tpu.memory_space<vmem_shared>>
        tpu.enqueue_dma source(%dma_start3A_117 : memref<128x48xf32, #tpu.memory_space<vmem_shared>>) target(%dma_start3A_115 : memref<128x48xf32, #tpu.memory_space<vmem>>) target_semaphore(%run_scoped3A : memref<!tpu.dma_semaphore, #tpu.memory_space<semaphore_mem>>)
        %dma_wait3A_118 = arith.constant 0 : i32
        %dma_wait3A_119 = arith.constant 0 : i32
        %dma_wait3A_120 = tpu.memref_slice %arg11[%dma_wait3A_118, %dma_wait3A_119] : memref<128x48xf32, #tpu.memory_space<vmem>> -> memref<128x48xf32, #tpu.memory_space<vmem>>
        %dma_wait3A_121 = arith.constant 0 : i32
        %dma_wait3A_122 = tpu.memref_slice %arg13[%add3A_93, %dma_wait3A_121] : memref<10048x48xf32, #tpu.memory_space<vmem_shared>> -> memref<128x48xf32, #tpu.memory_space<vmem_shared>>
        %dma_wait3A_123 = arith.constant 0 : i32
        %dma_wait3A_124 = arith.constant 0 : i32
        %dma_wait3A_125 = tpu.memref_slice %arg11[%dma_wait3A_123, %dma_wait3A_124] : memref<128x48xf32, #tpu.memory_space<vmem>> -> memref<128x48xf32, #tpu.memory_space<vmem>>
        %dma_wait3A_126 = arith.constant 0 : i32
        %dma_wait3A_127 = tpu.memref_slice %arg13[%add3A_93, %dma_wait3A_126] : memref<10048x48xf32, #tpu.memory_space<vmem_shared>> -> memref<128x48xf32, #tpu.memory_space<vmem_shared>>
        tpu.wait_dma2 semaphore(%run_scoped3A : memref<!tpu.dma_semaphore, #tpu.memory_space<semaphore_mem>>) src(%dma_wait3A_127 : memref<128x48xf32, #tpu.memory_space<vmem_shared>>) dst(%dma_wait3A_125 : memref<128x48xf32, #tpu.memory_space<vmem>>)
        tpu.yield
      }) : () -> ()
      "tpu.region"() ({
        %run_scoped3A = tpu.sem_alloc : memref<!tpu.dma_semaphore, #tpu.memory_space<semaphore_mem>>
        %dma_start3A_108 = arith.constant 0 : i32
        %dma_start3A_109 = arith.constant 0 : i32
        %dma_start3A_110 = tpu.memref_slice %arg11[%dma_start3A_108, %dma_start3A_109] : memref<128x48xf32, #tpu.memory_space<vmem>> -> memref<128x48xf32, #tpu.memory_space<vmem>>
        %dma_start3A_111 = arith.constant 0 : i32
        %dma_start3A_112 = arith.constant 0 : i32
        %dma_start3A_113 = arith.constant 0 : i32
        %dma_start3A_114 = tpu.memref_slice %arg6[%arg0, %dma_start3A_111, %dma_start3A_112, %dma_start3A_113] : memref<2x3x10240x48xf32, #tpu.memory_space<hbm>> -> memref<1x3x10240x48xf32, #tpu.memory_space<hbm>>
        %dma_start3A_115 = tpu.memref_squeeze %dma_start3A_114 : memref<1x3x10240x48xf32, #tpu.memory_space<hbm>> -> memref<3x10240x48xf32, #tpu.memory_space<hbm>>
        %dma_start3A_116 = arith.constant 0 : i32
        %dma_start3A_117 = arith.constant 0 : i32
        %dma_start3A_118 = tpu.memref_slice %dma_start3A_115[%scan3A_9, %dma_start3A_116, %dma_start3A_117] : memref<3x10240x48xf32, #tpu.memory_space<hbm>> -> memref<1x10240x48xf32, #tpu.memory_space<hbm>>
        %dma_start3A_119 = tpu.memref_squeeze %dma_start3A_118 : memref<1x10240x48xf32, #tpu.memory_space<hbm>> -> memref<10240x48xf32, #tpu.memory_space<hbm>>
        %dma_start3A_120 = arith.constant 0 : i32
        %dma_start3A_121 = tpu.memref_slice %dma_start3A_119[%add3A_93, %dma_start3A_120] : memref<10240x48xf32, #tpu.memory_space<hbm>> -> memref<128x48xf32, #tpu.memory_space<hbm>>
        %dma_start3A_122 = arith.constant 0 : i32
        %dma_start3A_123 = arith.constant 0 : i32
        %dma_start3A_124 = arith.constant 0 : i32
        %dma_start3A_125 = tpu.memref_slice %arg6[%arg0, %dma_start3A_122, %dma_start3A_123, %dma_start3A_124] : memref<2x3x10240x48xf32, #tpu.memory_space<hbm>> -> memref<1x3x10240x48xf32, #tpu.memory_space<hbm>>
        %dma_start3A_126 = tpu.memref_squeeze %dma_start3A_125 : memref<1x3x10240x48xf32, #tpu.memory_space<hbm>> -> memref<3x10240x48xf32, #tpu.memory_space<hbm>>
        %dma_start3A_127 = arith.constant 0 : i32
        %dma_start3A_128 = arith.constant 0 : i32
        %dma_start3A_129 = tpu.memref_slice %dma_start3A_126[%scan3A_9, %dma_start3A_127, %dma_start3A_128] : memref<3x10240x48xf32, #tpu.memory_space<hbm>> -> memref<1x10240x48xf32, #tpu.memory_space<hbm>>
        %dma_start3A_130 = tpu.memref_squeeze %dma_start3A_129 : memref<1x10240x48xf32, #tpu.memory_space<hbm>> -> memref<10240x48xf32, #tpu.memory_space<hbm>>
        %dma_start3A_131 = arith.constant 0 : i32
        %dma_start3A_132 = tpu.memref_slice %dma_start3A_130[%add3A_93, %dma_start3A_131] : memref<10240x48xf32, #tpu.memory_space<hbm>> -> memref<128x48xf32, #tpu.memory_space<hbm>>
        %dma_start3A_133 = arith.constant 0 : i32
        %dma_start3A_134 = arith.constant 0 : i32
        %dma_start3A_135 = tpu.memref_slice %arg11[%dma_start3A_133, %dma_start3A_134] : memref<128x48xf32, #tpu.memory_space<vmem>> -> memref<128x48xf32, #tpu.memory_space<vmem>>
        tpu.enqueue_dma source(%dma_start3A_135 : memref<128x48xf32, #tpu.memory_space<vmem>>) target(%dma_start3A_132 : memref<128x48xf32, #tpu.memory_space<hbm>>) target_semaphore(%run_scoped3A : memref<!tpu.dma_semaphore, #tpu.memory_space<semaphore_mem>>)
        %dma_wait3A_136 = arith.constant 0 : i32
        %dma_wait3A_137 = arith.constant 0 : i32
        %dma_wait3A_138 = tpu.memref_slice %arg11[%dma_wait3A_136, %dma_wait3A_137] : memref<128x48xf32, #tpu.memory_space<vmem>> -> memref<128x48xf32, #tpu.memory_space<vmem>>
        %dma_wait3A_139 = arith.constant 0 : i32
        %dma_wait3A_140 = arith.constant 0 : i32
        %dma_wait3A_141 = arith.constant 0 : i32
        %dma_wait3A_142 = tpu.memref_slice %arg6[%arg0, %dma_wait3A_139, %dma_wait3A_140, %dma_wait3A_141] : memref<2x3x10240x48xf32, #tpu.memory_space<hbm>> -> memref<1x3x10240x48xf32, #tpu.memory_space<hbm>>
        %dma_wait3A_143 = tpu.memref_squeeze %dma_wait3A_142 : memref<1x3x10240x48xf32, #tpu.memory_space<hbm>> -> memref<3x10240x48xf32, #tpu.memory_space<hbm>>
        %dma_wait3A_144 = arith.constant 0 : i32
        %dma_wait3A_145 = arith.constant 0 : i32
        %dma_wait3A_146 = tpu.memref_slice %dma_wait3A_143[%scan3A_9, %dma_wait3A_144, %dma_wait3A_145] : memref<3x10240x48xf32, #tpu.memory_space<hbm>> -> memref<1x10240x48xf32, #tpu.memory_space<hbm>>
        %dma_wait3A_147 = tpu.memref_squeeze %dma_wait3A_146 : memref<1x10240x48xf32, #tpu.memory_space<hbm>> -> memref<10240x48xf32, #tpu.memory_space<hbm>>
        %dma_wait3A_148 = arith.constant 0 : i32
        %dma_wait3A_149 = tpu.memref_slice %dma_wait3A_147[%add3A_93, %dma_wait3A_148] : memref<10240x48xf32, #tpu.memory_space<hbm>> -> memref<128x48xf32, #tpu.memory_space<hbm>>
        %dma_wait3A_150 = arith.constant 0 : i32
        %dma_wait3A_151 = arith.constant 0 : i32
        %dma_wait3A_152 = arith.constant 0 : i32
        %dma_wait3A_153 = tpu.memref_slice %arg6[%arg0, %dma_wait3A_150, %dma_wait3A_151, %dma_wait3A_152] : memref<2x3x10240x48xf32, #tpu.memory_space<hbm>> -> memref<1x3x10240x48xf32, #tpu.memory_space<hbm>>
        %dma_wait3A_154 = tpu.memref_squeeze %dma_wait3A_153 : memref<1x3x10240x48xf32, #tpu.memory_space<hbm>> -> memref<3x10240x48xf32, #tpu.memory_space<hbm>>
        %dma_wait3A_155 = arith.constant 0 : i32
        %dma_wait3A_156 = arith.constant 0 : i32
        %dma_wait3A_157 = tpu.memref_slice %dma_wait3A_154[%scan3A_9, %dma_wait3A_155, %dma_wait3A_156] : memref<3x10240x48xf32, #tpu.memory_space<hbm>> -> memref<1x10240x48xf32, #tpu.memory_space<hbm>>
        %dma_wait3A_158 = tpu.memref_squeeze %dma_wait3A_157 : memref<1x10240x48xf32, #tpu.memory_space<hbm>> -> memref<10240x48xf32, #tpu.memory_space<hbm>>
        %dma_wait3A_159 = arith.constant 0 : i32
        %dma_wait3A_160 = tpu.memref_slice %dma_wait3A_158[%add3A_93, %dma_wait3A_159] : memref<10240x48xf32, #tpu.memory_space<hbm>> -> memref<128x48xf32, #tpu.memory_space<hbm>>
        %dma_wait3A_161 = arith.constant 0 : i32
        %dma_wait3A_162 = arith.constant 0 : i32
        %dma_wait3A_163 = tpu.memref_slice %arg11[%dma_wait3A_161, %dma_wait3A_162] : memref<128x48xf32, #tpu.memory_space<vmem>> -> memref<128x48xf32, #tpu.memory_space<vmem>>
        tpu.wait_dma2 semaphore(%run_scoped3A : memref<!tpu.dma_semaphore, #tpu.memory_space<semaphore_mem>>) src(%dma_wait3A_163 : memref<128x48xf32, #tpu.memory_space<vmem>>) dst(%dma_wait3A_160 : memref<128x48xf32, #tpu.memory_space<hbm>>)
        tpu.yield
      }) : () -> ()
      %mul3A_94 = arith.constant 628 : i32
      %mul3A_95 = arith.muli %arg1, %mul3A_94 : i32
      %add3A_96 = arith.constant 256 : i32
      %add3A_97 = arith.addi %mul3A_95, %add3A_96 : i32
      "tpu.region"() ({
        %run_scoped3A = tpu.sem_alloc : memref<!tpu.dma_semaphore, #tpu.memory_space<semaphore_mem>>
        %dma_start3A_108 = arith.constant 0 : i32
        %dma_start3A_109 = arith.constant 0 : i32
        %dma_start3A_110 = tpu.memref_slice %arg11[%dma_start3A_108, %dma_start3A_109] : memref<128x48xf32, #tpu.memory_space<vmem>> -> memref<128x48xf32, #tpu.memory_space<vmem>>
        %dma_start3A_111 = arith.constant 0 : i32
        %dma_start3A_112 = tpu.memref_slice %arg13[%add3A_97, %dma_start3A_111] : memref<10048x48xf32, #tpu.memory_space<vmem_shared>> -> memref<128x48xf32, #tpu.memory_space<vmem_shared>>
        %dma_start3A_113 = arith.constant 0 : i32
        %dma_start3A_114 = arith.constant 0 : i32
        %dma_start3A_115 = tpu.memref_slice %arg11[%dma_start3A_113, %dma_start3A_114] : memref<128x48xf32, #tpu.memory_space<vmem>> -> memref<128x48xf32, #tpu.memory_space<vmem>>
        %dma_start3A_116 = arith.constant 0 : i32
        %dma_start3A_117 = tpu.memref_slice %arg13[%add3A_97, %dma_start3A_116] : memref<10048x48xf32, #tpu.memory_space<vmem_shared>> -> memref<128x48xf32, #tpu.memory_space<vmem_shared>>
        tpu.enqueue_dma source(%dma_start3A_117 : memref<128x48xf32, #tpu.memory_space<vmem_shared>>) target(%dma_start3A_115 : memref<128x48xf32, #tpu.memory_space<vmem>>) target_semaphore(%run_scoped3A : memref<!tpu.dma_semaphore, #tpu.memory_space<semaphore_mem>>)
        %dma_wait3A_118 = arith.constant 0 : i32
        %dma_wait3A_119 = arith.constant 0 : i32
        %dma_wait3A_120 = tpu.memref_slice %arg11[%dma_wait3A_118, %dma_wait3A_119] : memref<128x48xf32, #tpu.memory_space<vmem>> -> memref<128x48xf32, #tpu.memory_space<vmem>>
        %dma_wait3A_121 = arith.constant 0 : i32
        %dma_wait3A_122 = tpu.memref_slice %arg13[%add3A_97, %dma_wait3A_121] : memref<10048x48xf32, #tpu.memory_space<vmem_shared>> -> memref<128x48xf32, #tpu.memory_space<vmem_shared>>
        %dma_wait3A_123 = arith.constant 0 : i32
        %dma_wait3A_124 = arith.constant 0 : i32
        %dma_wait3A_125 = tpu.memref_slice %arg11[%dma_wait3A_123, %dma_wait3A_124] : memref<128x48xf32, #tpu.memory_space<vmem>> -> memref<128x48xf32, #tpu.memory_space<vmem>>
        %dma_wait3A_126 = arith.constant 0 : i32
        %dma_wait3A_127 = tpu.memref_slice %arg13[%add3A_97, %dma_wait3A_126] : memref<10048x48xf32, #tpu.memory_space<vmem_shared>> -> memref<128x48xf32, #tpu.memory_space<vmem_shared>>
        tpu.wait_dma2 semaphore(%run_scoped3A : memref<!tpu.dma_semaphore, #tpu.memory_space<semaphore_mem>>) src(%dma_wait3A_127 : memref<128x48xf32, #tpu.memory_space<vmem_shared>>) dst(%dma_wait3A_125 : memref<128x48xf32, #tpu.memory_space<vmem>>)
        tpu.yield
      }) : () -> ()
      "tpu.region"() ({
        %run_scoped3A = tpu.sem_alloc : memref<!tpu.dma_semaphore, #tpu.memory_space<semaphore_mem>>
        %dma_start3A_108 = arith.constant 0 : i32
        %dma_start3A_109 = arith.constant 0 : i32
        %dma_start3A_110 = tpu.memref_slice %arg11[%dma_start3A_108, %dma_start3A_109] : memref<128x48xf32, #tpu.memory_space<vmem>> -> memref<128x48xf32, #tpu.memory_space<vmem>>
        %dma_start3A_111 = arith.constant 0 : i32
        %dma_start3A_112 = arith.constant 0 : i32
        %dma_start3A_113 = arith.constant 0 : i32
        %dma_start3A_114 = tpu.memref_slice %arg6[%arg0, %dma_start3A_111, %dma_start3A_112, %dma_start3A_113] : memref<2x3x10240x48xf32, #tpu.memory_space<hbm>> -> memref<1x3x10240x48xf32, #tpu.memory_space<hbm>>
        %dma_start3A_115 = tpu.memref_squeeze %dma_start3A_114 : memref<1x3x10240x48xf32, #tpu.memory_space<hbm>> -> memref<3x10240x48xf32, #tpu.memory_space<hbm>>
        %dma_start3A_116 = arith.constant 0 : i32
        %dma_start3A_117 = arith.constant 0 : i32
        %dma_start3A_118 = tpu.memref_slice %dma_start3A_115[%scan3A_9, %dma_start3A_116, %dma_start3A_117] : memref<3x10240x48xf32, #tpu.memory_space<hbm>> -> memref<1x10240x48xf32, #tpu.memory_space<hbm>>
        %dma_start3A_119 = tpu.memref_squeeze %dma_start3A_118 : memref<1x10240x48xf32, #tpu.memory_space<hbm>> -> memref<10240x48xf32, #tpu.memory_space<hbm>>
        %dma_start3A_120 = arith.constant 0 : i32
        %dma_start3A_121 = tpu.memref_slice %dma_start3A_119[%add3A_97, %dma_start3A_120] : memref<10240x48xf32, #tpu.memory_space<hbm>> -> memref<128x48xf32, #tpu.memory_space<hbm>>
        %dma_start3A_122 = arith.constant 0 : i32
        %dma_start3A_123 = arith.constant 0 : i32
        %dma_start3A_124 = arith.constant 0 : i32
        %dma_start3A_125 = tpu.memref_slice %arg6[%arg0, %dma_start3A_122, %dma_start3A_123, %dma_start3A_124] : memref<2x3x10240x48xf32, #tpu.memory_space<hbm>> -> memref<1x3x10240x48xf32, #tpu.memory_space<hbm>>
        %dma_start3A_126 = tpu.memref_squeeze %dma_start3A_125 : memref<1x3x10240x48xf32, #tpu.memory_space<hbm>> -> memref<3x10240x48xf32, #tpu.memory_space<hbm>>
        %dma_start3A_127 = arith.constant 0 : i32
        %dma_start3A_128 = arith.constant 0 : i32
        %dma_start3A_129 = tpu.memref_slice %dma_start3A_126[%scan3A_9, %dma_start3A_127, %dma_start3A_128] : memref<3x10240x48xf32, #tpu.memory_space<hbm>> -> memref<1x10240x48xf32, #tpu.memory_space<hbm>>
        %dma_start3A_130 = tpu.memref_squeeze %dma_start3A_129 : memref<1x10240x48xf32, #tpu.memory_space<hbm>> -> memref<10240x48xf32, #tpu.memory_space<hbm>>
        %dma_start3A_131 = arith.constant 0 : i32
        %dma_start3A_132 = tpu.memref_slice %dma_start3A_130[%add3A_97, %dma_start3A_131] : memref<10240x48xf32, #tpu.memory_space<hbm>> -> memref<128x48xf32, #tpu.memory_space<hbm>>
        %dma_start3A_133 = arith.constant 0 : i32
        %dma_start3A_134 = arith.constant 0 : i32
        %dma_start3A_135 = tpu.memref_slice %arg11[%dma_start3A_133, %dma_start3A_134] : memref<128x48xf32, #tpu.memory_space<vmem>> -> memref<128x48xf32, #tpu.memory_space<vmem>>
        tpu.enqueue_dma source(%dma_start3A_135 : memref<128x48xf32, #tpu.memory_space<vmem>>) target(%dma_start3A_132 : memref<128x48xf32, #tpu.memory_space<hbm>>) target_semaphore(%run_scoped3A : memref<!tpu.dma_semaphore, #tpu.memory_space<semaphore_mem>>)
        %dma_wait3A_136 = arith.constant 0 : i32
        %dma_wait3A_137 = arith.constant 0 : i32
        %dma_wait3A_138 = tpu.memref_slice %arg11[%dma_wait3A_136, %dma_wait3A_137] : memref<128x48xf32, #tpu.memory_space<vmem>> -> memref<128x48xf32, #tpu.memory_space<vmem>>
        %dma_wait3A_139 = arith.constant 0 : i32
        %dma_wait3A_140 = arith.constant 0 : i32
        %dma_wait3A_141 = arith.constant 0 : i32
        %dma_wait3A_142 = tpu.memref_slice %arg6[%arg0, %dma_wait3A_139, %dma_wait3A_140, %dma_wait3A_141] : memref<2x3x10240x48xf32, #tpu.memory_space<hbm>> -> memref<1x3x10240x48xf32, #tpu.memory_space<hbm>>
        %dma_wait3A_143 = tpu.memref_squeeze %dma_wait3A_142 : memref<1x3x10240x48xf32, #tpu.memory_space<hbm>> -> memref<3x10240x48xf32, #tpu.memory_space<hbm>>
        %dma_wait3A_144 = arith.constant 0 : i32
        %dma_wait3A_145 = arith.constant 0 : i32
        %dma_wait3A_146 = tpu.memref_slice %dma_wait3A_143[%scan3A_9, %dma_wait3A_144, %dma_wait3A_145] : memref<3x10240x48xf32, #tpu.memory_space<hbm>> -> memref<1x10240x48xf32, #tpu.memory_space<hbm>>
        %dma_wait3A_147 = tpu.memref_squeeze %dma_wait3A_146 : memref<1x10240x48xf32, #tpu.memory_space<hbm>> -> memref<10240x48xf32, #tpu.memory_space<hbm>>
        %dma_wait3A_148 = arith.constant 0 : i32
        %dma_wait3A_149 = tpu.memref_slice %dma_wait3A_147[%add3A_97, %dma_wait3A_148] : memref<10240x48xf32, #tpu.memory_space<hbm>> -> memref<128x48xf32, #tpu.memory_space<hbm>>
        %dma_wait3A_150 = arith.constant 0 : i32
        %dma_wait3A_151 = arith.constant 0 : i32
        %dma_wait3A_152 = arith.constant 0 : i32
        %dma_wait3A_153 = tpu.memref_slice %arg6[%arg0, %dma_wait3A_150, %dma_wait3A_151, %dma_wait3A_152] : memref<2x3x10240x48xf32, #tpu.memory_space<hbm>> -> memref<1x3x10240x48xf32, #tpu.memory_space<hbm>>
        %dma_wait3A_154 = tpu.memref_squeeze %dma_wait3A_153 : memref<1x3x10240x48xf32, #tpu.memory_space<hbm>> -> memref<3x10240x48xf32, #tpu.memory_space<hbm>>
        %dma_wait3A_155 = arith.constant 0 : i32
        %dma_wait3A_156 = arith.constant 0 : i32
        %dma_wait3A_157 = tpu.memref_slice %dma_wait3A_154[%scan3A_9, %dma_wait3A_155, %dma_wait3A_156] : memref<3x10240x48xf32, #tpu.memory_space<hbm>> -> memref<1x10240x48xf32, #tpu.memory_space<hbm>>
        %dma_wait3A_158 = tpu.memref_squeeze %dma_wait3A_157 : memref<1x10240x48xf32, #tpu.memory_space<hbm>> -> memref<10240x48xf32, #tpu.memory_space<hbm>>
        %dma_wait3A_159 = arith.constant 0 : i32
        %dma_wait3A_160 = tpu.memref_slice %dma_wait3A_158[%add3A_97, %dma_wait3A_159] : memref<10240x48xf32, #tpu.memory_space<hbm>> -> memref<128x48xf32, #tpu.memory_space<hbm>>
        %dma_wait3A_161 = arith.constant 0 : i32
        %dma_wait3A_162 = arith.constant 0 : i32
        %dma_wait3A_163 = tpu.memref_slice %arg11[%dma_wait3A_161, %dma_wait3A_162] : memref<128x48xf32, #tpu.memory_space<vmem>> -> memref<128x48xf32, #tpu.memory_space<vmem>>
        tpu.wait_dma2 semaphore(%run_scoped3A : memref<!tpu.dma_semaphore, #tpu.memory_space<semaphore_mem>>) src(%dma_wait3A_163 : memref<128x48xf32, #tpu.memory_space<vmem>>) dst(%dma_wait3A_160 : memref<128x48xf32, #tpu.memory_space<hbm>>)
        tpu.yield
      }) : () -> ()
      %mul3A_98 = arith.constant 628 : i32
      %mul3A_99 = arith.muli %arg1, %mul3A_98 : i32
      %add3A_100 = arith.constant 384 : i32
      %add3A_101 = arith.addi %mul3A_99, %add3A_100 : i32
      "tpu.region"() ({
        %run_scoped3A = tpu.sem_alloc : memref<!tpu.dma_semaphore, #tpu.memory_space<semaphore_mem>>
        %dma_start3A_108 = arith.constant 0 : i32
        %dma_start3A_109 = arith.constant 0 : i32
        %dma_start3A_110 = tpu.memref_slice %arg11[%dma_start3A_108, %dma_start3A_109] : memref<128x48xf32, #tpu.memory_space<vmem>> -> memref<128x48xf32, #tpu.memory_space<vmem>>
        %dma_start3A_111 = arith.constant 0 : i32
        %dma_start3A_112 = tpu.memref_slice %arg13[%add3A_101, %dma_start3A_111] : memref<10048x48xf32, #tpu.memory_space<vmem_shared>> -> memref<128x48xf32, #tpu.memory_space<vmem_shared>>
        %dma_start3A_113 = arith.constant 0 : i32
        %dma_start3A_114 = arith.constant 0 : i32
        %dma_start3A_115 = tpu.memref_slice %arg11[%dma_start3A_113, %dma_start3A_114] : memref<128x48xf32, #tpu.memory_space<vmem>> -> memref<128x48xf32, #tpu.memory_space<vmem>>
        %dma_start3A_116 = arith.constant 0 : i32
        %dma_start3A_117 = tpu.memref_slice %arg13[%add3A_101, %dma_start3A_116] : memref<10048x48xf32, #tpu.memory_space<vmem_shared>> -> memref<128x48xf32, #tpu.memory_space<vmem_shared>>
        tpu.enqueue_dma source(%dma_start3A_117 : memref<128x48xf32, #tpu.memory_space<vmem_shared>>) target(%dma_start3A_115 : memref<128x48xf32, #tpu.memory_space<vmem>>) target_semaphore(%run_scoped3A : memref<!tpu.dma_semaphore, #tpu.memory_space<semaphore_mem>>)
        %dma_wait3A_118 = arith.constant 0 : i32
        %dma_wait3A_119 = arith.constant 0 : i32
        %dma_wait3A_120 = tpu.memref_slice %arg11[%dma_wait3A_118, %dma_wait3A_119] : memref<128x48xf32, #tpu.memory_space<vmem>> -> memref<128x48xf32, #tpu.memory_space<vmem>>
        %dma_wait3A_121 = arith.constant 0 : i32
        %dma_wait3A_122 = tpu.memref_slice %arg13[%add3A_101, %dma_wait3A_121] : memref<10048x48xf32, #tpu.memory_space<vmem_shared>> -> memref<128x48xf32, #tpu.memory_space<vmem_shared>>
        %dma_wait3A_123 = arith.constant 0 : i32
        %dma_wait3A_124 = arith.constant 0 : i32
        %dma_wait3A_125 = tpu.memref_slice %arg11[%dma_wait3A_123, %dma_wait3A_124] : memref<128x48xf32, #tpu.memory_space<vmem>> -> memref<128x48xf32, #tpu.memory_space<vmem>>
        %dma_wait3A_126 = arith.constant 0 : i32
        %dma_wait3A_127 = tpu.memref_slice %arg13[%add3A_101, %dma_wait3A_126] : memref<10048x48xf32, #tpu.memory_space<vmem_shared>> -> memref<128x48xf32, #tpu.memory_space<vmem_shared>>
        tpu.wait_dma2 semaphore(%run_scoped3A : memref<!tpu.dma_semaphore, #tpu.memory_space<semaphore_mem>>) src(%dma_wait3A_127 : memref<128x48xf32, #tpu.memory_space<vmem_shared>>) dst(%dma_wait3A_125 : memref<128x48xf32, #tpu.memory_space<vmem>>)
        tpu.yield
      }) : () -> ()
      "tpu.region"() ({
        %run_scoped3A = tpu.sem_alloc : memref<!tpu.dma_semaphore, #tpu.memory_space<semaphore_mem>>
        %dma_start3A_108 = arith.constant 0 : i32
        %dma_start3A_109 = arith.constant 0 : i32
        %dma_start3A_110 = tpu.memref_slice %arg11[%dma_start3A_108, %dma_start3A_109] : memref<128x48xf32, #tpu.memory_space<vmem>> -> memref<128x48xf32, #tpu.memory_space<vmem>>
        %dma_start3A_111 = arith.constant 0 : i32
        %dma_start3A_112 = arith.constant 0 : i32
        %dma_start3A_113 = arith.constant 0 : i32
        %dma_start3A_114 = tpu.memref_slice %arg6[%arg0, %dma_start3A_111, %dma_start3A_112, %dma_start3A_113] : memref<2x3x10240x48xf32, #tpu.memory_space<hbm>> -> memref<1x3x10240x48xf32, #tpu.memory_space<hbm>>
        %dma_start3A_115 = tpu.memref_squeeze %dma_start3A_114 : memref<1x3x10240x48xf32, #tpu.memory_space<hbm>> -> memref<3x10240x48xf32, #tpu.memory_space<hbm>>
        %dma_start3A_116 = arith.constant 0 : i32
        %dma_start3A_117 = arith.constant 0 : i32
        %dma_start3A_118 = tpu.memref_slice %dma_start3A_115[%scan3A_9, %dma_start3A_116, %dma_start3A_117] : memref<3x10240x48xf32, #tpu.memory_space<hbm>> -> memref<1x10240x48xf32, #tpu.memory_space<hbm>>
        %dma_start3A_119 = tpu.memref_squeeze %dma_start3A_118 : memref<1x10240x48xf32, #tpu.memory_space<hbm>> -> memref<10240x48xf32, #tpu.memory_space<hbm>>
        %dma_start3A_120 = arith.constant 0 : i32
        %dma_start3A_121 = tpu.memref_slice %dma_start3A_119[%add3A_101, %dma_start3A_120] : memref<10240x48xf32, #tpu.memory_space<hbm>> -> memref<128x48xf32, #tpu.memory_space<hbm>>
        %dma_start3A_122 = arith.constant 0 : i32
        %dma_start3A_123 = arith.constant 0 : i32
        %dma_start3A_124 = arith.constant 0 : i32
        %dma_start3A_125 = tpu.memref_slice %arg6[%arg0, %dma_start3A_122, %dma_start3A_123, %dma_start3A_124] : memref<2x3x10240x48xf32, #tpu.memory_space<hbm>> -> memref<1x3x10240x48xf32, #tpu.memory_space<hbm>>
        %dma_start3A_126 = tpu.memref_squeeze %dma_start3A_125 : memref<1x3x10240x48xf32, #tpu.memory_space<hbm>> -> memref<3x10240x48xf32, #tpu.memory_space<hbm>>
        %dma_start3A_127 = arith.constant 0 : i32
        %dma_start3A_128 = arith.constant 0 : i32
        %dma_start3A_129 = tpu.memref_slice %dma_start3A_126[%scan3A_9, %dma_start3A_127, %dma_start3A_128] : memref<3x10240x48xf32, #tpu.memory_space<hbm>> -> memref<1x10240x48xf32, #tpu.memory_space<hbm>>
        %dma_start3A_130 = tpu.memref_squeeze %dma_start3A_129 : memref<1x10240x48xf32, #tpu.memory_space<hbm>> -> memref<10240x48xf32, #tpu.memory_space<hbm>>
        %dma_start3A_131 = arith.constant 0 : i32
        %dma_start3A_132 = tpu.memref_slice %dma_start3A_130[%add3A_101, %dma_start3A_131] : memref<10240x48xf32, #tpu.memory_space<hbm>> -> memref<128x48xf32, #tpu.memory_space<hbm>>
        %dma_start3A_133 = arith.constant 0 : i32
        %dma_start3A_134 = arith.constant 0 : i32
        %dma_start3A_135 = tpu.memref_slice %arg11[%dma_start3A_133, %dma_start3A_134] : memref<128x48xf32, #tpu.memory_space<vmem>> -> memref<128x48xf32, #tpu.memory_space<vmem>>
        tpu.enqueue_dma source(%dma_start3A_135 : memref<128x48xf32, #tpu.memory_space<vmem>>) target(%dma_start3A_132 : memref<128x48xf32, #tpu.memory_space<hbm>>) target_semaphore(%run_scoped3A : memref<!tpu.dma_semaphore, #tpu.memory_space<semaphore_mem>>)
        %dma_wait3A_136 = arith.constant 0 : i32
        %dma_wait3A_137 = arith.constant 0 : i32
        %dma_wait3A_138 = tpu.memref_slice %arg11[%dma_wait3A_136, %dma_wait3A_137] : memref<128x48xf32, #tpu.memory_space<vmem>> -> memref<128x48xf32, #tpu.memory_space<vmem>>
        %dma_wait3A_139 = arith.constant 0 : i32
        %dma_wait3A_140 = arith.constant 0 : i32
        %dma_wait3A_141 = arith.constant 0 : i32
        %dma_wait3A_142 = tpu.memref_slice %arg6[%arg0, %dma_wait3A_139, %dma_wait3A_140, %dma_wait3A_141] : memref<2x3x10240x48xf32, #tpu.memory_space<hbm>> -> memref<1x3x10240x48xf32, #tpu.memory_space<hbm>>
        %dma_wait3A_143 = tpu.memref_squeeze %dma_wait3A_142 : memref<1x3x10240x48xf32, #tpu.memory_space<hbm>> -> memref<3x10240x48xf32, #tpu.memory_space<hbm>>
        %dma_wait3A_144 = arith.constant 0 : i32
        %dma_wait3A_145 = arith.constant 0 : i32
        %dma_wait3A_146 = tpu.memref_slice %dma_wait3A_143[%scan3A_9, %dma_wait3A_144, %dma_wait3A_145] : memref<3x10240x48xf32, #tpu.memory_space<hbm>> -> memref<1x10240x48xf32, #tpu.memory_space<hbm>>
        %dma_wait3A_147 = tpu.memref_squeeze %dma_wait3A_146 : memref<1x10240x48xf32, #tpu.memory_space<hbm>> -> memref<10240x48xf32, #tpu.memory_space<hbm>>
        %dma_wait3A_148 = arith.constant 0 : i32
        %dma_wait3A_149 = tpu.memref_slice %dma_wait3A_147[%add3A_101, %dma_wait3A_148] : memref<10240x48xf32, #tpu.memory_space<hbm>> -> memref<128x48xf32, #tpu.memory_space<hbm>>
        %dma_wait3A_150 = arith.constant 0 : i32
        %dma_wait3A_151 = arith.constant 0 : i32
        %dma_wait3A_152 = arith.constant 0 : i32
        %dma_wait3A_153 = tpu.memref_slice %arg6[%arg0, %dma_wait3A_150, %dma_wait3A_151, %dma_wait3A_152] : memref<2x3x10240x48xf32, #tpu.memory_space<hbm>> -> memref<1x3x10240x48xf32, #tpu.memory_space<hbm>>
        %dma_wait3A_154 = tpu.memref_squeeze %dma_wait3A_153 : memref<1x3x10240x48xf32, #tpu.memory_space<hbm>> -> memref<3x10240x48xf32, #tpu.memory_space<hbm>>
        %dma_wait3A_155 = arith.constant 0 : i32
        %dma_wait3A_156 = arith.constant 0 : i32
        %dma_wait3A_157 = tpu.memref_slice %dma_wait3A_154[%scan3A_9, %dma_wait3A_155, %dma_wait3A_156] : memref<3x10240x48xf32, #tpu.memory_space<hbm>> -> memref<1x10240x48xf32, #tpu.memory_space<hbm>>
        %dma_wait3A_158 = tpu.memref_squeeze %dma_wait3A_157 : memref<1x10240x48xf32, #tpu.memory_space<hbm>> -> memref<10240x48xf32, #tpu.memory_space<hbm>>
        %dma_wait3A_159 = arith.constant 0 : i32
        %dma_wait3A_160 = tpu.memref_slice %dma_wait3A_158[%add3A_101, %dma_wait3A_159] : memref<10240x48xf32, #tpu.memory_space<hbm>> -> memref<128x48xf32, #tpu.memory_space<hbm>>
        %dma_wait3A_161 = arith.constant 0 : i32
        %dma_wait3A_162 = arith.constant 0 : i32
        %dma_wait3A_163 = tpu.memref_slice %arg11[%dma_wait3A_161, %dma_wait3A_162] : memref<128x48xf32, #tpu.memory_space<vmem>> -> memref<128x48xf32, #tpu.memory_space<vmem>>
        tpu.wait_dma2 semaphore(%run_scoped3A : memref<!tpu.dma_semaphore, #tpu.memory_space<semaphore_mem>>) src(%dma_wait3A_163 : memref<128x48xf32, #tpu.memory_space<vmem>>) dst(%dma_wait3A_160 : memref<128x48xf32, #tpu.memory_space<hbm>>)
        tpu.yield
      }) : () -> ()
      %mul3A_102 = arith.constant 628 : i32
      %mul3A_103 = arith.muli %arg1, %mul3A_102 : i32
      %add3A_104 = arith.constant 512 : i32
      %add3A_105 = arith.addi %mul3A_103, %add3A_104 : i32
      "tpu.region"() ({
        %run_scoped3A = tpu.sem_alloc : memref<!tpu.dma_semaphore, #tpu.memory_space<semaphore_mem>>
        %dma_start3A_108 = arith.constant 0 : i32
        %dma_start3A_109 = arith.constant 0 : i32
        %dma_start3A_110 = tpu.memref_slice %arg11[%dma_start3A_108, %dma_start3A_109] : memref<128x48xf32, #tpu.memory_space<vmem>> -> memref<116x48xf32, #tpu.memory_space<vmem>>
        %dma_start3A_111 = arith.constant 0 : i32
        %dma_start3A_112 = tpu.memref_slice %arg13[%add3A_105, %dma_start3A_111] : memref<10048x48xf32, #tpu.memory_space<vmem_shared>> -> memref<116x48xf32, #tpu.memory_space<vmem_shared>>
        %dma_start3A_113 = arith.constant 0 : i32
        %dma_start3A_114 = arith.constant 0 : i32
        %dma_start3A_115 = tpu.memref_slice %arg11[%dma_start3A_113, %dma_start3A_114] : memref<128x48xf32, #tpu.memory_space<vmem>> -> memref<116x48xf32, #tpu.memory_space<vmem>>
        %dma_start3A_116 = arith.constant 0 : i32
        %dma_start3A_117 = tpu.memref_slice %arg13[%add3A_105, %dma_start3A_116] : memref<10048x48xf32, #tpu.memory_space<vmem_shared>> -> memref<116x48xf32, #tpu.memory_space<vmem_shared>>
        tpu.enqueue_dma source(%dma_start3A_117 : memref<116x48xf32, #tpu.memory_space<vmem_shared>>) target(%dma_start3A_115 : memref<116x48xf32, #tpu.memory_space<vmem>>) target_semaphore(%run_scoped3A : memref<!tpu.dma_semaphore, #tpu.memory_space<semaphore_mem>>)
        %dma_wait3A_118 = arith.constant 0 : i32
        %dma_wait3A_119 = arith.constant 0 : i32
        %dma_wait3A_120 = tpu.memref_slice %arg11[%dma_wait3A_118, %dma_wait3A_119] : memref<128x48xf32, #tpu.memory_space<vmem>> -> memref<116x48xf32, #tpu.memory_space<vmem>>
        %dma_wait3A_121 = arith.constant 0 : i32
        %dma_wait3A_122 = tpu.memref_slice %arg13[%add3A_105, %dma_wait3A_121] : memref<10048x48xf32, #tpu.memory_space<vmem_shared>> -> memref<116x48xf32, #tpu.memory_space<vmem_shared>>
        %dma_wait3A_123 = arith.constant 0 : i32
        %dma_wait3A_124 = arith.constant 0 : i32
        %dma_wait3A_125 = tpu.memref_slice %arg11[%dma_wait3A_123, %dma_wait3A_124] : memref<128x48xf32, #tpu.memory_space<vmem>> -> memref<116x48xf32, #tpu.memory_space<vmem>>
        %dma_wait3A_126 = arith.constant 0 : i32
        %dma_wait3A_127 = tpu.memref_slice %arg13[%add3A_105, %dma_wait3A_126] : memref<10048x48xf32, #tpu.memory_space<vmem_shared>> -> memref<116x48xf32, #tpu.memory_space<vmem_shared>>
        tpu.wait_dma2 semaphore(%run_scoped3A : memref<!tpu.dma_semaphore, #tpu.memory_space<semaphore_mem>>) src(%dma_wait3A_127 : memref<116x48xf32, #tpu.memory_space<vmem_shared>>) dst(%dma_wait3A_125 : memref<116x48xf32, #tpu.memory_space<vmem>>)
        tpu.yield
      }) : () -> ()
      "tpu.region"() ({
        %run_scoped3A = tpu.sem_alloc : memref<!tpu.dma_semaphore, #tpu.memory_space<semaphore_mem>>
        %dma_start3A_108 = arith.constant 0 : i32
        %dma_start3A_109 = arith.constant 0 : i32
        %dma_start3A_110 = tpu.memref_slice %arg11[%dma_start3A_108, %dma_start3A_109] : memref<128x48xf32, #tpu.memory_space<vmem>> -> memref<116x48xf32, #tpu.memory_space<vmem>>
        %dma_start3A_111 = arith.constant 0 : i32
        %dma_start3A_112 = arith.constant 0 : i32
        %dma_start3A_113 = arith.constant 0 : i32
        %dma_start3A_114 = tpu.memref_slice %arg6[%arg0, %dma_start3A_111, %dma_start3A_112, %dma_start3A_113] : memref<2x3x10240x48xf32, #tpu.memory_space<hbm>> -> memref<1x3x10240x48xf32, #tpu.memory_space<hbm>>
        %dma_start3A_115 = tpu.memref_squeeze %dma_start3A_114 : memref<1x3x10240x48xf32, #tpu.memory_space<hbm>> -> memref<3x10240x48xf32, #tpu.memory_space<hbm>>
        %dma_start3A_116 = arith.constant 0 : i32
        %dma_start3A_117 = arith.constant 0 : i32
        %dma_start3A_118 = tpu.memref_slice %dma_start3A_115[%scan3A_9, %dma_start3A_116, %dma_start3A_117] : memref<3x10240x48xf32, #tpu.memory_space<hbm>> -> memref<1x10240x48xf32, #tpu.memory_space<hbm>>
        %dma_start3A_119 = tpu.memref_squeeze %dma_start3A_118 : memref<1x10240x48xf32, #tpu.memory_space<hbm>> -> memref<10240x48xf32, #tpu.memory_space<hbm>>
        %dma_start3A_120 = arith.constant 0 : i32
        %dma_start3A_121 = tpu.memref_slice %dma_start3A_119[%add3A_105, %dma_start3A_120] : memref<10240x48xf32, #tpu.memory_space<hbm>> -> memref<116x48xf32, #tpu.memory_space<hbm>>
        %dma_start3A_122 = arith.constant 0 : i32
        %dma_start3A_123 = arith.constant 0 : i32
        %dma_start3A_124 = arith.constant 0 : i32
        %dma_start3A_125 = tpu.memref_slice %arg6[%arg0, %dma_start3A_122, %dma_start3A_123, %dma_start3A_124] : memref<2x3x10240x48xf32, #tpu.memory_space<hbm>> -> memref<1x3x10240x48xf32, #tpu.memory_space<hbm>>
        %dma_start3A_126 = tpu.memref_squeeze %dma_start3A_125 : memref<1x3x10240x48xf32, #tpu.memory_space<hbm>> -> memref<3x10240x48xf32, #tpu.memory_space<hbm>>
        %dma_start3A_127 = arith.constant 0 : i32
        %dma_start3A_128 = arith.constant 0 : i32
        %dma_start3A_129 = tpu.memref_slice %dma_start3A_126[%scan3A_9, %dma_start3A_127, %dma_start3A_128] : memref<3x10240x48xf32, #tpu.memory_space<hbm>> -> memref<1x10240x48xf32, #tpu.memory_space<hbm>>
        %dma_start3A_130 = tpu.memref_squeeze %dma_start3A_129 : memref<1x10240x48xf32, #tpu.memory_space<hbm>> -> memref<10240x48xf32, #tpu.memory_space<hbm>>
        %dma_start3A_131 = arith.constant 0 : i32
        %dma_start3A_132 = tpu.memref_slice %dma_start3A_130[%add3A_105, %dma_start3A_131] : memref<10240x48xf32, #tpu.memory_space<hbm>> -> memref<116x48xf32, #tpu.memory_space<hbm>>
        %dma_start3A_133 = arith.constant 0 : i32
        %dma_start3A_134 = arith.constant 0 : i32
        %dma_start3A_135 = tpu.memref_slice %arg11[%dma_start3A_133, %dma_start3A_134] : memref<128x48xf32, #tpu.memory_space<vmem>> -> memref<116x48xf32, #tpu.memory_space<vmem>>
        tpu.enqueue_dma source(%dma_start3A_135 : memref<116x48xf32, #tpu.memory_space<vmem>>) target(%dma_start3A_132 : memref<116x48xf32, #tpu.memory_space<hbm>>) target_semaphore(%run_scoped3A : memref<!tpu.dma_semaphore, #tpu.memory_space<semaphore_mem>>)
        %dma_wait3A_136 = arith.constant 0 : i32
        %dma_wait3A_137 = arith.constant 0 : i32
        %dma_wait3A_138 = tpu.memref_slice %arg11[%dma_wait3A_136, %dma_wait3A_137] : memref<128x48xf32, #tpu.memory_space<vmem>> -> memref<116x48xf32, #tpu.memory_space<vmem>>
        %dma_wait3A_139 = arith.constant 0 : i32
        %dma_wait3A_140 = arith.constant 0 : i32
        %dma_wait3A_141 = arith.constant 0 : i32
        %dma_wait3A_142 = tpu.memref_slice %arg6[%arg0, %dma_wait3A_139, %dma_wait3A_140, %dma_wait3A_141] : memref<2x3x10240x48xf32, #tpu.memory_space<hbm>> -> memref<1x3x10240x48xf32, #tpu.memory_space<hbm>>
        %dma_wait3A_143 = tpu.memref_squeeze %dma_wait3A_142 : memref<1x3x10240x48xf32, #tpu.memory_space<hbm>> -> memref<3x10240x48xf32, #tpu.memory_space<hbm>>
        %dma_wait3A_144 = arith.constant 0 : i32
        %dma_wait3A_145 = arith.constant 0 : i32
        %dma_wait3A_146 = tpu.memref_slice %dma_wait3A_143[%scan3A_9, %dma_wait3A_144, %dma_wait3A_145] : memref<3x10240x48xf32, #tpu.memory_space<hbm>> -> memref<1x10240x48xf32, #tpu.memory_space<hbm>>
        %dma_wait3A_147 = tpu.memref_squeeze %dma_wait3A_146 : memref<1x10240x48xf32, #tpu.memory_space<hbm>> -> memref<10240x48xf32, #tpu.memory_space<hbm>>
        %dma_wait3A_148 = arith.constant 0 : i32
        %dma_wait3A_149 = tpu.memref_slice %dma_wait3A_147[%add3A_105, %dma_wait3A_148] : memref<10240x48xf32, #tpu.memory_space<hbm>> -> memref<116x48xf32, #tpu.memory_space<hbm>>
        %dma_wait3A_150 = arith.constant 0 : i32
        %dma_wait3A_151 = arith.constant 0 : i32
        %dma_wait3A_152 = arith.constant 0 : i32
        %dma_wait3A_153 = tpu.memref_slice %arg6[%arg0, %dma_wait3A_150, %dma_wait3A_151, %dma_wait3A_152] : memref<2x3x10240x48xf32, #tpu.memory_space<hbm>> -> memref<1x3x10240x48xf32, #tpu.memory_space<hbm>>
        %dma_wait3A_154 = tpu.memref_squeeze %dma_wait3A_153 : memref<1x3x10240x48xf32, #tpu.memory_space<hbm>> -> memref<3x10240x48xf32, #tpu.memory_space<hbm>>
        %dma_wait3A_155 = arith.constant 0 : i32
        %dma_wait3A_156 = arith.constant 0 : i32
        %dma_wait3A_157 = tpu.memref_slice %dma_wait3A_154[%scan3A_9, %dma_wait3A_155, %dma_wait3A_156] : memref<3x10240x48xf32, #tpu.memory_space<hbm>> -> memref<1x10240x48xf32, #tpu.memory_space<hbm>>
        %dma_wait3A_158 = tpu.memref_squeeze %dma_wait3A_157 : memref<1x10240x48xf32, #tpu.memory_space<hbm>> -> memref<10240x48xf32, #tpu.memory_space<hbm>>
        %dma_wait3A_159 = arith.constant 0 : i32
        %dma_wait3A_160 = tpu.memref_slice %dma_wait3A_158[%add3A_105, %dma_wait3A_159] : memref<10240x48xf32, #tpu.memory_space<hbm>> -> memref<116x48xf32, #tpu.memory_space<hbm>>
        %dma_wait3A_161 = arith.constant 0 : i32
        %dma_wait3A_162 = arith.constant 0 : i32
        %dma_wait3A_163 = tpu.memref_slice %arg11[%dma_wait3A_161, %dma_wait3A_162] : memref<128x48xf32, #tpu.memory_space<vmem>> -> memref<116x48xf32, #tpu.memory_space<vmem>>
        tpu.wait_dma2 semaphore(%run_scoped3A : memref<!tpu.dma_semaphore, #tpu.memory_space<semaphore_mem>>) src(%dma_wait3A_163 : memref<116x48xf32, #tpu.memory_space<vmem>>) dst(%dma_wait3A_160 : memref<116x48xf32, #tpu.memory_space<hbm>>)
        tpu.yield
      }) : () -> ()
      %barrier3A_106 = arith.constant 0 : index
      tpu.barrier barrier_id(%barrier3A_106)
      %scan3A_107 = arith.constant 0 : i32
      scf.yield %scan3A_107 : i32
    }
    %scan3A_8 = arith.constant 3 : i32
    return
  }
}

module attributes {stable_mosaic.version = 14 : i64} {
  func.func @_tc1_body(%arg0: i32, %arg1: i32, %arg2: memref<2048x128xf32, #tpu.memory_space<vmem>>, %arg3: memref<128x128xf32, #tpu.memory_space<vmem>>, %arg4: memref<1x128x8xf32, #tpu.memory_space<vmem>>, %arg5: memref<1x2x2048x64xf32, #tpu.memory_space<vmem>>, %arg6: memref<1x8x2048xf32, #tpu.memory_space<vmem>>) attributes {dimension_semantics = [#tpu.dimension_semantics<arbitrary>, #tpu.dimension_semantics<arbitrary>], iteration_bounds = array<i64: 3, 5>, scalar_prefetch = 0 : i64, scratch_operands = 0 : i64, tpu.core_type = #tpu.core_type<tc>, window_params = [{transform_indices = @transform_0, window_bounds = array<i64: 2048, 128>}, {transform_indices = @transform_1, window_bounds = array<i64: 128, 128>}, {transform_indices = @transform_2, window_bounds = array<i64: 1, 128, 8>}, {transform_indices = @transform_3, window_bounds = array<i64: 1, 2, 2048, 64>}, {transform_indices = @transform_4, window_bounds = array<i64: 1, 8, 2048>}]} {
    %get3A = arith.constant 0 : index
    %get3A_0 = arith.constant 0 : index
    %get3A_1 = vector.load %arg2[%get3A, %get3A_0] : memref<2048x128xf32, #tpu.memory_space<vmem>>, vector<2048x128xf32>
    %get3A_2 = arith.constant 0 : index
    %get3A_3 = arith.constant 0 : index
    %get3A_4 = vector.load %arg3[%get3A_2, %get3A_3] : memref<128x128xf32, #tpu.memory_space<vmem>>, vector<128x128xf32>
    %dot_general3A = arith.constant dense<0.000000e+00> : vector<2048x128xf32>
    %dot_general3A_5 = tpu.matmul %get3A_1, %get3A_4, %dot_general3A {dimension_numbers = #tpu.dot_dimension_numbers<[1], [0], [0], [1], [0, 0, 1, 1], [], []>, transpose_lhs_hint = false} : vector<2048x128xf32>, vector<128x128xf32>, vector<2048x128xf32> -> vector<2048x128xf32>
    %slice3A = vector.extract_strided_slice %dot_general3A_5 {offsets = [0, 0], sizes = [2048, 64], strides = [1, 1]} : vector<2048x128xf32> to vector<2048x64xf32>
    %slice3A_6 = vector.extract_strided_slice %dot_general3A_5 {offsets = [0, 64], sizes = [2048, 64], strides = [1, 1]} : vector<2048x128xf32> to vector<2048x64xf32>
    %stack3A = vector.shape_cast %slice3A : vector<2048x64xf32> to vector<1x2048x64xf32>
    %stack3A_7 = vector.shape_cast %slice3A_6 : vector<2048x64xf32> to vector<1x2048x64xf32>
    %stack3A_8 = tpu.concatenate %stack3A, %stack3A_7 in 0 : vector<1x2048x64xf32>, vector<1x2048x64xf32> -> vector<2x2048x64xf32>
    %swap3A = arith.constant 0 : index
    %swap3A_9 = arith.constant 0 : index
    %swap3A_10 = arith.constant 0 : index
    %swap3A_11 = arith.constant 0 : index
    %swap3A_12 = vector.load %arg5[%swap3A, %swap3A_9, %swap3A_10, %swap3A_11] : memref<1x2x2048x64xf32, #tpu.memory_space<vmem>>, vector<1x2x2048x64xf32>
    %swap3A_13 = vector.shape_cast %swap3A_12 : vector<1x2x2048x64xf32> to vector<2x2048x64xf32>
    %swap3A_14 = vector.shape_cast %stack3A_8 : vector<2x2048x64xf32> to vector<1x2x2048x64xf32>
    tpu.vector_store %arg5[%swap3A, %swap3A_9, %swap3A_10, %swap3A_11], %swap3A_14 {strides = array<i32>} : memref<1x2x2048x64xf32, #tpu.memory_space<vmem>>, vector<1x2x2048x64xf32>,
    %get3A_15 = arith.constant 0 : index
    %get3A_16 = arith.constant 0 : index
    %get3A_17 = arith.constant 0 : index
    %get3A_18 = vector.load %arg4[%get3A_15, %get3A_16, %get3A_17] : memref<1x128x8xf32, #tpu.memory_space<vmem>>, vector<1x128x8xf32>
    %get3A_19 = vector.shape_cast %get3A_18 : vector<1x128x8xf32> to vector<128x8xf32>
    %dot_general3A_20 = arith.constant dense<0.000000e+00> : vector<2048x8xf32>
    %dot_general3A_21 = tpu.matmul %dot_general3A_5, %get3A_19, %dot_general3A_20 {dimension_numbers = #tpu.dot_dimension_numbers<[1], [0], [0], [1], [0, 0, 1, 1], [], []>, transpose_lhs_hint = false} : vector<2048x128xf32>, vector<128x8xf32>, vector<2048x8xf32> -> vector<2048x8xf32>
    %transpose3A = tpu.transpose %dot_general3A_21, [1, 0] : vector<2048x8xf32> -> vector<8x2048xf32>
    %swap3A_22 = arith.constant 0 : index
    %swap3A_23 = arith.constant 0 : index
    %swap3A_24 = arith.constant 0 : index
    %swap3A_25 = vector.load %arg6[%swap3A_22, %swap3A_23, %swap3A_24] : memref<1x8x2048xf32, #tpu.memory_space<vmem>>, vector<1x8x2048xf32>
    %swap3A_26 = vector.shape_cast %swap3A_25 : vector<1x8x2048xf32> to vector<8x2048xf32>
    %swap3A_27 = vector.shape_cast %transpose3A : vector<8x2048xf32> to vector<1x8x2048xf32>
    tpu.vector_store %arg6[%swap3A_22, %swap3A_23, %swap3A_24], %swap3A_27 {strides = array<i32>} : memref<1x8x2048xf32, #tpu.memory_space<vmem>>, vector<1x8x2048xf32>,
    return
  }
  func.func @transform_0(%arg0: i32, %arg1: i32) -> (i32, i32) {
    %c0_i32 = arith.constant 0 : i32
    %c0_i32_0 = arith.constant 0 : i32
    return %arg1, %c0_i32 : i32, i32
  }
  func.func @transform_1(%arg0: i32, %arg1: i32) -> (i32, i32) {
    %c0_i32 = arith.constant 0 : i32
    %c0_i32_0 = arith.constant 0 : i32
    return %c0_i32, %arg0 : i32, i32
  }
  func.func @transform_2(%arg0: i32, %arg1: i32) -> (i32, i32, i32) {
    %c0_i32 = arith.constant 0 : i32
    %c0_i32_0 = arith.constant 0 : i32
    %c0_i32_1 = arith.constant 0 : i32
    return %arg0, %c0_i32, %c0_i32_0 : i32, i32, i32
  }
  func.func @transform_3(%arg0: i32, %arg1: i32) -> (i32, i32, i32, i32) {
    %c0_i32 = arith.constant 0 : i32
    %c0_i32_0 = arith.constant 0 : i32
    %c0_i32_1 = arith.constant 0 : i32
    return %arg0, %c0_i32, %arg1, %c0_i32_0 : i32, i32, i32, i32
  }
  func.func @transform_4(%arg0: i32, %arg1: i32) -> (i32, i32, i32) {
    %c0_i32 = arith.constant 0 : i32
    %c0_i32_0 = arith.constant 0 : i32
    return %arg0, %c0_i32, %arg1 : i32, i32, i32
  }
}

module attributes {stable_mosaic.version = 14 : i64} {
  func.func @_tc2_body(%arg0: i32, %arg1: i32, %arg2: memref<2x1x2048x80xf32, #tpu.memory_space<vmem>>, %arg3: memref<1x1x128xf32, #tpu.memory_space<vmem>>, %arg4: memref<1x128x64xf32, #tpu.memory_space<vmem>>, %arg5: memref<1x64x8xf32, #tpu.memory_space<vmem>>, %arg6: memref<1x2x2048x32xf32, #tpu.memory_space<vmem>>, %arg7: memref<1x8x2048xf32, #tpu.memory_space<vmem>>) attributes {dimension_semantics = [#tpu.dimension_semantics<arbitrary>, #tpu.dimension_semantics<arbitrary>], iteration_bounds = array<i64: 3, 5>, scalar_prefetch = 0 : i64, scratch_operands = 0 : i64, tpu.core_type = #tpu.core_type<tc>, window_params = [{transform_indices = @transform_0, window_bounds = array<i64: 2, 1, 2048, 80>}, {transform_indices = @transform_1, window_bounds = array<i64: 1, 1, 128>}, {transform_indices = @transform_2, window_bounds = array<i64: 1, 128, 64>}, {transform_indices = @transform_3, window_bounds = array<i64: 1, 64, 8>}, {transform_indices = @transform_4, window_bounds = array<i64: 1, 2, 2048, 32>}, {transform_indices = @transform_5, window_bounds = array<i64: 1, 8, 2048>}]} {
    %get3A = arith.constant 0 : index
    %get3A_0 = arith.constant 0 : index
    %get3A_1 = arith.constant 0 : index
    %get3A_2 = arith.constant 0 : index
    %get3A_3 = vector.load %arg2[%get3A, %get3A_0, %get3A_1, %get3A_2] : memref<2x1x2048x80xf32, #tpu.memory_space<vmem>>, vector<1x1x2048x64xf32>
    %get3A_4 = vector.shape_cast %get3A_3 : vector<1x1x2048x64xf32> to vector<2048x64xf32>
    %get3A_5 = arith.constant 0 : index
    %get3A_6 = arith.constant 0 : index
    %get3A_7 = arith.constant 0 : index
    %get3A_8 = arith.constant 64 : index
    %get3A_9 = vector.load %arg2[%get3A_5, %get3A_6, %get3A_7, %get3A_8] : memref<2x1x2048x80xf32, #tpu.memory_space<vmem>>, vector<1x1x2048x1xf32>
    %get3A_10 = vector.shape_cast %get3A_9 : vector<1x1x2048x1xf32> to vector<2048x1xf32>
    %div3A = vector.broadcast %get3A_10 : vector<2048x1xf32> to vector<2048x64xf32>
    %div3A_11 = arith.divf %get3A_4, %div3A : vector<2048x64xf32>
    %get3A_12 = arith.constant 1 : index
    %get3A_13 = arith.constant 0 : index
    %get3A_14 = arith.constant 0 : index
    %get3A_15 = arith.constant 0 : index
    %get3A_16 = vector.load %arg2[%get3A_12, %get3A_13, %get3A_14, %get3A_15] : memref<2x1x2048x80xf32, #tpu.memory_space<vmem>>, vector<1x1x2048x64xf32>
    %get3A_17 = vector.shape_cast %get3A_16 : vector<1x1x2048x64xf32> to vector<2048x64xf32>
    %get3A_18 = arith.constant 1 : index
    %get3A_19 = arith.constant 0 : index
    %get3A_20 = arith.constant 0 : index
    %get3A_21 = arith.constant 64 : index
    %get3A_22 = vector.load %arg2[%get3A_18, %get3A_19, %get3A_20, %get3A_21] : memref<2x1x2048x80xf32, #tpu.memory_space<vmem>>, vector<1x1x2048x1xf32>
    %get3A_23 = vector.shape_cast %get3A_22 : vector<1x1x2048x1xf32> to vector<2048x1xf32>
    %div3A_24 = vector.broadcast %get3A_23 : vector<2048x1xf32> to vector<2048x64xf32>
    %div3A_25 = arith.divf %get3A_17, %div3A_24 : vector<2048x64xf32>
    %concatenate3A = tpu.concatenate %div3A_11, %div3A_25 in 1 : vector<2048x64xf32>, vector<2048x64xf32> -> vector<2048x128xf32>
    %get3A_26 = arith.constant 0 : index
    %get3A_27 = arith.constant 0 : index
    %get3A_28 = arith.constant 0 : index
    %get3A_29 = vector.load %arg3[%get3A_26, %get3A_27, %get3A_28] : memref<1x1x128xf32, #tpu.memory_space<vmem>>, vector<1x1x128xf32>
    %get3A_30 = vector.shape_cast %get3A_29 : vector<1x1x128xf32> to vector<128xf32>
    %broadcast_in_dim3A = vector.shape_cast %get3A_30 : vector<128xf32> to vector<1x128xf32>
    %add3A = vector.broadcast %broadcast_in_dim3A : vector<1x128xf32> to vector<2048x128xf32>
    %add3A_31 = arith.addf %concatenate3A, %add3A : vector<2048x128xf32>
    %gt3A = arith.constant 0.000000e+00 : f32
    %gt3A_32 = vector.broadcast %gt3A : f32 to vector<2048x128xf32>
    %gt3A_33 = arith.cmpf ogt, %add3A_31, %gt3A_32 : vector<2048x128xf32>
    %exp3A = math.exp %add3A_31 : vector<2048x128xf32>
    %sub3A = arith.constant 1.000000e+00 : f32
    %sub3A_34 = vector.broadcast %sub3A : f32 to vector<2048x128xf32>
    %sub3A_35 = arith.subf %exp3A, %sub3A_34 : vector<2048x128xf32>
    %select_n3A = arith.select %gt3A_33, %add3A_31, %sub3A_35 : vector<2048x128xi1>, vector<2048x128xf32>
    %get3A_36 = arith.constant 0 : index
    %get3A_37 = arith.constant 0 : index
    %get3A_38 = arith.constant 0 : index
    %get3A_39 = vector.load %arg4[%get3A_36, %get3A_37, %get3A_38] : memref<1x128x64xf32, #tpu.memory_space<vmem>>, vector<1x128x64xf32>
    %get3A_40 = vector.shape_cast %get3A_39 : vector<1x128x64xf32> to vector<128x64xf32>
    %dot_general3A = arith.constant dense<0.000000e+00> : vector<2048x64xf32>
    %dot_general3A_41 = tpu.matmul %select_n3A, %get3A_40, %dot_general3A {dimension_numbers = #tpu.dot_dimension_numbers<[1], [0], [0], [1], [0, 0, 1, 1], [], []>, transpose_lhs_hint = false} : vector<2048x128xf32>, vector<128x64xf32>, vector<2048x64xf32> -> vector<2048x64xf32>
    %slice3A = vector.extract_strided_slice %dot_general3A_41 {offsets = [0, 0], sizes = [2048, 32], strides = [1, 1]} : vector<2048x64xf32> to vector<2048x32xf32>
    %slice3A_42 = vector.extract_strided_slice %dot_general3A_41 {offsets = [0, 32], sizes = [2048, 32], strides = [1, 1]} : vector<2048x64xf32> to vector<2048x32xf32>
    %stack3A = vector.shape_cast %slice3A : vector<2048x32xf32> to vector<1x2048x32xf32>
    %stack3A_43 = vector.shape_cast %slice3A_42 : vector<2048x32xf32> to vector<1x2048x32xf32>
    %stack3A_44 = tpu.concatenate %stack3A, %stack3A_43 in 0 : vector<1x2048x32xf32>, vector<1x2048x32xf32> -> vector<2x2048x32xf32>
    %swap3A = arith.constant 0 : index
    %swap3A_45 = arith.constant 0 : index
    %swap3A_46 = arith.constant 0 : index
    %swap3A_47 = arith.constant 0 : index
    %swap3A_48 = vector.load %arg6[%swap3A, %swap3A_45, %swap3A_46, %swap3A_47] : memref<1x2x2048x32xf32, #tpu.memory_space<vmem>>, vector<1x2x2048x32xf32>
    %swap3A_49 = vector.shape_cast %swap3A_48 : vector<1x2x2048x32xf32> to vector<2x2048x32xf32>
    %swap3A_50 = vector.shape_cast %stack3A_44 : vector<2x2048x32xf32> to vector<1x2x2048x32xf32>
    tpu.vector_store %arg6[%swap3A, %swap3A_45, %swap3A_46, %swap3A_47], %swap3A_50 {strides = array<i32>} : memref<1x2x2048x32xf32, #tpu.memory_space<vmem>>, vector<1x2x2048x32xf32>,
    %get3A_51 = arith.constant 0 : index
    %get3A_52 = arith.constant 0 : index
    %get3A_53 = arith.constant 0 : index
    %get3A_54 = vector.load %arg5[%get3A_51, %get3A_52, %get3A_53] : memref<1x64x8xf32, #tpu.memory_space<vmem>>, vector<1x64x8xf32>
    %get3A_55 = vector.shape_cast %get3A_54 : vector<1x64x8xf32> to vector<64x8xf32>
    %dot_general3A_56 = arith.constant dense<0.000000e+00> : vector<2048x8xf32>
    %dot_general3A_57 = tpu.matmul %dot_general3A_41, %get3A_55, %dot_general3A_56 {dimension_numbers = #tpu.dot_dimension_numbers<[1], [0], [0], [1], [0, 0, 1, 1], [], []>, transpose_lhs_hint = false} : vector<2048x64xf32>, vector<64x8xf32>, vector<2048x8xf32> -> vector<2048x8xf32>
    %transpose3A = tpu.transpose %dot_general3A_57, [1, 0] : vector<2048x8xf32> -> vector<8x2048xf32>
    %swap3A_58 = arith.constant 0 : index
    %swap3A_59 = arith.constant 0 : index
    %swap3A_60 = arith.constant 0 : index
    %swap3A_61 = vector.load %arg7[%swap3A_58, %swap3A_59, %swap3A_60] : memref<1x8x2048xf32, #tpu.memory_space<vmem>>, vector<1x8x2048xf32>
    %swap3A_62 = vector.shape_cast %swap3A_61 : vector<1x8x2048xf32> to vector<8x2048xf32>
    %swap3A_63 = vector.shape_cast %transpose3A : vector<8x2048xf32> to vector<1x8x2048xf32>
    tpu.vector_store %arg7[%swap3A_58, %swap3A_59, %swap3A_60], %swap3A_63 {strides = array<i32>} : memref<1x8x2048xf32, #tpu.memory_space<vmem>>, vector<1x8x2048xf32>,
    return
  }
  func.func @transform_0(%arg0: i32, %arg1: i32) -> (i32, i32, i32, i32) {
    %c0_i32 = arith.constant 0 : i32
    %c0_i32_0 = arith.constant 0 : i32
    %c0_i32_1 = arith.constant 0 : i32
    return %c0_i32, %arg0, %arg1, %c0_i32_0 : i32, i32, i32, i32
  }
  func.func @transform_1(%arg0: i32, %arg1: i32) -> (i32, i32, i32) {
    %c0_i32 = arith.constant 0 : i32
    %c0_i32_0 = arith.constant 0 : i32
    %c0_i32_1 = arith.constant 0 : i32
    return %arg0, %c0_i32, %c0_i32_0 : i32, i32, i32
  }
  func.func @transform_2(%arg0: i32, %arg1: i32) -> (i32, i32, i32) {
    %c0_i32 = arith.constant 0 : i32
    %c0_i32_0 = arith.constant 0 : i32
    %c0_i32_1 = arith.constant 0 : i32
    return %arg0, %c0_i32, %c0_i32_0 : i32, i32, i32
  }
  func.func @transform_3(%arg0: i32, %arg1: i32) -> (i32, i32, i32) {
    %c0_i32 = arith.constant 0 : i32
    %c0_i32_0 = arith.constant 0 : i32
    %c0_i32_1 = arith.constant 0 : i32
    return %arg0, %c0_i32, %c0_i32_0 : i32, i32, i32
  }
  func.func @transform_4(%arg0: i32, %arg1: i32) -> (i32, i32, i32, i32) {
    %c0_i32 = arith.constant 0 : i32
    %c0_i32_0 = arith.constant 0 : i32
    %c0_i32_1 = arith.constant 0 : i32
    return %arg0, %c0_i32, %arg1, %c0_i32_0 : i32, i32, i32, i32
  }
  func.func @transform_5(%arg0: i32, %arg1: i32) -> (i32, i32, i32) {
    %c0_i32 = arith.constant 0 : i32
    %c0_i32_0 = arith.constant 0 : i32
    return %arg0, %c0_i32, %arg1 : i32, i32, i32
  }
}

module attributes {stable_mosaic.version = 14 : i64} {
  func.func @_tc3_body(%arg0: i32, %arg1: memref<2x3x2048x48xf32, #tpu.memory_space<vmem>>, %arg2: memref<3x64xf32, #tpu.memory_space<vmem>>, %arg3: memref<3x64x32xf32, #tpu.memory_space<vmem>>, %arg4: memref<3x32xf32, #tpu.memory_space<vmem>>, %arg5: memref<3x32xf32, #tpu.memory_space<vmem>>, %arg6: memref<3x8xf32, #tpu.memory_space<vmem>>, %arg7: memref<2048x128xf32, #tpu.memory_space<vmem>>) attributes {dimension_semantics = [#tpu.dimension_semantics<arbitrary>], iteration_bounds = array<i64: 5>, scalar_prefetch = 0 : i64, scratch_operands = 0 : i64, tpu.core_type = #tpu.core_type<tc>, window_params = [{transform_indices = @transform_0, window_bounds = array<i64: 2, 3, 2048, 48>}, {pipeline_mode = #tpu.pipeline_mode<synchronous>, transform_indices = @transform_1, window_bounds = array<i64: 3, 64>}, {pipeline_mode = #tpu.pipeline_mode<synchronous>, transform_indices = @transform_2, window_bounds = array<i64: 3, 64, 32>}, {pipeline_mode = #tpu.pipeline_mode<synchronous>, transform_indices = @transform_3, window_bounds = array<i64: 3, 32>}, {pipeline_mode = #tpu.pipeline_mode<synchronous>, transform_indices = @transform_4, window_bounds = array<i64: 3, 32>}, {pipeline_mode = #tpu.pipeline_mode<synchronous>, transform_indices = @transform_5, window_bounds = array<i64: 3, 8>}, {transform_indices = @transform_6, window_bounds = array<i64: 2048, 128>}]} {
    %get3A = arith.constant 0 : index
    %get3A_0 = arith.constant 0 : index
    %get3A_1 = arith.constant 0 : index
    %get3A_2 = arith.constant 0 : index
    %get3A_3 = vector.load %arg1[%get3A, %get3A_0, %get3A_1, %get3A_2] : memref<2x3x2048x48xf32, #tpu.memory_space<vmem>>, vector<1x1x2048x32xf32>
    %get3A_4 = vector.shape_cast %get3A_3 : vector<1x1x2048x32xf32> to vector<2048x32xf32>
    %get3A_5 = arith.constant 1 : index
    %get3A_6 = arith.constant 0 : index
    %get3A_7 = arith.constant 0 : index
    %get3A_8 = arith.constant 0 : index
    %get3A_9 = vector.load %arg1[%get3A_5, %get3A_6, %get3A_7, %get3A_8] : memref<2x3x2048x48xf32, #tpu.memory_space<vmem>>, vector<1x1x2048x32xf32>
    %get3A_10 = vector.shape_cast %get3A_9 : vector<1x1x2048x32xf32> to vector<2048x32xf32>
    %concatenate3A = tpu.concatenate %get3A_4, %get3A_10 in 1 : vector<2048x32xf32>, vector<2048x32xf32> -> vector<2048x64xf32>
    %get3A_11 = arith.constant 0 : index
    %get3A_12 = arith.constant 0 : index
    %get3A_13 = arith.constant 0 : index
    %get3A_14 = arith.constant 32 : index
    %get3A_15 = vector.load %arg1[%get3A_11, %get3A_12, %get3A_13, %get3A_14] : memref<2x3x2048x48xf32, #tpu.memory_space<vmem>>, vector<1x1x2048x1xf32>
    %get3A_16 = vector.shape_cast %get3A_15 : vector<1x1x2048x1xf32> to vector<2048x1xf32>
    %div3A = vector.broadcast %get3A_16 : vector<2048x1xf32> to vector<2048x64xf32>
    %div3A_17 = arith.divf %concatenate3A, %div3A : vector<2048x64xf32>
    %get3A_18 = arith.constant 0 : index
    %get3A_19 = arith.constant 0 : index
    %get3A_20 = vector.load %arg2[%get3A_18, %get3A_19] : memref<3x64xf32, #tpu.memory_space<vmem>>, vector<1x64xf32>
    %get3A_21 = vector.shape_cast %get3A_20 : vector<1x64xf32> to vector<64xf32>
    %broadcast_in_dim3A = vector.shape_cast %get3A_21 : vector<64xf32> to vector<1x64xf32>
    %add3A = vector.broadcast %broadcast_in_dim3A : vector<1x64xf32> to vector<2048x64xf32>
    %add3A_22 = arith.addf %div3A_17, %add3A : vector<2048x64xf32>
    %gt3A = arith.constant 0.000000e+00 : f32
    %gt3A_23 = vector.broadcast %gt3A : f32 to vector<2048x64xf32>
    %gt3A_24 = arith.cmpf ogt, %add3A_22, %gt3A_23 : vector<2048x64xf32>
    %exp3A = math.exp %add3A_22 : vector<2048x64xf32>
    %sub3A = arith.constant 1.000000e+00 : f32
    %sub3A_25 = vector.broadcast %sub3A : f32 to vector<2048x64xf32>
    %sub3A_26 = arith.subf %exp3A, %sub3A_25 : vector<2048x64xf32>
    %select_n3A = arith.select %gt3A_24, %add3A_22, %sub3A_26 : vector<2048x64xi1>, vector<2048x64xf32>
    %get3A_27 = arith.constant 0 : index
    %get3A_28 = arith.constant 0 : index
    %get3A_29 = arith.constant 0 : index
    %get3A_30 = vector.load %arg3[%get3A_27, %get3A_28, %get3A_29] : memref<3x64x32xf32, #tpu.memory_space<vmem>>, vector<1x64x32xf32>
    %get3A_31 = vector.shape_cast %get3A_30 : vector<1x64x32xf32> to vector<64x32xf32>
    %dot_general3A = arith.constant dense<0.000000e+00> : vector<2048x32xf32>
    %dot_general3A_32 = tpu.matmul %select_n3A, %get3A_31, %dot_general3A {dimension_numbers = #tpu.dot_dimension_numbers<[1], [0], [0], [1], [0, 0, 1, 1], [], []>, transpose_lhs_hint = false} : vector<2048x64xf32>, vector<64x32xf32>, vector<2048x32xf32> -> vector<2048x32xf32>
    %get3A_33 = arith.constant 0 : index
    %get3A_34 = arith.constant 0 : index
    %get3A_35 = vector.load %arg4[%get3A_33, %get3A_34] : memref<3x32xf32, #tpu.memory_space<vmem>>, vector<1x32xf32>
    %get3A_36 = vector.shape_cast %get3A_35 : vector<1x32xf32> to vector<32xf32>
    %broadcast_in_dim3A_37 = vector.shape_cast %get3A_36 : vector<32xf32> to vector<1x32xf32>
    %add3A_38 = vector.broadcast %broadcast_in_dim3A_37 : vector<1x32xf32> to vector<2048x32xf32>
    %add3A_39 = arith.addf %dot_general3A_32, %add3A_38 : vector<2048x32xf32>
    %max3A = arith.constant 0.000000e+00 : f32
    %max3A_40 = vector.broadcast %max3A : f32 to vector<2048x32xf32>
    %max3A_41 = arith.maximumf %add3A_39, %max3A_40 : vector<2048x32xf32>
    %get3A_42 = arith.constant 0 : index
    %get3A_43 = arith.constant 0 : index
    %get3A_44 = vector.load %arg5[%get3A_42, %get3A_43] : memref<3x32xf32, #tpu.memory_space<vmem>>, vector<1x32xf32>
    %get3A_45 = vector.shape_cast %get3A_44 : vector<1x32xf32> to vector<32xf32>
    %broadcast_in_dim3A_46 = vector.shape_cast %get3A_45 : vector<32xf32> to vector<1x32xf32>
    %mul3A = vector.broadcast %broadcast_in_dim3A_46 : vector<1x32xf32> to vector<2048x32xf32>
    %mul3A_47 = arith.mulf %max3A_41, %mul3A : vector<2048x32xf32>
    %reduce_sum3A = arith.constant dense<0.000000e+00> : vector<2048xf32>
    %reduce_sum3A_48 = vector.multi_reduction <add>, %mul3A_47, %reduce_sum3A [1] : vector<2048x32xf32> to vector<2048xf32>
    %broadcast_in_dim3A_49 = vector.shape_cast %reduce_sum3A_48 : vector<2048xf32> to vector<2048x1xf32>
    %get3A_50 = arith.constant 0 : index
    %get3A_51 = arith.constant 0 : index
    %get3A_52 = vector.load %arg6[%get3A_50, %get3A_51] : memref<3x8xf32, #tpu.memory_space<vmem>>, vector<1x1xf32>
    %get3A_53 = vector.shape_cast %get3A_52 : vector<1x1xf32> to vector<1xf32>
    %broadcast_in_dim3A_54 = vector.shape_cast %get3A_53 : vector<1xf32> to vector<1x1xf32>
    %add3A_55 = vector.broadcast %broadcast_in_dim3A_54 : vector<1x1xf32> to vector<2048x1xf32>
    %add3A_56 = arith.addf %broadcast_in_dim3A_49, %add3A_55 : vector<2048x1xf32>
    %get3A_57 = arith.constant 0 : index
    %get3A_58 = arith.constant 1 : index
    %get3A_59 = arith.constant 0 : index
    %get3A_60 = arith.constant 0 : index
    %get3A_61 = vector.load %arg1[%get3A_57, %get3A_58, %get3A_59, %get3A_60] : memref<2x3x2048x48xf32, #tpu.memory_space<vmem>>, vector<1x1x2048x32xf32>
    %get3A_62 = vector.shape_cast %get3A_61 : vector<1x1x2048x32xf32> to vector<2048x32xf32>
    %get3A_63 = arith.constant 1 : index
    %get3A_64 = arith.constant 1 : index
    %get3A_65 = arith.constant 0 : index
    %get3A_66 = arith.constant 0 : index
    %get3A_67 = vector.load %arg1[%get3A_63, %get3A_64, %get3A_65, %get3A_66] : memref<2x3x2048x48xf32, #tpu.memory_space<vmem>>, vector<1x1x2048x32xf32>
    %get3A_68 = vector.shape_cast %get3A_67 : vector<1x1x2048x32xf32> to vector<2048x32xf32>
    %concatenate3A_69 = tpu.concatenate %get3A_62, %get3A_68 in 1 : vector<2048x32xf32>, vector<2048x32xf32> -> vector<2048x64xf32>
    %get3A_70 = arith.constant 0 : index
    %get3A_71 = arith.constant 1 : index
    %get3A_72 = arith.constant 0 : index
    %get3A_73 = arith.constant 32 : index
    %get3A_74 = vector.load %arg1[%get3A_70, %get3A_71, %get3A_72, %get3A_73] : memref<2x3x2048x48xf32, #tpu.memory_space<vmem>>, vector<1x1x2048x1xf32>
    %get3A_75 = vector.shape_cast %get3A_74 : vector<1x1x2048x1xf32> to vector<2048x1xf32>
    %div3A_76 = vector.broadcast %get3A_75 : vector<2048x1xf32> to vector<2048x64xf32>
    %div3A_77 = arith.divf %concatenate3A_69, %div3A_76 : vector<2048x64xf32>
    %get3A_78 = arith.constant 1 : index
    %get3A_79 = arith.constant 0 : index
    %get3A_80 = vector.load %arg2[%get3A_78, %get3A_79] : memref<3x64xf32, #tpu.memory_space<vmem>>, vector<1x64xf32>
    %get3A_81 = vector.shape_cast %get3A_80 : vector<1x64xf32> to vector<64xf32>
    %broadcast_in_dim3A_82 = vector.shape_cast %get3A_81 : vector<64xf32> to vector<1x64xf32>
    %add3A_83 = vector.broadcast %broadcast_in_dim3A_82 : vector<1x64xf32> to vector<2048x64xf32>
    %add3A_84 = arith.addf %div3A_77, %add3A_83 : vector<2048x64xf32>
    %gt3A_85 = arith.constant 0.000000e+00 : f32
    %gt3A_86 = vector.broadcast %gt3A_85 : f32 to vector<2048x64xf32>
    %gt3A_87 = arith.cmpf ogt, %add3A_84, %gt3A_86 : vector<2048x64xf32>
    %exp3A_88 = math.exp %add3A_84 : vector<2048x64xf32>
    %sub3A_89 = arith.constant 1.000000e+00 : f32
    %sub3A_90 = vector.broadcast %sub3A_89 : f32 to vector<2048x64xf32>
    %sub3A_91 = arith.subf %exp3A_88, %sub3A_90 : vector<2048x64xf32>
    %select_n3A_92 = arith.select %gt3A_87, %add3A_84, %sub3A_91 : vector<2048x64xi1>, vector<2048x64xf32>
    %get3A_93 = arith.constant 1 : index
    %get3A_94 = arith.constant 0 : index
    %get3A_95 = arith.constant 0 : index
    %get3A_96 = vector.load %arg3[%get3A_93, %get3A_94, %get3A_95] : memref<3x64x32xf32, #tpu.memory_space<vmem>>, vector<1x64x32xf32>
    %get3A_97 = vector.shape_cast %get3A_96 : vector<1x64x32xf32> to vector<64x32xf32>
    %dot_general3A_98 = arith.constant dense<0.000000e+00> : vector<2048x32xf32>
    %dot_general3A_99 = tpu.matmul %select_n3A_92, %get3A_97, %dot_general3A_98 {dimension_numbers = #tpu.dot_dimension_numbers<[1], [0], [0], [1], [0, 0, 1, 1], [], []>, transpose_lhs_hint = false} : vector<2048x64xf32>, vector<64x32xf32>, vector<2048x32xf32> -> vector<2048x32xf32>
    %get3A_100 = arith.constant 1 : index
    %get3A_101 = arith.constant 0 : index
    %get3A_102 = vector.load %arg4[%get3A_100, %get3A_101] : memref<3x32xf32, #tpu.memory_space<vmem>>, vector<1x32xf32>
    %get3A_103 = vector.shape_cast %get3A_102 : vector<1x32xf32> to vector<32xf32>
    %broadcast_in_dim3A_104 = vector.shape_cast %get3A_103 : vector<32xf32> to vector<1x32xf32>
    %add3A_105 = vector.broadcast %broadcast_in_dim3A_104 : vector<1x32xf32> to vector<2048x32xf32>
    %add3A_106 = arith.addf %dot_general3A_99, %add3A_105 : vector<2048x32xf32>
    %max3A_107 = arith.constant 0.000000e+00 : f32
    %max3A_108 = vector.broadcast %max3A_107 : f32 to vector<2048x32xf32>
    %max3A_109 = arith.maximumf %add3A_106, %max3A_108 : vector<2048x32xf32>
    %get3A_110 = arith.constant 1 : index
    %get3A_111 = arith.constant 0 : index
    %get3A_112 = vector.load %arg5[%get3A_110, %get3A_111] : memref<3x32xf32, #tpu.memory_space<vmem>>, vector<1x32xf32>
    %get3A_113 = vector.shape_cast %get3A_112 : vector<1x32xf32> to vector<32xf32>
    %broadcast_in_dim3A_114 = vector.shape_cast %get3A_113 : vector<32xf32> to vector<1x32xf32>
    %mul3A_115 = vector.broadcast %broadcast_in_dim3A_114 : vector<1x32xf32> to vector<2048x32xf32>
    %mul3A_116 = arith.mulf %max3A_109, %mul3A_115 : vector<2048x32xf32>
    %reduce_sum3A_117 = arith.constant dense<0.000000e+00> : vector<2048xf32>
    %reduce_sum3A_118 = vector.multi_reduction <add>, %mul3A_116, %reduce_sum3A_117 [1] : vector<2048x32xf32> to vector<2048xf32>
    %broadcast_in_dim3A_119 = vector.shape_cast %reduce_sum3A_118 : vector<2048xf32> to vector<2048x1xf32>
    %get3A_120 = arith.constant 1 : index
    %get3A_121 = arith.constant 0 : index
    %get3A_122 = vector.load %arg6[%get3A_120, %get3A_121] : memref<3x8xf32, #tpu.memory_space<vmem>>, vector<1x1xf32>
    %get3A_123 = vector.shape_cast %get3A_122 : vector<1x1xf32> to vector<1xf32>
    %broadcast_in_dim3A_124 = vector.shape_cast %get3A_123 : vector<1xf32> to vector<1x1xf32>
    %add3A_125 = vector.broadcast %broadcast_in_dim3A_124 : vector<1x1xf32> to vector<2048x1xf32>
    %add3A_126 = arith.addf %broadcast_in_dim3A_119, %add3A_125 : vector<2048x1xf32>
    %get3A_127 = arith.constant 0 : index
    %get3A_128 = arith.constant 2 : index
    %get3A_129 = arith.constant 0 : index
    %get3A_130 = arith.constant 0 : index
    %get3A_131 = vector.load %arg1[%get3A_127, %get3A_128, %get3A_129, %get3A_130] : memref<2x3x2048x48xf32, #tpu.memory_space<vmem>>, vector<1x1x2048x32xf32>
    %get3A_132 = vector.shape_cast %get3A_131 : vector<1x1x2048x32xf32> to vector<2048x32xf32>
    %get3A_133 = arith.constant 1 : index
    %get3A_134 = arith.constant 2 : index
    %get3A_135 = arith.constant 0 : index
    %get3A_136 = arith.constant 0 : index
    %get3A_137 = vector.load %arg1[%get3A_133, %get3A_134, %get3A_135, %get3A_136] : memref<2x3x2048x48xf32, #tpu.memory_space<vmem>>, vector<1x1x2048x32xf32>
    %get3A_138 = vector.shape_cast %get3A_137 : vector<1x1x2048x32xf32> to vector<2048x32xf32>
    %concatenate3A_139 = tpu.concatenate %get3A_132, %get3A_138 in 1 : vector<2048x32xf32>, vector<2048x32xf32> -> vector<2048x64xf32>
    %get3A_140 = arith.constant 0 : index
    %get3A_141 = arith.constant 2 : index
    %get3A_142 = arith.constant 0 : index
    %get3A_143 = arith.constant 32 : index
    %get3A_144 = vector.load %arg1[%get3A_140, %get3A_141, %get3A_142, %get3A_143] : memref<2x3x2048x48xf32, #tpu.memory_space<vmem>>, vector<1x1x2048x1xf32>
    %get3A_145 = vector.shape_cast %get3A_144 : vector<1x1x2048x1xf32> to vector<2048x1xf32>
    %div3A_146 = vector.broadcast %get3A_145 : vector<2048x1xf32> to vector<2048x64xf32>
    %div3A_147 = arith.divf %concatenate3A_139, %div3A_146 : vector<2048x64xf32>
    %get3A_148 = arith.constant 2 : index
    %get3A_149 = arith.constant 0 : index
    %get3A_150 = vector.load %arg2[%get3A_148, %get3A_149] : memref<3x64xf32, #tpu.memory_space<vmem>>, vector<1x64xf32>
    %get3A_151 = vector.shape_cast %get3A_150 : vector<1x64xf32> to vector<64xf32>
    %broadcast_in_dim3A_152 = vector.shape_cast %get3A_151 : vector<64xf32> to vector<1x64xf32>
    %add3A_153 = vector.broadcast %broadcast_in_dim3A_152 : vector<1x64xf32> to vector<2048x64xf32>
    %add3A_154 = arith.addf %div3A_147, %add3A_153 : vector<2048x64xf32>
    %gt3A_155 = arith.constant 0.000000e+00 : f32
    %gt3A_156 = vector.broadcast %gt3A_155 : f32 to vector<2048x64xf32>
    %gt3A_157 = arith.cmpf ogt, %add3A_154, %gt3A_156 : vector<2048x64xf32>
    %exp3A_158 = math.exp %add3A_154 : vector<2048x64xf32>
    %sub3A_159 = arith.constant 1.000000e+00 : f32
    %sub3A_160 = vector.broadcast %sub3A_159 : f32 to vector<2048x64xf32>
    %sub3A_161 = arith.subf %exp3A_158, %sub3A_160 : vector<2048x64xf32>
    %select_n3A_162 = arith.select %gt3A_157, %add3A_154, %sub3A_161 : vector<2048x64xi1>, vector<2048x64xf32>
    %get3A_163 = arith.constant 2 : index
    %get3A_164 = arith.constant 0 : index
    %get3A_165 = arith.constant 0 : index
    %get3A_166 = vector.load %arg3[%get3A_163, %get3A_164, %get3A_165] : memref<3x64x32xf32, #tpu.memory_space<vmem>>, vector<1x64x32xf32>
    %get3A_167 = vector.shape_cast %get3A_166 : vector<1x64x32xf32> to vector<64x32xf32>
    %dot_general3A_168 = arith.constant dense<0.000000e+00> : vector<2048x32xf32>
    %dot_general3A_169 = tpu.matmul %select_n3A_162, %get3A_167, %dot_general3A_168 {dimension_numbers = #tpu.dot_dimension_numbers<[1], [0], [0], [1], [0, 0, 1, 1], [], []>, transpose_lhs_hint = false} : vector<2048x64xf32>, vector<64x32xf32>, vector<2048x32xf32> -> vector<2048x32xf32>
    %get3A_170 = arith.constant 2 : index
    %get3A_171 = arith.constant 0 : index
    %get3A_172 = vector.load %arg4[%get3A_170, %get3A_171] : memref<3x32xf32, #tpu.memory_space<vmem>>, vector<1x32xf32>
    %get3A_173 = vector.shape_cast %get3A_172 : vector<1x32xf32> to vector<32xf32>
    %broadcast_in_dim3A_174 = vector.shape_cast %get3A_173 : vector<32xf32> to vector<1x32xf32>
    %add3A_175 = vector.broadcast %broadcast_in_dim3A_174 : vector<1x32xf32> to vector<2048x32xf32>
    %add3A_176 = arith.addf %dot_general3A_169, %add3A_175 : vector<2048x32xf32>
    %max3A_177 = arith.constant 0.000000e+00 : f32
    %max3A_178 = vector.broadcast %max3A_177 : f32 to vector<2048x32xf32>
    %max3A_179 = arith.maximumf %add3A_176, %max3A_178 : vector<2048x32xf32>
    %get3A_180 = arith.constant 2 : index
    %get3A_181 = arith.constant 0 : index
    %get3A_182 = vector.load %arg5[%get3A_180, %get3A_181] : memref<3x32xf32, #tpu.memory_space<vmem>>, vector<1x32xf32>
    %get3A_183 = vector.shape_cast %get3A_182 : vector<1x32xf32> to vector<32xf32>
    %broadcast_in_dim3A_184 = vector.shape_cast %get3A_183 : vector<32xf32> to vector<1x32xf32>
    %mul3A_185 = vector.broadcast %broadcast_in_dim3A_184 : vector<1x32xf32> to vector<2048x32xf32>
    %mul3A_186 = arith.mulf %max3A_179, %mul3A_185 : vector<2048x32xf32>
    %reduce_sum3A_187 = arith.constant dense<0.000000e+00> : vector<2048xf32>
    %reduce_sum3A_188 = vector.multi_reduction <add>, %mul3A_186, %reduce_sum3A_187 [1] : vector<2048x32xf32> to vector<2048xf32>
    %broadcast_in_dim3A_189 = vector.shape_cast %reduce_sum3A_188 : vector<2048xf32> to vector<2048x1xf32>
    %get3A_190 = arith.constant 2 : index
    %get3A_191 = arith.constant 0 : index
    %get3A_192 = vector.load %arg6[%get3A_190, %get3A_191] : memref<3x8xf32, #tpu.memory_space<vmem>>, vector<1x1xf32>
    %get3A_193 = vector.shape_cast %get3A_192 : vector<1x1xf32> to vector<1xf32>
    %broadcast_in_dim3A_194 = vector.shape_cast %get3A_193 : vector<1xf32> to vector<1x1xf32>
    %add3A_195 = vector.broadcast %broadcast_in_dim3A_194 : vector<1x1xf32> to vector<2048x1xf32>
    %add3A_196 = arith.addf %broadcast_in_dim3A_189, %add3A_195 : vector<2048x1xf32>
    %logistic3A = arith.negf %add3A_196 : vector<2048x1xf32>
    %logistic3A_197 = math.exp %logistic3A : vector<2048x1xf32>
    %logistic3A_198 = arith.constant 1.000000e+00 : f32
    %logistic3A_199 = vector.broadcast %logistic3A_198 : f32 to vector<2048x1xf32>
    %logistic3A_200 = arith.addf %logistic3A_199, %logistic3A_197 : vector<2048x1xf32>
    %logistic3A_201 = arith.divf %logistic3A_199, %logistic3A_200 : vector<2048x1xf32>
    %sub3A_202 = arith.constant 1.000000e+00 : f32
    %sub3A_203 = vector.broadcast %sub3A_202 : f32 to vector<2048x1xf32>
    %sub3A_204 = arith.subf %sub3A_203, %logistic3A_201 : vector<2048x1xf32>
    %mul3A_205 = arith.mulf %sub3A_204, %add3A_56 : vector<2048x1xf32>
    %mul3A_206 = arith.mulf %logistic3A_201, %add3A_126 : vector<2048x1xf32>
    %add3A_207 = arith.addf %mul3A_205, %mul3A_206 : vector<2048x1xf32>
    %concatenate3A_208 = tpu.concatenate %add3A_207, %logistic3A_201 in 1 : vector<2048x1xf32>, vector<2048x1xf32> -> vector<2048x2xf32>
    %jit3A = arith.constant 0 : i32
    %convert_element_type3A = arith.sitofp %jit3A : i32 to f32
    %pad3A = vector.broadcast %convert_element_type3A : f32 to vector<2048x126xf32>
    %pad3A_209 = tpu.concatenate %concatenate3A_208, %pad3A in 1 : vector<2048x2xf32>, vector<2048x126xf32> -> vector<2048x128xf32>
    %swap3A = arith.constant 0 : index
    %swap3A_210 = arith.constant 0 : index
    %swap3A_211 = vector.load %arg7[%swap3A, %swap3A_210] : memref<2048x128xf32, #tpu.memory_space<vmem>>, vector<2048x128xf32>
    tpu.vector_store %arg7[%swap3A, %swap3A_210], %pad3A_209 {strides = array<i32>} : memref<2048x128xf32, #tpu.memory_space<vmem>>, vector<2048x128xf32>,
    return
  }
  func.func @transform_0(%arg0: i32) -> (i32, i32, i32, i32) {
    %c0_i32 = arith.constant 0 : i32
    %c0_i32_0 = arith.constant 0 : i32
    %c0_i32_1 = arith.constant 0 : i32
    %c0_i32_2 = arith.constant 0 : i32
    return %c0_i32, %c0_i32_0, %arg0, %c0_i32_1 : i32, i32, i32, i32
  }
  func.func @transform_1(%arg0: i32) -> (i32, i32) {
    %c0_i32 = arith.constant 0 : i32
    %c0_i32_0 = arith.constant 0 : i32
    %c0_i32_1 = arith.constant 0 : i32
    return %c0_i32, %c0_i32_0 : i32, i32
  }
  func.func @transform_2(%arg0: i32) -> (i32, i32, i32) {
    %c0_i32 = arith.constant 0 : i32
    %c0_i32_0 = arith.constant 0 : i32
    %c0_i32_1 = arith.constant 0 : i32
    %c0_i32_2 = arith.constant 0 : i32
    return %c0_i32, %c0_i32_0, %c0_i32_1 : i32, i32, i32
  }
  func.func @transform_3(%arg0: i32) -> (i32, i32) {
    %c0_i32 = arith.constant 0 : i32
    %c0_i32_0 = arith.constant 0 : i32
    %c0_i32_1 = arith.constant 0 : i32
    return %c0_i32, %c0_i32_0 : i32, i32
  }
  func.func @transform_4(%arg0: i32) -> (i32, i32) {
    %c0_i32 = arith.constant 0 : i32
    %c0_i32_0 = arith.constant 0 : i32
    %c0_i32_1 = arith.constant 0 : i32
    return %c0_i32, %c0_i32_0 : i32, i32
  }
  func.func @transform_5(%arg0: i32) -> (i32, i32) {
    %c0_i32 = arith.constant 0 : i32
    %c0_i32_0 = arith.constant 0 : i32
    %c0_i32_1 = arith.constant 0 : i32
    return %c0_i32, %c0_i32_0 : i32, i32
  }
  func.func @transform_6(%arg0: i32) -> (i32, i32) {
    %c0_i32 = arith.constant 0 : i32
    %c0_i32_0 = arith.constant 0 : i32
    return %arg0, %c0_i32 : i32, i32
  }
}

</mosaic_0001>

<sc_bundles>
// kernel: kernel.10.cloned.1.call-start
scs
__scs_entry_jumppad:
0x0: {  	(pc) =	sbr.rel $0x88, $3  }
0x1: {  	(tag) =	ssettag $0x0;
	lr =	simm.s32 $0x1  }
0x2: {  	[smem:$0x3F7B] =	sst lr;
	_ =	strace $0xD0000000  }
0x3: {  	_ = 	snop  }
0x4: {  	_ = 	snop  }
0x5: {  	_ = 	snop  }
0x6: {  	_ = 	snop  }
0x7: {  	_ = 	snop  }
__scs_overlays_trampoline_lowered:
0x8: {  	[smem:$0x3F8A] =	sst s0  }
0x9: {  	[smem:$0x3F8B] =	sst s1  }
0xa: {  	[smem:$0x3F8C] =	sst s2  }
0xb: {  	[smem:$0x3F8D] =	sst s3  }
0xc: {  	[smem:$0x3F8E] =	sst s4  }
0xd: {  	[smem:$0x3F8F] =	sst s5  }
0xe: {  	[smem:$0x3F90] =	sst s6  }
0xf: {  	[smem:$0x3F91] =	sst s7  }
0x10: {  	[smem:$0x3F92] =	sst s8  }
0x11: {  	[smem:$0x3F93] =	sst s9;
	s0 =	simm.s32 @!p0 $0x0  }
0x12: {  	s1 =	sld [smem:$0x3F79];
	s0 =	simm.s32 @p0 $0x1  }
0x13: {  	[smem:$0x3F94] =	sst s0;
	s0 =	simm.s32 @!p1 $0x0  }
0x14: {  	s2 =	sld [smem:$0x3F78];
	s0 =	simm.s32 @p1 $0x1  }
0x15: {  	[smem:$0x3F95] =	sst s0;
	s0 =	simm.s32 @!p2 $0x0  }
0x16: {  	s3 =	sld [smem:$0x3FDB];
	s0 =	simm.s32 @p2 $0x1  }
0x17: {  	s4 =	simm.s32 $0x1BF5;
	[smem:$0x3F97] =	sst s0  }
0x18: {  	s0 =	sld [smem:$0x3F7A];
	_ =	swait.ge [sflag:s4], $0x0  }
0x19: {  	s7 =	sld [smem:$0x3F7B]  }
0x1a: {  	s8 =	sadd.s32 $0xFFFFE003, lr  }
0x1b: {  	s9 =	sadd.s32 $0xFFFFFEF7, lr;
	s5 =	simm.s32 $0xFFFFFFFF;
	p2 =	slt.u32 s8, $0xFFFFF086  }
0x1c: {  	p1 =	slt.u32 s9, $0xF7A;
	s5 =	simm.s32 @!p2 $0x0  }
0x1d: {  	s5 =	simm.s32 @p1 $0x1;
	p0 =	seq.s32 s7, s2  }
0x1e: {  	s7 =	smul.u32 @!p0 $0xF7A, s2;
	p2 =	seq.s32 @!p0 s5, $0x0  }
0x1f: {  	s9 =	smul.u32 $0xF7A, s1;
	s8 =	simm.s32 @!p0 $0x1BF5;
	p2 =	por !p2, p0  }
0x20: {  	[sflag:s8] =	ssyncset.s32 @!p0 $0xFFFFF086;
	s6 =	sadd.s32 @!p0 s3, s7;
	s7 =	simm.s32 @!p0 $0x108  }
0x21: {  	s3 =	sadd.s32 s3, s9;
	s6 =	sadd.s32 @!p0 $0x88, s6;
	s7 =	simm.s32 @p2 $0x1082  }
0x22: {  	[simem:s7], [sflag:s8] =	dma.local @!p0 [hbm:s6], $0xF7A  }
0x23: {  	s9 =	sor.u32 $0xD0000000, s2;
	s6 =	simm.s32 $0x108;
	_ =	swait.ge @!p0 [sflag:s8], $0x0  }
0x24: {  	s3 =	sadd.s32 $0x88, s3;
	s6 =	simm.s32 @!p1 $0x1082;
	[sflag:s4] =	ssyncset.s32 $0xFFFFF086  }
0x25: {  	[simem:s6], [sflag:s4] =	dma.local [hbm:s3], $0xF7A  }
0x26: {  	[smem:$0x3F7B] =	sst s1;
	(tag) =	ssettag s2;
	_ =	strace s9  }
0x27: {  	s1 =	sld [smem:$0x3F8B]  }
0x28: {  	s2 =	sld [smem:$0x3F8C]  }
0x29: {  	s4 =	sld [smem:$0x3F8E]  }
0x2a: {  	p0 =	seq.s32 s5, $0x0;
	s5 =	sld [smem:$0x3F8F]  }
0x2b: {  	s6 =	sld [smem:$0x3F90]  }
0x2c: {  	s7 =	sld [smem:$0x3F91]  }
0x2d: {  	s3 =	simm.s32 $0x108;
	s8 =	sld [smem:$0x3F92]  }
0x2e: {  	s3 =	simm.s32 @!p0 $0x1082;
	s9 =	sld [smem:$0x3F93]  }
0x2f: {  	lr =	sadd.s32 s0, s3;
	s0 =	sld [smem:$0x3F8A]  }
0x30: {  	s3 =	sld [smem:$0x3F8D]  }
0x31: {  	[smem:$0x3F96] =	sst s10  }
0x32: {  	s10 =	sld [smem:$0x3F94];
	_ =	sdelay $0x3  }
0x33: {  	p0 =	seq.s32 s10, $0x1;
	s10 =	sld [smem:$0x3F96];
	_ =	sdelay $0x3  }
0x34: {  	[smem:$0x3F96] =	sst s10  }
0x35: {  	s10 =	sld [smem:$0x3F95];
	_ =	sdelay $0x3  }
0x36: {  	p1 =	seq.s32 s10, $0x1;
	s10 =	sld [smem:$0x3F96];
	_ =	sdelay $0x3  }
0x37: {  	[smem:$0x3F96] =	sst s10  }
0x38: {  	s10 =	sld [smem:$0x3F97]  }
0x39: {  	_ = 	snop;
	(pc) =	sbr.ind lr, $3  }
0x3a: {  	_ = 	snop  }
0x3b: {  	_ = 	snop  }
0x3c: {  	p2 =	seq.s32 s10, $0x1;
	s10 =	sld [smem:$0x3F96]  }
0x3d: {  	_ =	shalt  }
0x3e: {  	_ =	shalt  }
0x3f: {  	_ =	shalt  }
0x40: {  	_ =	shalt  }
0x41: {  	_ =	shalt  }
0x42: {  	_ =	shalt  }
0x43: {  	_ =	shalt  }
0x44: {  	_ =	shalt  }
0x45: {  	_ =	shalt  }
0x46: {  	_ =	shalt  }
0x47: {  	_ =	shalt  }
0x48: {  	_ =	shalt  }
0x49: {  	_ =	shalt  }
0x4a: {  	_ =	shalt  }
0x4b: {  	_ =	shalt  }
0x4c: {  	_ =	shalt  }
0x4d: {  	_ =	shalt  }
0x4e: {  	_ =	shalt  }
0x4f: {  	_ =	shalt  }
0x50: {  	_ =	shalt  }
0x51: {  	_ =	shalt  }
0x52: {  	_ =	shalt  }
0x53: {  	_ =	shalt  }
0x54: {  	_ =	shalt  }
0x55: {  	_ =	shalt  }
0x56: {  	_ =	shalt  }
0x57: {  	_ =	shalt  }
0x58: {  	_ =	shalt  }
0x59: {  	_ =	shalt  }
0x5a: {  	_ =	shalt  }
0x5b: {  	_ =	shalt  }
0x5c: {  	_ =	shalt  }
0x5d: {  	_ =	shalt  }
0x5e: {  	_ =	shalt  }
0x5f: {  	_ =	shalt  }
0x60: {  	_ =	shalt  }
0x61: {  	_ =	shalt  }
0x62: {  	_ =	shalt  }
0x63: {  	_ =	shalt  }
0x64: {  	_ =	shalt  }
0x65: {  	_ =	shalt  }
0x66: {  	_ =	shalt  }
0x67: {  	_ =	shalt  }
0x68: {  	_ =	shalt  }
0x69: {  	_ =	shalt  }
0x6a: {  	_ =	shalt  }
0x6b: {  	_ =	shalt  }
0x6c: {  	_ =	shalt  }
0x6d: {  	_ =	shalt  }
0x6e: {  	_ =	shalt  }
0x6f: {  	_ =	shalt  }
0x70: {  	_ =	shalt  }
0x71: {  	_ =	shalt  }
0x72: {  	_ =	shalt  }
0x73: {  	_ =	shalt  }
0x74: {  	_ =	shalt  }
0x75: {  	_ =	shalt  }
0x76: {  	_ =	shalt  }
0x77: {  	_ =	shalt  }
0x78: {  	_ =	shalt  }
0x79: {  	_ =	shalt  }
0x7a: {  	_ =	shalt  }
0x7b: {  	_ =	shalt  }
0x7c: {  	_ =	shalt  }
0x7d: {  	_ =	shalt  }
0x7e: {  	_ =	shalt  }
0x7f: {  	_ =	shalt  }
0x80: {  	_ =	shalt  }
0x81: {  	_ =	shalt  }
0x82: {  	_ =	shalt  }
0x83: {  	_ =	shalt  }
0x84: {  	_ =	shalt  }
0x85: {  	_ =	shalt  }
0x86: {  	_ =	shalt  }
0x87: {  	_ =	shalt  }
.Lfunc_end0:
.L_simem_size_0:
called_computation.1_lowered:
.L_overlay_start_0:
0x88: {  	s2 =	sld [smem:$0x3FD9]  }
0x89: {  	s3 =	sld [smem:$0x3FFE];
	_ =	sdelay $0x1  }
0x8a: {  	s1 =	srdreg.scid  }
0x8b: {  	s0 =	sand.u32 $0x1, s1  }
0x8c: {  	s16 =	sshll.u32 s0, $0xA;
	s2 =	sadd.s32 s3, s2  }
0x8d: {  	s2 =	sadd.s32 s2, s16  }
0x8e: {  	[smem:$0x3FA2] =	sst s2  }
0x8f: {  	_ = 	snop  }
0x90: {  	(tm) =	ssettm $0x1  }
0x91: {  	s17 =	sld [smem:$0x3FFB];
	_ =	sdelay $0x3  }
0x92: {  	_ =	strace s17  }
0x93: {  	s2 =	sld [smem:$0x3FFC];
	_ =	sdelay $0x3  }
0x94: {  	_ =	strace s2  }
0x95: {  	s2 =	sld [smem:$0x3FFD];
	_ =	sdelay $0x3  }
0x96: {  	_ =	strace s2  }
0x97: {  	_ =	strace $0x8FFFFFFF  }
0x98: {  	s18 =	sld [smem:$0x3FDB];
	_ =	sdelay $0x1  }
0x99: {  	s19 =	simm.s32 $_scs_section_size  }
0x9a: {  	s4 =	simm.s32 $_size__tile_overlayer_lowered;
	s5 =	simm.s32 $_tile_overlayer_lowered  }
0x9b: {  	s22 =	simm.s32 $0x1BFF;
	s21 =	sshll.u32 s5, $0x1;
	s2 =	sadd.s32 s19, s18  }
0x9c: {  	s6 =	simm.s32 $0x0;
	s20 =	sshll.u32 s4, $0x1;
	s4 =	sadd.s32 s21, s2  }
0x9d: {  	[timem:s6], [sflag:s22] =	dma.local [hbm:s4], s20  }
0x9e: {  	_ =	swait.ge [sflag:s22], s20  }
0x9f: {  	s3 =	ssub.s32 $0x0, s20;
	[sflag:s22] =	ssyncset.done $0x0  }
0xa0: {  	[sflag:s22] =	ssyncadd.s32 s3;
	_ =	sdelay $0x1  }
0xa1: {  	s23 =	simm.s32 $0x1B8B  }
0xa2: {  	_ =	swait.ge [sflag:s23], $0x1  }
0xa3: {  	[sflag:s23] =	ssyncset.done $0x0  }
0xa4: {  	s25 =	simm.s32 $0x1B8E;
	s24 =	sld [smem:$0x3FFE];
	[sflag:s23] =	ssyncadd.s32 $0xFFFFFFFF  }
0xa5: {  	s26 =	simm.s32 $execute0_lowered;
	[smem:$0x3FD2] =	sst s25  }
0xa6: {  	s4 =	sshll.u32 s26, $0x1;
	_ =	strace $0x80000049;
	[dreg:$0x1] =	wrdreg $0xFFFFFFFF  }
0xa7: {  	s28 =	simm.s32 $_size_execute0_lowered;
	s2 =	sadd.s32 s2, s4;
	[dreg:$0x0] =	wrdreg $0x0  }
0xa8: {  	s4 =	sshll.u32 s28, $0x1;
	[dreg:$0x2] =	wrdreg s2  }
0xa9: {  	[dreg:$0x3] =	wrdreg s4  }
0xaa: {  	[dreg:$0x4] =	wrdreg $0xC0  }
0xab: {  	_ =	task [dreg:s6], $0x5FFFF  }
0xac: {  	[dreg:$0x1] =	wrdreg $0xFFFFFFFF  }
0xad: {  	[dreg:$0x0] =	wrdreg $0x60  }
0xae: {  	[dreg:$0x2] =	wrdreg s24  }
0xaf: {  	[dreg:$0x3] =	wrdreg $0x11A800  }
0xb0: {  	[dreg:$0x4] =	wrdreg $0x9  }
0xb1: {  	_ =	task.clear_ibuf [dreg:s6], $0x5FFFF;
	_ =	strace $0x90000049  }
0xb2: {  	s29 =	simm.s32 $0x9;
	_ =	strace $0x8000004B  }
0xb3: {  	_ =	swait.ge [sflag:s29], $0x1  }
0xb4: {  	[sflag:s29] =	ssyncadd.s32 $0xFFFFFFFF  }
0xb5: {  	_ =	strace $0x9000004B  }
0xb6: {  	_ =	sfence  }
0xb7: {  	s30 =	sld [smem:$0x0];
	_ =	sdelay $0x2  }
0xb8: {  	s31 =	sshll.u32 s1, $0xD;
	s1 =	sshrl.u32 s1, $0x2  }
0xb9: {  	s3 =	sand.u32 $0x4000, s31;
	s1 =	sadd.s32 s1, s30  }
0xba: {  	s0 =	sor.u32 s3, s0;
	s1 =	sshll.u32 s1, $0x11  }
0xbb: {  	s0 =	sor.u32 s1, s0  }
0xbc: {  	s0 =	sadd.s32 $0x8F2B, s0  }
0xbd: {  	[sflag:s0] =	ssyncadd.remote.s32 $0x1  }
0xbe: {  	_ =	sfence.sel $0xFFFF  }
0xbf: {  	[dreg:$0x0] =	wrdreg $0xFFFFFFFF;
	(pc) =	sbr.abs _section_cstart, $3  }
0xc0: {  	[dreg:$0x1] =	wrdreg $0xFFFFFFFF  }
0xc1: {  	_ =	task.clear_ibuf [dreg:s6], $0x2FFFF;
	_ =	strace $0x9FFFFFFF  }
0xc2: {  	(tm) =	ssettm $0x7FFFFFFF  }
0xc3: {  	_ =	shalt  }
tec
execute0_lowered:
.L_overlay_start_1:
0x0: {  	(tag) =	ssettag $0x1  }
0x1: {  	s0 =	rddreg [dreg:$0x0]  }
0x2: {  	s2 =	rddreg [dreg:$0x1]  }
0x3: {  	s7 =	stileid.u32;
	s3 =	simm.s32 $0x0;
	s4 =	srdreg.scid  }
0x4: {  	s28 =	simm.s32 $0x80;
	s29 =	simm.s32 $0xF200;
	s30 =	simm.s32 $0x1  }
0x5: {  	s31 =	simm.s32 $0x11A00;
	s1 =	smul.u32 $0xA20, s7;
	[smem:$0x7FF] =	sst s3  }
0x6: {  	s14 =	sand.u32 $0x1, s4;
	s5 =	sadd.s32 $0x5000, s0;
	s7 =	smul.u32 $0x75C0, s7  }
0x7: {  	s8 =	sadd.s32 $0x1D000, s0;
	_ =	strace $0x8000004A;
	s4 =	smul.u32 $0x2D000, s14  }
0x8: {  	s6 =	ssub.s32 $0x2, s14;
	[dreg:$0x3] =	wrdreg s8;
	s15 =	smov.u32 s14  }
0x9: {  	s14 =	smul.u32 $0xA000, s14;
	s1 =	sadd.s32 s1, s0;
	s21 =	sshrl.u32 s6, $0x1  }
0xa: {  	s23 =	sadd.s32 $0x1800, s7;
	s9 =	sadd.s32 s7, s2;
	s24 =	sadd.s32 $0x3000, s7  }
0xb: {  	s25 =	sadd.s32 $0x4800, s7;
	s20 =	sadd.s32 $0x6000, s7;
	s16 =	sshrl.u32 s7, $0x3  }
0xc: {  	s0 =	sadd.s32 s4, s0;
	s4 =	ssub.s32 s6, s21;
	s22 =	sadd.s32 $0x12E00, s1  }
0xd: {  	s1 =	sadd.s32 $0x8C00, s1;
	s10 =	sadd.s32 s23, s2;
	s11 =	sadd.s32 s24, s2  }
0xe: {  	s12 =	sadd.s32 s25, s2;
	s13 =	sadd.s32 s20, s2;
	[dreg:$0x6] =	wrdreg s14  }
0xf: {  	s17 =	sshrl.u32 s23, $0x3;
	s18 =	sshrl.u32 s24, $0x3;
	s19 =	sshrl.u32 s25, $0x3  }
0x10: {  	s20 =	sshrl.u32 s20, $0x3;
	s24 =	simm.s32 $0x10200;
	[dreg:$0x4] =	wrdreg s22  }
0x11: {  	s25 =	simm.s32 $0xA200;
	[dreg:$0x5] =	wrdreg s1;
	s0 =	sadd.s32 $0x59000, s0  }
0x12: {  	s23 =	simm.s32 $0x0;
	s26 =	smax.u32 s4, $0x1;
	[dreg:$0x7] =	wrdreg s0  }
0x13: {  	v0 =	vimm.f32 $0.0e+00;
	vm0 =	vmmov $0x1;
	s22 =	simm.s32 $0x2;
	s1 =	simm.s32 $0x0;
	[dreg:$0x8] =	wrdreg s26  }
.LBB2_1:
0x14: {  	[dreg:$0x9] =	wrdreg s1  }
0x15: {  	s0 =	rddreg [dreg:$0x4]  }
0x16: {  	[tilespmem:s3], [sflag:$0x2] =	stream.linear.gather [hbm4b:s0+s3], $0x5100, $0x38;
	[tilespmem:$0x19040] =	vst v63  }
0x17: {  	_ =	swait.ge [sflag:s22], $0x5100  }
0x18: {  	[sflag:s22] =	ssyncset.done $0x0  }
0x19: {  	s26 =	simm.s32 $0x5100;
	s21 =	rddreg [dreg:$0x5];
	[sflag:s22] =	ssyncadd.s32 $0xFFFFAF00  }
0x1a: {  	[tilespmem:s26], [sflag:$0x2] =	stream.linear.gather [hbm4b:s21+s3], $0x5100, $0x38;
	[tilespmem:$0x19040] =	vst v63  }
0x1b: {  	_ =	swait.ge [sflag:s22], $0x5100  }
0x1c: {  	[sflag:s22] =	ssyncset.done $0x0  }
0x1d: {  	s1 =	simm.s32 $0x0;
	[sflag:s22] =	ssyncadd.s32 $0xFFFFAF00  }
.LBB2_2:
0x1e: {  	s0 =	simm.s32 $0xC0;
	s4 =	simm.s32 $0x0  }
.LBB2_3:
0x1f: {  	p0 =	sne.s32 s0, $0x5F40;
	[tilespmem:s4+$0x10220] =	vst v0;
	s6 =	smov.u32 s0;
	s0 =	sadd.s32 $0xC0, s0  }
.Ltmp0:
0x20: {  	[tilespmem:s4+$0x10200] =	vst v0;
	(pc) =	sbr.rel @p0 .LBB2_3-.Ltmp0, $2  }
0x21: {  	[tilespmem:s4+$0x10210] =	vst v0;
	_ =	sdelay $0x2  }
0x22: {  	s4 =	sshra.s32 s6, $0x2  }
0x23: {  	[tilespmem:s4+$0x10220] =	vst v0  }
0x24: {  	[tilespmem:s4+$0x10200] =	vst v0  }
0x25: {  	[tilespmem:s4+$0x10210] =	vst v0  }
0x26: {  	[spmem:s9] =	stream.linear.scatter [tilespmem:s24], [sflag:$0x2], $0x1800, $0x38;
	[tilespmem:$0x19040] =	vst v63  }
0x27: {  	_ =	swait.ge [sflag:s22], $0x1800  }
0x28: {  	[sflag:s22] =	ssyncset.done $0x0  }
0x29: {  	[sflag:s22] =	ssyncadd.s32 $0xFFFFE800  }
0x2a: {  	[spmem:s10] =	stream.linear.scatter [tilespmem:s24], [sflag:$0x2], $0x1800, $0x38;
	[tilespmem:$0x19040] =	vst v63  }
0x2b: {  	_ =	swait.ge [sflag:s22], $0x1800  }
0x2c: {  	[sflag:s22] =	ssyncset.done $0x0  }
0x2d: {  	[sflag:s22] =	ssyncadd.s32 $0xFFFFE800  }
0x2e: {  	[spmem:s11] =	stream.linear.scatter [tilespmem:s24], [sflag:$0x2], $0x1800, $0x38;
	[tilespmem:$0x19040] =	vst v63  }
0x2f: {  	_ =	swait.ge [sflag:s22], $0x1800  }
0x30: {  	[sflag:s22] =	ssyncset.done $0x0  }
0x31: {  	[sflag:s22] =	ssyncadd.s32 $0xFFFFE800  }
0x32: {  	[spmem:s12] =	stream.linear.scatter [tilespmem:s24], [sflag:$0x2], $0x1800, $0x38;
	[tilespmem:$0x19040] =	vst v63  }
0x33: {  	_ =	swait.ge [sflag:s22], $0x1800  }
0x34: {  	s0 =	sshll.u32 s1, $0x2;
	[sflag:s22] =	ssyncset.done $0x0  }
0x35: {  	s0 =	sor.u32 s15, s0;
	[sflag:s22] =	ssyncadd.s32 $0xFFFFE800  }
0x36: {  	[spmem:s13] =	stream.linear.scatter [tilespmem:s24], [sflag:$0x2], $0x15C0, $0x38;
	[tilespmem:$0x19040] =	vst v63  }
0x37: {  	s7 =	smul.u32 $0x500, s0;
	_ =	swait.ge [sflag:s22], $0x15C0  }
0x38: {  	[sflag:s22] =	ssyncset.done $0x0  }
0x39: {  	s0 =	smul.u32 $0x2800, s0;
	s4 =	sadd.s32 s5, s7;
	[sflag:s22] =	ssyncadd.s32 $0xFFFFEA40  }
0x3a: {  	[tilespmem:s25], [sflag:$0x2] =	stream.linear.gather [hbm4b:s4+s23], $0x2800, $0x38;
	[tilespmem:$0x19040] =	vst v63  }
0x3b: {  	s0 =	sshrl.u32 s0, $0x3;
	_ =	swait.ge [sflag:s22], $0x2800  }
0x3c: {  	s0 =	sadd.s32 s5, s0;
	[sflag:s22] =	ssyncset.done $0x0  }
0x3d: {  	s8 =	simm.s32 $0xCA00;
	s0 =	sadd.s32 $0xA00, s0;
	[sflag:s22] =	ssyncadd.s32 $0xFFFFD800  }
0x3e: {  	[tilespmem:s8], [sflag:$0x2] =	stream.linear.gather [hbm4b:s0+s23], $0x2800, $0x38;
	[tilespmem:$0x19040] =	vst v63  }
0x3f: {  	_ =	swait.ge [sflag:s22], $0x2800  }
0x40: {  	[sflag:s22] =	ssyncset.done $0x0  }
0x41: {  	s14 =	smul.u32 $0x14000, s1;
	[sflag:s22] =	ssyncadd.s32 $0xFFFFD800  }
0x42: {  	s21 =	rddreg [dreg:$0x3];
	[bflag:$0x0] =	sbarrier.arrive $0xFFFF  }
0x43: {  	s0 =	sadd.s32 s21, s14;
	s26 =	rddreg [dreg:$0x6]  }
0x44: {  	s8 =	simm.s32 $0x0;
	s7 =	sadd.s32 s26, s0  }
0x45: {  	[tilespmem:s29], [sflag:$0x1] =	stream.indirect.gather [hbm4b:s7+s28], $0x20, s23, s28, $0xb8;
	[tilespmem:$0x19040] =	vst v63  }
.LBB2_5:
0x46: {  	s21 =	sshll.u32 s8, $0x7  }
0x47: {  	v1 =	vld [tilespmem:s21+$0x5100]  }
0x48: {  	v2 =	vld [tilespmem:s21+$0x0];
	_ =	sdelay $0x3  }
0x49: {  	v1 =	vadd.s32 $0x2800, v1;
	_ =	sdelay $0x3  }
0x4a: {  	v2 =	vld.idx.msk [tilespmem:v2+s25+$0x0], $0xffff  }
0x4b: {  	v1 =	vld.idx.msk [tilespmem:v1+s25+$0x0], $0xffff;
	_ =	sdelay $0x4  }
0x4c: {  	v1 =	vadd.f32 v1, v2;
	_ =	sdelay $0x1  }
0x4d: {  	v2 =	vmul.f32 $2.000000030e-01, v1;
	_ =	sdelay $0x1  }
0x4e: {  	v1 =	vmax.f32 v1, v2  }
0x4f: {  	v1 =	vmul.f32 $1.442695020e+00, v1;
	_ =	sdelay $0x1  }
0x50: {  	(erf) = vpow2.f32 v1;
	_ =	sdelay $0x8  }
0x51: {  	v1 =	vpop (erf)  }
0x52: {  	[tilespmem:$0x11A00] =	vst v1  }
0x53: {  	v1 =	vld [tilespmem:s21+$0x5110]  }
0x54: {  	v2 =	vld [tilespmem:s21+$0x10];
	_ =	sdelay $0x3  }
0x55: {  	v1 =	vadd.s32 $0x2800, v1;
	_ =	sdelay $0x3  }
0x56: {  	v2 =	vld.idx.msk [tilespmem:v2+s25+$0x0], $0xffff  }
0x57: {  	v1 =	vld.idx.msk [tilespmem:v1+s25+$0x0], $0xffff;
	_ =	sdelay $0x4  }
0x58: {  	v1 =	vadd.f32 v1, v2;
	_ =	sdelay $0x1  }
0x59: {  	v2 =	vmul.f32 $2.000000030e-01, v1;
	_ =	sdelay $0x1  }
0x5a: {  	v1 =	vmax.f32 v1, v2  }
0x5b: {  	v1 =	vmul.f32 $1.442695020e+00, v1;
	_ =	sdelay $0x1  }
0x5c: {  	(erf) = vpow2.f32 v1;
	_ =	sdelay $0x8  }
0x5d: {  	v1 =	vpop (erf)  }
0x5e: {  	[tilespmem:$0x11A10] =	vst v1  }
0x5f: {  	v1 =	vld [tilespmem:s21+$0x5120]  }
0x60: {  	v2 =	vld [tilespmem:s21+$0x20];
	_ =	sdelay $0x3  }
0x61: {  	v1 =	vadd.s32 $0x2800, v1;
	_ =	sdelay $0x3  }
0x62: {  	v2 =	vld.idx.msk [tilespmem:v2+s25+$0x0], $0xffff  }
0x63: {  	v1 =	vld.idx.msk [tilespmem:v1+s25+$0x0], $0xffff;
	_ =	sdelay $0x4  }
0x64: {  	v1 =	vadd.f32 v1, v2;
	_ =	sdelay $0x1  }
0x65: {  	v2 =	vmul.f32 $2.000000030e-01, v1;
	_ =	sdelay $0x1  }
0x66: {  	v1 =	vmax.f32 v1, v2  }
0x67: {  	v1 =	vmul.f32 $1.442695020e+00, v1;
	_ =	sdelay $0x1  }
0x68: {  	(erf) = vpow2.f32 v1;
	_ =	sdelay $0x8  }
0x69: {  	v1 =	vpop (erf)  }
0x6a: {  	[tilespmem:$0x11A20] =	vst v1  }
0x6b: {  	v1 =	vld [tilespmem:s21+$0x5130]  }
0x6c: {  	v2 =	vld [tilespmem:s21+$0x30];
	_ =	sdelay $0x3  }
0x6d: {  	v1 =	vadd.s32 $0x2800, v1;
	_ =	sdelay $0x3  }
0x6e: {  	v2 =	vld.idx.msk [tilespmem:v2+s25+$0x0], $0xffff  }
0x6f: {  	v1 =	vld.idx.msk [tilespmem:v1+s25+$0x0], $0xffff;
	_ =	sdelay $0x4  }
0x70: {  	v1 =	vadd.f32 v1, v2;
	_ =	sdelay $0x1  }
0x71: {  	v2 =	vmul.f32 $2.000000030e-01, v1;
	_ =	sdelay $0x1  }
0x72: {  	v1 =	vmax.f32 v1, v2  }
0x73: {  	v1 =	vmul.f32 $1.442695020e+00, v1;
	_ =	sdelay $0x1  }
0x74: {  	(erf) = vpow2.f32 v1;
	_ =	sdelay $0x8  }
0x75: {  	v1 =	vpop (erf)  }
0x76: {  	[tilespmem:$0x11A30] =	vst v1  }
0x77: {  	v1 =	vld [tilespmem:s21+$0x5140]  }
0x78: {  	v2 =	vld [tilespmem:s21+$0x40];
	_ =	sdelay $0x3  }
0x79: {  	v1 =	vadd.s32 $0x2800, v1;
	_ =	sdelay $0x3  }
0x7a: {  	v2 =	vld.idx.msk [tilespmem:v2+s25+$0x0], $0xffff  }
0x7b: {  	v1 =	vld.idx.msk [tilespmem:v1+s25+$0x0], $0xffff;
	_ =	sdelay $0x4  }
0x7c: {  	v1 =	vadd.f32 v1, v2;
	_ =	sdelay $0x1  }
0x7d: {  	v2 =	vmul.f32 $2.000000030e-01, v1;
	_ =	sdelay $0x1  }
0x7e: {  	v1 =	vmax.f32 v1, v2  }
0x7f: {  	v1 =	vmul.f32 $1.442695020e+00, v1;
	_ =	sdelay $0x1  }
0x80: {  	(erf) = vpow2.f32 v1;
	_ =	sdelay $0x8  }
0x81: {  	v1 =	vpop (erf)  }
0x82: {  	[tilespmem:$0x11A40] =	vst v1  }
0x83: {  	v1 =	vld [tilespmem:s21+$0x5150]  }
0x84: {  	v2 =	vld [tilespmem:s21+$0x50];
	_ =	sdelay $0x3  }
0x85: {  	v1 =	vadd.s32 $0x2800, v1;
	_ =	sdelay $0x3  }
0x86: {  	v2 =	vld.idx.msk [tilespmem:v2+s25+$0x0], $0xffff  }
0x87: {  	v1 =	vld.idx.msk [tilespmem:v1+s25+$0x0], $0xffff;
	_ =	sdelay $0x4  }
0x88: {  	v1 =	vadd.f32 v1, v2;
	_ =	sdelay $0x1  }
0x89: {  	v2 =	vmul.f32 $2.000000030e-01, v1;
	_ =	sdelay $0x1  }
0x8a: {  	v1 =	vmax.f32 v1, v2  }
0x8b: {  	v1 =	vmul.f32 $1.442695020e+00, v1;
	_ =	sdelay $0x1  }
0x8c: {  	(erf) = vpow2.f32 v1;
	_ =	sdelay $0x8  }
0x8d: {  	v1 =	vpop (erf)  }
0x8e: {  	[tilespmem:$0x11A50] =	vst v1  }
0x8f: {  	v1 =	vld [tilespmem:s21+$0x5160]  }
0x90: {  	v2 =	vld [tilespmem:s21+$0x60];
	_ =	sdelay $0x3  }
0x91: {  	v1 =	vadd.s32 $0x2800, v1;
	_ =	sdelay $0x3  }
0x92: {  	v2 =	vld.idx.msk [tilespmem:v2+s25+$0x0], $0xffff  }
0x93: {  	v1 =	vld.idx.msk [tilespmem:v1+s25+$0x0], $0xffff;
	_ =	sdelay $0x4  }
0x94: {  	v1 =	vadd.f32 v1, v2;
	_ =	sdelay $0x1  }
0x95: {  	v2 =	vmul.f32 $2.000000030e-01, v1;
	_ =	sdelay $0x1  }
0x96: {  	v1 =	vmax.f32 v1, v2  }
0x97: {  	v1 =	vmul.f32 $1.442695020e+00, v1;
	_ =	sdelay $0x1  }
0x98: {  	(erf) = vpow2.f32 v1;
	_ =	sdelay $0x8  }
0x99: {  	v1 =	vpop (erf)  }
0x9a: {  	[tilespmem:$0x11A60] =	vst v1  }
0x9b: {  	v1 =	vld [tilespmem:s21+$0x5170]  }
0x9c: {  	v2 =	vld [tilespmem:s21+$0x70];
	_ =	sdelay $0x3  }
0x9d: {  	v1 =	vadd.s32 $0x2800, v1;
	_ =	sdelay $0x3  }
0x9e: {  	v2 =	vld.idx.msk [tilespmem:v2+s25+$0x0], $0xffff  }
0x9f: {  	v1 =	vld.idx.msk [tilespmem:v1+s25+$0x0], $0xffff;
	_ =	sdelay $0x4  }
0xa0: {  	v1 =	vadd.f32 v1, v2;
	_ =	sdelay $0x1  }
0xa1: {  	v2 =	vmul.f32 $2.000000030e-01, v1;
	_ =	sdelay $0x1  }
0xa2: {  	v1 =	vmax.f32 v1, v2  }
0xa3: {  	v1 =	vmul.f32 $1.442695020e+00, v1;
	_ =	sdelay $0x1  }
0xa4: {  	(erf) = vpow2.f32 v1;
	_ =	sdelay $0x5  }
0xa5: {  	v1 =	vmov s23  }
0xa6: {  	v1 =	vand.u32 $0xFFFFFFFC, v1  }
0xa7: {  	v1 =	vbroadcast v1, $0x0  }
0xa8: {  	v2 =	vpop (erf)  }
0xa9: {  	[tilespmem:$0x11A70] =	vst v2  }
0xaa: {  	_ =	swait.ge [sflag:s30], $0x1000  }
0xab: {  	[sflag:s30] =	ssyncset.done $0x0  }
0xac: {  	[sflag:s30] =	ssyncadd.s32 $0xFFFFF000  }
0xad: {  	s0 =	simm.s32 $0xF240;
	v1 =	vld.idx.msk [tilespmem:v1+s31+$0x0], $0xffff  }
0xae: {  	v2 =	vld [tilespmem:s0+$0xFFFFFFC0];
	_ =	sdelay $0x4  }
0xaf: {  	v2 =	vmul.f32 v2, v1  }
0xb0: {  	s26 =	simm.s32 $0x10260  }
0xb1: {  	s4 =	simm.s32 $0x1;
	[tilespmem:s26+$0xFFFFFFA0] =	vst v2  }
0xb2: {  	v3 =	vmov s4;
	v2 =	vld [tilespmem:s0+$0xFFFFFFD0]  }
0xb3: {  	v3 =	vand.u32 $0xFFFFFFFD, v3  }
0xb4: {  	v3 =	vbroadcast v3, $0x0;
	_ =	sdelay $0x2  }
0xb5: {  	v2 =	vmul.f32 v2, v1;
	v1 =	vnsel vm0, $0x0, v1  }
0xb6: {  	[tilespmem:s26+$0xFFFFFFC0] =	vst v1  }
0xb7: {  	[tilespmem:s26+$0xFFFFFFB0] =	vst v2  }
0xb8: {  	v1 =	vld.idx.msk [tilespmem:v3+s31+$0x0], $0xffff  }
0xb9: {  	v2 =	vld [tilespmem:s0+$0xFFFFFFE0];
	_ =	sdelay $0x4  }
0xba: {  	v2 =	vmul.f32 v2, v1;
	_ =	sdelay $0x1  }
0xbb: {  	s6 =	simm.s32 $0x2;
	[tilespmem:s26+$0xFFFFFFD0] =	vst v2  }
0xbc: {  	v3 =	vmov s6;
	v2 =	vld [tilespmem:s0+$0xFFFFFFF0]  }
0xbd: {  	v3 =	vand.u32 $0xFFFFFFFE, v3  }
0xbe: {  	v3 =	vbroadcast v3, $0x0;
	_ =	sdelay $0x2  }
0xbf: {  	v2 =	vmul.f32 v2, v1;
	v1 =	vnsel vm0, $0x0, v1  }
0xc0: {  	[tilespmem:s26+$0xFFFFFFF0] =	vst v1  }
0xc1: {  	[tilespmem:s26+$0xFFFFFFE0] =	vst v2  }
0xc2: {  	v1 =	vld.idx.msk [tilespmem:v3+s31+$0x0], $0xffff  }
0xc3: {  	v2 =	vld [tilespmem:s0+$0x0];
	_ =	sdelay $0x4  }
0xc4: {  	v2 =	vmul.f32 v2, v1;
	_ =	sdelay $0x1  }
0xc5: {  	[tilespmem:s26+$0x0] =	vst v2  }
0xc6: {  	v2 =	vld [tilespmem:s0+$0x10];
	_ =	sdelay $0x1  }
0xc7: {  	s14 =	simm.s32 $0x3  }
0xc8: {  	v3 =	vmov s14;
	_ =	sdelay $0x1  }
0xc9: {  	v2 =	vmul.f32 v2, v1;
	v1 =	vnsel vm0, $0x0, v1  }
0xca: {  	[tilespmem:s26+$0x20] =	vst v1  }
0xcb: {  	[tilespmem:s26+$0x10] =	vst v2  }
0xcc: {  	v1 =	vld.idx.msk [tilespmem:v3+s31+$0x0], $0xffff  }
0xcd: {  	v2 =	vld [tilespmem:s0+$0x20];
	_ =	sdelay $0x4  }
0xce: {  	v2 =	vmul.f32 v2, v1;
	_ =	sdelay $0x1  }
0xcf: {  	s4 =	simm.s32 $0x4;
	v4 =	vnsel vm0, $0x0, v1;
	[tilespmem:s26+$0x30] =	vst v2  }
0xd0: {  	s21 =	sadd.s32 $0x5100, s21;
	s6 =	simm.s32 $0x8;
	v3 =	vmov s4;
	v2 =	vld [tilespmem:s0+$0x30];
	[tilespmem:s26+$0x50] =	vst v4  }
.LBB2_6:
0xd1: {  	p0 =	sne.s32 s6, $0x7C;
	v3 =	vand.u32 $0xFFFFFFFC, v3  }
0xd2: {  	v3 =	vbroadcast v3, $0x0;
	_ =	sdelay $0x2  }
0xd3: {  	v1 =	vmul.f32 v2, v1;
	_ =	sdelay $0x1  }
0xd4: {  	[tilespmem:s26+$0x40] =	vst v1  }
0xd5: {  	s0 =	sadd.s32 $0x80, s0;
	v1 =	vld.idx.msk [tilespmem:v3+s31+$0x0], $0xffff  }
0xd6: {  	v2 =	vld [tilespmem:s0+$0xFFFFFFC0];
	_ =	sdelay $0x4  }
0xd7: {  	v2 =	vmul.f32 v2, v1  }
0xd8: {  	s26 =	sadd.s32 $0xC0, s26  }
0xd9: {  	s14 =	sadd.s32 $0x1, s4;
	[tilespmem:s26+$0xFFFFFFA0] =	vst v2  }
0xda: {  	v3 =	vmov s14;
	v2 =	vld [tilespmem:s0+$0xFFFFFFD0]  }
0xdb: {  	v3 =	vand.u32 $0xFFFFFFFD, v3  }
0xdc: {  	v3 =	vbroadcast v3, $0x0;
	_ =	sdelay $0x2  }
0xdd: {  	v2 =	vmul.f32 v2, v1;
	v1 =	vnsel vm0, $0x0, v1  }
0xde: {  	[tilespmem:s26+$0xFFFFFFC0] =	vst v1  }
0xdf: {  	[tilespmem:s26+$0xFFFFFFB0] =	vst v2  }
0xe0: {  	v1 =	vld.idx.msk [tilespmem:v3+s31+$0x0], $0xffff  }
0xe1: {  	v2 =	vld [tilespmem:s0+$0xFFFFFFE0];
	_ =	sdelay $0x4  }
0xe2: {  	v2 =	vmul.f32 v2, v1;
	_ =	sdelay $0x1  }
0xe3: {  	s14 =	sadd.s32 $0x2, s4;
	[tilespmem:s26+$0xFFFFFFD0] =	vst v2  }
0xe4: {  	v3 =	vmov s14;
	v2 =	vld [tilespmem:s0+$0xFFFFFFF0]  }
0xe5: {  	v3 =	vand.u32 $0xFFFFFFFE, v3  }
0xe6: {  	v3 =	vbroadcast v3, $0x0;
	_ =	sdelay $0x2  }
0xe7: {  	v2 =	vmul.f32 v2, v1;
	v1 =	vnsel vm0, $0x0, v1  }
0xe8: {  	[tilespmem:s26+$0xFFFFFFF0] =	vst v1  }
0xe9: {  	[tilespmem:s26+$0xFFFFFFE0] =	vst v2  }
0xea: {  	v1 =	vld.idx.msk [tilespmem:v3+s31+$0x0], $0xffff  }
0xeb: {  	v2 =	vld [tilespmem:s0+$0x0];
	_ =	sdelay $0x4  }
0xec: {  	v2 =	vmul.f32 v2, v1;
	_ =	sdelay $0x1  }
0xed: {  	[tilespmem:s26+$0x0] =	vst v2  }
0xee: {  	v2 =	vld [tilespmem:s0+$0x10];
	_ =	sdelay $0x1  }
0xef: {  	s14 =	sadd.s32 $0x3, s4;
	s4 =	smov.u32 s6  }
0xf0: {  	v3 =	vmov s14;
	_ =	sdelay $0x1  }
0xf1: {  	v2 =	vmul.f32 v2, v1;
	v1 =	vnsel vm0, $0x0, v1  }
0xf2: {  	[tilespmem:s26+$0x20] =	vst v1  }
0xf3: {  	[tilespmem:s26+$0x10] =	vst v2  }
0xf4: {  	v1 =	vld.idx.msk [tilespmem:v3+s31+$0x0], $0xffff  }
0xf5: {  	v2 =	vld [tilespmem:s0+$0x20];
	_ =	sdelay $0x3  }
.Ltmp1:
0xf6: {  	(pc) =	sbr.rel @p0 .LBB2_6-.Ltmp1, $3  }
0xf7: {  	v4 =	vnsel vm0, $0x0, v1;
	v2 =	vmul.f32 v2, v1;
	_ =	sdelay $0x1  }
0xf8: {  	[tilespmem:s26+$0x30] =	vst v2  }
0xf9: {  	s6 =	sadd.s32 $0x4, s6;
	v3 =	vmov s4;
	v2 =	vld [tilespmem:s0+$0x30];
	[tilespmem:s26+$0x50] =	vst v4  }
0xfa: {  	v3 =	vand.u32 $0xFFFFFFFC, v3  }
0xfb: {  	v3 =	vbroadcast v3, $0x0;
	_ =	sdelay $0x2  }
0xfc: {  	v1 =	vmul.f32 v2, v1;
	_ =	sdelay $0x1  }
0xfd: {  	[tilespmem:s26+$0x40] =	vst v1  }
0xfe: {  	s0 =	sadd.s32 $0x80, s0;
	v1 =	vld.idx.msk [tilespmem:v3+s31+$0x0], $0xffff  }
0xff: {  	v2 =	vld [tilespmem:s0+$0xFFFFFFC0];
	_ =	sdelay $0x4  }
0x100: {  	v2 =	vmul.f32 v2, v1  }
0x101: {  	s6 =	sadd.s32 $0xC0, s26  }
0x102: {  	s14 =	sadd.s32 $0x1, s4;
	[tilespmem:s6+$0xFFFFFFA0] =	vst v2  }
0x103: {  	v3 =	vmov s14;
	v2 =	vld [tilespmem:s0+$0xFFFFFFD0]  }
0x104: {  	v3 =	vand.u32 $0xFFFFFFFD, v3  }
0x105: {  	v3 =	vbroadcast v3, $0x0;
	_ =	sdelay $0x2  }
0x106: {  	v2 =	vmul.f32 v2, v1;
	v1 =	vnsel vm0, $0x0, v1  }
0x107: {  	[tilespmem:s6+$0xFFFFFFC0] =	vst v1  }
0x108: {  	[tilespmem:s6+$0xFFFFFFB0] =	vst v2  }
0x109: {  	v1 =	vld.idx.msk [tilespmem:v3+s31+$0x0], $0xffff  }
0x10a: {  	v2 =	vld [tilespmem:s0+$0xFFFFFFE0];
	_ =	sdelay $0x4  }
0x10b: {  	v2 =	vmul.f32 v2, v1;
	_ =	sdelay $0x1  }
0x10c: {  	s26 =	sadd.s32 $0x2, s4;
	[tilespmem:s6+$0xFFFFFFD0] =	vst v2  }
0x10d: {  	v3 =	vmov s26;
	v2 =	vld [tilespmem:s0+$0xFFFFFFF0]  }
0x10e: {  	v3 =	vand.u32 $0xFFFFFFFE, v3  }
0x10f: {  	v3 =	vbroadcast v3, $0x0;
	_ =	sdelay $0x2  }
0x110: {  	v2 =	vmul.f32 v2, v1;
	v1 =	vnsel vm0, $0x0, v1  }
0x111: {  	[tilespmem:s6+$0xFFFFFFF0] =	vst v1  }
0x112: {  	[tilespmem:s6+$0xFFFFFFE0] =	vst v2  }
0x113: {  	v1 =	vld.idx.msk [tilespmem:v3+s31+$0x0], $0xffff  }
0x114: {  	v2 =	vld [tilespmem:s0+$0x0];
	_ =	sdelay $0x4  }
0x115: {  	v2 =	vmul.f32 v2, v1;
	_ =	sdelay $0x1  }
0x116: {  	[tilespmem:s6+$0x0] =	vst v2  }
0x117: {  	v2 =	vld [tilespmem:s0+$0x10];
	_ =	sdelay $0x1  }
0x118: {  	s26 =	sadd.s32 $0x3, s4  }
0x119: {  	v3 =	vmov s26;
	_ =	sdelay $0x1  }
0x11a: {  	v2 =	vmul.f32 v2, v1;
	v1 =	vnsel vm0, $0x0, v1  }
0x11b: {  	[tilespmem:s6+$0x20] =	vst v1  }
0x11c: {  	[tilespmem:s6+$0x10] =	vst v2  }
0x11d: {  	v1 =	vld.idx.msk [tilespmem:v3+s31+$0x0], $0xffff  }
0x11e: {  	v2 =	vld [tilespmem:s0+$0x20];
	_ =	sdelay $0x4  }
0x11f: {  	v2 =	vmul.f32 v2, v1;
	_ =	sdelay $0x1  }
0x120: {  	[tilespmem:s6+$0x30] =	vst v2  }
0x121: {  	v2 =	vld [tilespmem:s0+$0x30];
	_ =	sdelay $0x2  }
0x122: {  	s8 =	sadd.s32 $0x1, s8  }
0x123: {  	p0 =	slt.s32 s8, $0xA1;
	s0 =	smov.u32 s8  }
0x124: {  	v3 =	vnsel vm0, $0x0, v1;
	s0 =	simm.s32 @!p0 $0xA1;
	v1 =	vmul.f32 v2, v1  }
0x125: {  	[tilespmem:s6+$0x50] =	vst v3;
	s0 =	sshll.u32 s0, $0x7  }
0x126: {  	p0 =	sne.s32 s8, $0xA2;
	s0 =	sand.u32 $0x3FFFFF80, s0;
	[tilespmem:s6+$0x40] =	vst v1  }
0x127: {  	[tilespmem:s29], [sflag:$0x1] =	stream.indirect.gather [hbm4b:s7+s28], $0x20, s0, s28, $0xb8;
	[tilespmem:$0x19040] =	vst v63  }
.Ltmp2:
0x128: {  	_ = 	snop;
	(pc) =	sbr.rel @p0 .LBB2_5-.Ltmp2, $4  }
0x129: {  	[spmem:s2] =	stream.indirect.scatter.add.f32 [tilespmem:s24], [sflag:$0x2], $0x30, s21, s28, $0xb8;
	[tilespmem:$0x19040] =	vst v63  }
0x12a: {  	_ =	swait.ge [sflag:s22], $0x1800  }
0x12b: {  	[sflag:s22] =	ssyncset.done $0x0  }
0x12c: {  	[sflag:s22] =	ssyncadd.s32 $0xFFFFE800  }
0x12d: {  	_ =	swait.ge [sflag:s30], $0x1000  }
0x12e: {  	[sflag:s30] =	ssyncset.done $0x0  }
0x12f: {  	[sflag:s30] =	ssyncadd.s32 $0xFFFFF000  }
0x130: {  	[bflag:$0x0] =	sbarrier.arrive $0xFFFF  }
0x131: {  	[tilespmem:s24], [sflag:$0x2] =	stream.linear.gather [spmem:s9], $0x1800, $0x38;
	[tilespmem:$0x19040] =	vst v63  }
0x132: {  	s0 =	smul.u32 $0xF000, s1;
	_ =	swait.ge [sflag:s22], $0x1800  }
0x133: {  	s4 =	rddreg [dreg:$0x7]  }
0x134: {  	[sflag:s22] =	ssyncset.done $0x0;
	s0 =	sadd.s32 s0, s4  }
0x135: {  	[sflag:s22] =	ssyncadd.s32 $0xFFFFE800;
	s4 =	sadd.s32 s16, s0  }
0x136: {  	[hbm4b:s4+s3] =	stream.linear.scatter [tilespmem:s24], [sflag:$0x2], $0x1800, $0x38;
	[tilespmem:$0x19040] =	vst v63  }
0x137: {  	_ =	swait.ge [sflag:s22], $0x1800  }
0x138: {  	[sflag:s22] =	ssyncset.done $0x0  }
0x139: {  	[sflag:s22] =	ssyncadd.s32 $0xFFFFE800  }
0x13a: {  	[tilespmem:s24], [sflag:$0x2] =	stream.linear.gather [spmem:s10], $0x1800, $0x38;
	[tilespmem:$0x19040] =	vst v63  }
0x13b: {  	_ =	swait.ge [sflag:s22], $0x1800  }
0x13c: {  	[sflag:s22] =	ssyncset.done $0x0  }
0x13d: {  	s14 =	sadd.s32 s17, s0;
	[sflag:s22] =	ssyncadd.s32 $0xFFFFE800  }
0x13e: {  	[hbm4b:s14+s3] =	stream.linear.scatter [tilespmem:s24], [sflag:$0x2], $0x1800, $0x38;
	[tilespmem:$0x19040] =	vst v63  }
0x13f: {  	_ =	swait.ge [sflag:s22], $0x1800  }
0x140: {  	[sflag:s22] =	ssyncset.done $0x0  }
0x141: {  	[sflag:s22] =	ssyncadd.s32 $0xFFFFE800  }
0x142: {  	[tilespmem:s24], [sflag:$0x2] =	stream.linear.gather [spmem:s11], $0x1800, $0x38;
	[tilespmem:$0x19040] =	vst v63  }
0x143: {  	_ =	swait.ge [sflag:s22], $0x1800  }
0x144: {  	[sflag:s22] =	ssyncset.done $0x0  }
0x145: {  	s21 =	sadd.s32 s18, s0;
	[sflag:s22] =	ssyncadd.s32 $0xFFFFE800  }
0x146: {  	[hbm4b:s21+s3] =	stream.linear.scatter [tilespmem:s24], [sflag:$0x2], $0x1800, $0x38;
	[tilespmem:$0x19040] =	vst v63  }
0x147: {  	_ =	swait.ge [sflag:s22], $0x1800  }
0x148: {  	[sflag:s22] =	ssyncset.done $0x0  }
0x149: {  	[sflag:s22] =	ssyncadd.s32 $0xFFFFE800  }
0x14a: {  	[tilespmem:s24], [sflag:$0x2] =	stream.linear.gather [spmem:s12], $0x1800, $0x38;
	[tilespmem:$0x19040] =	vst v63  }
0x14b: {  	_ =	swait.ge [sflag:s22], $0x1800  }
0x14c: {  	[sflag:s22] =	ssyncset.done $0x0  }
0x14d: {  	s26 =	sadd.s32 s19, s0;
	[sflag:s22] =	ssyncadd.s32 $0xFFFFE800  }
0x14e: {  	[hbm4b:s26+s3] =	stream.linear.scatter [tilespmem:s24], [sflag:$0x2], $0x1800, $0x38;
	[tilespmem:$0x19040] =	vst v63  }
0x14f: {  	_ =	swait.ge [sflag:s22], $0x1800  }
0x150: {  	[sflag:s22] =	ssyncset.done $0x0  }
0x151: {  	[sflag:s22] =	ssyncadd.s32 $0xFFFFE800  }
0x152: {  	[tilespmem:s24], [sflag:$0x2] =	stream.linear.gather [spmem:s13], $0x15C0, $0x38;
	[tilespmem:$0x19040] =	vst v63  }
0x153: {  	_ =	swait.ge [sflag:s22], $0x15C0  }
0x154: {  	s1 =	sadd.s32 $0x1, s1;
	[sflag:s22] =	ssyncset.done $0x0  }
0x155: {  	p0 =	sne.s32 s1, $0x3;
	s0 =	sadd.s32 s20, s0;
	[sflag:s22] =	ssyncadd.s32 $0xFFFFEA40  }
0x156: {  	[hbm4b:s0+s3] =	stream.linear.scatter [tilespmem:s24], [sflag:$0x2], $0x15C0, $0x38;
	[tilespmem:$0x19040] =	vst v63  }
.Ltmp3:
0x157: {  	_ =	swait.ge [sflag:s22], $0x15C0;
	(pc) =	sbr.rel @p0 .LBB2_2-.Ltmp3, $3  }
0x158: {  	[sflag:s22] =	ssyncset.done $0x0  }
0x159: {  	[sflag:s22] =	ssyncadd.s32 $0xFFFFEA40  }
0x15a: {  	[bflag:$0x0] =	sbarrier.arrive $0xFFFF;
	_ =	sdelay $0x1  }
0x15b: {  	s1 =	rddreg [dreg:$0x9]  }
0x15c: {  	s0 =	rddreg [dreg:$0x8];
	s1 =	sadd.s32 $0x1, s1  }
0x15d: {  	p0 =	sne.s32 s1, s0  }
.Ltmp4:
0x15e: {  	_ = 	snop;
	(pc) =	sbr.rel @p0 .LBB2_1-.Ltmp4, $1  }
0x15f: {  	_ =	sdelay $0x3  }
0x160: {  	_ =	sfence.sel $0x180000  }
0x161: {  	[bflag:$0x0] =	sbarrier.arrive $0xFFFF  }
0x162: {  	_ =	strace $0x9000004A  }
0x163: {  	s0 =	stileid.u32;
	[bflag:$0x2] =	sbarrier.arrive $0xFFFF  }
0x164: {  	p0 =	sne.s32 s0, $0x0;
	s0 =	rddreg [dreg:$0x2]  }
0x165: {  	s0 =	sadd.s32 @!p0 $0x100000, s0  }
0x166: {  	[sflag:s0] =	ssyncadd.tile.s32 @!p0 $0x1;
	_ =	shalt  }
.Lfunc_end2:
_tile_overlayer_lowered:
.L_overlay_start_2:
0x167: {  	(tag) =	ssettag $0x2  }
0x168: {  	s0 =	rddreg [dreg:$0x0];
	s2 =	stileid.u32  }
0x169: {  	s1 =	rddreg [dreg:$0x1];
	p0 =	sne.s32 s2, $0x0  }
0x16a: {  	s3 =	rddreg [dreg:$0x2];
	[bflag:$0x3] =	sbarrier.arrive $0xFFFF;
	s2 =	simm.s32 @!p0 $0x1C02  }
0x16b: {  	[timem:s3], [sflag:s2] =	dma.local @!p0 [hbm:s0], s1  }
0x16c: {  	s0 =	simm.s32 @!p0 $0x2  }
0x16d: {  	_ =	swait.ge @!p0 [sflag:s0], s1  }
0x16e: {  	s1 =	ssub.s32 @!p0 $0x0, s1;
	[sflag:s0] =	ssyncset.done @!p0 $0x0  }
0x16f: {  	[sflag:s0] =	ssyncadd.s32 @!p0 s1  }
0x170: {  	[bflag:$0x3] =	sbarrier.arrive $0xFFFF  }
0x171: {  	_ =	shalt  }

// kernel: kernel.7.cloned.1.call-start
scs
__scs_entry_jumppad:
0x0: {  	(pc) =	sbr.rel $0x88, $3  }
0x1: {  	(tag) =	ssettag $0x0;
	lr =	simm.s32 $0x1  }
0x2: {  	[smem:$0x3F7B] =	sst lr;
	_ =	strace $0xD0000000  }
0x3: {  	_ = 	snop  }
0x4: {  	_ = 	snop  }
0x5: {  	_ = 	snop  }
0x6: {  	_ = 	snop  }
0x7: {  	_ = 	snop  }
__scs_overlays_trampoline_lowered:
0x8: {  	[smem:$0x3F8A] =	sst s0  }
0x9: {  	[smem:$0x3F8B] =	sst s1  }
0xa: {  	[smem:$0x3F8C] =	sst s2  }
0xb: {  	[smem:$0x3F8D] =	sst s3  }
0xc: {  	[smem:$0x3F8E] =	sst s4  }
0xd: {  	[smem:$0x3F8F] =	sst s5  }
0xe: {  	[smem:$0x3F90] =	sst s6  }
0xf: {  	[smem:$0x3F91] =	sst s7  }
0x10: {  	[smem:$0x3F92] =	sst s8  }
0x11: {  	[smem:$0x3F93] =	sst s9;
	s0 =	simm.s32 @!p0 $0x0  }
0x12: {  	s1 =	sld [smem:$0x3F79];
	s0 =	simm.s32 @p0 $0x1  }
0x13: {  	[smem:$0x3F94] =	sst s0;
	s0 =	simm.s32 @!p1 $0x0  }
0x14: {  	s2 =	sld [smem:$0x3F78];
	s0 =	simm.s32 @p1 $0x1  }
0x15: {  	[smem:$0x3F95] =	sst s0;
	s0 =	simm.s32 @!p2 $0x0  }
0x16: {  	s3 =	sld [smem:$0x3FDB];
	s0 =	simm.s32 @p2 $0x1  }
0x17: {  	s4 =	simm.s32 $0x1BF5;
	[smem:$0x3F97] =	sst s0  }
0x18: {  	s0 =	sld [smem:$0x3F7A];
	_ =	swait.ge [sflag:s4], $0x0  }
0x19: {  	s7 =	sld [smem:$0x3F7B]  }
0x1a: {  	s8 =	sadd.s32 $0xFFFFE003, lr  }
0x1b: {  	s9 =	sadd.s32 $0xFFFFFEF7, lr;
	s5 =	simm.s32 $0xFFFFFFFF;
	p2 =	slt.u32 s8, $0xFFFFF086  }
0x1c: {  	p1 =	slt.u32 s9, $0xF7A;
	s5 =	simm.s32 @!p2 $0x0  }
0x1d: {  	s5 =	simm.s32 @p1 $0x1;
	p0 =	seq.s32 s7, s2  }
0x1e: {  	s7 =	smul.u32 @!p0 $0xF7A, s2;
	p2 =	seq.s32 @!p0 s5, $0x0  }
0x1f: {  	s9 =	smul.u32 $0xF7A, s1;
	s8 =	simm.s32 @!p0 $0x1BF5;
	p2 =	por !p2, p0  }
0x20: {  	[sflag:s8] =	ssyncset.s32 @!p0 $0xFFFFF086;
	s6 =	sadd.s32 @!p0 s3, s7;
	s7 =	simm.s32 @!p0 $0x108  }
0x21: {  	s3 =	sadd.s32 s3, s9;
	s6 =	sadd.s32 @!p0 $0x88, s6;
	s7 =	simm.s32 @p2 $0x1082  }
0x22: {  	[simem:s7], [sflag:s8] =	dma.local @!p0 [hbm:s6], $0xF7A  }
0x23: {  	s9 =	sor.u32 $0xD0000000, s2;
	s6 =	simm.s32 $0x108;
	_ =	swait.ge @!p0 [sflag:s8], $0x0  }
0x24: {  	s3 =	sadd.s32 $0x88, s3;
	s6 =	simm.s32 @!p1 $0x1082;
	[sflag:s4] =	ssyncset.s32 $0xFFFFF086  }
0x25: {  	[simem:s6], [sflag:s4] =	dma.local [hbm:s3], $0xF7A  }
0x26: {  	[smem:$0x3F7B] =	sst s1;
	(tag) =	ssettag s2;
	_ =	strace s9  }
0x27: {  	s1 =	sld [smem:$0x3F8B]  }
0x28: {  	s2 =	sld [smem:$0x3F8C]  }
0x29: {  	s4 =	sld [smem:$0x3F8E]  }
0x2a: {  	p0 =	seq.s32 s5, $0x0;
	s5 =	sld [smem:$0x3F8F]  }
0x2b: {  	s6 =	sld [smem:$0x3F90]  }
0x2c: {  	s7 =	sld [smem:$0x3F91]  }
0x2d: {  	s3 =	simm.s32 $0x108;
	s8 =	sld [smem:$0x3F92]  }
0x2e: {  	s3 =	simm.s32 @!p0 $0x1082;
	s9 =	sld [smem:$0x3F93]  }
0x2f: {  	lr =	sadd.s32 s0, s3;
	s0 =	sld [smem:$0x3F8A]  }
0x30: {  	s3 =	sld [smem:$0x3F8D]  }
0x31: {  	[smem:$0x3F96] =	sst s10  }
0x32: {  	s10 =	sld [smem:$0x3F94];
	_ =	sdelay $0x3  }
0x33: {  	p0 =	seq.s32 s10, $0x1;
	s10 =	sld [smem:$0x3F96];
	_ =	sdelay $0x3  }
0x34: {  	[smem:$0x3F96] =	sst s10  }
0x35: {  	s10 =	sld [smem:$0x3F95];
	_ =	sdelay $0x3  }
0x36: {  	p1 =	seq.s32 s10, $0x1;
	s10 =	sld [smem:$0x3F96];
	_ =	sdelay $0x3  }
0x37: {  	[smem:$0x3F96] =	sst s10  }
0x38: {  	s10 =	sld [smem:$0x3F97]  }
0x39: {  	_ = 	snop;
	(pc) =	sbr.ind lr, $3  }
0x3a: {  	_ = 	snop  }
0x3b: {  	_ = 	snop  }
0x3c: {  	p2 =	seq.s32 s10, $0x1;
	s10 =	sld [smem:$0x3F96]  }
0x3d: {  	_ =	shalt  }
0x3e: {  	_ =	shalt  }
0x3f: {  	_ =	shalt  }
0x40: {  	_ =	shalt  }
0x41: {  	_ =	shalt  }
0x42: {  	_ =	shalt  }
0x43: {  	_ =	shalt  }
0x44: {  	_ =	shalt  }
0x45: {  	_ =	shalt  }
0x46: {  	_ =	shalt  }
0x47: {  	_ =	shalt  }
0x48: {  	_ =	shalt  }
0x49: {  	_ =	shalt  }
0x4a: {  	_ =	shalt  }
0x4b: {  	_ =	shalt  }
0x4c: {  	_ =	shalt  }
0x4d: {  	_ =	shalt  }
0x4e: {  	_ =	shalt  }
0x4f: {  	_ =	shalt  }
0x50: {  	_ =	shalt  }
0x51: {  	_ =	shalt  }
0x52: {  	_ =	shalt  }
0x53: {  	_ =	shalt  }
0x54: {  	_ =	shalt  }
0x55: {  	_ =	shalt  }
0x56: {  	_ =	shalt  }
0x57: {  	_ =	shalt  }
0x58: {  	_ =	shalt  }
0x59: {  	_ =	shalt  }
0x5a: {  	_ =	shalt  }
0x5b: {  	_ =	shalt  }
0x5c: {  	_ =	shalt  }
0x5d: {  	_ =	shalt  }
0x5e: {  	_ =	shalt  }
0x5f: {  	_ =	shalt  }
0x60: {  	_ =	shalt  }
0x61: {  	_ =	shalt  }
0x62: {  	_ =	shalt  }
0x63: {  	_ =	shalt  }
0x64: {  	_ =	shalt  }
0x65: {  	_ =	shalt  }
0x66: {  	_ =	shalt  }
0x67: {  	_ =	shalt  }
0x68: {  	_ =	shalt  }
0x69: {  	_ =	shalt  }
0x6a: {  	_ =	shalt  }
0x6b: {  	_ =	shalt  }
0x6c: {  	_ =	shalt  }
0x6d: {  	_ =	shalt  }
0x6e: {  	_ =	shalt  }
0x6f: {  	_ =	shalt  }
0x70: {  	_ =	shalt  }
0x71: {  	_ =	shalt  }
0x72: {  	_ =	shalt  }
0x73: {  	_ =	shalt  }
0x74: {  	_ =	shalt  }
0x75: {  	_ =	shalt  }
0x76: {  	_ =	shalt  }
0x77: {  	_ =	shalt  }
0x78: {  	_ =	shalt  }
0x79: {  	_ =	shalt  }
0x7a: {  	_ =	shalt  }
0x7b: {  	_ =	shalt  }
0x7c: {  	_ =	shalt  }
0x7d: {  	_ =	shalt  }
0x7e: {  	_ =	shalt  }
0x7f: {  	_ =	shalt  }
0x80: {  	_ =	shalt  }
0x81: {  	_ =	shalt  }
0x82: {  	_ =	shalt  }
0x83: {  	_ =	shalt  }
0x84: {  	_ =	shalt  }
0x85: {  	_ =	shalt  }
0x86: {  	_ =	shalt  }
0x87: {  	_ =	shalt  }
.Lfunc_end0:
.L_simem_size_0:
called_computation_lowered:
.L_overlay_start_0:
0x88: {  	s2 =	sld [smem:$0x3FD9]  }
0x89: {  	s3 =	sld [smem:$0x3FFE];
	_ =	sdelay $0x1  }
0x8a: {  	s1 =	srdreg.scid  }
0x8b: {  	s0 =	sand.u32 $0x1, s1  }
0x8c: {  	s16 =	sshll.u32 s0, $0xA;
	s2 =	sadd.s32 s3, s2  }
0x8d: {  	s2 =	sadd.s32 s2, s16  }
0x8e: {  	[smem:$0x3FA2] =	sst s2  }
0x8f: {  	_ = 	snop  }
0x90: {  	(tm) =	ssettm $0x1  }
0x91: {  	s17 =	sld [smem:$0x3FFB];
	_ =	sdelay $0x3  }
0x92: {  	_ =	strace s17  }
0x93: {  	s2 =	sld [smem:$0x3FFC];
	_ =	sdelay $0x3  }
0x94: {  	_ =	strace s2  }
0x95: {  	s2 =	sld [smem:$0x3FFD];
	_ =	sdelay $0x3  }
0x96: {  	_ =	strace s2  }
0x97: {  	_ =	strace $0x8FFFFFFF  }
0x98: {  	s18 =	sld [smem:$0x3FDB];
	_ =	sdelay $0x1  }
0x99: {  	s19 =	simm.s32 $_scs_section_size  }
0x9a: {  	s4 =	simm.s32 $_size__tile_overlayer_lowered;
	s5 =	simm.s32 $_tile_overlayer_lowered  }
0x9b: {  	s22 =	simm.s32 $0x1BFF;
	s21 =	sshll.u32 s5, $0x1;
	s2 =	sadd.s32 s19, s18  }
0x9c: {  	s6 =	simm.s32 $0x0;
	s20 =	sshll.u32 s4, $0x1;
	s4 =	sadd.s32 s21, s2  }
0x9d: {  	[timem:s6], [sflag:s22] =	dma.local [hbm:s4], s20  }
0x9e: {  	_ =	swait.ge [sflag:s22], s20  }
0x9f: {  	s3 =	ssub.s32 $0x0, s20;
	[sflag:s22] =	ssyncset.done $0x0  }
0xa0: {  	[sflag:s22] =	ssyncadd.s32 s3;
	_ =	sdelay $0x1  }
0xa1: {  	s23 =	simm.s32 $0x1B8B  }
0xa2: {  	_ =	swait.ge [sflag:s23], $0x1  }
0xa3: {  	[sflag:s23] =	ssyncset.done $0x0  }
0xa4: {  	s25 =	simm.s32 $0x1B8E;
	s24 =	sld [smem:$0x3FFE];
	[sflag:s23] =	ssyncadd.s32 $0xFFFFFFFF  }
0xa5: {  	s26 =	simm.s32 $execute0_lowered;
	[smem:$0x3FD2] =	sst s25  }
0xa6: {  	s4 =	sshll.u32 s26, $0x1;
	_ =	strace $0x80000046;
	[dreg:$0x1] =	wrdreg $0xFFFFFFFF  }
0xa7: {  	s28 =	simm.s32 $_size_execute0_lowered;
	s2 =	sadd.s32 s2, s4;
	[dreg:$0x0] =	wrdreg $0x0  }
0xa8: {  	s4 =	sshll.u32 s28, $0x1;
	[dreg:$0x2] =	wrdreg s2  }
0xa9: {  	[dreg:$0x3] =	wrdreg s4  }
0xaa: {  	[dreg:$0x4] =	wrdreg $0xC0  }
0xab: {  	_ =	task [dreg:s6], $0x5FFFF  }
0xac: {  	[dreg:$0x1] =	wrdreg $0xFFFFFFFF  }
0xad: {  	[dreg:$0x0] =	wrdreg $0x60  }
0xae: {  	[dreg:$0x2] =	wrdreg s24  }
0xaf: {  	[dreg:$0x3] =	wrdreg $0x13A800  }
0xb0: {  	[dreg:$0x4] =	wrdreg $0x9  }
0xb1: {  	_ =	task.clear_ibuf [dreg:s6], $0x5FFFF;
	_ =	strace $0x90000046  }
0xb2: {  	s29 =	simm.s32 $0x9;
	_ =	strace $0x80000048  }
0xb3: {  	_ =	swait.ge [sflag:s29], $0x1  }
0xb4: {  	[sflag:s29] =	ssyncadd.s32 $0xFFFFFFFF  }
0xb5: {  	_ =	strace $0x90000048  }
0xb6: {  	_ =	sfence  }
0xb7: {  	s30 =	sld [smem:$0x0];
	_ =	sdelay $0x2  }
0xb8: {  	s31 =	sshll.u32 s1, $0xD;
	s1 =	sshrl.u32 s1, $0x2  }
0xb9: {  	s3 =	sand.u32 $0x4000, s31;
	s1 =	sadd.s32 s1, s30  }
0xba: {  	s0 =	sor.u32 s3, s0;
	s1 =	sshll.u32 s1, $0x11  }
0xbb: {  	s0 =	sor.u32 s1, s0  }
0xbc: {  	s0 =	sadd.s32 $0x8F2B, s0  }
0xbd: {  	[sflag:s0] =	ssyncadd.remote.s32 $0x1  }
0xbe: {  	_ =	sfence.sel $0xFFFF  }
0xbf: {  	[dreg:$0x0] =	wrdreg $0xFFFFFFFF;
	(pc) =	sbr.abs _section_cstart, $3  }
0xc0: {  	[dreg:$0x1] =	wrdreg $0xFFFFFFFF  }
0xc1: {  	_ =	task.clear_ibuf [dreg:s6], $0x2FFFF;
	_ =	strace $0x9FFFFFFF  }
0xc2: {  	(tm) =	ssettm $0x7FFFFFFF  }
0xc3: {  	_ =	shalt  }
tec
execute0_lowered:
.L_overlay_start_1:
0x0: {  	(tag) =	ssettag $0x1  }
0x1: {  	s0 =	rddreg [dreg:$0x0]  }
0x2: {  	s2 =	rddreg [dreg:$0x1]  }
0x3: {  	s7 =	stileid.u32;
	s3 =	simm.s32 $0x0;
	s4 =	srdreg.scid  }
0x4: {  	s28 =	simm.s32 $0x80;
	s29 =	simm.s32 $0xF200;
	s30 =	simm.s32 $0x1  }
0x5: {  	s31 =	simm.s32 $0x13A00;
	s1 =	smul.u32 $0xA20, s7;
	[smem:$0x7FF] =	sst s3  }
0x6: {  	s14 =	sand.u32 $0x1, s4;
	s5 =	sadd.s32 $0x5000, s0;
	s7 =	smul.u32 $0xC440, s7  }
0x7: {  	s8 =	sadd.s32 $0xF5000, s0;
	_ =	strace $0x80000047;
	s4 =	smul.u32 $0x4B000, s14  }
0x8: {  	s6 =	ssub.s32 $0x2, s14;
	[dreg:$0x3] =	wrdreg s8;
	s15 =	smov.u32 s14  }
0x9: {  	s14 =	smul.u32 $0x14000, s14;
	s1 =	sadd.s32 s1, s0;
	s21 =	sshrl.u32 s6, $0x1  }
0xa: {  	s23 =	sadd.s32 $0x2800, s7;
	s9 =	sadd.s32 s7, s2;
	s24 =	sadd.s32 $0x5000, s7  }
0xb: {  	s25 =	sadd.s32 $0x7800, s7;
	s20 =	sadd.s32 $0xA000, s7;
	s16 =	sshrl.u32 s7, $0x3  }
0xc: {  	s0 =	sadd.s32 s4, s0;
	s4 =	ssub.s32 s6, s21;
	s22 =	sadd.s32 $0x12E00, s1  }
0xd: {  	s1 =	sadd.s32 $0x8C00, s1;
	s10 =	sadd.s32 s23, s2;
	s11 =	sadd.s32 s24, s2  }
0xe: {  	s12 =	sadd.s32 s25, s2;
	s13 =	sadd.s32 s20, s2;
	[dreg:$0x6] =	wrdreg s14  }
0xf: {  	s17 =	sshrl.u32 s23, $0x3;
	s18 =	sshrl.u32 s24, $0x3;
	s19 =	sshrl.u32 s25, $0x3  }
0x10: {  	s20 =	sshrl.u32 s20, $0x3;
	s24 =	simm.s32 $0x11200;
	[dreg:$0x4] =	wrdreg s22  }
0x11: {  	s25 =	simm.s32 $0xA200;
	[dreg:$0x5] =	wrdreg s1;
	s0 =	sadd.s32 $0x1D000, s0  }
0x12: {  	s23 =	simm.s32 $0x0;
	s26 =	smax.u32 s4, $0x1;
	[dreg:$0x7] =	wrdreg s0  }
0x13: {  	v0 =	vimm.f32 $0.0e+00;
	vm0 =	vmmov $0x1;
	s22 =	simm.s32 $0x2;
	s1 =	simm.s32 $0x0;
	[dreg:$0x8] =	wrdreg s26  }
.LBB2_1:
0x14: {  	[dreg:$0x9] =	wrdreg s1  }
0x15: {  	s0 =	rddreg [dreg:$0x4]  }
0x16: {  	[tilespmem:s3], [sflag:$0x2] =	stream.linear.gather [hbm4b:s0+s3], $0x5100, $0x38;
	[tilespmem:$0x1FEC0] =	vst v63  }
0x17: {  	_ =	swait.ge [sflag:s22], $0x5100  }
0x18: {  	[sflag:s22] =	ssyncset.done $0x0  }
0x19: {  	s26 =	simm.s32 $0x5100;
	s21 =	rddreg [dreg:$0x5];
	[sflag:s22] =	ssyncadd.s32 $0xFFFFAF00  }
0x1a: {  	[tilespmem:s26], [sflag:$0x2] =	stream.linear.gather [hbm4b:s21+s3], $0x5100, $0x38;
	[tilespmem:$0x1FEC0] =	vst v63  }
0x1b: {  	_ =	swait.ge [sflag:s22], $0x5100  }
0x1c: {  	[sflag:s22] =	ssyncset.done $0x0  }
0x1d: {  	s1 =	simm.s32 $0x0;
	[sflag:s22] =	ssyncadd.s32 $0xFFFFAF00  }
.LBB2_2:
0x1e: {  	s4 =	simm.s32 $0x140;
	s0 =	simm.s32 $0x0  }
.LBB2_3:
0x1f: {  	p0 =	sne.s32 s4, $0x9EC0;
	[tilespmem:s0+$0x11240] =	vst v0;
	s6 =	smov.u32 s4;
	s4 =	sadd.s32 $0x140, s4  }
.Ltmp0:
0x20: {  	[tilespmem:s0+$0x11230] =	vst v0;
	(pc) =	sbr.rel @p0 .LBB2_3-.Ltmp0, $4  }
0x21: {  	[tilespmem:s0+$0x11220] =	vst v0  }
0x22: {  	[tilespmem:s0+$0x11200] =	vst v0  }
0x23: {  	[tilespmem:s0+$0x11210] =	vst v0  }
0x24: {  	s0 =	sshra.s32 s6, $0x2  }
0x25: {  	[tilespmem:s0+$0x11240] =	vst v0  }
0x26: {  	[tilespmem:s0+$0x11230] =	vst v0  }
0x27: {  	[tilespmem:s0+$0x11220] =	vst v0  }
0x28: {  	[tilespmem:s0+$0x11200] =	vst v0  }
0x29: {  	[tilespmem:s0+$0x11210] =	vst v0  }
0x2a: {  	[spmem:s9] =	stream.linear.scatter [tilespmem:s24], [sflag:$0x2], $0x2800, $0x38;
	[tilespmem:$0x1FEC0] =	vst v63  }
0x2b: {  	_ =	swait.ge [sflag:s22], $0x2800  }
0x2c: {  	[sflag:s22] =	ssyncset.done $0x0  }
0x2d: {  	[sflag:s22] =	ssyncadd.s32 $0xFFFFD800  }
0x2e: {  	[spmem:s10] =	stream.linear.scatter [tilespmem:s24], [sflag:$0x2], $0x2800, $0x38;
	[tilespmem:$0x1FEC0] =	vst v63  }
0x2f: {  	_ =	swait.ge [sflag:s22], $0x2800  }
0x30: {  	[sflag:s22] =	ssyncset.done $0x0  }
0x31: {  	[sflag:s22] =	ssyncadd.s32 $0xFFFFD800  }
0x32: {  	[spmem:s11] =	stream.linear.scatter [tilespmem:s24], [sflag:$0x2], $0x2800, $0x38;
	[tilespmem:$0x1FEC0] =	vst v63  }
0x33: {  	_ =	swait.ge [sflag:s22], $0x2800  }
0x34: {  	[sflag:s22] =	ssyncset.done $0x0  }
0x35: {  	[sflag:s22] =	ssyncadd.s32 $0xFFFFD800  }
0x36: {  	[spmem:s12] =	stream.linear.scatter [tilespmem:s24], [sflag:$0x2], $0x2800, $0x38;
	[tilespmem:$0x1FEC0] =	vst v63  }
0x37: {  	_ =	swait.ge [sflag:s22], $0x2800  }
0x38: {  	s7 =	sshll.u32 s1, $0x2;
	[sflag:s22] =	ssyncset.done $0x0  }
0x39: {  	s0 =	sor.u32 s15, s7;
	[sflag:s22] =	ssyncadd.s32 $0xFFFFD800  }
0x3a: {  	[spmem:s13] =	stream.linear.scatter [tilespmem:s24], [sflag:$0x2], $0x2440, $0x38;
	[tilespmem:$0x1FEC0] =	vst v63  }
0x3b: {  	s4 =	smul.u32 $0x500, s0;
	_ =	swait.ge [sflag:s22], $0x2440  }
0x3c: {  	[sflag:s22] =	ssyncset.done $0x0  }
0x3d: {  	s0 =	smul.u32 $0x2800, s0;
	s4 =	sadd.s32 s5, s4;
	[sflag:s22] =	ssyncadd.s32 $0xFFFFDBC0  }
0x3e: {  	[tilespmem:s25], [sflag:$0x2] =	stream.linear.gather [hbm4b:s4+s23], $0x2800, $0x38;
	[tilespmem:$0x1FEC0] =	vst v63  }
0x3f: {  	s0 =	sshrl.u32 s0, $0x3;
	_ =	swait.ge [sflag:s22], $0x2800  }
0x40: {  	s0 =	sadd.s32 s5, s0;
	[sflag:s22] =	ssyncset.done $0x0  }
0x41: {  	s8 =	simm.s32 $0xCA00;
	s0 =	sadd.s32 $0xA00, s0;
	[sflag:s22] =	ssyncadd.s32 $0xFFFFD800  }
0x42: {  	[tilespmem:s8], [sflag:$0x2] =	stream.linear.gather [hbm4b:s0+s23], $0x2800, $0x38;
	[tilespmem:$0x1FEC0] =	vst v63  }
0x43: {  	_ =	swait.ge [sflag:s22], $0x2800  }
0x44: {  	[sflag:s22] =	ssyncset.done $0x0  }
0x45: {  	s14 =	smul.u32 $0x28000, s1;
	[sflag:s22] =	ssyncadd.s32 $0xFFFFD800  }
0x46: {  	s21 =	rddreg [dreg:$0x3];
	[bflag:$0x0] =	sbarrier.arrive $0xFFFF  }
0x47: {  	s0 =	sadd.s32 s21, s14;
	s26 =	rddreg [dreg:$0x6]  }
0x48: {  	s8 =	simm.s32 $0x0;
	s7 =	sadd.s32 s26, s0  }
0x49: {  	[tilespmem:s29], [sflag:$0x1] =	stream.indirect.gather [hbm4b:s7+s28], $0x40, s23, s28, $0xb8;
	[tilespmem:$0x1FEC0] =	vst v63  }
.LBB2_5:
0x4a: {  	s6 =	sshll.u32 s8, $0x7  }
0x4b: {  	v1 =	vld [tilespmem:s6+$0x5100]  }
0x4c: {  	v2 =	vld [tilespmem:s6+$0x0];
	_ =	sdelay $0x3  }
0x4d: {  	v1 =	vadd.s32 $0x2800, v1;
	_ =	sdelay $0x3  }
0x4e: {  	v2 =	vld.idx.msk [tilespmem:v2+s25+$0x0], $0xffff  }
0x4f: {  	v1 =	vld.idx.msk [tilespmem:v1+s25+$0x0], $0xffff;
	_ =	sdelay $0x4  }
0x50: {  	v1 =	vadd.f32 v1, v2;
	_ =	sdelay $0x1  }
0x51: {  	v2 =	vmul.f32 $2.000000030e-01, v1;
	_ =	sdelay $0x1  }
0x52: {  	v1 =	vmax.f32 v1, v2  }
0x53: {  	v1 =	vmul.f32 $1.442695020e+00, v1;
	_ =	sdelay $0x1  }
0x54: {  	(erf) = vpow2.f32 v1;
	_ =	sdelay $0x8  }
0x55: {  	v1 =	vpop (erf)  }
0x56: {  	[tilespmem:$0x13A00] =	vst v1  }
0x57: {  	v1 =	vld [tilespmem:s6+$0x5110]  }
0x58: {  	v2 =	vld [tilespmem:s6+$0x10];
	_ =	sdelay $0x3  }
0x59: {  	v1 =	vadd.s32 $0x2800, v1;
	_ =	sdelay $0x3  }
0x5a: {  	v2 =	vld.idx.msk [tilespmem:v2+s25+$0x0], $0xffff  }
0x5b: {  	v1 =	vld.idx.msk [tilespmem:v1+s25+$0x0], $0xffff;
	_ =	sdelay $0x4  }
0x5c: {  	v1 =	vadd.f32 v1, v2;
	_ =	sdelay $0x1  }
0x5d: {  	v2 =	vmul.f32 $2.000000030e-01, v1;
	_ =	sdelay $0x1  }
0x5e: {  	v1 =	vmax.f32 v1, v2  }
0x5f: {  	v1 =	vmul.f32 $1.442695020e+00, v1;
	_ =	sdelay $0x1  }
0x60: {  	(erf) = vpow2.f32 v1;
	_ =	sdelay $0x8  }
0x61: {  	v1 =	vpop (erf)  }
0x62: {  	[tilespmem:$0x13A10] =	vst v1  }
0x63: {  	v1 =	vld [tilespmem:s6+$0x5120]  }
0x64: {  	v2 =	vld [tilespmem:s6+$0x20];
	_ =	sdelay $0x3  }
0x65: {  	v1 =	vadd.s32 $0x2800, v1;
	_ =	sdelay $0x3  }
0x66: {  	v2 =	vld.idx.msk [tilespmem:v2+s25+$0x0], $0xffff  }
0x67: {  	v1 =	vld.idx.msk [tilespmem:v1+s25+$0x0], $0xffff;
	_ =	sdelay $0x4  }
0x68: {  	v1 =	vadd.f32 v1, v2;
	_ =	sdelay $0x1  }
0x69: {  	v2 =	vmul.f32 $2.000000030e-01, v1;
	_ =	sdelay $0x1  }
0x6a: {  	v1 =	vmax.f32 v1, v2  }
0x6b: {  	v1 =	vmul.f32 $1.442695020e+00, v1;
	_ =	sdelay $0x1  }
0x6c: {  	(erf) = vpow2.f32 v1;
	_ =	sdelay $0x8  }
0x6d: {  	v1 =	vpop (erf)  }
0x6e: {  	[tilespmem:$0x13A20] =	vst v1  }
0x6f: {  	v1 =	vld [tilespmem:s6+$0x5130]  }
0x70: {  	v2 =	vld [tilespmem:s6+$0x30];
	_ =	sdelay $0x3  }
0x71: {  	v1 =	vadd.s32 $0x2800, v1;
	_ =	sdelay $0x3  }
0x72: {  	v2 =	vld.idx.msk [tilespmem:v2+s25+$0x0], $0xffff  }
0x73: {  	v1 =	vld.idx.msk [tilespmem:v1+s25+$0x0], $0xffff;
	_ =	sdelay $0x4  }
0x74: {  	v1 =	vadd.f32 v1, v2;
	_ =	sdelay $0x1  }
0x75: {  	v2 =	vmul.f32 $2.000000030e-01, v1;
	_ =	sdelay $0x1  }
0x76: {  	v1 =	vmax.f32 v1, v2  }
0x77: {  	v1 =	vmul.f32 $1.442695020e+00, v1;
	_ =	sdelay $0x1  }
0x78: {  	(erf) = vpow2.f32 v1;
	_ =	sdelay $0x8  }
0x79: {  	v1 =	vpop (erf)  }
0x7a: {  	[tilespmem:$0x13A30] =	vst v1  }
0x7b: {  	v1 =	vld [tilespmem:s6+$0x5140]  }
0x7c: {  	v2 =	vld [tilespmem:s6+$0x40];
	_ =	sdelay $0x3  }
0x7d: {  	v1 =	vadd.s32 $0x2800, v1;
	_ =	sdelay $0x3  }
0x7e: {  	v2 =	vld.idx.msk [tilespmem:v2+s25+$0x0], $0xffff  }
0x7f: {  	v1 =	vld.idx.msk [tilespmem:v1+s25+$0x0], $0xffff;
	_ =	sdelay $0x4  }
0x80: {  	v1 =	vadd.f32 v1, v2;
	_ =	sdelay $0x1  }
0x81: {  	v2 =	vmul.f32 $2.000000030e-01, v1;
	_ =	sdelay $0x1  }
0x82: {  	v1 =	vmax.f32 v1, v2  }
0x83: {  	v1 =	vmul.f32 $1.442695020e+00, v1;
	_ =	sdelay $0x1  }
0x84: {  	(erf) = vpow2.f32 v1;
	_ =	sdelay $0x8  }
0x85: {  	v1 =	vpop (erf)  }
0x86: {  	[tilespmem:$0x13A40] =	vst v1  }
0x87: {  	v1 =	vld [tilespmem:s6+$0x5150]  }
0x88: {  	v2 =	vld [tilespmem:s6+$0x50];
	_ =	sdelay $0x3  }
0x89: {  	v1 =	vadd.s32 $0x2800, v1;
	_ =	sdelay $0x3  }
0x8a: {  	v2 =	vld.idx.msk [tilespmem:v2+s25+$0x0], $0xffff  }
0x8b: {  	v1 =	vld.idx.msk [tilespmem:v1+s25+$0x0], $0xffff;
	_ =	sdelay $0x4  }
0x8c: {  	v1 =	vadd.f32 v1, v2;
	_ =	sdelay $0x1  }
0x8d: {  	v2 =	vmul.f32 $2.000000030e-01, v1;
	_ =	sdelay $0x1  }
0x8e: {  	v1 =	vmax.f32 v1, v2  }
0x8f: {  	v1 =	vmul.f32 $1.442695020e+00, v1;
	_ =	sdelay $0x1  }
0x90: {  	(erf) = vpow2.f32 v1;
	_ =	sdelay $0x8  }
0x91: {  	v1 =	vpop (erf)  }
0x92: {  	[tilespmem:$0x13A50] =	vst v1  }
0x93: {  	v1 =	vld [tilespmem:s6+$0x5160]  }
0x94: {  	v2 =	vld [tilespmem:s6+$0x60];
	_ =	sdelay $0x3  }
0x95: {  	v1 =	vadd.s32 $0x2800, v1;
	_ =	sdelay $0x3  }
0x96: {  	v2 =	vld.idx.msk [tilespmem:v2+s25+$0x0], $0xffff  }
0x97: {  	v1 =	vld.idx.msk [tilespmem:v1+s25+$0x0], $0xffff;
	_ =	sdelay $0x4  }
0x98: {  	v1 =	vadd.f32 v1, v2;
	_ =	sdelay $0x1  }
0x99: {  	v2 =	vmul.f32 $2.000000030e-01, v1;
	_ =	sdelay $0x1  }
0x9a: {  	v1 =	vmax.f32 v1, v2  }
0x9b: {  	v1 =	vmul.f32 $1.442695020e+00, v1;
	_ =	sdelay $0x1  }
0x9c: {  	(erf) = vpow2.f32 v1;
	_ =	sdelay $0x8  }
0x9d: {  	v1 =	vpop (erf)  }
0x9e: {  	[tilespmem:$0x13A60] =	vst v1  }
0x9f: {  	v1 =	vld [tilespmem:s6+$0x5170]  }
0xa0: {  	v2 =	vld [tilespmem:s6+$0x70];
	_ =	sdelay $0x3  }
0xa1: {  	v1 =	vadd.s32 $0x2800, v1;
	_ =	sdelay $0x3  }
0xa2: {  	v2 =	vld.idx.msk [tilespmem:v2+s25+$0x0], $0xffff  }
0xa3: {  	v1 =	vld.idx.msk [tilespmem:v1+s25+$0x0], $0xffff;
	_ =	sdelay $0x4  }
0xa4: {  	v1 =	vadd.f32 v1, v2;
	_ =	sdelay $0x1  }
0xa5: {  	v2 =	vmul.f32 $2.000000030e-01, v1;
	_ =	sdelay $0x1  }
0xa6: {  	v1 =	vmax.f32 v1, v2  }
0xa7: {  	v1 =	vmul.f32 $1.442695020e+00, v1;
	_ =	sdelay $0x1  }
0xa8: {  	(erf) = vpow2.f32 v1;
	_ =	sdelay $0x5  }
0xa9: {  	v1 =	vmov s23  }
0xaa: {  	v1 =	vand.u32 $0xFFFFFFFC, v1  }
0xab: {  	v1 =	vbroadcast v1, $0x0  }
0xac: {  	v2 =	vpop (erf)  }
0xad: {  	[tilespmem:$0x13A70] =	vst v2  }
0xae: {  	_ =	swait.ge [sflag:s30], $0x2000  }
0xaf: {  	[sflag:s30] =	ssyncset.done $0x0  }
0xb0: {  	[sflag:s30] =	ssyncadd.s32 $0xFFFFE000  }
0xb1: {  	s0 =	simm.s32 $0xF280;
	v1 =	vld.idx.msk [tilespmem:v1+s31+$0x0], $0xffff  }
0xb2: {  	v2 =	vld [tilespmem:s0+$0xFFFFFF80];
	_ =	sdelay $0x4  }
0xb3: {  	v2 =	vmul.f32 v2, v1  }
0xb4: {  	s26 =	simm.s32 $0x112A0  }
0xb5: {  	[tilespmem:s26+$0xFFFFFF60] =	vst v2  }
0xb6: {  	v2 =	vld [tilespmem:s0+$0xFFFFFF90];
	_ =	sdelay $0x4  }
0xb7: {  	v2 =	vmul.f32 v2, v1;
	_ =	sdelay $0x1  }
0xb8: {  	[tilespmem:s26+$0xFFFFFF70] =	vst v2  }
0xb9: {  	v2 =	vld [tilespmem:s0+$0xFFFFFFA0];
	_ =	sdelay $0x4  }
0xba: {  	v2 =	vmul.f32 v2, v1;
	_ =	sdelay $0x1  }
0xbb: {  	s4 =	simm.s32 $0x1;
	[tilespmem:s26+$0xFFFFFF80] =	vst v2  }
0xbc: {  	v3 =	vmov s4;
	v2 =	vld [tilespmem:s0+$0xFFFFFFB0]  }
0xbd: {  	v3 =	vand.u32 $0xFFFFFFFD, v3  }
0xbe: {  	v3 =	vbroadcast v3, $0x0;
	_ =	sdelay $0x2  }
0xbf: {  	v2 =	vmul.f32 v2, v1;
	v1 =	vnsel vm0, $0x0, v1  }
0xc0: {  	[tilespmem:s26+$0xFFFFFFA0] =	vst v1  }
0xc1: {  	[tilespmem:s26+$0xFFFFFF90] =	vst v2  }
0xc2: {  	v1 =	vld.idx.msk [tilespmem:v3+s31+$0x0], $0xffff  }
0xc3: {  	v2 =	vld [tilespmem:s0+$0xFFFFFFC0];
	_ =	sdelay $0x4  }
0xc4: {  	v2 =	vmul.f32 v2, v1;
	_ =	sdelay $0x1  }
0xc5: {  	[tilespmem:s26+$0xFFFFFFB0] =	vst v2  }
0xc6: {  	v2 =	vld [tilespmem:s0+$0xFFFFFFD0];
	_ =	sdelay $0x4  }
0xc7: {  	v2 =	vmul.f32 v2, v1;
	_ =	sdelay $0x1  }
0xc8: {  	[tilespmem:s26+$0xFFFFFFC0] =	vst v2  }
0xc9: {  	v2 =	vld [tilespmem:s0+$0xFFFFFFE0];
	_ =	sdelay $0x4  }
0xca: {  	v2 =	vmul.f32 v2, v1;
	_ =	sdelay $0x1  }
0xcb: {  	s14 =	simm.s32 $0x2;
	[tilespmem:s26+$0xFFFFFFD0] =	vst v2  }
0xcc: {  	v3 =	vmov s14;
	v2 =	vld [tilespmem:s0+$0xFFFFFFF0]  }
0xcd: {  	v3 =	vand.u32 $0xFFFFFFFE, v3  }
0xce: {  	v3 =	vbroadcast v3, $0x0;
	_ =	sdelay $0x2  }
0xcf: {  	v2 =	vmul.f32 v2, v1;
	v1 =	vnsel vm0, $0x0, v1  }
0xd0: {  	[tilespmem:s26+$0xFFFFFFF0] =	vst v1  }
0xd1: {  	[tilespmem:s26+$0xFFFFFFE0] =	vst v2  }
0xd2: {  	v1 =	vld.idx.msk [tilespmem:v3+s31+$0x0], $0xffff  }
0xd3: {  	v2 =	vld [tilespmem:s0+$0x0];
	_ =	sdelay $0x4  }
0xd4: {  	v2 =	vmul.f32 v2, v1;
	_ =	sdelay $0x1  }
0xd5: {  	[tilespmem:s26+$0x0] =	vst v2  }
0xd6: {  	v2 =	vld [tilespmem:s0+$0x10];
	_ =	sdelay $0x4  }
0xd7: {  	v2 =	vmul.f32 v2, v1;
	_ =	sdelay $0x1  }
0xd8: {  	[tilespmem:s26+$0x10] =	vst v2  }
0xd9: {  	v2 =	vld [tilespmem:s0+$0x20];
	_ =	sdelay $0x4  }
0xda: {  	v2 =	vmul.f32 v2, v1;
	_ =	sdelay $0x1  }
0xdb: {  	[tilespmem:s26+$0x20] =	vst v2  }
0xdc: {  	v2 =	vld [tilespmem:s0+$0x30];
	_ =	sdelay $0x1  }
0xdd: {  	s21 =	simm.s32 $0x3  }
0xde: {  	v3 =	vmov s21;
	_ =	sdelay $0x1  }
0xdf: {  	v2 =	vmul.f32 v2, v1;
	v1 =	vnsel vm0, $0x0, v1  }
0xe0: {  	[tilespmem:s26+$0x40] =	vst v1  }
0xe1: {  	[tilespmem:s26+$0x30] =	vst v2  }
0xe2: {  	v1 =	vld.idx.msk [tilespmem:v3+s31+$0x0], $0xffff  }
0xe3: {  	v2 =	vld [tilespmem:s0+$0x40];
	_ =	sdelay $0x4  }
0xe4: {  	v2 =	vmul.f32 v2, v1;
	_ =	sdelay $0x1  }
0xe5: {  	[tilespmem:s26+$0x50] =	vst v2  }
0xe6: {  	v2 =	vld [tilespmem:s0+$0x50];
	_ =	sdelay $0x4  }
0xe7: {  	v2 =	vmul.f32 v2, v1;
	_ =	sdelay $0x1  }
0xe8: {  	[tilespmem:s26+$0x60] =	vst v2  }
0xe9: {  	v2 =	vld [tilespmem:s0+$0x60];
	_ =	sdelay $0x4  }
0xea: {  	v2 =	vmul.f32 v2, v1;
	_ =	sdelay $0x1  }
0xeb: {  	s4 =	simm.s32 $0x4;
	v4 =	vnsel vm0, $0x0, v1;
	[tilespmem:s26+$0x70] =	vst v2  }
0xec: {  	s21 =	sadd.s32 $0x5100, s6;
	s6 =	simm.s32 $0x8;
	v3 =	vmov s4;
	v2 =	vld [tilespmem:s0+$0x70];
	[tilespmem:s26+$0x90] =	vst v4  }
.LBB2_6:
0xed: {  	p0 =	sne.s32 s6, $0x7C;
	v3 =	vand.u32 $0xFFFFFFFC, v3  }
0xee: {  	v3 =	vbroadcast v3, $0x0;
	_ =	sdelay $0x2  }
0xef: {  	v1 =	vmul.f32 v2, v1;
	_ =	sdelay $0x1  }
0xf0: {  	[tilespmem:s26+$0x80] =	vst v1  }
0xf1: {  	s0 =	sadd.s32 $0x100, s0;
	v1 =	vld.idx.msk [tilespmem:v3+s31+$0x0], $0xffff  }
0xf2: {  	v2 =	vld [tilespmem:s0+$0xFFFFFF80];
	_ =	sdelay $0x4  }
0xf3: {  	v2 =	vmul.f32 v2, v1  }
0xf4: {  	s26 =	sadd.s32 $0x140, s26  }
0xf5: {  	[tilespmem:s26+$0xFFFFFF60] =	vst v2  }
0xf6: {  	v2 =	vld [tilespmem:s0+$0xFFFFFF90];
	_ =	sdelay $0x4  }
0xf7: {  	v2 =	vmul.f32 v2, v1;
	_ =	sdelay $0x1  }
0xf8: {  	[tilespmem:s26+$0xFFFFFF70] =	vst v2  }
0xf9: {  	v2 =	vld [tilespmem:s0+$0xFFFFFFA0];
	_ =	sdelay $0x4  }
0xfa: {  	v2 =	vmul.f32 v2, v1;
	_ =	sdelay $0x1  }
0xfb: {  	s14 =	sadd.s32 $0x1, s4;
	[tilespmem:s26+$0xFFFFFF80] =	vst v2  }
0xfc: {  	v3 =	vmov s14;
	v2 =	vld [tilespmem:s0+$0xFFFFFFB0]  }
0xfd: {  	v3 =	vand.u32 $0xFFFFFFFD, v3  }
0xfe: {  	v3 =	vbroadcast v3, $0x0;
	_ =	sdelay $0x2  }
0xff: {  	v2 =	vmul.f32 v2, v1;
	v1 =	vnsel vm0, $0x0, v1  }
0x100: {  	[tilespmem:s26+$0xFFFFFFA0] =	vst v1  }
0x101: {  	[tilespmem:s26+$0xFFFFFF90] =	vst v2  }
0x102: {  	v1 =	vld.idx.msk [tilespmem:v3+s31+$0x0], $0xffff  }
0x103: {  	v2 =	vld [tilespmem:s0+$0xFFFFFFC0];
	_ =	sdelay $0x4  }
0x104: {  	v2 =	vmul.f32 v2, v1;
	_ =	sdelay $0x1  }
0x105: {  	[tilespmem:s26+$0xFFFFFFB0] =	vst v2  }
0x106: {  	v2 =	vld [tilespmem:s0+$0xFFFFFFD0];
	_ =	sdelay $0x4  }
0x107: {  	v2 =	vmul.f32 v2, v1;
	_ =	sdelay $0x1  }
0x108: {  	[tilespmem:s26+$0xFFFFFFC0] =	vst v2  }
0x109: {  	v2 =	vld [tilespmem:s0+$0xFFFFFFE0];
	_ =	sdelay $0x4  }
0x10a: {  	v2 =	vmul.f32 v2, v1;
	_ =	sdelay $0x1  }
0x10b: {  	s14 =	sadd.s32 $0x2, s4;
	[tilespmem:s26+$0xFFFFFFD0] =	vst v2  }
0x10c: {  	v3 =	vmov s14;
	v2 =	vld [tilespmem:s0+$0xFFFFFFF0]  }
0x10d: {  	v3 =	vand.u32 $0xFFFFFFFE, v3  }
0x10e: {  	v3 =	vbroadcast v3, $0x0;
	_ =	sdelay $0x2  }
0x10f: {  	v2 =	vmul.f32 v2, v1;
	v1 =	vnsel vm0, $0x0, v1  }
0x110: {  	[tilespmem:s26+$0xFFFFFFF0] =	vst v1  }
0x111: {  	[tilespmem:s26+$0xFFFFFFE0] =	vst v2  }
0x112: {  	v1 =	vld.idx.msk [tilespmem:v3+s31+$0x0], $0xffff  }
0x113: {  	v2 =	vld [tilespmem:s0+$0x0];
	_ =	sdelay $0x4  }
0x114: {  	v2 =	vmul.f32 v2, v1;
	_ =	sdelay $0x1  }
0x115: {  	[tilespmem:s26+$0x0] =	vst v2  }
0x116: {  	v2 =	vld [tilespmem:s0+$0x10];
	_ =	sdelay $0x4  }
0x117: {  	v2 =	vmul.f32 v2, v1;
	_ =	sdelay $0x1  }
0x118: {  	[tilespmem:s26+$0x10] =	vst v2  }
0x119: {  	v2 =	vld [tilespmem:s0+$0x20];
	_ =	sdelay $0x4  }
0x11a: {  	v2 =	vmul.f32 v2, v1;
	_ =	sdelay $0x1  }
0x11b: {  	[tilespmem:s26+$0x20] =	vst v2  }
0x11c: {  	v2 =	vld [tilespmem:s0+$0x30];
	_ =	sdelay $0x1  }
0x11d: {  	s14 =	sadd.s32 $0x3, s4;
	s4 =	smov.u32 s6  }
0x11e: {  	v3 =	vmov s14;
	_ =	sdelay $0x1  }
0x11f: {  	v2 =	vmul.f32 v2, v1;
	v1 =	vnsel vm0, $0x0, v1  }
0x120: {  	[tilespmem:s26+$0x40] =	vst v1  }
0x121: {  	[tilespmem:s26+$0x30] =	vst v2  }
0x122: {  	v1 =	vld.idx.msk [tilespmem:v3+s31+$0x0], $0xffff  }
0x123: {  	v2 =	vld [tilespmem:s0+$0x40];
	_ =	sdelay $0x4  }
0x124: {  	v4 =	vnsel vm0, $0x0, v1;
	v2 =	vmul.f32 v2, v1;
	_ =	sdelay $0x1  }
0x125: {  	[tilespmem:s26+$0x50] =	vst v2  }
0x126: {  	v2 =	vld [tilespmem:s0+$0x50];
	_ =	sdelay $0x4  }
0x127: {  	v2 =	vmul.f32 v2, v1;
	_ =	sdelay $0x1  }
0x128: {  	[tilespmem:s26+$0x60] =	vst v2  }
0x129: {  	v2 =	vld [tilespmem:s0+$0x60];
	_ =	sdelay $0x3  }
.Ltmp1:
0x12a: {  	(pc) =	sbr.rel @p0 .LBB2_6-.Ltmp1, $3  }
0x12b: {  	v2 =	vmul.f32 v2, v1;
	_ =	sdelay $0x1  }
0x12c: {  	[tilespmem:s26+$0x70] =	vst v2  }
0x12d: {  	s6 =	sadd.s32 $0x4, s6;
	v3 =	vmov s4;
	v2 =	vld [tilespmem:s0+$0x70];
	[tilespmem:s26+$0x90] =	vst v4  }
0x12e: {  	v3 =	vand.u32 $0xFFFFFFFC, v3  }
0x12f: {  	v3 =	vbroadcast v3, $0x0;
	_ =	sdelay $0x2  }
0x130: {  	v1 =	vmul.f32 v2, v1;
	_ =	sdelay $0x1  }
0x131: {  	[tilespmem:s26+$0x80] =	vst v1  }
0x132: {  	s6 =	sadd.s32 $0x100, s0;
	v1 =	vld.idx.msk [tilespmem:v3+s31+$0x0], $0xffff  }
0x133: {  	v2 =	vld [tilespmem:s6+$0xFFFFFF80];
	_ =	sdelay $0x4  }
0x134: {  	v2 =	vmul.f32 v2, v1  }
0x135: {  	s0 =	sadd.s32 $0x140, s26  }
0x136: {  	[tilespmem:s0+$0xFFFFFF60] =	vst v2  }
0x137: {  	v2 =	vld [tilespmem:s6+$0xFFFFFF90];
	_ =	sdelay $0x4  }
0x138: {  	v2 =	vmul.f32 v2, v1;
	_ =	sdelay $0x1  }
0x139: {  	[tilespmem:s0+$0xFFFFFF70] =	vst v2  }
0x13a: {  	v2 =	vld [tilespmem:s6+$0xFFFFFFA0];
	_ =	sdelay $0x4  }
0x13b: {  	v2 =	vmul.f32 v2, v1;
	_ =	sdelay $0x1  }
0x13c: {  	s14 =	sadd.s32 $0x1, s4;
	[tilespmem:s0+$0xFFFFFF80] =	vst v2  }
0x13d: {  	v3 =	vmov s14;
	v2 =	vld [tilespmem:s6+$0xFFFFFFB0]  }
0x13e: {  	v3 =	vand.u32 $0xFFFFFFFD, v3  }
0x13f: {  	v3 =	vbroadcast v3, $0x0;
	_ =	sdelay $0x2  }
0x140: {  	v2 =	vmul.f32 v2, v1;
	v1 =	vnsel vm0, $0x0, v1  }
0x141: {  	[tilespmem:s0+$0xFFFFFFA0] =	vst v1  }
0x142: {  	[tilespmem:s0+$0xFFFFFF90] =	vst v2  }
0x143: {  	v1 =	vld.idx.msk [tilespmem:v3+s31+$0x0], $0xffff  }
0x144: {  	v2 =	vld [tilespmem:s6+$0xFFFFFFC0];
	_ =	sdelay $0x4  }
0x145: {  	v2 =	vmul.f32 v2, v1;
	_ =	sdelay $0x1  }
0x146: {  	[tilespmem:s0+$0xFFFFFFB0] =	vst v2  }
0x147: {  	v2 =	vld [tilespmem:s6+$0xFFFFFFD0];
	_ =	sdelay $0x4  }
0x148: {  	v2 =	vmul.f32 v2, v1;
	_ =	sdelay $0x1  }
0x149: {  	[tilespmem:s0+$0xFFFFFFC0] =	vst v2  }
0x14a: {  	v2 =	vld [tilespmem:s6+$0xFFFFFFE0];
	_ =	sdelay $0x4  }
0x14b: {  	v2 =	vmul.f32 v2, v1;
	_ =	sdelay $0x1  }
0x14c: {  	s26 =	sadd.s32 $0x2, s4;
	[tilespmem:s0+$0xFFFFFFD0] =	vst v2  }
0x14d: {  	v3 =	vmov s26;
	v2 =	vld [tilespmem:s6+$0xFFFFFFF0]  }
0x14e: {  	v3 =	vand.u32 $0xFFFFFFFE, v3  }
0x14f: {  	v3 =	vbroadcast v3, $0x0;
	_ =	sdelay $0x2  }
0x150: {  	v2 =	vmul.f32 v2, v1;
	v1 =	vnsel vm0, $0x0, v1  }
0x151: {  	[tilespmem:s0+$0xFFFFFFF0] =	vst v1  }
0x152: {  	[tilespmem:s0+$0xFFFFFFE0] =	vst v2  }
0x153: {  	v1 =	vld.idx.msk [tilespmem:v3+s31+$0x0], $0xffff  }
0x154: {  	v2 =	vld [tilespmem:s6+$0x0];
	_ =	sdelay $0x4  }
0x155: {  	v2 =	vmul.f32 v2, v1;
	_ =	sdelay $0x1  }
0x156: {  	[tilespmem:s0+$0x0] =	vst v2  }
0x157: {  	v2 =	vld [tilespmem:s6+$0x10];
	_ =	sdelay $0x4  }
0x158: {  	v2 =	vmul.f32 v2, v1;
	_ =	sdelay $0x1  }
0x159: {  	[tilespmem:s0+$0x10] =	vst v2  }
0x15a: {  	v2 =	vld [tilespmem:s6+$0x20];
	_ =	sdelay $0x4  }
0x15b: {  	v2 =	vmul.f32 v2, v1;
	_ =	sdelay $0x1  }
0x15c: {  	[tilespmem:s0+$0x20] =	vst v2  }
0x15d: {  	v2 =	vld [tilespmem:s6+$0x30];
	_ =	sdelay $0x1  }
0x15e: {  	s14 =	sadd.s32 $0x3, s4  }
0x15f: {  	v3 =	vmov s14;
	_ =	sdelay $0x1  }
0x160: {  	v2 =	vmul.f32 v2, v1;
	v1 =	vnsel vm0, $0x0, v1  }
0x161: {  	[tilespmem:s0+$0x40] =	vst v1  }
0x162: {  	[tilespmem:s0+$0x30] =	vst v2  }
0x163: {  	v1 =	vld.idx.msk [tilespmem:v3+s31+$0x0], $0xffff  }
0x164: {  	v2 =	vld [tilespmem:s6+$0x40];
	_ =	sdelay $0x4  }
0x165: {  	v2 =	vmul.f32 v2, v1;
	_ =	sdelay $0x1  }
0x166: {  	[tilespmem:s0+$0x50] =	vst v2  }
0x167: {  	v2 =	vld [tilespmem:s6+$0x50];
	_ =	sdelay $0x4  }
0x168: {  	v2 =	vmul.f32 v2, v1;
	_ =	sdelay $0x1  }
0x169: {  	[tilespmem:s0+$0x60] =	vst v2  }
0x16a: {  	v2 =	vld [tilespmem:s6+$0x60];
	_ =	sdelay $0x4  }
0x16b: {  	v2 =	vmul.f32 v2, v1;
	_ =	sdelay $0x1  }
0x16c: {  	[tilespmem:s0+$0x70] =	vst v2  }
0x16d: {  	v2 =	vld [tilespmem:s6+$0x70];
	_ =	sdelay $0x2  }
0x16e: {  	s8 =	sadd.s32 $0x1, s8  }
0x16f: {  	p0 =	slt.s32 s8, $0xA1;
	s4 =	smov.u32 s8  }
0x170: {  	s4 =	simm.s32 @!p0 $0xA1;
	v3 =	vnsel vm0, $0x0, v1;
	v1 =	vmul.f32 v2, v1  }
0x171: {  	s4 =	sshll.u32 s4, $0x7;
	[tilespmem:s0+$0x90] =	vst v3  }
0x172: {  	p0 =	sne.s32 s8, $0xA2;
	s26 =	sand.u32 $0x3FFFFF80, s4;
	[tilespmem:s0+$0x80] =	vst v1  }
0x173: {  	[tilespmem:s29], [sflag:$0x1] =	stream.indirect.gather [hbm4b:s7+s28], $0x40, s26, s28, $0xb8;
	[tilespmem:$0x1FEC0] =	vst v63  }
.Ltmp2:
0x174: {  	_ = 	snop;
	(pc) =	sbr.rel @p0 .LBB2_5-.Ltmp2, $4  }
0x175: {  	[spmem:s2] =	stream.indirect.scatter.add.f32 [tilespmem:s24], [sflag:$0x2], $0x50, s21, s28, $0xb8;
	[tilespmem:$0x1FEC0] =	vst v63  }
0x176: {  	_ =	swait.ge [sflag:s22], $0x2800  }
0x177: {  	[sflag:s22] =	ssyncset.done $0x0  }
0x178: {  	[sflag:s22] =	ssyncadd.s32 $0xFFFFD800  }
0x179: {  	_ =	swait.ge [sflag:s30], $0x2000  }
0x17a: {  	[sflag:s30] =	ssyncset.done $0x0  }
0x17b: {  	[sflag:s30] =	ssyncadd.s32 $0xFFFFE000  }
0x17c: {  	[bflag:$0x0] =	sbarrier.arrive $0xFFFF  }
0x17d: {  	[tilespmem:s24], [sflag:$0x2] =	stream.linear.gather [spmem:s9], $0x2800, $0x38;
	[tilespmem:$0x1FEC0] =	vst v63  }
0x17e: {  	s0 =	smul.u32 $0x19000, s1;
	_ =	swait.ge [sflag:s22], $0x2800  }
0x17f: {  	s4 =	rddreg [dreg:$0x7]  }
0x180: {  	[sflag:s22] =	ssyncset.done $0x0;
	s0 =	sadd.s32 s0, s4  }
0x181: {  	[sflag:s22] =	ssyncadd.s32 $0xFFFFD800;
	s4 =	sadd.s32 s16, s0  }
0x182: {  	[hbm4b:s4+s3] =	stream.linear.scatter [tilespmem:s24], [sflag:$0x2], $0x2800, $0x38;
	[tilespmem:$0x1FEC0] =	vst v63  }
0x183: {  	_ =	swait.ge [sflag:s22], $0x2800  }
0x184: {  	[sflag:s22] =	ssyncset.done $0x0  }
0x185: {  	[sflag:s22] =	ssyncadd.s32 $0xFFFFD800  }
0x186: {  	[tilespmem:s24], [sflag:$0x2] =	stream.linear.gather [spmem:s10], $0x2800, $0x38;
	[tilespmem:$0x1FEC0] =	vst v63  }
0x187: {  	_ =	swait.ge [sflag:s22], $0x2800  }
0x188: {  	[sflag:s22] =	ssyncset.done $0x0  }
0x189: {  	s14 =	sadd.s32 s17, s0;
	[sflag:s22] =	ssyncadd.s32 $0xFFFFD800  }
0x18a: {  	[hbm4b:s14+s3] =	stream.linear.scatter [tilespmem:s24], [sflag:$0x2], $0x2800, $0x38;
	[tilespmem:$0x1FEC0] =	vst v63  }
0x18b: {  	_ =	swait.ge [sflag:s22], $0x2800  }
0x18c: {  	[sflag:s22] =	ssyncset.done $0x0  }
0x18d: {  	[sflag:s22] =	ssyncadd.s32 $0xFFFFD800  }
0x18e: {  	[tilespmem:s24], [sflag:$0x2] =	stream.linear.gather [spmem:s11], $0x2800, $0x38;
	[tilespmem:$0x1FEC0] =	vst v63  }
0x18f: {  	_ =	swait.ge [sflag:s22], $0x2800  }
0x190: {  	[sflag:s22] =	ssyncset.done $0x0  }
0x191: {  	s21 =	sadd.s32 s18, s0;
	[sflag:s22] =	ssyncadd.s32 $0xFFFFD800  }
0x192: {  	[hbm4b:s21+s3] =	stream.linear.scatter [tilespmem:s24], [sflag:$0x2], $0x2800, $0x38;
	[tilespmem:$0x1FEC0] =	vst v63  }
0x193: {  	_ =	swait.ge [sflag:s22], $0x2800  }
0x194: {  	[sflag:s22] =	ssyncset.done $0x0  }
0x195: {  	[sflag:s22] =	ssyncadd.s32 $0xFFFFD800  }
0x196: {  	[tilespmem:s24], [sflag:$0x2] =	stream.linear.gather [spmem:s12], $0x2800, $0x38;
	[tilespmem:$0x1FEC0] =	vst v63  }
0x197: {  	_ =	swait.ge [sflag:s22], $0x2800  }
0x198: {  	[sflag:s22] =	ssyncset.done $0x0  }
0x199: {  	s26 =	sadd.s32 s19, s0;
	[sflag:s22] =	ssyncadd.s32 $0xFFFFD800  }
0x19a: {  	[hbm4b:s26+s3] =	stream.linear.scatter [tilespmem:s24], [sflag:$0x2], $0x2800, $0x38;
	[tilespmem:$0x1FEC0] =	vst v63  }
0x19b: {  	_ =	swait.ge [sflag:s22], $0x2800  }
0x19c: {  	[sflag:s22] =	ssyncset.done $0x0  }
0x19d: {  	[sflag:s22] =	ssyncadd.s32 $0xFFFFD800  }
0x19e: {  	[tilespmem:s24], [sflag:$0x2] =	stream.linear.gather [spmem:s13], $0x2440, $0x38;
	[tilespmem:$0x1FEC0] =	vst v63  }
0x19f: {  	_ =	swait.ge [sflag:s22], $0x2440  }
0x1a0: {  	s1 =	sadd.s32 $0x1, s1;
	[sflag:s22] =	ssyncset.done $0x0  }
0x1a1: {  	p0 =	sne.s32 s1, $0x3;
	s0 =	sadd.s32 s20, s0;
	[sflag:s22] =	ssyncadd.s32 $0xFFFFDBC0  }
0x1a2: {  	[hbm4b:s0+s3] =	stream.linear.scatter [tilespmem:s24], [sflag:$0x2], $0x2440, $0x38;
	[tilespmem:$0x1FEC0] =	vst v63  }
.Ltmp3:
0x1a3: {  	_ =	swait.ge [sflag:s22], $0x2440;
	(pc) =	sbr.rel @p0 .LBB2_2-.Ltmp3, $3  }
0x1a4: {  	[sflag:s22] =	ssyncset.done $0x0  }
0x1a5: {  	[sflag:s22] =	ssyncadd.s32 $0xFFFFDBC0  }
0x1a6: {  	[bflag:$0x0] =	sbarrier.arrive $0xFFFF;
	_ =	sdelay $0x1  }
0x1a7: {  	s1 =	rddreg [dreg:$0x9]  }
0x1a8: {  	s0 =	rddreg [dreg:$0x8];
	s1 =	sadd.s32 $0x1, s1  }
0x1a9: {  	p0 =	sne.s32 s1, s0  }
.Ltmp4:
0x1aa: {  	_ = 	snop;
	(pc) =	sbr.rel @p0 .LBB2_1-.Ltmp4, $1  }
0x1ab: {  	_ =	sdelay $0x3  }
0x1ac: {  	_ =	sfence.sel $0x180000  }
0x1ad: {  	[bflag:$0x0] =	sbarrier.arrive $0xFFFF  }
0x1ae: {  	_ =	strace $0x90000047  }
0x1af: {  	s0 =	stileid.u32;
	[bflag:$0x2] =	sbarrier.arrive $0xFFFF  }
0x1b0: {  	p0 =	sne.s32 s0, $0x0;
	s0 =	rddreg [dreg:$0x2]  }
0x1b1: {  	s0 =	sadd.s32 @!p0 $0x100000, s0  }
0x1b2: {  	[sflag:s0] =	ssyncadd.tile.s32 @!p0 $0x1;
	_ =	shalt  }
.Lfunc_end2:
_tile_overlayer_lowered:
.L_overlay_start_2:
0x1b3: {  	(tag) =	ssettag $0x2  }
0x1b4: {  	s0 =	rddreg [dreg:$0x0];
	s2 =	stileid.u32  }
0x1b5: {  	s1 =	rddreg [dreg:$0x1];
	p0 =	sne.s32 s2, $0x0  }
0x1b6: {  	s3 =	rddreg [dreg:$0x2];
	[bflag:$0x3] =	sbarrier.arrive $0xFFFF;
	s2 =	simm.s32 @!p0 $0x1C02  }
0x1b7: {  	[timem:s3], [sflag:s2] =	dma.local @!p0 [hbm:s0], s1  }
0x1b8: {  	s0 =	simm.s32 @!p0 $0x2  }
0x1b9: {  	_ =	swait.ge @!p0 [sflag:s0], s1  }
0x1ba: {  	s1 =	ssub.s32 @!p0 $0x0, s1;
	[sflag:s0] =	ssyncset.done @!p0 $0x0  }
0x1bb: {  	[sflag:s0] =	ssyncadd.s32 @!p0 s1  }
0x1bc: {  	[bflag:$0x3] =	sbarrier.arrive $0xFFFF  }
0x1bd: {  	_ =	shalt  }

</sc_bundles>
